<compile_context>
chip_gen: v7x
topology: tpu7x:2x2x1
jax: 0.10.2.dev20260603
libtpu: 0.0.44.dev20260713+nightly
codegen_flags: <defaults>
</compile_context>

<pallas_src>
import functools

import jax
import jax.numpy as jnp
from jax import lax
from jax.experimental import pallas as pl
from jax.experimental.pallas import tpu as pltpu
from jax.experimental.pallas import tpu_sc as plsc

NUM_SEGMENTS = 512
NC = 2
NS = 16
L = 16
CR = 32

_NEG_INF = float("-inf")


@functools.lru_cache(maxsize=None)
def _make_seg_reduce(n, d, b):
    nw = NC * NS
    seg_per_w = b // nw
    n_sub = d // L
    assert n % 8 == 0 and n >= CR and d % L == 0 and b % nw == 0
    mesh = plsc.VectorSubcoreMesh(core_axis_name="c", subcore_axis_name="s",
                                  num_cores=NC, num_subcores=NS)

    @functools.partial(
        pl.kernel,
        out_type=(
            jax.ShapeDtypeStruct((b, d), jnp.float32),
            jax.ShapeDtypeStruct((b, d), jnp.float32),
        ),
        mesh=mesh,
        scratch_types=[
            pltpu.VMEM((n,), jnp.int32),
            pltpu.VMEM((8, d), jnp.float32),
            pltpu.VMEM((CR, d), jnp.float32),
            pltpu.VMEM((CR, d), jnp.float32),
            pltpu.VMEM((CR, d), jnp.float32),
            pltpu.VMEM((CR, d), jnp.float32),
            pltpu.VMEM((CR, d), jnp.float32),
            pltpu.VMEM((CR, d), jnp.float32),
            pltpu.VMEM((CR, d), jnp.float32),
            pltpu.VMEM((seg_per_w, d), jnp.float32),
            pltpu.VMEM((seg_per_w, d), jnp.float32),
            pltpu.SemaphoreType.DMA,
            pltpu.SemaphoreType.DMA,
            pltpu.SemaphoreType.DMA,
            pltpu.SemaphoreType.DMA,
            pltpu.SemaphoreType.DMA,
            pltpu.SemaphoreType.DMA,
            pltpu.SemaphoreType.DMA,
            pltpu.SemaphoreType.DMA,
        ],
        compiler_params=pltpu.CompilerParams(needs_layout_passes=False),
    )
    def seg_reduce(memb_hbm, x_hbm, max_hbm, sum_hbm,
                   memb_v, hbuf, fb0, fb1, fb2, fb3, fb4, fb5, tbuf,
                   omax_v, osum_v,
                   sem_h, sem_f0, sem_f1, sem_f2, sem_f3, sem_f4, sem_f5,
                   sem_t):
        wid = lax.axis_index("c") * NS + lax.axis_index("s")
        seg0 = wid * seg_per_w

        pltpu.sync_copy(memb_hbm, memb_v)

        targets = seg0 + lax.iota(jnp.int32, L)

        def lower_bound(tv):
            def step(_, carry):
                lo, hi = carry
                mid = lax.div(lo + hi, 2)
                vals = plsc.load_gather(memb_v, [jnp.minimum(mid, n - 1)])
                pred = vals < tv
                return jnp.where(pred, mid + 1, lo), jnp.where(pred, hi, mid)
            lo = jnp.zeros((L,), jnp.int32)
            hi = jnp.full((L,), n, jnp.int32)
            lo, hi = lax.fori_loop(0, 17, step, (lo, hi))
            return jnp.minimum(lo, n)

        starts = lower_bound(targets)
        ends = lower_bound(targets + 1)
        lanes = lax.iota(jnp.int32, L)

        def lane_extract(vec, idx):
            return jnp.sum(jnp.where(lanes == idx, vec, 0), axis=0)

        def accum_rows(s_idx, buf, nrows, valid_of_row, row_offset=0):
            npart = 4 if nrows >= 8 else 2

            def cbody(c, _):
                cs = pl.ds(pl.multiple_of(c * L, L), L)
                pmax = [jnp.full((L,), _NEG_INF, jnp.float32)
                        for _ in range(npart)]
                psum = [jnp.zeros((L,), jnp.float32) for _ in range(npart)]
                for r in range(nrows):
                    v = buf[row_offset + r, cs]
                    vmask = valid_of_row(r)
                    if vmask is None:
                        vm = vs = v
                    else:
                        vm = jnp.where(vmask, v, _NEG_INF)
                        vs = jnp.where(vmask, v, 0.0)
                    p = r % npart
                    pmax[p] = jnp.maximum(pmax[p], vm)
                    psum[p] = psum[p] + vs
                for p in range(1, npart):
                    pmax[0] = jnp.maximum(pmax[0], pmax[p])
                    psum[0] = psum[0] + psum[p]
                omax_v[s_idx, cs] = jnp.maximum(omax_v[s_idx, cs], pmax[0])
                osum_v[s_idx, cs] = osum_v[s_idx, cs] + psum[0]
                return 0

            lax.fori_loop(0, n_sub, cbody, 0)

        def do_segment(s_idx, last_tb):
            lo = lane_extract(starts, s_idx)
            hi = lane_extract(ends, s_idx)
            lo8u = lax.div(lo + 7, 8) * 8
            nfull = lax.div(jnp.maximum(hi - lo8u, 0), CR)
            head_hi = jnp.minimum(lo8u, hi)
            head_needed = lo < head_hi
            hbase = jnp.minimum(jnp.maximum(lo8u - 8, 0), n - 8)
            t_lo = lo8u + nfull * CR
            nt8 = lax.div(jnp.maximum(hi - t_lo, 0), 8)
            t8s = t_lo + nt8 * 8
            t8e = jnp.minimum(t8s, n - 8)

            def start_chunk(k, buf, sem):
                base = pl.multiple_of(lo8u + k * CR, 8)
                pltpu.make_async_copy(
                    x_hbm.at[pl.ds(base, CR)], buf, sem).start()

            fbufs = [fb0, fb1, fb2, fb3, fb4, fb5]
            fsems = [sem_f0, sem_f1, sem_f2, sem_f3, sem_f4, sem_f5]
            NBUF = 6

            for j in range(NBUF):
                @pl.when(j < nfull)
                def _(j=j):
                    start_chunk(j, fbufs[j], fsems[j])

            reuse_head = jnp.logical_and(head_needed, last_tb == hbase)
            dma_head = jnp.logical_and(head_needed, last_tb != hbase)

            @pl.when(dma_head)
            def _():
                base = pl.multiple_of(hbase, 8)
                pltpu.make_async_copy(
                    x_hbm.at[pl.ds(base, 8)], hbuf, sem_h).start()

            ninf16 = jnp.full((L,), _NEG_INF, jnp.float32)
            zero16 = jnp.zeros((L,), jnp.float32)

            def init_c(c, _):
                cs = pl.ds(pl.multiple_of(c * L, L), L)
                omax_v[s_idx, cs] = ninf16
                osum_v[s_idx, cs] = zero16
                return 0

            lax.fori_loop(0, n_sub, init_c, 0)

            head_valid = lambda r: jnp.logical_and(hbase + r >= lo,
                                                   hbase + r < head_hi)

            @pl.when(dma_head)
            def _():
                pltpu.make_async_copy(
                    x_hbm.at[pl.ds(0, 8)], hbuf, sem_h).wait()
                accum_rows(s_idx, hbuf, 8, head_valid)

            @pl.when(reuse_head)
            def _():
                accum_rows(s_idx, tbuf, 8, head_valid, row_offset=CR - 8)

            for j in range(CR // 8 - 1):
                @pl.when(j < nt8)
                def _(j=j):
                    base = pl.multiple_of(t_lo + j * 8, 8)
                    pltpu.make_async_copy(
                        x_hbm.at[pl.ds(base, 8)],
                        tbuf.at[pl.ds(j * 8, 8)], sem_t).start()

            @pl.when(t8s < hi)
            def _():
                base = pl.multiple_of(t8e, 8)
                pltpu.make_async_copy(
                    x_hbm.at[pl.ds(base, 8)],
                    tbuf.at[pl.ds(CR - 8, 8)], sem_t).start()

            def wait(buf, sem, rows):
                pltpu.make_async_copy(
                    x_hbm.at[pl.ds(0, rows)], buf, sem).wait()

            nquads = lax.div(nfull + (NBUF - 1), NBUF)

            def quad(i, _):
                k0 = NBUF * i
                for j in range(NBUF):
                    @pl.when(k0 + j < nfull)
                    def _(j=j):
                        wait(fbufs[j], fsems[j], CR)
                        accum_rows(s_idx, fbufs[j], CR, lambda r: None)

                        @pl.when(k0 + j + NBUF < nfull)
                        def _():
                            start_chunk(k0 + j + NBUF, fbufs[j], fsems[j])

                return 0

            lax.fori_loop(0, nquads, quad, 0)

            for j in range(CR // 8 - 1):
                @pl.when(j < nt8)
                def _(j=j):
                    pltpu.make_async_copy(
                        x_hbm.at[pl.ds(0, 8)],
                        tbuf.at[pl.ds(j * 8, 8)], sem_t).wait()
                    accum_rows(s_idx, tbuf, 8, lambda r: None,
                               row_offset=j * 8)

            @pl.when(t8s < hi)
            def _():
                pltpu.make_async_copy(
                    x_hbm.at[pl.ds(0, 8)],
                    tbuf.at[pl.ds(CR - 8, 8)], sem_t).wait()
                accum_rows(
                    s_idx, tbuf, 8,
                    lambda r: jnp.logical_and(t8e + r >= t8s,
                                              t8e + r < hi),
                    row_offset=CR - 8)

            def fin_c(c, _):
                cs = pl.ds(pl.multiple_of(c * L, L), L)
                m = omax_v[s_idx, cs]
                omax_v[s_idx, cs] = jnp.where(m == _NEG_INF, 0.0, m)
                return 0

            lax.fori_loop(0, n_sub, fin_c, 0)
            return jnp.where(t8s < hi, t8e, last_tb)

        lax.fori_loop(0, seg_per_w, do_segment, jnp.int32(-1))

        pltpu.sync_copy(omax_v, max_hbm.at[pl.ds(seg0, seg_per_w)])
        pltpu.sync_copy(osum_v, sum_hbm.at[pl.ds(seg0, seg_per_w)])

    return seg_reduce


def _merge_body(mx_ref, sm_ref, wa_ref, wb_ref, b_ref, o_ref):
    acc = lax.dot_general(mx_ref[...], wa_ref[...], (((1,), (1,)), ((), ())),
                          preferred_element_type=jnp.float32)
    acc = acc + lax.dot_general(sm_ref[...], wb_ref[...],
                                (((1,), (1,)), ((), ())),
                                preferred_element_type=jnp.float32)
    o_ref[...] = acc + b_ref[...]


def kernel(x, membership, W_merge, b_merge):
    n, d = x.shape
    bseg = NUM_SEGMENTS
    memb32 = membership.astype(jnp.int32)
    seg_max, seg_sum = _make_seg_reduce(n, d, bseg)(memb32, x)
    wa = W_merge[:, :d]
    wb = W_merge[:, d:]
    out = pl.pallas_call(
        _merge_body,
        out_shape=jax.ShapeDtypeStruct((bseg, d), jnp.float32),
    )(seg_max, seg_sum, wa, wb, b_merge.reshape(1, d))
    return out

# --- scband reference (transcript-rebuilt; emitter-appended) ---
"""Pipeline reference for scband-graph-readout-48627619725502 (READ-ONLY COPY).

The authoritative reference and input builder live on the scoring server;
editing this copy changes nothing except your own understanding.
"""

import jax, jax.numpy as jnp
import numpy as np

N_NODES = 50000
D = 256
B = 512

def setup_inputs(seed: int = 0) -> dict:
    key = jax.random.key(seed)
    k1, k2, k3 = jax.random.split(key, 3)
    x = jax.random.normal(k1, (N_NODES, D), dtype=jnp.float32)
    membership = jnp.sort(jax.random.randint(k2, (N_NODES,), 0, B).astype(jnp.int64))
    # merge_layer: Linear(in=2*D, out=D)  (cat of 'max' and 'sum' readouts)
    W_merge = jax.random.normal(k3, (D, 2 * D), dtype=jnp.float32) * (1.0 / np.sqrt(2 * D))
    b_merge = jnp.zeros((D,), dtype=jnp.float32)
    return {"x": x, "membership": membership, "W_merge": W_merge, "b_merge": b_merge}

def reference(x, membership, W_merge, b_merge):
    membership = membership.astype(jnp.int32)
    # readout 1: 'max' (torch_scatter scatter reduce='max'; empty segments -> 0)
    seg_max = jax.ops.segment_max(x, membership, num_segments=B)
    seg_max = jnp.where(jnp.isneginf(seg_max), 0.0, seg_max)
    # readout 2: 'sum'
    seg_sum = jax.ops.segment_sum(x, membership, num_segments=B)
    # merge via 'cat' + merge_layer Linear
    cat = jnp.concatenate([seg_max, seg_sum], axis=-1)  # (B, 2*D)
    out = cat @ W_merge.T + b_merge  # (B, D)
    return out

if __name__ == "__main__":
    import jax
    _d = setup_inputs()
    print(jax.jit(kernel)(*tuple(_d.values())))

</pallas_src>

<mosaic_0001>
#map = affine_map<(d0, d1) -> (0)>
#map1 = affine_map<(d0, d1) -> (0, 0)>
module attributes {stable_mosaic.version = 14 : i64} {
  func.func @seg_reduce(%arg0: i32, %arg1: i32, %arg2: memref<50000xi32, #tpu.memory_space<hbm>>, %arg3: memref<50000x256xf32, #tpu.memory_space<hbm>>, %arg4: memref<512x256xf32, #tpu.memory_space<hbm>>, %arg5: memref<512x256xf32, #tpu.memory_space<hbm>>, %arg6: memref<50000xi32, #tpu.memory_space<vmem>>, %arg7: memref<8x256xf32, #tpu.memory_space<vmem>>, %arg8: memref<32x256xf32, #tpu.memory_space<vmem>>, %arg9: memref<32x256xf32, #tpu.memory_space<vmem>>, %arg10: memref<32x256xf32, #tpu.memory_space<vmem>>, %arg11: memref<32x256xf32, #tpu.memory_space<vmem>>, %arg12: memref<32x256xf32, #tpu.memory_space<vmem>>, %arg13: memref<32x256xf32, #tpu.memory_space<vmem>>, %arg14: memref<32x256xf32, #tpu.memory_space<vmem>>, %arg15: memref<16x256xf32, #tpu.memory_space<vmem>>, %arg16: memref<16x256xf32, #tpu.memory_space<vmem>>, %arg17: memref<!tpu.dma_semaphore, #tpu.memory_space<semaphore_mem>>, %arg18: memref<!tpu.dma_semaphore, #tpu.memory_space<semaphore_mem>>, %arg19: memref<!tpu.dma_semaphore, #tpu.memory_space<semaphore_mem>>, %arg20: memref<!tpu.dma_semaphore, #tpu.memory_space<semaphore_mem>>, %arg21: memref<!tpu.dma_semaphore, #tpu.memory_space<semaphore_mem>>, %arg22: memref<!tpu.dma_semaphore, #tpu.memory_space<semaphore_mem>>, %arg23: memref<!tpu.dma_semaphore, #tpu.memory_space<semaphore_mem>>, %arg24: memref<!tpu.dma_semaphore, #tpu.memory_space<semaphore_mem>>) attributes {dimension_semantics = [#tpu.dimension_semantics<core_parallel>, #tpu.dimension_semantics<subcore_parallel>], iteration_bounds = array<i64: 2, 16>, scalar_prefetch = 0 : i64, scratch_operands = 19 : i64, tpu.core_type = #tpu.core_type<sc_vector_subcore>, window_params = [{transform_indices = #map}, {transform_indices = #map1}, {transform_indices = #map1}, {transform_indices = #map1}]} {
    %mul3A = arith.constant 16 : i32
    %mul3A_0 = arith.muli %arg0, %mul3A : i32
    %add3A = arith.addi %mul3A_0, %arg1 : i32
    %mul3A_1 = arith.constant 16 : i32
    %mul3A_2 = arith.muli %add3A, %mul3A_1 : i32
    "tpu.region"() ({
      %run_scoped3A = tpu.sem_alloc : memref<!tpu.dma_semaphore, #tpu.memory_space<semaphore_mem>>
      tpu.enqueue_dma source(%arg2 : memref<50000xi32, #tpu.memory_space<hbm>>) target(%arg6 : memref<50000xi32, #tpu.memory_space<vmem>>) target_semaphore(%run_scoped3A : memref<!tpu.dma_semaphore, #tpu.memory_space<semaphore_mem>>)
      tpu.wait_dma2 semaphore(%run_scoped3A : memref<!tpu.dma_semaphore, #tpu.memory_space<semaphore_mem>>) src(%arg2 : memref<50000xi32, #tpu.memory_space<hbm>>) dst(%arg6 : memref<50000xi32, #tpu.memory_space<vmem>>)
      tpu.yield
    }) : () -> ()
    %iota3A = tpu.iota {dimensions = array<i32: 0>} : vector<16xi32>
    %add3A_3 = vector.broadcast %mul3A_2 : i32 to vector<16xi32>
    %add3A_4 = arith.addi %add3A_3, %iota3A : vector<16xi32>
    %broadcast_in_dim3A = arith.constant 0 : i32
    %broadcast_in_dim3A_5 = vector.broadcast %broadcast_in_dim3A : i32 to vector<16xi32>
    %broadcast_in_dim3A_6 = arith.constant 50000 : i32
    %broadcast_in_dim3A_7 = vector.broadcast %broadcast_in_dim3A_6 : i32 to vector<16xi32>
    %scan3A = arith.constant 0 : i32
    %scan3A_8 = arith.constant 17 : i32
    %scan3A_9 = arith.addi %scan3A, %scan3A_8 : i32
    %scan3A_10 = arith.constant 1 : i32
    %scan3A_11:2 = scf.for %scan3A_39 = %scan3A to %scan3A_9 step %scan3A_10 iter_args(%scan3A_40 = %broadcast_in_dim3A_5, %scan3A_41 = %broadcast_in_dim3A_7) -> (vector<16xi32>, vector<16xi32>)  : i32 {
      %add3A_42 = arith.addi %scan3A_40, %scan3A_41 : vector<16xi32>
      %div3A = arith.constant 2 : i32
      %div3A_43 = vector.broadcast %div3A : i32 to vector<16xi32>
      %div3A_44 = arith.divsi %add3A_42, %div3A_43 : vector<16xi32>
      %min3A_45 = arith.constant 49999 : i32
      %min3A_46 = vector.broadcast %min3A_45 : i32 to vector<16xi32>
      %min3A_47 = arith.minsi %div3A_44, %min3A_46 : vector<16xi32>
      %gather3A = tpu.vector_load_idx %arg6[%min3A_47] : memref<50000xi32, #tpu.memory_space<vmem>>[vector<16xi32>], vector<16xi32>,
      %lt3A = arith.cmpi slt, %gather3A, %add3A_4 : vector<16xi32>
      %add3A_48 = arith.constant 1 : i32
      %add3A_49 = vector.broadcast %add3A_48 : i32 to vector<16xi32>
      %add3A_50 = arith.addi %div3A_44, %add3A_49 : vector<16xi32>
      %select_n3A = arith.select %lt3A, %add3A_50, %scan3A_40 : vector<16xi1>, vector<16xi32>
      %select_n3A_51 = arith.select %lt3A, %scan3A_41, %div3A_44 : vector<16xi1>, vector<16xi32>
      scf.yield %select_n3A, %select_n3A_51 : vector<16xi32>, vector<16xi32>
    }
    %scan3A_12 = arith.constant 17 : i32
    %min3A = arith.constant 50000 : i32
    %min3A_13 = vector.broadcast %min3A : i32 to vector<16xi32>
    %min3A_14 = arith.minsi %scan3A_11#0, %min3A_13 : vector<16xi32>
    %add3A_15 = arith.constant 1 : i32
    %add3A_16 = vector.broadcast %add3A_15 : i32 to vector<16xi32>
    %add3A_17 = arith.addi %add3A_4, %add3A_16 : vector<16xi32>
    %broadcast_in_dim3A_18 = arith.constant 0 : i32
    %broadcast_in_dim3A_19 = vector.broadcast %broadcast_in_dim3A_18 : i32 to vector<16xi32>
    %broadcast_in_dim3A_20 = arith.constant 50000 : i32
    %broadcast_in_dim3A_21 = vector.broadcast %broadcast_in_dim3A_20 : i32 to vector<16xi32>
    %scan3A_22 = arith.constant 0 : i32
    %scan3A_23 = arith.constant 17 : i32
    %scan3A_24 = arith.addi %scan3A_22, %scan3A_23 : i32
    %scan3A_25 = arith.constant 1 : i32
    %scan3A_26:2 = scf.for %scan3A_39 = %scan3A_22 to %scan3A_24 step %scan3A_25 iter_args(%scan3A_40 = %broadcast_in_dim3A_19, %scan3A_41 = %broadcast_in_dim3A_21) -> (vector<16xi32>, vector<16xi32>)  : i32 {
      %add3A_42 = arith.addi %scan3A_40, %scan3A_41 : vector<16xi32>
      %div3A = arith.constant 2 : i32
      %div3A_43 = vector.broadcast %div3A : i32 to vector<16xi32>
      %div3A_44 = arith.divsi %add3A_42, %div3A_43 : vector<16xi32>
      %min3A_45 = arith.constant 49999 : i32
      %min3A_46 = vector.broadcast %min3A_45 : i32 to vector<16xi32>
      %min3A_47 = arith.minsi %div3A_44, %min3A_46 : vector<16xi32>
      %gather3A = tpu.vector_load_idx %arg6[%min3A_47] : memref<50000xi32, #tpu.memory_space<vmem>>[vector<16xi32>], vector<16xi32>,
      %lt3A = arith.cmpi slt, %gather3A, %add3A_17 : vector<16xi32>
      %add3A_48 = arith.constant 1 : i32
      %add3A_49 = vector.broadcast %add3A_48 : i32 to vector<16xi32>
      %add3A_50 = arith.addi %div3A_44, %add3A_49 : vector<16xi32>
      %select_n3A = arith.select %lt3A, %add3A_50, %scan3A_40 : vector<16xi1>, vector<16xi32>
      %select_n3A_51 = arith.select %lt3A, %scan3A_41, %div3A_44 : vector<16xi1>, vector<16xi32>
      scf.yield %select_n3A, %select_n3A_51 : vector<16xi32>, vector<16xi32>
    }
    %scan3A_27 = arith.constant 17 : i32
    %min3A_28 = arith.constant 50000 : i32
    %min3A_29 = vector.broadcast %min3A_28 : i32 to vector<16xi32>
    %min3A_30 = arith.minsi %scan3A_26#0, %min3A_29 : vector<16xi32>
    %iota3A_31 = tpu.iota {dimensions = array<i32: 0>} : vector<16xi32>
    %scan3A_32 = arith.constant -1 : i32
    %scan3A_33 = arith.constant 0 : i32
    %scan3A_34 = arith.constant 16 : i32
    %scan3A_35 = arith.addi %scan3A_33, %scan3A_34 : i32
    %scan3A_36 = arith.constant 1 : i32
    %scan3A_37 = scf.for %scan3A_39 = %scan3A_33 to %scan3A_35 step %scan3A_36 iter_args(%scan3A_40 = %scan3A_32) -> (i32)  : i32 {
      %eq3A = vector.broadcast %scan3A_39 : i32 to vector<16xi32>
      %eq3A_41 = arith.cmpi eq, %iota3A_31, %eq3A : vector<16xi32>
      %jit3A = arith.constant 0 : i32
      %broadcast_in_dim3A_42 = vector.broadcast %jit3A : i32 to vector<16xi32>
      %select_n3A = arith.select %eq3A_41, %min3A_14, %broadcast_in_dim3A_42 : vector<16xi1>, vector<16xi32>
      %reduce_sum3A = arith.constant true
      %reduce_sum3A_43 = vector.broadcast %reduce_sum3A : i1 to vector<16xi1>
      %reduce_sum3A_44 = tpu.scan <sum>, %select_n3A masked %reduce_sum3A_43 : vector<16xi32>, vector<16xi1> -> vector<16xi32>
      %reduce_sum3A_45 = vector.extract %reduce_sum3A_44[15] : i32 from vector<16xi32>
      %eq3A_46 = vector.broadcast %scan3A_39 : i32 to vector<16xi32>
      %eq3A_47 = arith.cmpi eq, %iota3A_31, %eq3A_46 : vector<16xi32>
      %jit3A_48 = arith.constant 0 : i32
      %broadcast_in_dim3A_49 = vector.broadcast %jit3A_48 : i32 to vector<16xi32>
      %select_n3A_50 = arith.select %eq3A_47, %min3A_30, %broadcast_in_dim3A_49 : vector<16xi1>, vector<16xi32>
      %reduce_sum3A_51 = arith.constant true
      %reduce_sum3A_52 = vector.broadcast %reduce_sum3A_51 : i1 to vector<16xi1>
      %reduce_sum3A_53 = tpu.scan <sum>, %select_n3A_50 masked %reduce_sum3A_52 : vector<16xi32>, vector<16xi1> -> vector<16xi32>
      %reduce_sum3A_54 = vector.extract %reduce_sum3A_53[15] : i32 from vector<16xi32>
      %add3A_55 = arith.constant 7 : i32
      %add3A_56 = arith.addi %reduce_sum3A_45, %add3A_55 : i32
      %div3A = arith.constant 8 : i32
      %div3A_57 = arith.divsi %add3A_56, %div3A : i32
      %mul3A_58 = arith.constant 8 : i32
      %mul3A_59 = arith.muli %div3A_57, %mul3A_58 : i32
      %sub3A = arith.subi %reduce_sum3A_54, %mul3A_59 : i32
      %max3A = arith.constant 0 : i32
      %max3A_60 = arith.maxsi %sub3A, %max3A : i32
      %div3A_61 = arith.constant 32 : i32
      %div3A_62 = arith.divsi %max3A_60, %div3A_61 : i32
      %min3A_63 = arith.minsi %mul3A_59, %reduce_sum3A_54 : i32
      %lt3A = arith.cmpi slt, %reduce_sum3A_45, %min3A_63 : i32
      %sub3A_64 = arith.constant 8 : i32
      %sub3A_65 = arith.subi %mul3A_59, %sub3A_64 : i32
      %max3A_66 = arith.constant 0 : i32
      %max3A_67 = arith.maxsi %sub3A_65, %max3A_66 : i32
      %min3A_68 = arith.constant 49992 : i32
      %min3A_69 = arith.minsi %max3A_67, %min3A_68 : i32
      %mul3A_70 = arith.constant 32 : i32
      %mul3A_71 = arith.muli %div3A_62, %mul3A_70 : i32
      %add3A_72 = arith.addi %mul3A_59, %mul3A_71 : i32
      %sub3A_73 = arith.subi %reduce_sum3A_54, %add3A_72 : i32
      %max3A_74 = arith.constant 0 : i32
      %max3A_75 = arith.maxsi %sub3A_73, %max3A_74 : i32
      %div3A_76 = arith.constant 8 : i32
      %div3A_77 = arith.divsi %max3A_75, %div3A_76 : i32
      %mul3A_78 = arith.constant 8 : i32
      %mul3A_79 = arith.muli %div3A_77, %mul3A_78 : i32
      %add3A_80 = arith.addi %add3A_72, %mul3A_79 : i32
      %min3A_81 = arith.constant 49992 : i32
      %min3A_82 = arith.minsi %add3A_80, %min3A_81 : i32
      %gt3A = arith.constant 0 : i32
      %gt3A_83 = arith.cmpi sgt, %div3A_62, %gt3A : i32
      %convert_element_type3A = arith.extui %gt3A_83 : i1 to i32
      %cond3A = arith.constant 0 : i32
      %cond3A_84 = arith.cmpi ne, %convert_element_type3A, %cond3A : i32
      scf.if %cond3A_84 {
        %add3A_194 = arith.constant 0 : i32
        %add3A_195 = arith.addi %mul3A_59, %add3A_194 : i32
        %multiple_of3A = tpu.assume_multiple %add3A_195, 8 : i32
        %dma_start3A = arith.constant 0 : i32
        %dma_start3A_196 = tpu.memref_slice %arg3[%multiple_of3A, %dma_start3A] : memref<50000x256xf32, #tpu.memory_space<hbm>> -> memref<32x256xf32, #tpu.memory_space<hbm>>
        %dma_start3A_197 = arith.constant 0 : i32
        %dma_start3A_198 = tpu.memref_slice %arg3[%multiple_of3A, %dma_start3A_197] : memref<50000x256xf32, #tpu.memory_space<hbm>> -> memref<32x256xf32, #tpu.memory_space<hbm>>
        tpu.enqueue_dma source(%dma_start3A_198 : memref<32x256xf32, #tpu.memory_space<hbm>>) target(%arg8 : memref<32x256xf32, #tpu.memory_space<vmem>>) target_semaphore(%arg18 : memref<!tpu.dma_semaphore, #tpu.memory_space<semaphore_mem>>)
      } else {
      }
      %gt3A_85 = arith.constant 1 : i32
      %gt3A_86 = arith.cmpi sgt, %div3A_62, %gt3A_85 : i32
      %convert_element_type3A_87 = arith.extui %gt3A_86 : i1 to i32
      %cond3A_88 = arith.constant 0 : i32
      %cond3A_89 = arith.cmpi ne, %convert_element_type3A_87, %cond3A_88 : i32
      scf.if %cond3A_89 {
        %add3A_194 = arith.constant 32 : i32
        %add3A_195 = arith.addi %mul3A_59, %add3A_194 : i32
        %multiple_of3A = tpu.assume_multiple %add3A_195, 8 : i32
        %dma_start3A = arith.constant 0 : i32
        %dma_start3A_196 = tpu.memref_slice %arg3[%multiple_of3A, %dma_start3A] : memref<50000x256xf32, #tpu.memory_space<hbm>> -> memref<32x256xf32, #tpu.memory_space<hbm>>
        %dma_start3A_197 = arith.constant 0 : i32
        %dma_start3A_198 = tpu.memref_slice %arg3[%multiple_of3A, %dma_start3A_197] : memref<50000x256xf32, #tpu.memory_space<hbm>> -> memref<32x256xf32, #tpu.memory_space<hbm>>
        tpu.enqueue_dma source(%dma_start3A_198 : memref<32x256xf32, #tpu.memory_space<hbm>>) target(%arg9 : memref<32x256xf32, #tpu.memory_space<vmem>>) target_semaphore(%arg19 : memref<!tpu.dma_semaphore, #tpu.memory_space<semaphore_mem>>)
      } else {
      }
      %gt3A_90 = arith.constant 2 : i32
      %gt3A_91 = arith.cmpi sgt, %div3A_62, %gt3A_90 : i32
      %convert_element_type3A_92 = arith.extui %gt3A_91 : i1 to i32
      %cond3A_93 = arith.constant 0 : i32
      %cond3A_94 = arith.cmpi ne, %convert_element_type3A_92, %cond3A_93 : i32
      scf.if %cond3A_94 {
        %add3A_194 = arith.constant 64 : i32
        %add3A_195 = arith.addi %mul3A_59, %add3A_194 : i32
        %multiple_of3A = tpu.assume_multiple %add3A_195, 8 : i32
        %dma_start3A = arith.constant 0 : i32
        %dma_start3A_196 = tpu.memref_slice %arg3[%multiple_of3A, %dma_start3A] : memref<50000x256xf32, #tpu.memory_space<hbm>> -> memref<32x256xf32, #tpu.memory_space<hbm>>
        %dma_start3A_197 = arith.constant 0 : i32
        %dma_start3A_198 = tpu.memref_slice %arg3[%multiple_of3A, %dma_start3A_197] : memref<50000x256xf32, #tpu.memory_space<hbm>> -> memref<32x256xf32, #tpu.memory_space<hbm>>
        tpu.enqueue_dma source(%dma_start3A_198 : memref<32x256xf32, #tpu.memory_space<hbm>>) target(%arg10 : memref<32x256xf32, #tpu.memory_space<vmem>>) target_semaphore(%arg20 : memref<!tpu.dma_semaphore, #tpu.memory_space<semaphore_mem>>)
      } else {
      }
      %gt3A_95 = arith.constant 3 : i32
      %gt3A_96 = arith.cmpi sgt, %div3A_62, %gt3A_95 : i32
      %convert_element_type3A_97 = arith.extui %gt3A_96 : i1 to i32
      %cond3A_98 = arith.constant 0 : i32
      %cond3A_99 = arith.cmpi ne, %convert_element_type3A_97, %cond3A_98 : i32
      scf.if %cond3A_99 {
        %add3A_194 = arith.constant 96 : i32
        %add3A_195 = arith.addi %mul3A_59, %add3A_194 : i32
        %multiple_of3A = tpu.assume_multiple %add3A_195, 8 : i32
        %dma_start3A = arith.constant 0 : i32
        %dma_start3A_196 = tpu.memref_slice %arg3[%multiple_of3A, %dma_start3A] : memref<50000x256xf32, #tpu.memory_space<hbm>> -> memref<32x256xf32, #tpu.memory_space<hbm>>
        %dma_start3A_197 = arith.constant 0 : i32
        %dma_start3A_198 = tpu.memref_slice %arg3[%multiple_of3A, %dma_start3A_197] : memref<50000x256xf32, #tpu.memory_space<hbm>> -> memref<32x256xf32, #tpu.memory_space<hbm>>
        tpu.enqueue_dma source(%dma_start3A_198 : memref<32x256xf32, #tpu.memory_space<hbm>>) target(%arg11 : memref<32x256xf32, #tpu.memory_space<vmem>>) target_semaphore(%arg21 : memref<!tpu.dma_semaphore, #tpu.memory_space<semaphore_mem>>)
      } else {
      }
      %gt3A_100 = arith.constant 4 : i32
      %gt3A_101 = arith.cmpi sgt, %div3A_62, %gt3A_100 : i32
      %convert_element_type3A_102 = arith.extui %gt3A_101 : i1 to i32
      %cond3A_103 = arith.constant 0 : i32
      %cond3A_104 = arith.cmpi ne, %convert_element_type3A_102, %cond3A_103 : i32
      scf.if %cond3A_104 {
        %add3A_194 = arith.constant 128 : i32
        %add3A_195 = arith.addi %mul3A_59, %add3A_194 : i32
        %multiple_of3A = tpu.assume_multiple %add3A_195, 8 : i32
        %dma_start3A = arith.constant 0 : i32
        %dma_start3A_196 = tpu.memref_slice %arg3[%multiple_of3A, %dma_start3A] : memref<50000x256xf32, #tpu.memory_space<hbm>> -> memref<32x256xf32, #tpu.memory_space<hbm>>
        %dma_start3A_197 = arith.constant 0 : i32
        %dma_start3A_198 = tpu.memref_slice %arg3[%multiple_of3A, %dma_start3A_197] : memref<50000x256xf32, #tpu.memory_space<hbm>> -> memref<32x256xf32, #tpu.memory_space<hbm>>
        tpu.enqueue_dma source(%dma_start3A_198 : memref<32x256xf32, #tpu.memory_space<hbm>>) target(%arg12 : memref<32x256xf32, #tpu.memory_space<vmem>>) target_semaphore(%arg22 : memref<!tpu.dma_semaphore, #tpu.memory_space<semaphore_mem>>)
      } else {
      }
      %gt3A_105 = arith.constant 5 : i32
      %gt3A_106 = arith.cmpi sgt, %div3A_62, %gt3A_105 : i32
      %convert_element_type3A_107 = arith.extui %gt3A_106 : i1 to i32
      %cond3A_108 = arith.constant 0 : i32
      %cond3A_109 = arith.cmpi ne, %convert_element_type3A_107, %cond3A_108 : i32
      scf.if %cond3A_109 {
        %add3A_194 = arith.constant 160 : i32
        %add3A_195 = arith.addi %mul3A_59, %add3A_194 : i32
        %multiple_of3A = tpu.assume_multiple %add3A_195, 8 : i32
        %dma_start3A = arith.constant 0 : i32
        %dma_start3A_196 = tpu.memref_slice %arg3[%multiple_of3A, %dma_start3A] : memref<50000x256xf32, #tpu.memory_space<hbm>> -> memref<32x256xf32, #tpu.memory_space<hbm>>
        %dma_start3A_197 = arith.constant 0 : i32
        %dma_start3A_198 = tpu.memref_slice %arg3[%multiple_of3A, %dma_start3A_197] : memref<50000x256xf32, #tpu.memory_space<hbm>> -> memref<32x256xf32, #tpu.memory_space<hbm>>
        tpu.enqueue_dma source(%dma_start3A_198 : memref<32x256xf32, #tpu.memory_space<hbm>>) target(%arg13 : memref<32x256xf32, #tpu.memory_space<vmem>>) target_semaphore(%arg23 : memref<!tpu.dma_semaphore, #tpu.memory_space<semaphore_mem>>)
      } else {
      }
      %eq3A_110 = arith.cmpi eq, %scan3A_40, %min3A_69 : i32
      %and3A = arith.andi %lt3A, %eq3A_110 : i1
      %ne3A = arith.cmpi ne, %scan3A_40, %min3A_69 : i32
      %and3A_111 = arith.andi %lt3A, %ne3A : i1
      %convert_element_type3A_112 = arith.extui %and3A_111 : i1 to i32
      %cond3A_113 = arith.constant 0 : i32
      %cond3A_114 = arith.cmpi ne, %convert_element_type3A_112, %cond3A_113 : i32
      scf.if %cond3A_114 {
        %multiple_of3A = tpu.assume_multiple %min3A_69, 8 : i32
        %dma_start3A = arith.constant 0 : i32
        %dma_start3A_194 = tpu.memref_slice %arg3[%multiple_of3A, %dma_start3A] : memref<50000x256xf32, #tpu.memory_space<hbm>> -> memref<8x256xf32, #tpu.memory_space<hbm>>
        %dma_start3A_195 = arith.constant 0 : i32
        %dma_start3A_196 = tpu.memref_slice %arg3[%multiple_of3A, %dma_start3A_195] : memref<50000x256xf32, #tpu.memory_space<hbm>> -> memref<8x256xf32, #tpu.memory_space<hbm>>
        tpu.enqueue_dma source(%dma_start3A_196 : memref<8x256xf32, #tpu.memory_space<hbm>>) target(%arg7 : memref<8x256xf32, #tpu.memory_space<vmem>>) target_semaphore(%arg17 : memref<!tpu.dma_semaphore, #tpu.memory_space<semaphore_mem>>)
      } else {
      }
      %broadcast_in_dim3A_115 = arith.constant 0xFF800000 : f32
      %broadcast_in_dim3A_116 = vector.broadcast %broadcast_in_dim3A_115 : f32 to vector<16xf32>
      %broadcast_in_dim3A_117 = arith.constant 0.000000e+00 : f32
      %broadcast_in_dim3A_118 = vector.broadcast %broadcast_in_dim3A_117 : f32 to vector<16xf32>
      %scan3A_119 = arith.constant 0 : i32
      %scan3A_120 = arith.constant 0 : i32
      %scan3A_121 = arith.constant 16 : i32
      %scan3A_122 = arith.addi %scan3A_120, %scan3A_121 : i32
      %scan3A_123 = arith.constant 1 : i32
      %scan3A_124 = scf.for %scan3A_194 = %scan3A_120 to %scan3A_122 step %scan3A_123 iter_args(%scan3A_195 = %scan3A_119) -> (i32)  : i32 {
        %mul3A_196 = arith.constant 16 : i32
        %mul3A_197 = arith.muli %scan3A_194, %mul3A_196 : i32
        %multiple_of3A = tpu.assume_multiple %mul3A_197, 16 : i32
        %swap3A = arith.index_cast %scan3A_39 : i32 to index
        %swap3A_198 = arith.index_cast %multiple_of3A : i32 to index
        %swap3A_199 = tpu.vector_load %arg15[%swap3A, %swap3A_198] {strides = array<i32>} : memref<16x256xf32, #tpu.memory_space<vmem>>, vector<16xf32>,
        tpu.vector_store %arg15[%swap3A, %swap3A_198], %broadcast_in_dim3A_116 {strides = array<i32>} : memref<16x256xf32, #tpu.memory_space<vmem>>, vector<16xf32>,
        %swap3A_200 = arith.index_cast %scan3A_39 : i32 to index
        %swap3A_201 = arith.index_cast %multiple_of3A : i32 to index
        %swap3A_202 = tpu.vector_load %arg16[%swap3A_200, %swap3A_201] {strides = array<i32>} : memref<16x256xf32, #tpu.memory_space<vmem>>, vector<16xf32>,
        tpu.vector_store %arg16[%swap3A_200, %swap3A_201], %broadcast_in_dim3A_118 {strides = array<i32>} : memref<16x256xf32, #tpu.memory_space<vmem>>, vector<16xf32>,
        %scan3A_203 = arith.constant 0 : i32
        scf.yield %scan3A_203 : i32
      }
      %scan3A_125 = arith.constant 16 : i32
      %convert_element_type3A_126 = arith.extui %and3A_111 : i1 to i32
      %cond3A_127 = arith.constant 0 : i32
      %cond3A_128 = arith.cmpi ne, %convert_element_type3A_126, %cond3A_127 : i32
      scf.if %cond3A_128 {
        %dma_wait3A = arith.constant 0 : i32
        %dma_wait3A_194 = arith.constant 0 : i32
        %dma_wait3A_195 = tpu.memref_slice %arg3[%dma_wait3A, %dma_wait3A_194] : memref<50000x256xf32, #tpu.memory_space<hbm>> -> memref<8x256xf32, #tpu.memory_space<hbm>>
        %dma_wait3A_196 = arith.constant 0 : i32
        %dma_wait3A_197 = arith.constant 0 : i32
        %dma_wait3A_198 = tpu.memref_slice %arg3[%dma_wait3A_196, %dma_wait3A_197] : memref<50000x256xf32, #tpu.memory_space<hbm>> -> memref<8x256xf32, #tpu.memory_space<hbm>>
        tpu.wait_dma2 semaphore(%arg17 : memref<!tpu.dma_semaphore, #tpu.memory_space<semaphore_mem>>) src(%dma_wait3A_198 : memref<8x256xf32, #tpu.memory_space<hbm>>) dst(%arg7 : memref<8x256xf32, #tpu.memory_space<vmem>>)
        %scan3A_199 = arith.constant 0 : i32
        %scan3A_200 = arith.constant 0 : i32
        %scan3A_201 = arith.constant 16 : i32
        %scan3A_202 = arith.addi %scan3A_200, %scan3A_201 : i32
        %scan3A_203 = arith.constant 1 : i32
        %scan3A_204 = scf.for %scan3A_206 = %scan3A_200 to %scan3A_202 step %scan3A_203 iter_args(%scan3A_207 = %scan3A_199) -> (i32)  : i32 {
          %mul3A_208 = arith.constant 16 : i32
          %mul3A_209 = arith.muli %scan3A_206, %mul3A_208 : i32
          %multiple_of3A = tpu.assume_multiple %mul3A_209, 16 : i32
          %broadcast_in_dim3A_210 = arith.constant 0xFF800000 : f32
          %broadcast_in_dim3A_211 = vector.broadcast %broadcast_in_dim3A_210 : f32 to vector<16xf32>
          %broadcast_in_dim3A_212 = arith.constant 0xFF800000 : f32
          %broadcast_in_dim3A_213 = vector.broadcast %broadcast_in_dim3A_212 : f32 to vector<16xf32>
          %broadcast_in_dim3A_214 = arith.constant 0xFF800000 : f32
          %broadcast_in_dim3A_215 = vector.broadcast %broadcast_in_dim3A_214 : f32 to vector<16xf32>
          %broadcast_in_dim3A_216 = arith.constant 0xFF800000 : f32
          %broadcast_in_dim3A_217 = vector.broadcast %broadcast_in_dim3A_216 : f32 to vector<16xf32>
          %broadcast_in_dim3A_218 = arith.constant 0.000000e+00 : f32
          %broadcast_in_dim3A_219 = vector.broadcast %broadcast_in_dim3A_218 : f32 to vector<16xf32>
          %broadcast_in_dim3A_220 = arith.constant 0.000000e+00 : f32
          %broadcast_in_dim3A_221 = vector.broadcast %broadcast_in_dim3A_220 : f32 to vector<16xf32>
          %broadcast_in_dim3A_222 = arith.constant 0.000000e+00 : f32
          %broadcast_in_dim3A_223 = vector.broadcast %broadcast_in_dim3A_222 : f32 to vector<16xf32>
          %broadcast_in_dim3A_224 = arith.constant 0.000000e+00 : f32
          %broadcast_in_dim3A_225 = vector.broadcast %broadcast_in_dim3A_224 : f32 to vector<16xf32>
          %get3A = arith.constant 0 : i32
          %get3A_226 = arith.index_cast %get3A : i32 to index
          %get3A_227 = arith.index_cast %multiple_of3A : i32 to index
          %get3A_228 = tpu.vector_load %arg7[%get3A_226, %get3A_227] {strides = array<i32>} : memref<8x256xf32, #tpu.memory_space<vmem>>, vector<16xf32>,
          %add3A_229 = arith.constant 0 : i32
          %add3A_230 = arith.addi %min3A_69, %add3A_229 : i32
          %ge3A = arith.cmpi sge, %add3A_230, %reduce_sum3A_45 : i32
          %add3A_231 = arith.constant 0 : i32
          %add3A_232 = arith.addi %min3A_69, %add3A_231 : i32
          %lt3A_233 = arith.cmpi slt, %add3A_232, %min3A_63 : i32
          %and3A_234 = arith.andi %ge3A, %lt3A_233 : i1
          %jit3A_235 = arith.constant 0xFF800000 : f32
          %broadcast_in_dim3A_236 = vector.broadcast %jit3A_235 : f32 to vector<16xf32>
          %select_n3A_237 = arith.select %and3A_234, %get3A_228, %broadcast_in_dim3A_236 : vector<16xf32>
          %jit3A_238 = arith.constant 0.000000e+00 : f32
          %broadcast_in_dim3A_239 = vector.broadcast %jit3A_238 : f32 to vector<16xf32>
          %select_n3A_240 = arith.select %and3A_234, %get3A_228, %broadcast_in_dim3A_239 : vector<16xf32>
          %max3A_241 = arith.maximumf %broadcast_in_dim3A_211, %select_n3A_237 : vector<16xf32>
          %add3A_242 = arith.addf %broadcast_in_dim3A_219, %select_n3A_240 : vector<16xf32>
          %get3A_243 = arith.constant 1 : i32
          %get3A_244 = arith.index_cast %get3A_243 : i32 to index
          %get3A_245 = arith.index_cast %multiple_of3A : i32 to index
          %get3A_246 = tpu.vector_load %arg7[%get3A_244, %get3A_245] {strides = array<i32>} : memref<8x256xf32, #tpu.memory_space<vmem>>, vector<16xf32>,
          %add3A_247 = arith.constant 1 : i32
          %add3A_248 = arith.addi %min3A_69, %add3A_247 : i32
          %ge3A_249 = arith.cmpi sge, %add3A_248, %reduce_sum3A_45 : i32
          %add3A_250 = arith.constant 1 : i32
          %add3A_251 = arith.addi %min3A_69, %add3A_250 : i32
          %lt3A_252 = arith.cmpi slt, %add3A_251, %min3A_63 : i32
          %and3A_253 = arith.andi %ge3A_249, %lt3A_252 : i1
          %jit3A_254 = arith.constant 0xFF800000 : f32
          %broadcast_in_dim3A_255 = vector.broadcast %jit3A_254 : f32 to vector<16xf32>
          %select_n3A_256 = arith.select %and3A_253, %get3A_246, %broadcast_in_dim3A_255 : vector<16xf32>
          %jit3A_257 = arith.constant 0.000000e+00 : f32
          %broadcast_in_dim3A_258 = vector.broadcast %jit3A_257 : f32 to vector<16xf32>
          %select_n3A_259 = arith.select %and3A_253, %get3A_246, %broadcast_in_dim3A_258 : vector<16xf32>
          %max3A_260 = arith.maximumf %broadcast_in_dim3A_213, %select_n3A_256 : vector<16xf32>
          %add3A_261 = arith.addf %broadcast_in_dim3A_221, %select_n3A_259 : vector<16xf32>
          %get3A_262 = arith.constant 2 : i32
          %get3A_263 = arith.index_cast %get3A_262 : i32 to index
          %get3A_264 = arith.index_cast %multiple_of3A : i32 to index
          %get3A_265 = tpu.vector_load %arg7[%get3A_263, %get3A_264] {strides = array<i32>} : memref<8x256xf32, #tpu.memory_space<vmem>>, vector<16xf32>,
          %add3A_266 = arith.constant 2 : i32
          %add3A_267 = arith.addi %min3A_69, %add3A_266 : i32
          %ge3A_268 = arith.cmpi sge, %add3A_267, %reduce_sum3A_45 : i32
          %add3A_269 = arith.constant 2 : i32
          %add3A_270 = arith.addi %min3A_69, %add3A_269 : i32
          %lt3A_271 = arith.cmpi slt, %add3A_270, %min3A_63 : i32
          %and3A_272 = arith.andi %ge3A_268, %lt3A_271 : i1
          %jit3A_273 = arith.constant 0xFF800000 : f32
          %broadcast_in_dim3A_274 = vector.broadcast %jit3A_273 : f32 to vector<16xf32>
          %select_n3A_275 = arith.select %and3A_272, %get3A_265, %broadcast_in_dim3A_274 : vector<16xf32>
          %jit3A_276 = arith.constant 0.000000e+00 : f32
          %broadcast_in_dim3A_277 = vector.broadcast %jit3A_276 : f32 to vector<16xf32>
          %select_n3A_278 = arith.select %and3A_272, %get3A_265, %broadcast_in_dim3A_277 : vector<16xf32>
          %max3A_279 = arith.maximumf %broadcast_in_dim3A_215, %select_n3A_275 : vector<16xf32>
          %add3A_280 = arith.addf %broadcast_in_dim3A_223, %select_n3A_278 : vector<16xf32>
          %get3A_281 = arith.constant 3 : i32
          %get3A_282 = arith.index_cast %get3A_281 : i32 to index
          %get3A_283 = arith.index_cast %multiple_of3A : i32 to index
          %get3A_284 = tpu.vector_load %arg7[%get3A_282, %get3A_283] {strides = array<i32>} : memref<8x256xf32, #tpu.memory_space<vmem>>, vector<16xf32>,
          %add3A_285 = arith.constant 3 : i32
          %add3A_286 = arith.addi %min3A_69, %add3A_285 : i32
          %ge3A_287 = arith.cmpi sge, %add3A_286, %reduce_sum3A_45 : i32
          %add3A_288 = arith.constant 3 : i32
          %add3A_289 = arith.addi %min3A_69, %add3A_288 : i32
          %lt3A_290 = arith.cmpi slt, %add3A_289, %min3A_63 : i32
          %and3A_291 = arith.andi %ge3A_287, %lt3A_290 : i1
          %jit3A_292 = arith.constant 0xFF800000 : f32
          %broadcast_in_dim3A_293 = vector.broadcast %jit3A_292 : f32 to vector<16xf32>
          %select_n3A_294 = arith.select %and3A_291, %get3A_284, %broadcast_in_dim3A_293 : vector<16xf32>
          %jit3A_295 = arith.constant 0.000000e+00 : f32
          %broadcast_in_dim3A_296 = vector.broadcast %jit3A_295 : f32 to vector<16xf32>
          %select_n3A_297 = arith.select %and3A_291, %get3A_284, %broadcast_in_dim3A_296 : vector<16xf32>
          %max3A_298 = arith.maximumf %broadcast_in_dim3A_217, %select_n3A_294 : vector<16xf32>
          %add3A_299 = arith.addf %broadcast_in_dim3A_225, %select_n3A_297 : vector<16xf32>
          %get3A_300 = arith.constant 4 : i32
          %get3A_301 = arith.index_cast %get3A_300 : i32 to index
          %get3A_302 = arith.index_cast %multiple_of3A : i32 to index
          %get3A_303 = tpu.vector_load %arg7[%get3A_301, %get3A_302] {strides = array<i32>} : memref<8x256xf32, #tpu.memory_space<vmem>>, vector<16xf32>,
          %add3A_304 = arith.constant 4 : i32
          %add3A_305 = arith.addi %min3A_69, %add3A_304 : i32
          %ge3A_306 = arith.cmpi sge, %add3A_305, %reduce_sum3A_45 : i32
          %add3A_307 = arith.constant 4 : i32
          %add3A_308 = arith.addi %min3A_69, %add3A_307 : i32
          %lt3A_309 = arith.cmpi slt, %add3A_308, %min3A_63 : i32
          %and3A_310 = arith.andi %ge3A_306, %lt3A_309 : i1
          %jit3A_311 = arith.constant 0xFF800000 : f32
          %broadcast_in_dim3A_312 = vector.broadcast %jit3A_311 : f32 to vector<16xf32>
          %select_n3A_313 = arith.select %and3A_310, %get3A_303, %broadcast_in_dim3A_312 : vector<16xf32>
          %jit3A_314 = arith.constant 0.000000e+00 : f32
          %broadcast_in_dim3A_315 = vector.broadcast %jit3A_314 : f32 to vector<16xf32>
          %select_n3A_316 = arith.select %and3A_310, %get3A_303, %broadcast_in_dim3A_315 : vector<16xf32>
          %max3A_317 = arith.maximumf %max3A_241, %select_n3A_313 : vector<16xf32>
          %add3A_318 = arith.addf %add3A_242, %select_n3A_316 : vector<16xf32>
          %get3A_319 = arith.constant 5 : i32
          %get3A_320 = arith.index_cast %get3A_319 : i32 to index
          %get3A_321 = arith.index_cast %multiple_of3A : i32 to index
          %get3A_322 = tpu.vector_load %arg7[%get3A_320, %get3A_321] {strides = array<i32>} : memref<8x256xf32, #tpu.memory_space<vmem>>, vector<16xf32>,
          %add3A_323 = arith.constant 5 : i32
          %add3A_324 = arith.addi %min3A_69, %add3A_323 : i32
          %ge3A_325 = arith.cmpi sge, %add3A_324, %reduce_sum3A_45 : i32
          %add3A_326 = arith.constant 5 : i32
          %add3A_327 = arith.addi %min3A_69, %add3A_326 : i32
          %lt3A_328 = arith.cmpi slt, %add3A_327, %min3A_63 : i32
          %and3A_329 = arith.andi %ge3A_325, %lt3A_328 : i1
          %jit3A_330 = arith.constant 0xFF800000 : f32
          %broadcast_in_dim3A_331 = vector.broadcast %jit3A_330 : f32 to vector<16xf32>
          %select_n3A_332 = arith.select %and3A_329, %get3A_322, %broadcast_in_dim3A_331 : vector<16xf32>
          %jit3A_333 = arith.constant 0.000000e+00 : f32
          %broadcast_in_dim3A_334 = vector.broadcast %jit3A_333 : f32 to vector<16xf32>
          %select_n3A_335 = arith.select %and3A_329, %get3A_322, %broadcast_in_dim3A_334 : vector<16xf32>
          %max3A_336 = arith.maximumf %max3A_260, %select_n3A_332 : vector<16xf32>
          %add3A_337 = arith.addf %add3A_261, %select_n3A_335 : vector<16xf32>
          %get3A_338 = arith.constant 6 : i32
          %get3A_339 = arith.index_cast %get3A_338 : i32 to index
          %get3A_340 = arith.index_cast %multiple_of3A : i32 to index
          %get3A_341 = tpu.vector_load %arg7[%get3A_339, %get3A_340] {strides = array<i32>} : memref<8x256xf32, #tpu.memory_space<vmem>>, vector<16xf32>,
          %add3A_342 = arith.constant 6 : i32
          %add3A_343 = arith.addi %min3A_69, %add3A_342 : i32
          %ge3A_344 = arith.cmpi sge, %add3A_343, %reduce_sum3A_45 : i32
          %add3A_345 = arith.constant 6 : i32
          %add3A_346 = arith.addi %min3A_69, %add3A_345 : i32
          %lt3A_347 = arith.cmpi slt, %add3A_346, %min3A_63 : i32
          %and3A_348 = arith.andi %ge3A_344, %lt3A_347 : i1
          %jit3A_349 = arith.constant 0xFF800000 : f32
          %broadcast_in_dim3A_350 = vector.broadcast %jit3A_349 : f32 to vector<16xf32>
          %select_n3A_351 = arith.select %and3A_348, %get3A_341, %broadcast_in_dim3A_350 : vector<16xf32>
          %jit3A_352 = arith.constant 0.000000e+00 : f32
          %broadcast_in_dim3A_353 = vector.broadcast %jit3A_352 : f32 to vector<16xf32>
          %select_n3A_354 = arith.select %and3A_348, %get3A_341, %broadcast_in_dim3A_353 : vector<16xf32>
          %max3A_355 = arith.maximumf %max3A_279, %select_n3A_351 : vector<16xf32>
          %add3A_356 = arith.addf %add3A_280, %select_n3A_354 : vector<16xf32>
          %get3A_357 = arith.constant 7 : i32
          %get3A_358 = arith.index_cast %get3A_357 : i32 to index
          %get3A_359 = arith.index_cast %multiple_of3A : i32 to index
          %get3A_360 = tpu.vector_load %arg7[%get3A_358, %get3A_359] {strides = array<i32>} : memref<8x256xf32, #tpu.memory_space<vmem>>, vector<16xf32>,
          %add3A_361 = arith.constant 7 : i32
          %add3A_362 = arith.addi %min3A_69, %add3A_361 : i32
          %ge3A_363 = arith.cmpi sge, %add3A_362, %reduce_sum3A_45 : i32
          %add3A_364 = arith.constant 7 : i32
          %add3A_365 = arith.addi %min3A_69, %add3A_364 : i32
          %lt3A_366 = arith.cmpi slt, %add3A_365, %min3A_63 : i32
          %and3A_367 = arith.andi %ge3A_363, %lt3A_366 : i1
          %jit3A_368 = arith.constant 0xFF800000 : f32
          %broadcast_in_dim3A_369 = vector.broadcast %jit3A_368 : f32 to vector<16xf32>
          %select_n3A_370 = arith.select %and3A_367, %get3A_360, %broadcast_in_dim3A_369 : vector<16xf32>
          %jit3A_371 = arith.constant 0.000000e+00 : f32
          %broadcast_in_dim3A_372 = vector.broadcast %jit3A_371 : f32 to vector<16xf32>
          %select_n3A_373 = arith.select %and3A_367, %get3A_360, %broadcast_in_dim3A_372 : vector<16xf32>
          %max3A_374 = arith.maximumf %max3A_298, %select_n3A_370 : vector<16xf32>
          %add3A_375 = arith.addf %add3A_299, %select_n3A_373 : vector<16xf32>
          %max3A_376 = arith.maximumf %max3A_317, %max3A_336 : vector<16xf32>
          %add3A_377 = arith.addf %add3A_318, %add3A_337 : vector<16xf32>
          %max3A_378 = arith.maximumf %max3A_376, %max3A_355 : vector<16xf32>
          %add3A_379 = arith.addf %add3A_377, %add3A_356 : vector<16xf32>
          %max3A_380 = arith.maximumf %max3A_378, %max3A_374 : vector<16xf32>
          %add3A_381 = arith.addf %add3A_379, %add3A_375 : vector<16xf32>
          %get3A_382 = arith.index_cast %scan3A_39 : i32 to index
          %get3A_383 = arith.index_cast %multiple_of3A : i32 to index
          %get3A_384 = tpu.vector_load %arg15[%get3A_382, %get3A_383] {strides = array<i32>} : memref<16x256xf32, #tpu.memory_space<vmem>>, vector<16xf32>,
          %max3A_385 = arith.maximumf %get3A_384, %max3A_380 : vector<16xf32>
          %swap3A = arith.index_cast %scan3A_39 : i32 to index
          %swap3A_386 = arith.index_cast %multiple_of3A : i32 to index
          %swap3A_387 = tpu.vector_load %arg15[%swap3A, %swap3A_386] {strides = array<i32>} : memref<16x256xf32, #tpu.memory_space<vmem>>, vector<16xf32>,
          tpu.vector_store %arg15[%swap3A, %swap3A_386], %max3A_385 {strides = array<i32>} : memref<16x256xf32, #tpu.memory_space<vmem>>, vector<16xf32>,
          %get3A_388 = arith.index_cast %scan3A_39 : i32 to index
          %get3A_389 = arith.index_cast %multiple_of3A : i32 to index
          %get3A_390 = tpu.vector_load %arg16[%get3A_388, %get3A_389] {strides = array<i32>} : memref<16x256xf32, #tpu.memory_space<vmem>>, vector<16xf32>,
          %add3A_391 = arith.addf %get3A_390, %add3A_381 : vector<16xf32>
          %swap3A_392 = arith.index_cast %scan3A_39 : i32 to index
          %swap3A_393 = arith.index_cast %multiple_of3A : i32 to index
          %swap3A_394 = tpu.vector_load %arg16[%swap3A_392, %swap3A_393] {strides = array<i32>} : memref<16x256xf32, #tpu.memory_space<vmem>>, vector<16xf32>,
          tpu.vector_store %arg16[%swap3A_392, %swap3A_393], %add3A_391 {strides = array<i32>} : memref<16x256xf32, #tpu.memory_space<vmem>>, vector<16xf32>,
          %scan3A_395 = arith.constant 0 : i32
          scf.yield %scan3A_395 : i32
        }
        %scan3A_205 = arith.constant 16 : i32
      } else {
      }
      %convert_element_type3A_129 = arith.extui %and3A : i1 to i32
      %cond3A_130 = arith.constant 0 : i32
      %cond3A_131 = arith.cmpi ne, %convert_element_type3A_129, %cond3A_130 : i32
      scf.if %cond3A_131 {
        %scan3A_194 = arith.constant 0 : i32
        %scan3A_195 = arith.constant 0 : i32
        %scan3A_196 = arith.constant 16 : i32
        %scan3A_197 = arith.addi %scan3A_195, %scan3A_196 : i32
        %scan3A_198 = arith.constant 1 : i32
        %scan3A_199 = scf.for %scan3A_201 = %scan3A_195 to %scan3A_197 step %scan3A_198 iter_args(%scan3A_202 = %scan3A_194) -> (i32)  : i32 {
          %mul3A_203 = arith.constant 16 : i32
          %mul3A_204 = arith.muli %scan3A_201, %mul3A_203 : i32
          %multiple_of3A = tpu.assume_multiple %mul3A_204, 16 : i32
          %broadcast_in_dim3A_205 = arith.constant 0xFF800000 : f32
          %broadcast_in_dim3A_206 = vector.broadcast %broadcast_in_dim3A_205 : f32 to vector<16xf32>
          %broadcast_in_dim3A_207 = arith.constant 0xFF800000 : f32
          %broadcast_in_dim3A_208 = vector.broadcast %broadcast_in_dim3A_207 : f32 to vector<16xf32>
          %broadcast_in_dim3A_209 = arith.constant 0xFF800000 : f32
          %broadcast_in_dim3A_210 = vector.broadcast %broadcast_in_dim3A_209 : f32 to vector<16xf32>
          %broadcast_in_dim3A_211 = arith.constant 0xFF800000 : f32
          %broadcast_in_dim3A_212 = vector.broadcast %broadcast_in_dim3A_211 : f32 to vector<16xf32>
          %broadcast_in_dim3A_213 = arith.constant 0.000000e+00 : f32
          %broadcast_in_dim3A_214 = vector.broadcast %broadcast_in_dim3A_213 : f32 to vector<16xf32>
          %broadcast_in_dim3A_215 = arith.constant 0.000000e+00 : f32
          %broadcast_in_dim3A_216 = vector.broadcast %broadcast_in_dim3A_215 : f32 to vector<16xf32>
          %broadcast_in_dim3A_217 = arith.constant 0.000000e+00 : f32
          %broadcast_in_dim3A_218 = vector.broadcast %broadcast_in_dim3A_217 : f32 to vector<16xf32>
          %broadcast_in_dim3A_219 = arith.constant 0.000000e+00 : f32
          %broadcast_in_dim3A_220 = vector.broadcast %broadcast_in_dim3A_219 : f32 to vector<16xf32>
          %get3A = arith.constant 24 : i32
          %get3A_221 = arith.index_cast %get3A : i32 to index
          %get3A_222 = arith.index_cast %multiple_of3A : i32 to index
          %get3A_223 = tpu.vector_load %arg14[%get3A_221, %get3A_222] {strides = array<i32>} : memref<32x256xf32, #tpu.memory_space<vmem>>, vector<16xf32>,
          %add3A_224 = arith.constant 0 : i32
          %add3A_225 = arith.addi %min3A_69, %add3A_224 : i32
          %ge3A = arith.cmpi sge, %add3A_225, %reduce_sum3A_45 : i32
          %add3A_226 = arith.constant 0 : i32
          %add3A_227 = arith.addi %min3A_69, %add3A_226 : i32
          %lt3A_228 = arith.cmpi slt, %add3A_227, %min3A_63 : i32
          %and3A_229 = arith.andi %ge3A, %lt3A_228 : i1
          %jit3A_230 = arith.constant 0xFF800000 : f32
          %broadcast_in_dim3A_231 = vector.broadcast %jit3A_230 : f32 to vector<16xf32>
          %select_n3A_232 = arith.select %and3A_229, %get3A_223, %broadcast_in_dim3A_231 : vector<16xf32>
          %jit3A_233 = arith.constant 0.000000e+00 : f32
          %broadcast_in_dim3A_234 = vector.broadcast %jit3A_233 : f32 to vector<16xf32>
          %select_n3A_235 = arith.select %and3A_229, %get3A_223, %broadcast_in_dim3A_234 : vector<16xf32>
          %max3A_236 = arith.maximumf %broadcast_in_dim3A_206, %select_n3A_232 : vector<16xf32>
          %add3A_237 = arith.addf %broadcast_in_dim3A_214, %select_n3A_235 : vector<16xf32>
          %get3A_238 = arith.constant 25 : i32
          %get3A_239 = arith.index_cast %get3A_238 : i32 to index
          %get3A_240 = arith.index_cast %multiple_of3A : i32 to index
          %get3A_241 = tpu.vector_load %arg14[%get3A_239, %get3A_240] {strides = array<i32>} : memref<32x256xf32, #tpu.memory_space<vmem>>, vector<16xf32>,
          %add3A_242 = arith.constant 1 : i32
          %add3A_243 = arith.addi %min3A_69, %add3A_242 : i32
          %ge3A_244 = arith.cmpi sge, %add3A_243, %reduce_sum3A_45 : i32
          %add3A_245 = arith.constant 1 : i32
          %add3A_246 = arith.addi %min3A_69, %add3A_245 : i32
          %lt3A_247 = arith.cmpi slt, %add3A_246, %min3A_63 : i32
          %and3A_248 = arith.andi %ge3A_244, %lt3A_247 : i1
          %jit3A_249 = arith.constant 0xFF800000 : f32
          %broadcast_in_dim3A_250 = vector.broadcast %jit3A_249 : f32 to vector<16xf32>
          %select_n3A_251 = arith.select %and3A_248, %get3A_241, %broadcast_in_dim3A_250 : vector<16xf32>
          %jit3A_252 = arith.constant 0.000000e+00 : f32
          %broadcast_in_dim3A_253 = vector.broadcast %jit3A_252 : f32 to vector<16xf32>
          %select_n3A_254 = arith.select %and3A_248, %get3A_241, %broadcast_in_dim3A_253 : vector<16xf32>
          %max3A_255 = arith.maximumf %broadcast_in_dim3A_208, %select_n3A_251 : vector<16xf32>
          %add3A_256 = arith.addf %broadcast_in_dim3A_216, %select_n3A_254 : vector<16xf32>
          %get3A_257 = arith.constant 26 : i32
          %get3A_258 = arith.index_cast %get3A_257 : i32 to index
          %get3A_259 = arith.index_cast %multiple_of3A : i32 to index
          %get3A_260 = tpu.vector_load %arg14[%get3A_258, %get3A_259] {strides = array<i32>} : memref<32x256xf32, #tpu.memory_space<vmem>>, vector<16xf32>,
          %add3A_261 = arith.constant 2 : i32
          %add3A_262 = arith.addi %min3A_69, %add3A_261 : i32
          %ge3A_263 = arith.cmpi sge, %add3A_262, %reduce_sum3A_45 : i32
          %add3A_264 = arith.constant 2 : i32
          %add3A_265 = arith.addi %min3A_69, %add3A_264 : i32
          %lt3A_266 = arith.cmpi slt, %add3A_265, %min3A_63 : i32
          %and3A_267 = arith.andi %ge3A_263, %lt3A_266 : i1
          %jit3A_268 = arith.constant 0xFF800000 : f32
          %broadcast_in_dim3A_269 = vector.broadcast %jit3A_268 : f32 to vector<16xf32>
          %select_n3A_270 = arith.select %and3A_267, %get3A_260, %broadcast_in_dim3A_269 : vector<16xf32>
          %jit3A_271 = arith.constant 0.000000e+00 : f32
          %broadcast_in_dim3A_272 = vector.broadcast %jit3A_271 : f32 to vector<16xf32>
          %select_n3A_273 = arith.select %and3A_267, %get3A_260, %broadcast_in_dim3A_272 : vector<16xf32>
          %max3A_274 = arith.maximumf %broadcast_in_dim3A_210, %select_n3A_270 : vector<16xf32>
          %add3A_275 = arith.addf %broadcast_in_dim3A_218, %select_n3A_273 : vector<16xf32>
          %get3A_276 = arith.constant 27 : i32
          %get3A_277 = arith.index_cast %get3A_276 : i32 to index
          %get3A_278 = arith.index_cast %multiple_of3A : i32 to index
          %get3A_279 = tpu.vector_load %arg14[%get3A_277, %get3A_278] {strides = array<i32>} : memref<32x256xf32, #tpu.memory_space<vmem>>, vector<16xf32>,
          %add3A_280 = arith.constant 3 : i32
          %add3A_281 = arith.addi %min3A_69, %add3A_280 : i32
          %ge3A_282 = arith.cmpi sge, %add3A_281, %reduce_sum3A_45 : i32
          %add3A_283 = arith.constant 3 : i32
          %add3A_284 = arith.addi %min3A_69, %add3A_283 : i32
          %lt3A_285 = arith.cmpi slt, %add3A_284, %min3A_63 : i32
          %and3A_286 = arith.andi %ge3A_282, %lt3A_285 : i1
          %jit3A_287 = arith.constant 0xFF800000 : f32
          %broadcast_in_dim3A_288 = vector.broadcast %jit3A_287 : f32 to vector<16xf32>
          %select_n3A_289 = arith.select %and3A_286, %get3A_279, %broadcast_in_dim3A_288 : vector<16xf32>
          %jit3A_290 = arith.constant 0.000000e+00 : f32
          %broadcast_in_dim3A_291 = vector.broadcast %jit3A_290 : f32 to vector<16xf32>
          %select_n3A_292 = arith.select %and3A_286, %get3A_279, %broadcast_in_dim3A_291 : vector<16xf32>
          %max3A_293 = arith.maximumf %broadcast_in_dim3A_212, %select_n3A_289 : vector<16xf32>
          %add3A_294 = arith.addf %broadcast_in_dim3A_220, %select_n3A_292 : vector<16xf32>
          %get3A_295 = arith.constant 28 : i32
          %get3A_296 = arith.index_cast %get3A_295 : i32 to index
          %get3A_297 = arith.index_cast %multiple_of3A : i32 to index
          %get3A_298 = tpu.vector_load %arg14[%get3A_296, %get3A_297] {strides = array<i32>} : memref<32x256xf32, #tpu.memory_space<vmem>>, vector<16xf32>,
          %add3A_299 = arith.constant 4 : i32
          %add3A_300 = arith.addi %min3A_69, %add3A_299 : i32
          %ge3A_301 = arith.cmpi sge, %add3A_300, %reduce_sum3A_45 : i32
          %add3A_302 = arith.constant 4 : i32
          %add3A_303 = arith.addi %min3A_69, %add3A_302 : i32
          %lt3A_304 = arith.cmpi slt, %add3A_303, %min3A_63 : i32
          %and3A_305 = arith.andi %ge3A_301, %lt3A_304 : i1
          %jit3A_306 = arith.constant 0xFF800000 : f32
          %broadcast_in_dim3A_307 = vector.broadcast %jit3A_306 : f32 to vector<16xf32>
          %select_n3A_308 = arith.select %and3A_305, %get3A_298, %broadcast_in_dim3A_307 : vector<16xf32>
          %jit3A_309 = arith.constant 0.000000e+00 : f32
          %broadcast_in_dim3A_310 = vector.broadcast %jit3A_309 : f32 to vector<16xf32>
          %select_n3A_311 = arith.select %and3A_305, %get3A_298, %broadcast_in_dim3A_310 : vector<16xf32>
          %max3A_312 = arith.maximumf %max3A_236, %select_n3A_308 : vector<16xf32>
          %add3A_313 = arith.addf %add3A_237, %select_n3A_311 : vector<16xf32>
          %get3A_314 = arith.constant 29 : i32
          %get3A_315 = arith.index_cast %get3A_314 : i32 to index
          %get3A_316 = arith.index_cast %multiple_of3A : i32 to index
          %get3A_317 = tpu.vector_load %arg14[%get3A_315, %get3A_316] {strides = array<i32>} : memref<32x256xf32, #tpu.memory_space<vmem>>, vector<16xf32>,
          %add3A_318 = arith.constant 5 : i32
          %add3A_319 = arith.addi %min3A_69, %add3A_318 : i32
          %ge3A_320 = arith.cmpi sge, %add3A_319, %reduce_sum3A_45 : i32
          %add3A_321 = arith.constant 5 : i32
          %add3A_322 = arith.addi %min3A_69, %add3A_321 : i32
          %lt3A_323 = arith.cmpi slt, %add3A_322, %min3A_63 : i32
          %and3A_324 = arith.andi %ge3A_320, %lt3A_323 : i1
          %jit3A_325 = arith.constant 0xFF800000 : f32
          %broadcast_in_dim3A_326 = vector.broadcast %jit3A_325 : f32 to vector<16xf32>
          %select_n3A_327 = arith.select %and3A_324, %get3A_317, %broadcast_in_dim3A_326 : vector<16xf32>
          %jit3A_328 = arith.constant 0.000000e+00 : f32
          %broadcast_in_dim3A_329 = vector.broadcast %jit3A_328 : f32 to vector<16xf32>
          %select_n3A_330 = arith.select %and3A_324, %get3A_317, %broadcast_in_dim3A_329 : vector<16xf32>
          %max3A_331 = arith.maximumf %max3A_255, %select_n3A_327 : vector<16xf32>
          %add3A_332 = arith.addf %add3A_256, %select_n3A_330 : vector<16xf32>
          %get3A_333 = arith.constant 30 : i32
          %get3A_334 = arith.index_cast %get3A_333 : i32 to index
          %get3A_335 = arith.index_cast %multiple_of3A : i32 to index
          %get3A_336 = tpu.vector_load %arg14[%get3A_334, %get3A_335] {strides = array<i32>} : memref<32x256xf32, #tpu.memory_space<vmem>>, vector<16xf32>,
          %add3A_337 = arith.constant 6 : i32
          %add3A_338 = arith.addi %min3A_69, %add3A_337 : i32
          %ge3A_339 = arith.cmpi sge, %add3A_338, %reduce_sum3A_45 : i32
          %add3A_340 = arith.constant 6 : i32
          %add3A_341 = arith.addi %min3A_69, %add3A_340 : i32
          %lt3A_342 = arith.cmpi slt, %add3A_341, %min3A_63 : i32
          %and3A_343 = arith.andi %ge3A_339, %lt3A_342 : i1
          %jit3A_344 = arith.constant 0xFF800000 : f32
          %broadcast_in_dim3A_345 = vector.broadcast %jit3A_344 : f32 to vector<16xf32>
          %select_n3A_346 = arith.select %and3A_343, %get3A_336, %broadcast_in_dim3A_345 : vector<16xf32>
          %jit3A_347 = arith.constant 0.000000e+00 : f32
          %broadcast_in_dim3A_348 = vector.broadcast %jit3A_347 : f32 to vector<16xf32>
          %select_n3A_349 = arith.select %and3A_343, %get3A_336, %broadcast_in_dim3A_348 : vector<16xf32>
          %max3A_350 = arith.maximumf %max3A_274, %select_n3A_346 : vector<16xf32>
          %add3A_351 = arith.addf %add3A_275, %select_n3A_349 : vector<16xf32>
          %get3A_352 = arith.constant 31 : i32
          %get3A_353 = arith.index_cast %get3A_352 : i32 to index
          %get3A_354 = arith.index_cast %multiple_of3A : i32 to index
          %get3A_355 = tpu.vector_load %arg14[%get3A_353, %get3A_354] {strides = array<i32>} : memref<32x256xf32, #tpu.memory_space<vmem>>, vector<16xf32>,
          %add3A_356 = arith.constant 7 : i32
          %add3A_357 = arith.addi %min3A_69, %add3A_356 : i32
          %ge3A_358 = arith.cmpi sge, %add3A_357, %reduce_sum3A_45 : i32
          %add3A_359 = arith.constant 7 : i32
          %add3A_360 = arith.addi %min3A_69, %add3A_359 : i32
          %lt3A_361 = arith.cmpi slt, %add3A_360, %min3A_63 : i32
          %and3A_362 = arith.andi %ge3A_358, %lt3A_361 : i1
          %jit3A_363 = arith.constant 0xFF800000 : f32
          %broadcast_in_dim3A_364 = vector.broadcast %jit3A_363 : f32 to vector<16xf32>
          %select_n3A_365 = arith.select %and3A_362, %get3A_355, %broadcast_in_dim3A_364 : vector<16xf32>
          %jit3A_366 = arith.constant 0.000000e+00 : f32
          %broadcast_in_dim3A_367 = vector.broadcast %jit3A_366 : f32 to vector<16xf32>
          %select_n3A_368 = arith.select %and3A_362, %get3A_355, %broadcast_in_dim3A_367 : vector<16xf32>
          %max3A_369 = arith.maximumf %max3A_293, %select_n3A_365 : vector<16xf32>
          %add3A_370 = arith.addf %add3A_294, %select_n3A_368 : vector<16xf32>
          %max3A_371 = arith.maximumf %max3A_312, %max3A_331 : vector<16xf32>
          %add3A_372 = arith.addf %add3A_313, %add3A_332 : vector<16xf32>
          %max3A_373 = arith.maximumf %max3A_371, %max3A_350 : vector<16xf32>
          %add3A_374 = arith.addf %add3A_372, %add3A_351 : vector<16xf32>
          %max3A_375 = arith.maximumf %max3A_373, %max3A_369 : vector<16xf32>
          %add3A_376 = arith.addf %add3A_374, %add3A_370 : vector<16xf32>
          %get3A_377 = arith.index_cast %scan3A_39 : i32 to index
          %get3A_378 = arith.index_cast %multiple_of3A : i32 to index
          %get3A_379 = tpu.vector_load %arg15[%get3A_377, %get3A_378] {strides = array<i32>} : memref<16x256xf32, #tpu.memory_space<vmem>>, vector<16xf32>,
          %max3A_380 = arith.maximumf %get3A_379, %max3A_375 : vector<16xf32>
          %swap3A = arith.index_cast %scan3A_39 : i32 to index
          %swap3A_381 = arith.index_cast %multiple_of3A : i32 to index
          %swap3A_382 = tpu.vector_load %arg15[%swap3A, %swap3A_381] {strides = array<i32>} : memref<16x256xf32, #tpu.memory_space<vmem>>, vector<16xf32>,
          tpu.vector_store %arg15[%swap3A, %swap3A_381], %max3A_380 {strides = array<i32>} : memref<16x256xf32, #tpu.memory_space<vmem>>, vector<16xf32>,
          %get3A_383 = arith.index_cast %scan3A_39 : i32 to index
          %get3A_384 = arith.index_cast %multiple_of3A : i32 to index
          %get3A_385 = tpu.vector_load %arg16[%get3A_383, %get3A_384] {strides = array<i32>} : memref<16x256xf32, #tpu.memory_space<vmem>>, vector<16xf32>,
          %add3A_386 = arith.addf %get3A_385, %add3A_376 : vector<16xf32>
          %swap3A_387 = arith.index_cast %scan3A_39 : i32 to index
          %swap3A_388 = arith.index_cast %multiple_of3A : i32 to index
          %swap3A_389 = tpu.vector_load %arg16[%swap3A_387, %swap3A_388] {strides = array<i32>} : memref<16x256xf32, #tpu.memory_space<vmem>>, vector<16xf32>,
          tpu.vector_store %arg16[%swap3A_387, %swap3A_388], %add3A_386 {strides = array<i32>} : memref<16x256xf32, #tpu.memory_space<vmem>>, vector<16xf32>,
          %scan3A_390 = arith.constant 0 : i32
          scf.yield %scan3A_390 : i32
        }
        %scan3A_200 = arith.constant 16 : i32
      } else {
      }
      %gt3A_132 = arith.constant 0 : i32
      %gt3A_133 = arith.cmpi sgt, %div3A_77, %gt3A_132 : i32
      %convert_element_type3A_134 = arith.extui %gt3A_133 : i1 to i32
      %cond3A_135 = arith.constant 0 : i32
      %cond3A_136 = arith.cmpi ne, %convert_element_type3A_134, %cond3A_135 : i32
      scf.if %cond3A_136 {
        %add3A_194 = arith.constant 0 : i32
        %add3A_195 = arith.addi %add3A_72, %add3A_194 : i32
        %multiple_of3A = tpu.assume_multiple %add3A_195, 8 : i32
        %dma_start3A = arith.constant 0 : i32
        %dma_start3A_196 = arith.constant 0 : i32
        %dma_start3A_197 = tpu.memref_slice %arg14[%dma_start3A, %dma_start3A_196] : memref<32x256xf32, #tpu.memory_space<vmem>> -> memref<8x256xf32, #tpu.memory_space<vmem>>
        %dma_start3A_198 = arith.constant 0 : i32
        %dma_start3A_199 = tpu.memref_slice %arg3[%multiple_of3A, %dma_start3A_198] : memref<50000x256xf32, #tpu.memory_space<hbm>> -> memref<8x256xf32, #tpu.memory_space<hbm>>
        %dma_start3A_200 = arith.constant 0 : i32
        %dma_start3A_201 = arith.constant 0 : i32
        %dma_start3A_202 = tpu.memref_slice %arg14[%dma_start3A_200, %dma_start3A_201] : memref<32x256xf32, #tpu.memory_space<vmem>> -> memref<8x256xf32, #tpu.memory_space<vmem>>
        %dma_start3A_203 = arith.constant 0 : i32
        %dma_start3A_204 = tpu.memref_slice %arg3[%multiple_of3A, %dma_start3A_203] : memref<50000x256xf32, #tpu.memory_space<hbm>> -> memref<8x256xf32, #tpu.memory_space<hbm>>
        tpu.enqueue_dma source(%dma_start3A_204 : memref<8x256xf32, #tpu.memory_space<hbm>>) target(%dma_start3A_202 : memref<8x256xf32, #tpu.memory_space<vmem>>) target_semaphore(%arg24 : memref<!tpu.dma_semaphore, #tpu.memory_space<semaphore_mem>>)
      } else {
      }
      %gt3A_137 = arith.constant 1 : i32
      %gt3A_138 = arith.cmpi sgt, %div3A_77, %gt3A_137 : i32
      %convert_element_type3A_139 = arith.extui %gt3A_138 : i1 to i32
      %cond3A_140 = arith.constant 0 : i32
      %cond3A_141 = arith.cmpi ne, %convert_element_type3A_139, %cond3A_140 : i32
      scf.if %cond3A_141 {
        %add3A_194 = arith.constant 8 : i32
        %add3A_195 = arith.addi %add3A_72, %add3A_194 : i32
        %multiple_of3A = tpu.assume_multiple %add3A_195, 8 : i32
        %dma_start3A = arith.constant 8 : i32
        %dma_start3A_196 = arith.constant 0 : i32
        %dma_start3A_197 = tpu.memref_slice %arg14[%dma_start3A, %dma_start3A_196] : memref<32x256xf32, #tpu.memory_space<vmem>> -> memref<8x256xf32, #tpu.memory_space<vmem>>
        %dma_start3A_198 = arith.constant 0 : i32
        %dma_start3A_199 = tpu.memref_slice %arg3[%multiple_of3A, %dma_start3A_198] : memref<50000x256xf32, #tpu.memory_space<hbm>> -> memref<8x256xf32, #tpu.memory_space<hbm>>
        %dma_start3A_200 = arith.constant 8 : i32
        %dma_start3A_201 = arith.constant 0 : i32
        %dma_start3A_202 = tpu.memref_slice %arg14[%dma_start3A_200, %dma_start3A_201] : memref<32x256xf32, #tpu.memory_space<vmem>> -> memref<8x256xf32, #tpu.memory_space<vmem>>
        %dma_start3A_203 = arith.constant 0 : i32
        %dma_start3A_204 = tpu.memref_slice %arg3[%multiple_of3A, %dma_start3A_203] : memref<50000x256xf32, #tpu.memory_space<hbm>> -> memref<8x256xf32, #tpu.memory_space<hbm>>
        tpu.enqueue_dma source(%dma_start3A_204 : memref<8x256xf32, #tpu.memory_space<hbm>>) target(%dma_start3A_202 : memref<8x256xf32, #tpu.memory_space<vmem>>) target_semaphore(%arg24 : memref<!tpu.dma_semaphore, #tpu.memory_space<semaphore_mem>>)
      } else {
      }
      %gt3A_142 = arith.constant 2 : i32
      %gt3A_143 = arith.cmpi sgt, %div3A_77, %gt3A_142 : i32
      %convert_element_type3A_144 = arith.extui %gt3A_143 : i1 to i32
      %cond3A_145 = arith.constant 0 : i32
      %cond3A_146 = arith.cmpi ne, %convert_element_type3A_144, %cond3A_145 : i32
      scf.if %cond3A_146 {
        %add3A_194 = arith.constant 16 : i32
        %add3A_195 = arith.addi %add3A_72, %add3A_194 : i32
        %multiple_of3A = tpu.assume_multiple %add3A_195, 8 : i32
        %dma_start3A = arith.constant 16 : i32
        %dma_start3A_196 = arith.constant 0 : i32
        %dma_start3A_197 = tpu.memref_slice %arg14[%dma_start3A, %dma_start3A_196] : memref<32x256xf32, #tpu.memory_space<vmem>> -> memref<8x256xf32, #tpu.memory_space<vmem>>
        %dma_start3A_198 = arith.constant 0 : i32
        %dma_start3A_199 = tpu.memref_slice %arg3[%multiple_of3A, %dma_start3A_198] : memref<50000x256xf32, #tpu.memory_space<hbm>> -> memref<8x256xf32, #tpu.memory_space<hbm>>
        %dma_start3A_200 = arith.constant 16 : i32
        %dma_start3A_201 = arith.constant 0 : i32
        %dma_start3A_202 = tpu.memref_slice %arg14[%dma_start3A_200, %dma_start3A_201] : memref<32x256xf32, #tpu.memory_space<vmem>> -> memref<8x256xf32, #tpu.memory_space<vmem>>
        %dma_start3A_203 = arith.constant 0 : i32
        %dma_start3A_204 = tpu.memref_slice %arg3[%multiple_of3A, %dma_start3A_203] : memref<50000x256xf32, #tpu.memory_space<hbm>> -> memref<8x256xf32, #tpu.memory_space<hbm>>
        tpu.enqueue_dma source(%dma_start3A_204 : memref<8x256xf32, #tpu.memory_space<hbm>>) target(%dma_start3A_202 : memref<8x256xf32, #tpu.memory_space<vmem>>) target_semaphore(%arg24 : memref<!tpu.dma_semaphore, #tpu.memory_space<semaphore_mem>>)
      } else {
      }
      %lt3A_147 = arith.cmpi slt, %add3A_80, %reduce_sum3A_54 : i32
      %convert_element_type3A_148 = arith.extui %lt3A_147 : i1 to i32
      %cond3A_149 = arith.constant 0 : i32
      %cond3A_150 = arith.cmpi ne, %convert_element_type3A_148, %cond3A_149 : i32
      scf.if %cond3A_150 {
        %multiple_of3A = tpu.assume_multiple %min3A_82, 8 : i32
        %dma_start3A = arith.constant 24 : i32
        %dma_start3A_194 = arith.constant 0 : i32
        %dma_start3A_195 = tpu.memref_slice %arg14[%dma_start3A, %dma_start3A_194] : memref<32x256xf32, #tpu.memory_space<vmem>> -> memref<8x256xf32, #tpu.memory_space<vmem>>
        %dma_start3A_196 = arith.constant 0 : i32
        %dma_start3A_197 = tpu.memref_slice %arg3[%multiple_of3A, %dma_start3A_196] : memref<50000x256xf32, #tpu.memory_space<hbm>> -> memref<8x256xf32, #tpu.memory_space<hbm>>
        %dma_start3A_198 = arith.constant 24 : i32
        %dma_start3A_199 = arith.constant 0 : i32
        %dma_start3A_200 = tpu.memref_slice %arg14[%dma_start3A_198, %dma_start3A_199] : memref<32x256xf32, #tpu.memory_space<vmem>> -> memref<8x256xf32, #tpu.memory_space<vmem>>
        %dma_start3A_201 = arith.constant 0 : i32
        %dma_start3A_202 = tpu.memref_slice %arg3[%multiple_of3A, %dma_start3A_201] : memref<50000x256xf32, #tpu.memory_space<hbm>> -> memref<8x256xf32, #tpu.memory_space<hbm>>
        tpu.enqueue_dma source(%dma_start3A_202 : memref<8x256xf32, #tpu.memory_space<hbm>>) target(%dma_start3A_200 : memref<8x256xf32, #tpu.memory_space<vmem>>) target_semaphore(%arg24 : memref<!tpu.dma_semaphore, #tpu.memory_space<semaphore_mem>>)
      } else {
      }
      %add3A_151 = arith.constant 5 : i32
      %add3A_152 = arith.addi %div3A_62, %add3A_151 : i32
      %div3A_153 = arith.constant 6 : i32
      %div3A_154 = arith.divsi %add3A_152, %div3A_153 : i32
      %while3A = arith.constant 0 : i32
      %while3A_155 = arith.constant 0 : i32
      %while3A_156 = arith.subi %div3A_154, %while3A : i32
      %while3A_157 = arith.addi %while3A, %while3A_156 : i32
      %while3A_158 = arith.constant 1 : i32
      %while3A_159 = arith.divsi %while3A_156, %while3A_158 : i32
      %while3A_160 = arith.muli %while3A_159, %while3A_158 : i32
      %while3A_161 = arith.addi %while3A, %while3A_160 : i32
      %while3A_162 = arith.constant 1 : i32
      %while3A_163 = scf.for %while3A_194 = %while3A to %while3A_161 step %while3A_162 iter_args(%while3A_195 = %while3A_155) -> (i32)  : i32 {
        %mul3A_196 = arith.constant 6 : i32
        %mul3A_197 = arith.muli %mul3A_196, %while3A_194 : i32
        %add3A_198 = arith.constant 0 : i32
        %add3A_199 = arith.addi %mul3A_197, %add3A_198 : i32
        %lt3A_200 = arith.cmpi slt, %add3A_199, %div3A_62 : i32
        %convert_element_type3A_201 = arith.extui %lt3A_200 : i1 to i32
        %cond3A_202 = arith.constant 0 : i32
        %cond3A_203 = arith.cmpi ne, %convert_element_type3A_201, %cond3A_202 : i32
        scf.if %cond3A_203 {
          %dma_wait3A = arith.constant 0 : i32
          %dma_wait3A_235 = arith.constant 0 : i32
          %dma_wait3A_236 = tpu.memref_slice %arg3[%dma_wait3A, %dma_wait3A_235] : memref<50000x256xf32, #tpu.memory_space<hbm>> -> memref<32x256xf32, #tpu.memory_space<hbm>>
          %dma_wait3A_237 = arith.constant 0 : i32
          %dma_wait3A_238 = arith.constant 0 : i32
          %dma_wait3A_239 = tpu.memref_slice %arg3[%dma_wait3A_237, %dma_wait3A_238] : memref<50000x256xf32, #tpu.memory_space<hbm>> -> memref<32x256xf32, #tpu.memory_space<hbm>>
          tpu.wait_dma2 semaphore(%arg18 : memref<!tpu.dma_semaphore, #tpu.memory_space<semaphore_mem>>) src(%dma_wait3A_239 : memref<32x256xf32, #tpu.memory_space<hbm>>) dst(%arg8 : memref<32x256xf32, #tpu.memory_space<vmem>>)
          %scan3A_240 = arith.constant 0 : i32
          %scan3A_241 = arith.constant 0 : i32
          %scan3A_242 = arith.constant 16 : i32
          %scan3A_243 = arith.addi %scan3A_241, %scan3A_242 : i32
          %scan3A_244 = arith.constant 1 : i32
          %scan3A_245 = scf.for %scan3A_255 = %scan3A_241 to %scan3A_243 step %scan3A_244 iter_args(%scan3A_256 = %scan3A_240) -> (i32)  : i32 {
            %mul3A_257 = arith.constant 16 : i32
            %mul3A_258 = arith.muli %scan3A_255, %mul3A_257 : i32
            %multiple_of3A = tpu.assume_multiple %mul3A_258, 16 : i32
            %broadcast_in_dim3A_259 = arith.constant 0xFF800000 : f32
            %broadcast_in_dim3A_260 = vector.broadcast %broadcast_in_dim3A_259 : f32 to vector<16xf32>
            %broadcast_in_dim3A_261 = arith.constant 0xFF800000 : f32
            %broadcast_in_dim3A_262 = vector.broadcast %broadcast_in_dim3A_261 : f32 to vector<16xf32>
            %broadcast_in_dim3A_263 = arith.constant 0xFF800000 : f32
            %broadcast_in_dim3A_264 = vector.broadcast %broadcast_in_dim3A_263 : f32 to vector<16xf32>
            %broadcast_in_dim3A_265 = arith.constant 0xFF800000 : f32
            %broadcast_in_dim3A_266 = vector.broadcast %broadcast_in_dim3A_265 : f32 to vector<16xf32>
            %broadcast_in_dim3A_267 = arith.constant 0.000000e+00 : f32
            %broadcast_in_dim3A_268 = vector.broadcast %broadcast_in_dim3A_267 : f32 to vector<16xf32>
            %broadcast_in_dim3A_269 = arith.constant 0.000000e+00 : f32
            %broadcast_in_dim3A_270 = vector.broadcast %broadcast_in_dim3A_269 : f32 to vector<16xf32>
            %broadcast_in_dim3A_271 = arith.constant 0.000000e+00 : f32
            %broadcast_in_dim3A_272 = vector.broadcast %broadcast_in_dim3A_271 : f32 to vector<16xf32>
            %broadcast_in_dim3A_273 = arith.constant 0.000000e+00 : f32
            %broadcast_in_dim3A_274 = vector.broadcast %broadcast_in_dim3A_273 : f32 to vector<16xf32>
            %get3A = arith.constant 0 : i32
            %get3A_275 = arith.index_cast %get3A : i32 to index
            %get3A_276 = arith.index_cast %multiple_of3A : i32 to index
            %get3A_277 = tpu.vector_load %arg8[%get3A_275, %get3A_276] {strides = array<i32>} : memref<32x256xf32, #tpu.memory_space<vmem>>, vector<16xf32>,
            %max3A_278 = arith.maximumf %broadcast_in_dim3A_260, %get3A_277 : vector<16xf32>
            %add3A_279 = arith.addf %broadcast_in_dim3A_268, %get3A_277 : vector<16xf32>
            %get3A_280 = arith.constant 1 : i32
            %get3A_281 = arith.index_cast %get3A_280 : i32 to index
            %get3A_282 = arith.index_cast %multiple_of3A : i32 to index
            %get3A_283 = tpu.vector_load %arg8[%get3A_281, %get3A_282] {strides = array<i32>} : memref<32x256xf32, #tpu.memory_space<vmem>>, vector<16xf32>,
            %max3A_284 = arith.maximumf %broadcast_in_dim3A_262, %get3A_283 : vector<16xf32>
            %add3A_285 = arith.addf %broadcast_in_dim3A_270, %get3A_283 : vector<16xf32>
            %get3A_286 = arith.constant 2 : i32
            %get3A_287 = arith.index_cast %get3A_286 : i32 to index
            %get3A_288 = arith.index_cast %multiple_of3A : i32 to index
            %get3A_289 = tpu.vector_load %arg8[%get3A_287, %get3A_288] {strides = array<i32>} : memref<32x256xf32, #tpu.memory_space<vmem>>, vector<16xf32>,
            %max3A_290 = arith.maximumf %broadcast_in_dim3A_264, %get3A_289 : vector<16xf32>
            %add3A_291 = arith.addf %broadcast_in_dim3A_272, %get3A_289 : vector<16xf32>
            %get3A_292 = arith.constant 3 : i32
            %get3A_293 = arith.index_cast %get3A_292 : i32 to index
            %get3A_294 = arith.index_cast %multiple_of3A : i32 to index
            %get3A_295 = tpu.vector_load %arg8[%get3A_293, %get3A_294] {strides = array<i32>} : memref<32x256xf32, #tpu.memory_space<vmem>>, vector<16xf32>,
            %max3A_296 = arith.maximumf %broadcast_in_dim3A_266, %get3A_295 : vector<16xf32>
            %add3A_297 = arith.addf %broadcast_in_dim3A_274, %get3A_295 : vector<16xf32>
            %get3A_298 = arith.constant 4 : i32
            %get3A_299 = arith.index_cast %get3A_298 : i32 to index
            %get3A_300 = arith.index_cast %multiple_of3A : i32 to index
            %get3A_301 = tpu.vector_load %arg8[%get3A_299, %get3A_300] {strides = array<i32>} : memref<32x256xf32, #tpu.memory_space<vmem>>, vector<16xf32>,
            %max3A_302 = arith.maximumf %max3A_278, %get3A_301 : vector<16xf32>
            %add3A_303 = arith.addf %add3A_279, %get3A_301 : vector<16xf32>
            %get3A_304 = arith.constant 5 : i32
            %get3A_305 = arith.index_cast %get3A_304 : i32 to index
            %get3A_306 = arith.index_cast %multiple_of3A : i32 to index
            %get3A_307 = tpu.vector_load %arg8[%get3A_305, %get3A_306] {strides = array<i32>} : memref<32x256xf32, #tpu.memory_space<vmem>>, vector<16xf32>,
            %max3A_308 = arith.maximumf %max3A_284, %get3A_307 : vector<16xf32>
            %add3A_309 = arith.addf %add3A_285, %get3A_307 : vector<16xf32>
            %get3A_310 = arith.constant 6 : i32
            %get3A_311 = arith.index_cast %get3A_310 : i32 to index
            %get3A_312 = arith.index_cast %multiple_of3A : i32 to index
            %get3A_313 = tpu.vector_load %arg8[%get3A_311, %get3A_312] {strides = array<i32>} : memref<32x256xf32, #tpu.memory_space<vmem>>, vector<16xf32>,
            %max3A_314 = arith.maximumf %max3A_290, %get3A_313 : vector<16xf32>
            %add3A_315 = arith.addf %add3A_291, %get3A_313 : vector<16xf32>
            %get3A_316 = arith.constant 7 : i32
            %get3A_317 = arith.index_cast %get3A_316 : i32 to index
            %get3A_318 = arith.index_cast %multiple_of3A : i32 to index
            %get3A_319 = tpu.vector_load %arg8[%get3A_317, %get3A_318] {strides = array<i32>} : memref<32x256xf32, #tpu.memory_space<vmem>>, vector<16xf32>,
            %max3A_320 = arith.maximumf %max3A_296, %get3A_319 : vector<16xf32>
            %add3A_321 = arith.addf %add3A_297, %get3A_319 : vector<16xf32>
            %get3A_322 = arith.constant 8 : i32
            %get3A_323 = arith.index_cast %get3A_322 : i32 to index
            %get3A_324 = arith.index_cast %multiple_of3A : i32 to index
            %get3A_325 = tpu.vector_load %arg8[%get3A_323, %get3A_324] {strides = array<i32>} : memref<32x256xf32, #tpu.memory_space<vmem>>, vector<16xf32>,
            %max3A_326 = arith.maximumf %max3A_302, %get3A_325 : vector<16xf32>
            %add3A_327 = arith.addf %add3A_303, %get3A_325 : vector<16xf32>
            %get3A_328 = arith.constant 9 : i32
            %get3A_329 = arith.index_cast %get3A_328 : i32 to index
            %get3A_330 = arith.index_cast %multiple_of3A : i32 to index
            %get3A_331 = tpu.vector_load %arg8[%get3A_329, %get3A_330] {strides = array<i32>} : memref<32x256xf32, #tpu.memory_space<vmem>>, vector<16xf32>,
            %max3A_332 = arith.maximumf %max3A_308, %get3A_331 : vector<16xf32>
            %add3A_333 = arith.addf %add3A_309, %get3A_331 : vector<16xf32>
            %get3A_334 = arith.constant 10 : i32
            %get3A_335 = arith.index_cast %get3A_334 : i32 to index
            %get3A_336 = arith.index_cast %multiple_of3A : i32 to index
            %get3A_337 = tpu.vector_load %arg8[%get3A_335, %get3A_336] {strides = array<i32>} : memref<32x256xf32, #tpu.memory_space<vmem>>, vector<16xf32>,
            %max3A_338 = arith.maximumf %max3A_314, %get3A_337 : vector<16xf32>
            %add3A_339 = arith.addf %add3A_315, %get3A_337 : vector<16xf32>
            %get3A_340 = arith.constant 11 : i32
            %get3A_341 = arith.index_cast %get3A_340 : i32 to index
            %get3A_342 = arith.index_cast %multiple_of3A : i32 to index
            %get3A_343 = tpu.vector_load %arg8[%get3A_341, %get3A_342] {strides = array<i32>} : memref<32x256xf32, #tpu.memory_space<vmem>>, vector<16xf32>,
            %max3A_344 = arith.maximumf %max3A_320, %get3A_343 : vector<16xf32>
            %add3A_345 = arith.addf %add3A_321, %get3A_343 : vector<16xf32>
            %get3A_346 = arith.constant 12 : i32
            %get3A_347 = arith.index_cast %get3A_346 : i32 to index
            %get3A_348 = arith.index_cast %multiple_of3A : i32 to index
            %get3A_349 = tpu.vector_load %arg8[%get3A_347, %get3A_348] {strides = array<i32>} : memref<32x256xf32, #tpu.memory_space<vmem>>, vector<16xf32>,
            %max3A_350 = arith.maximumf %max3A_326, %get3A_349 : vector<16xf32>
            %add3A_351 = arith.addf %add3A_327, %get3A_349 : vector<16xf32>
            %get3A_352 = arith.constant 13 : i32
            %get3A_353 = arith.index_cast %get3A_352 : i32 to index
            %get3A_354 = arith.index_cast %multiple_of3A : i32 to index
            %get3A_355 = tpu.vector_load %arg8[%get3A_353, %get3A_354] {strides = array<i32>} : memref<32x256xf32, #tpu.memory_space<vmem>>, vector<16xf32>,
            %max3A_356 = arith.maximumf %max3A_332, %get3A_355 : vector<16xf32>
            %add3A_357 = arith.addf %add3A_333, %get3A_355 : vector<16xf32>
            %get3A_358 = arith.constant 14 : i32
            %get3A_359 = arith.index_cast %get3A_358 : i32 to index
            %get3A_360 = arith.index_cast %multiple_of3A : i32 to index
            %get3A_361 = tpu.vector_load %arg8[%get3A_359, %get3A_360] {strides = array<i32>} : memref<32x256xf32, #tpu.memory_space<vmem>>, vector<16xf32>,
            %max3A_362 = arith.maximumf %max3A_338, %get3A_361 : vector<16xf32>
            %add3A_363 = arith.addf %add3A_339, %get3A_361 : vector<16xf32>
            %get3A_364 = arith.constant 15 : i32
            %get3A_365 = arith.index_cast %get3A_364 : i32 to index
            %get3A_366 = arith.index_cast %multiple_of3A : i32 to index
            %get3A_367 = tpu.vector_load %arg8[%get3A_365, %get3A_366] {strides = array<i32>} : memref<32x256xf32, #tpu.memory_space<vmem>>, vector<16xf32>,
            %max3A_368 = arith.maximumf %max3A_344, %get3A_367 : vector<16xf32>
            %add3A_369 = arith.addf %add3A_345, %get3A_367 : vector<16xf32>
            %get3A_370 = arith.constant 16 : i32
            %get3A_371 = arith.index_cast %get3A_370 : i32 to index
            %get3A_372 = arith.index_cast %multiple_of3A : i32 to index
            %get3A_373 = tpu.vector_load %arg8[%get3A_371, %get3A_372] {strides = array<i32>} : memref<32x256xf32, #tpu.memory_space<vmem>>, vector<16xf32>,
            %max3A_374 = arith.maximumf %max3A_350, %get3A_373 : vector<16xf32>
            %add3A_375 = arith.addf %add3A_351, %get3A_373 : vector<16xf32>
            %get3A_376 = arith.constant 17 : i32
            %get3A_377 = arith.index_cast %get3A_376 : i32 to index
            %get3A_378 = arith.index_cast %multiple_of3A : i32 to index
            %get3A_379 = tpu.vector_load %arg8[%get3A_377, %get3A_378] {strides = array<i32>} : memref<32x256xf32, #tpu.memory_space<vmem>>, vector<16xf32>,
            %max3A_380 = arith.maximumf %max3A_356, %get3A_379 : vector<16xf32>
            %add3A_381 = arith.addf %add3A_357, %get3A_379 : vector<16xf32>
            %get3A_382 = arith.constant 18 : i32
            %get3A_383 = arith.index_cast %get3A_382 : i32 to index
            %get3A_384 = arith.index_cast %multiple_of3A : i32 to index
            %get3A_385 = tpu.vector_load %arg8[%get3A_383, %get3A_384] {strides = array<i32>} : memref<32x256xf32, #tpu.memory_space<vmem>>, vector<16xf32>,
            %max3A_386 = arith.maximumf %max3A_362, %get3A_385 : vector<16xf32>
            %add3A_387 = arith.addf %add3A_363, %get3A_385 : vector<16xf32>
            %get3A_388 = arith.constant 19 : i32
            %get3A_389 = arith.index_cast %get3A_388 : i32 to index
            %get3A_390 = arith.index_cast %multiple_of3A : i32 to index
            %get3A_391 = tpu.vector_load %arg8[%get3A_389, %get3A_390] {strides = array<i32>} : memref<32x256xf32, #tpu.memory_space<vmem>>, vector<16xf32>,
            %max3A_392 = arith.maximumf %max3A_368, %get3A_391 : vector<16xf32>
            %add3A_393 = arith.addf %add3A_369, %get3A_391 : vector<16xf32>
            %get3A_394 = arith.constant 20 : i32
            %get3A_395 = arith.index_cast %get3A_394 : i32 to index
            %get3A_396 = arith.index_cast %multiple_of3A : i32 to index
            %get3A_397 = tpu.vector_load %arg8[%get3A_395, %get3A_396] {strides = array<i32>} : memref<32x256xf32, #tpu.memory_space<vmem>>, vector<16xf32>,
            %max3A_398 = arith.maximumf %max3A_374, %get3A_397 : vector<16xf32>
            %add3A_399 = arith.addf %add3A_375, %get3A_397 : vector<16xf32>
            %get3A_400 = arith.constant 21 : i32
            %get3A_401 = arith.index_cast %get3A_400 : i32 to index
            %get3A_402 = arith.index_cast %multiple_of3A : i32 to index
            %get3A_403 = tpu.vector_load %arg8[%get3A_401, %get3A_402] {strides = array<i32>} : memref<32x256xf32, #tpu.memory_space<vmem>>, vector<16xf32>,
            %max3A_404 = arith.maximumf %max3A_380, %get3A_403 : vector<16xf32>
            %add3A_405 = arith.addf %add3A_381, %get3A_403 : vector<16xf32>
            %get3A_406 = arith.constant 22 : i32
            %get3A_407 = arith.index_cast %get3A_406 : i32 to index
            %get3A_408 = arith.index_cast %multiple_of3A : i32 to index
            %get3A_409 = tpu.vector_load %arg8[%get3A_407, %get3A_408] {strides = array<i32>} : memref<32x256xf32, #tpu.memory_space<vmem>>, vector<16xf32>,
            %max3A_410 = arith.maximumf %max3A_386, %get3A_409 : vector<16xf32>
            %add3A_411 = arith.addf %add3A_387, %get3A_409 : vector<16xf32>
            %get3A_412 = arith.constant 23 : i32
            %get3A_413 = arith.index_cast %get3A_412 : i32 to index
            %get3A_414 = arith.index_cast %multiple_of3A : i32 to index
            %get3A_415 = tpu.vector_load %arg8[%get3A_413, %get3A_414] {strides = array<i32>} : memref<32x256xf32, #tpu.memory_space<vmem>>, vector<16xf32>,
            %max3A_416 = arith.maximumf %max3A_392, %get3A_415 : vector<16xf32>
            %add3A_417 = arith.addf %add3A_393, %get3A_415 : vector<16xf32>
            %get3A_418 = arith.constant 24 : i32
            %get3A_419 = arith.index_cast %get3A_418 : i32 to index
            %get3A_420 = arith.index_cast %multiple_of3A : i32 to index
            %get3A_421 = tpu.vector_load %arg8[%get3A_419, %get3A_420] {strides = array<i32>} : memref<32x256xf32, #tpu.memory_space<vmem>>, vector<16xf32>,
            %max3A_422 = arith.maximumf %max3A_398, %get3A_421 : vector<16xf32>
            %add3A_423 = arith.addf %add3A_399, %get3A_421 : vector<16xf32>
            %get3A_424 = arith.constant 25 : i32
            %get3A_425 = arith.index_cast %get3A_424 : i32 to index
            %get3A_426 = arith.index_cast %multiple_of3A : i32 to index
            %get3A_427 = tpu.vector_load %arg8[%get3A_425, %get3A_426] {strides = array<i32>} : memref<32x256xf32, #tpu.memory_space<vmem>>, vector<16xf32>,
            %max3A_428 = arith.maximumf %max3A_404, %get3A_427 : vector<16xf32>
            %add3A_429 = arith.addf %add3A_405, %get3A_427 : vector<16xf32>
            %get3A_430 = arith.constant 26 : i32
            %get3A_431 = arith.index_cast %get3A_430 : i32 to index
            %get3A_432 = arith.index_cast %multiple_of3A : i32 to index
            %get3A_433 = tpu.vector_load %arg8[%get3A_431, %get3A_432] {strides = array<i32>} : memref<32x256xf32, #tpu.memory_space<vmem>>, vector<16xf32>,
            %max3A_434 = arith.maximumf %max3A_410, %get3A_433 : vector<16xf32>
            %add3A_435 = arith.addf %add3A_411, %get3A_433 : vector<16xf32>
            %get3A_436 = arith.constant 27 : i32
            %get3A_437 = arith.index_cast %get3A_436 : i32 to index
            %get3A_438 = arith.index_cast %multiple_of3A : i32 to index
            %get3A_439 = tpu.vector_load %arg8[%get3A_437, %get3A_438] {strides = array<i32>} : memref<32x256xf32, #tpu.memory_space<vmem>>, vector<16xf32>,
            %max3A_440 = arith.maximumf %max3A_416, %get3A_439 : vector<16xf32>
            %add3A_441 = arith.addf %add3A_417, %get3A_439 : vector<16xf32>
            %get3A_442 = arith.constant 28 : i32
            %get3A_443 = arith.index_cast %get3A_442 : i32 to index
            %get3A_444 = arith.index_cast %multiple_of3A : i32 to index
            %get3A_445 = tpu.vector_load %arg8[%get3A_443, %get3A_444] {strides = array<i32>} : memref<32x256xf32, #tpu.memory_space<vmem>>, vector<16xf32>,
            %max3A_446 = arith.maximumf %max3A_422, %get3A_445 : vector<16xf32>
            %add3A_447 = arith.addf %add3A_423, %get3A_445 : vector<16xf32>
            %get3A_448 = arith.constant 29 : i32
            %get3A_449 = arith.index_cast %get3A_448 : i32 to index
            %get3A_450 = arith.index_cast %multiple_of3A : i32 to index
            %get3A_451 = tpu.vector_load %arg8[%get3A_449, %get3A_450] {strides = array<i32>} : memref<32x256xf32, #tpu.memory_space<vmem>>, vector<16xf32>,
            %max3A_452 = arith.maximumf %max3A_428, %get3A_451 : vector<16xf32>
            %add3A_453 = arith.addf %add3A_429, %get3A_451 : vector<16xf32>
            %get3A_454 = arith.constant 30 : i32
            %get3A_455 = arith.index_cast %get3A_454 : i32 to index
            %get3A_456 = arith.index_cast %multiple_of3A : i32 to index
            %get3A_457 = tpu.vector_load %arg8[%get3A_455, %get3A_456] {strides = array<i32>} : memref<32x256xf32, #tpu.memory_space<vmem>>, vector<16xf32>,
            %max3A_458 = arith.maximumf %max3A_434, %get3A_457 : vector<16xf32>
            %add3A_459 = arith.addf %add3A_435, %get3A_457 : vector<16xf32>
            %get3A_460 = arith.constant 31 : i32
            %get3A_461 = arith.index_cast %get3A_460 : i32 to index
            %get3A_462 = arith.index_cast %multiple_of3A : i32 to index
            %get3A_463 = tpu.vector_load %arg8[%get3A_461, %get3A_462] {strides = array<i32>} : memref<32x256xf32, #tpu.memory_space<vmem>>, vector<16xf32>,
            %max3A_464 = arith.maximumf %max3A_440, %get3A_463 : vector<16xf32>
            %add3A_465 = arith.addf %add3A_441, %get3A_463 : vector<16xf32>
            %max3A_466 = arith.maximumf %max3A_446, %max3A_452 : vector<16xf32>
            %add3A_467 = arith.addf %add3A_447, %add3A_453 : vector<16xf32>
            %max3A_468 = arith.maximumf %max3A_466, %max3A_458 : vector<16xf32>
            %add3A_469 = arith.addf %add3A_467, %add3A_459 : vector<16xf32>
            %max3A_470 = arith.maximumf %max3A_468, %max3A_464 : vector<16xf32>
            %add3A_471 = arith.addf %add3A_469, %add3A_465 : vector<16xf32>
            %get3A_472 = arith.index_cast %scan3A_39 : i32 to index
            %get3A_473 = arith.index_cast %multiple_of3A : i32 to index
            %get3A_474 = tpu.vector_load %arg15[%get3A_472, %get3A_473] {strides = array<i32>} : memref<16x256xf32, #tpu.memory_space<vmem>>, vector<16xf32>,
            %max3A_475 = arith.maximumf %get3A_474, %max3A_470 : vector<16xf32>
            %swap3A = arith.index_cast %scan3A_39 : i32 to index
            %swap3A_476 = arith.index_cast %multiple_of3A : i32 to index
            %swap3A_477 = tpu.vector_load %arg15[%swap3A, %swap3A_476] {strides = array<i32>} : memref<16x256xf32, #tpu.memory_space<vmem>>, vector<16xf32>,
            tpu.vector_store %arg15[%swap3A, %swap3A_476], %max3A_475 {strides = array<i32>} : memref<16x256xf32, #tpu.memory_space<vmem>>, vector<16xf32>,
            %get3A_478 = arith.index_cast %scan3A_39 : i32 to index
            %get3A_479 = arith.index_cast %multiple_of3A : i32 to index
            %get3A_480 = tpu.vector_load %arg16[%get3A_478, %get3A_479] {strides = array<i32>} : memref<16x256xf32, #tpu.memory_space<vmem>>, vector<16xf32>,
            %add3A_481 = arith.addf %get3A_480, %add3A_471 : vector<16xf32>
            %swap3A_482 = arith.index_cast %scan3A_39 : i32 to index
            %swap3A_483 = arith.index_cast %multiple_of3A : i32 to index
            %swap3A_484 = tpu.vector_load %arg16[%swap3A_482, %swap3A_483] {strides = array<i32>} : memref<16x256xf32, #tpu.memory_space<vmem>>, vector<16xf32>,
            tpu.vector_store %arg16[%swap3A_482, %swap3A_483], %add3A_481 {strides = array<i32>} : memref<16x256xf32, #tpu.memory_space<vmem>>, vector<16xf32>,
            %scan3A_485 = arith.constant 0 : i32
            scf.yield %scan3A_485 : i32
          }
          %scan3A_246 = arith.constant 16 : i32
          %add3A_247 = arith.constant 0 : i32
          %add3A_248 = arith.addi %mul3A_197, %add3A_247 : i32
          %add3A_249 = arith.constant 6 : i32
          %add3A_250 = arith.addi %add3A_248, %add3A_249 : i32
          %lt3A_251 = arith.cmpi slt, %add3A_250, %div3A_62 : i32
          %convert_element_type3A_252 = arith.extui %lt3A_251 : i1 to i32
          %cond3A_253 = arith.constant 0 : i32
          %cond3A_254 = arith.cmpi ne, %convert_element_type3A_252, %cond3A_253 : i32
          scf.if %cond3A_254 {
            %add3A_255 = arith.constant 0 : i32
            %add3A_256 = arith.addi %mul3A_197, %add3A_255 : i32
            %add3A_257 = arith.constant 6 : i32
            %add3A_258 = arith.addi %add3A_256, %add3A_257 : i32
            %mul3A_259 = arith.constant 32 : i32
            %mul3A_260 = arith.muli %add3A_258, %mul3A_259 : i32
            %add3A_261 = arith.addi %mul3A_59, %mul3A_260 : i32
            %multiple_of3A = tpu.assume_multiple %add3A_261, 8 : i32
            %dma_start3A = arith.constant 0 : i32
            %dma_start3A_262 = tpu.memref_slice %arg3[%multiple_of3A, %dma_start3A] : memref<50000x256xf32, #tpu.memory_space<hbm>> -> memref<32x256xf32, #tpu.memory_space<hbm>>
            %dma_start3A_263 = arith.constant 0 : i32
            %dma_start3A_264 = tpu.memref_slice %arg3[%multiple_of3A, %dma_start3A_263] : memref<50000x256xf32, #tpu.memory_space<hbm>> -> memref<32x256xf32, #tpu.memory_space<hbm>>
            tpu.enqueue_dma source(%dma_start3A_264 : memref<32x256xf32, #tpu.memory_space<hbm>>) target(%arg8 : memref<32x256xf32, #tpu.memory_space<vmem>>) target_semaphore(%arg18 : memref<!tpu.dma_semaphore, #tpu.memory_space<semaphore_mem>>)
          } else {
          }
        } else {
        }
        %add3A_204 = arith.constant 1 : i32
        %add3A_205 = arith.addi %mul3A_197, %add3A_204 : i32
        %lt3A_206 = arith.cmpi slt, %add3A_205, %div3A_62 : i32
        %convert_element_type3A_207 = arith.extui %lt3A_206 : i1 to i32
        %cond3A_208 = arith.constant 0 : i32
        %cond3A_209 = arith.cmpi ne, %convert_element_type3A_207, %cond3A_208 : i32
        scf.if %cond3A_209 {
          %dma_wait3A = arith.constant 0 : i32
          %dma_wait3A_235 = arith.constant 0 : i32
          %dma_wait3A_236 = tpu.memref_slice %arg3[%dma_wait3A, %dma_wait3A_235] : memref<50000x256xf32, #tpu.memory_space<hbm>> -> memref<32x256xf32, #tpu.memory_space<hbm>>
          %dma_wait3A_237 = arith.constant 0 : i32
          %dma_wait3A_238 = arith.constant 0 : i32
          %dma_wait3A_239 = tpu.memref_slice %arg3[%dma_wait3A_237, %dma_wait3A_238] : memref<50000x256xf32, #tpu.memory_space<hbm>> -> memref<32x256xf32, #tpu.memory_space<hbm>>
          tpu.wait_dma2 semaphore(%arg19 : memref<!tpu.dma_semaphore, #tpu.memory_space<semaphore_mem>>) src(%dma_wait3A_239 : memref<32x256xf32, #tpu.memory_space<hbm>>) dst(%arg9 : memref<32x256xf32, #tpu.memory_space<vmem>>)
          %scan3A_240 = arith.constant 0 : i32
          %scan3A_241 = arith.constant 0 : i32
          %scan3A_242 = arith.constant 16 : i32
          %scan3A_243 = arith.addi %scan3A_241, %scan3A_242 : i32
          %scan3A_244 = arith.constant 1 : i32
          %scan3A_245 = scf.for %scan3A_255 = %scan3A_241 to %scan3A_243 step %scan3A_244 iter_args(%scan3A_256 = %scan3A_240) -> (i32)  : i32 {
            %mul3A_257 = arith.constant 16 : i32
            %mul3A_258 = arith.muli %scan3A_255, %mul3A_257 : i32
            %multiple_of3A = tpu.assume_multiple %mul3A_258, 16 : i32
            %broadcast_in_dim3A_259 = arith.constant 0xFF800000 : f32
            %broadcast_in_dim3A_260 = vector.broadcast %broadcast_in_dim3A_259 : f32 to vector<16xf32>
            %broadcast_in_dim3A_261 = arith.constant 0xFF800000 : f32
            %broadcast_in_dim3A_262 = vector.broadcast %broadcast_in_dim3A_261 : f32 to vector<16xf32>
            %broadcast_in_dim3A_263 = arith.constant 0xFF800000 : f32
            %broadcast_in_dim3A_264 = vector.broadcast %broadcast_in_dim3A_263 : f32 to vector<16xf32>
            %broadcast_in_dim3A_265 = arith.constant 0xFF800000 : f32
            %broadcast_in_dim3A_266 = vector.broadcast %broadcast_in_dim3A_265 : f32 to vector<16xf32>
            %broadcast_in_dim3A_267 = arith.constant 0.000000e+00 : f32
            %broadcast_in_dim3A_268 = vector.broadcast %broadcast_in_dim3A_267 : f32 to vector<16xf32>
            %broadcast_in_dim3A_269 = arith.constant 0.000000e+00 : f32
            %broadcast_in_dim3A_270 = vector.broadcast %broadcast_in_dim3A_269 : f32 to vector<16xf32>
            %broadcast_in_dim3A_271 = arith.constant 0.000000e+00 : f32
            %broadcast_in_dim3A_272 = vector.broadcast %broadcast_in_dim3A_271 : f32 to vector<16xf32>
            %broadcast_in_dim3A_273 = arith.constant 0.000000e+00 : f32
            %broadcast_in_dim3A_274 = vector.broadcast %broadcast_in_dim3A_273 : f32 to vector<16xf32>
            %get3A = arith.constant 0 : i32
            %get3A_275 = arith.index_cast %get3A : i32 to index
            %get3A_276 = arith.index_cast %multiple_of3A : i32 to index
            %get3A_277 = tpu.vector_load %arg9[%get3A_275, %get3A_276] {strides = array<i32>} : memref<32x256xf32, #tpu.memory_space<vmem>>, vector<16xf32>,
            %max3A_278 = arith.maximumf %broadcast_in_dim3A_260, %get3A_277 : vector<16xf32>
            %add3A_279 = arith.addf %broadcast_in_dim3A_268, %get3A_277 : vector<16xf32>
            %get3A_280 = arith.constant 1 : i32
            %get3A_281 = arith.index_cast %get3A_280 : i32 to index
            %get3A_282 = arith.index_cast %multiple_of3A : i32 to index
            %get3A_283 = tpu.vector_load %arg9[%get3A_281, %get3A_282] {strides = array<i32>} : memref<32x256xf32, #tpu.memory_space<vmem>>, vector<16xf32>,
            %max3A_284 = arith.maximumf %broadcast_in_dim3A_262, %get3A_283 : vector<16xf32>
            %add3A_285 = arith.addf %broadcast_in_dim3A_270, %get3A_283 : vector<16xf32>
            %get3A_286 = arith.constant 2 : i32
            %get3A_287 = arith.index_cast %get3A_286 : i32 to index
            %get3A_288 = arith.index_cast %multiple_of3A : i32 to index
            %get3A_289 = tpu.vector_load %arg9[%get3A_287, %get3A_288] {strides = array<i32>} : memref<32x256xf32, #tpu.memory_space<vmem>>, vector<16xf32>,
            %max3A_290 = arith.maximumf %broadcast_in_dim3A_264, %get3A_289 : vector<16xf32>
            %add3A_291 = arith.addf %broadcast_in_dim3A_272, %get3A_289 : vector<16xf32>
            %get3A_292 = arith.constant 3 : i32
            %get3A_293 = arith.index_cast %get3A_292 : i32 to index
            %get3A_294 = arith.index_cast %multiple_of3A : i32 to index
            %get3A_295 = tpu.vector_load %arg9[%get3A_293, %get3A_294] {strides = array<i32>} : memref<32x256xf32, #tpu.memory_space<vmem>>, vector<16xf32>,
            %max3A_296 = arith.maximumf %broadcast_in_dim3A_266, %get3A_295 : vector<16xf32>
            %add3A_297 = arith.addf %broadcast_in_dim3A_274, %get3A_295 : vector<16xf32>
            %get3A_298 = arith.constant 4 : i32
            %get3A_299 = arith.index_cast %get3A_298 : i32 to index
            %get3A_300 = arith.index_cast %multiple_of3A : i32 to index
            %get3A_301 = tpu.vector_load %arg9[%get3A_299, %get3A_300] {strides = array<i32>} : memref<32x256xf32, #tpu.memory_space<vmem>>, vector<16xf32>,
            %max3A_302 = arith.maximumf %max3A_278, %get3A_301 : vector<16xf32>
            %add3A_303 = arith.addf %add3A_279, %get3A_301 : vector<16xf32>
            %get3A_304 = arith.constant 5 : i32
            %get3A_305 = arith.index_cast %get3A_304 : i32 to index
            %get3A_306 = arith.index_cast %multiple_of3A : i32 to index
            %get3A_307 = tpu.vector_load %arg9[%get3A_305, %get3A_306] {strides = array<i32>} : memref<32x256xf32, #tpu.memory_space<vmem>>, vector<16xf32>,
            %max3A_308 = arith.maximumf %max3A_284, %get3A_307 : vector<16xf32>
            %add3A_309 = arith.addf %add3A_285, %get3A_307 : vector<16xf32>
            %get3A_310 = arith.constant 6 : i32
            %get3A_311 = arith.index_cast %get3A_310 : i32 to index
            %get3A_312 = arith.index_cast %multiple_of3A : i32 to index
            %get3A_313 = tpu.vector_load %arg9[%get3A_311, %get3A_312] {strides = array<i32>} : memref<32x256xf32, #tpu.memory_space<vmem>>, vector<16xf32>,
            %max3A_314 = arith.maximumf %max3A_290, %get3A_313 : vector<16xf32>
            %add3A_315 = arith.addf %add3A_291, %get3A_313 : vector<16xf32>
            %get3A_316 = arith.constant 7 : i32
            %get3A_317 = arith.index_cast %get3A_316 : i32 to index
            %get3A_318 = arith.index_cast %multiple_of3A : i32 to index
            %get3A_319 = tpu.vector_load %arg9[%get3A_317, %get3A_318] {strides = array<i32>} : memref<32x256xf32, #tpu.memory_space<vmem>>, vector<16xf32>,
            %max3A_320 = arith.maximumf %max3A_296, %get3A_319 : vector<16xf32>
            %add3A_321 = arith.addf %add3A_297, %get3A_319 : vector<16xf32>
            %get3A_322 = arith.constant 8 : i32
            %get3A_323 = arith.index_cast %get3A_322 : i32 to index
            %get3A_324 = arith.index_cast %multiple_of3A : i32 to index
            %get3A_325 = tpu.vector_load %arg9[%get3A_323, %get3A_324] {strides = array<i32>} : memref<32x256xf32, #tpu.memory_space<vmem>>, vector<16xf32>,
            %max3A_326 = arith.maximumf %max3A_302, %get3A_325 : vector<16xf32>
            %add3A_327 = arith.addf %add3A_303, %get3A_325 : vector<16xf32>
            %get3A_328 = arith.constant 9 : i32
            %get3A_329 = arith.index_cast %get3A_328 : i32 to index
            %get3A_330 = arith.index_cast %multiple_of3A : i32 to index
            %get3A_331 = tpu.vector_load %arg9[%get3A_329, %get3A_330] {strides = array<i32>} : memref<32x256xf32, #tpu.memory_space<vmem>>, vector<16xf32>,
            %max3A_332 = arith.maximumf %max3A_308, %get3A_331 : vector<16xf32>
            %add3A_333 = arith.addf %add3A_309, %get3A_331 : vector<16xf32>
            %get3A_334 = arith.constant 10 : i32
            %get3A_335 = arith.index_cast %get3A_334 : i32 to index
            %get3A_336 = arith.index_cast %multiple_of3A : i32 to index
            %get3A_337 = tpu.vector_load %arg9[%get3A_335, %get3A_336] {strides = array<i32>} : memref<32x256xf32, #tpu.memory_space<vmem>>, vector<16xf32>,
            %max3A_338 = arith.maximumf %max3A_314, %get3A_337 : vector<16xf32>
            %add3A_339 = arith.addf %add3A_315, %get3A_337 : vector<16xf32>
            %get3A_340 = arith.constant 11 : i32
            %get3A_341 = arith.index_cast %get3A_340 : i32 to index
            %get3A_342 = arith.index_cast %multiple_of3A : i32 to index
            %get3A_343 = tpu.vector_load %arg9[%get3A_341, %get3A_342] {strides = array<i32>} : memref<32x256xf32, #tpu.memory_space<vmem>>, vector<16xf32>,
            %max3A_344 = arith.maximumf %max3A_320, %get3A_343 : vector<16xf32>
            %add3A_345 = arith.addf %add3A_321, %get3A_343 : vector<16xf32>
            %get3A_346 = arith.constant 12 : i32
            %get3A_347 = arith.index_cast %get3A_346 : i32 to index
            %get3A_348 = arith.index_cast %multiple_of3A : i32 to index
            %get3A_349 = tpu.vector_load %arg9[%get3A_347, %get3A_348] {strides = array<i32>} : memref<32x256xf32, #tpu.memory_space<vmem>>, vector<16xf32>,
            %max3A_350 = arith.maximumf %max3A_326, %get3A_349 : vector<16xf32>
            %add3A_351 = arith.addf %add3A_327, %get3A_349 : vector<16xf32>
            %get3A_352 = arith.constant 13 : i32
            %get3A_353 = arith.index_cast %get3A_352 : i32 to index
            %get3A_354 = arith.index_cast %multiple_of3A : i32 to index
            %get3A_355 = tpu.vector_load %arg9[%get3A_353, %get3A_354] {strides = array<i32>} : memref<32x256xf32, #tpu.memory_space<vmem>>, vector<16xf32>,
            %max3A_356 = arith.maximumf %max3A_332, %get3A_355 : vector<16xf32>
            %add3A_357 = arith.addf %add3A_333, %get3A_355 : vector<16xf32>
            %get3A_358 = arith.constant 14 : i32
            %get3A_359 = arith.index_cast %get3A_358 : i32 to index
            %get3A_360 = arith.index_cast %multiple_of3A : i32 to index
            %get3A_361 = tpu.vector_load %arg9[%get3A_359, %get3A_360] {strides = array<i32>} : memref<32x256xf32, #tpu.memory_space<vmem>>, vector<16xf32>,
            %max3A_362 = arith.maximumf %max3A_338, %get3A_361 : vector<16xf32>
            %add3A_363 = arith.addf %add3A_339, %get3A_361 : vector<16xf32>
            %get3A_364 = arith.constant 15 : i32
            %get3A_365 = arith.index_cast %get3A_364 : i32 to index
            %get3A_366 = arith.index_cast %multiple_of3A : i32 to index
            %get3A_367 = tpu.vector_load %arg9[%get3A_365, %get3A_366] {strides = array<i32>} : memref<32x256xf32, #tpu.memory_space<vmem>>, vector<16xf32>,
            %max3A_368 = arith.maximumf %max3A_344, %get3A_367 : vector<16xf32>
            %add3A_369 = arith.addf %add3A_345, %get3A_367 : vector<16xf32>
            %get3A_370 = arith.constant 16 : i32
            %get3A_371 = arith.index_cast %get3A_370 : i32 to index
            %get3A_372 = arith.index_cast %multiple_of3A : i32 to index
            %get3A_373 = tpu.vector_load %arg9[%get3A_371, %get3A_372] {strides = array<i32>} : memref<32x256xf32, #tpu.memory_space<vmem>>, vector<16xf32>,
            %max3A_374 = arith.maximumf %max3A_350, %get3A_373 : vector<16xf32>
            %add3A_375 = arith.addf %add3A_351, %get3A_373 : vector<16xf32>
            %get3A_376 = arith.constant 17 : i32
            %get3A_377 = arith.index_cast %get3A_376 : i32 to index
            %get3A_378 = arith.index_cast %multiple_of3A : i32 to index
            %get3A_379 = tpu.vector_load %arg9[%get3A_377, %get3A_378] {strides = array<i32>} : memref<32x256xf32, #tpu.memory_space<vmem>>, vector<16xf32>,
            %max3A_380 = arith.maximumf %max3A_356, %get3A_379 : vector<16xf32>
            %add3A_381 = arith.addf %add3A_357, %get3A_379 : vector<16xf32>
            %get3A_382 = arith.constant 18 : i32
            %get3A_383 = arith.index_cast %get3A_382 : i32 to index
            %get3A_384 = arith.index_cast %multiple_of3A : i32 to index
            %get3A_385 = tpu.vector_load %arg9[%get3A_383, %get3A_384] {strides = array<i32>} : memref<32x256xf32, #tpu.memory_space<vmem>>, vector<16xf32>,
            %max3A_386 = arith.maximumf %max3A_362, %get3A_385 : vector<16xf32>
            %add3A_387 = arith.addf %add3A_363, %get3A_385 : vector<16xf32>
            %get3A_388 = arith.constant 19 : i32
            %get3A_389 = arith.index_cast %get3A_388 : i32 to index
            %get3A_390 = arith.index_cast %multiple_of3A : i32 to index
            %get3A_391 = tpu.vector_load %arg9[%get3A_389, %get3A_390] {strides = array<i32>} : memref<32x256xf32, #tpu.memory_space<vmem>>, vector<16xf32>,
            %max3A_392 = arith.maximumf %max3A_368, %get3A_391 : vector<16xf32>
            %add3A_393 = arith.addf %add3A_369, %get3A_391 : vector<16xf32>
            %get3A_394 = arith.constant 20 : i32
            %get3A_395 = arith.index_cast %get3A_394 : i32 to index
            %get3A_396 = arith.index_cast %multiple_of3A : i32 to index
            %get3A_397 = tpu.vector_load %arg9[%get3A_395, %get3A_396] {strides = array<i32>} : memref<32x256xf32, #tpu.memory_space<vmem>>, vector<16xf32>,
            %max3A_398 = arith.maximumf %max3A_374, %get3A_397 : vector<16xf32>
            %add3A_399 = arith.addf %add3A_375, %get3A_397 : vector<16xf32>
            %get3A_400 = arith.constant 21 : i32
            %get3A_401 = arith.index_cast %get3A_400 : i32 to index
            %get3A_402 = arith.index_cast %multiple_of3A : i32 to index
            %get3A_403 = tpu.vector_load %arg9[%get3A_401, %get3A_402] {strides = array<i32>} : memref<32x256xf32, #tpu.memory_space<vmem>>, vector<16xf32>,
            %max3A_404 = arith.maximumf %max3A_380, %get3A_403 : vector<16xf32>
            %add3A_405 = arith.addf %add3A_381, %get3A_403 : vector<16xf32>
            %get3A_406 = arith.constant 22 : i32
            %get3A_407 = arith.index_cast %get3A_406 : i32 to index
            %get3A_408 = arith.index_cast %multiple_of3A : i32 to index
            %get3A_409 = tpu.vector_load %arg9[%get3A_407, %get3A_408] {strides = array<i32>} : memref<32x256xf32, #tpu.memory_space<vmem>>, vector<16xf32>,
            %max3A_410 = arith.maximumf %max3A_386, %get3A_409 : vector<16xf32>
            %add3A_411 = arith.addf %add3A_387, %get3A_409 : vector<16xf32>
            %get3A_412 = arith.constant 23 : i32
            %get3A_413 = arith.index_cast %get3A_412 : i32 to index
            %get3A_414 = arith.index_cast %multiple_of3A : i32 to index
            %get3A_415 = tpu.vector_load %arg9[%get3A_413, %get3A_414] {strides = array<i32>} : memref<32x256xf32, #tpu.memory_space<vmem>>, vector<16xf32>,
            %max3A_416 = arith.maximumf %max3A_392, %get3A_415 : vector<16xf32>
            %add3A_417 = arith.addf %add3A_393, %get3A_415 : vector<16xf32>
            %get3A_418 = arith.constant 24 : i32
            %get3A_419 = arith.index_cast %get3A_418 : i32 to index
            %get3A_420 = arith.index_cast %multiple_of3A : i32 to index
            %get3A_421 = tpu.vector_load %arg9[%get3A_419, %get3A_420] {strides = array<i32>} : memref<32x256xf32, #tpu.memory_space<vmem>>, vector<16xf32>,
            %max3A_422 = arith.maximumf %max3A_398, %get3A_421 : vector<16xf32>
            %add3A_423 = arith.addf %add3A_399, %get3A_421 : vector<16xf32>
            %get3A_424 = arith.constant 25 : i32
            %get3A_425 = arith.index_cast %get3A_424 : i32 to index
            %get3A_426 = arith.index_cast %multiple_of3A : i32 to index
            %get3A_427 = tpu.vector_load %arg9[%get3A_425, %get3A_426] {strides = array<i32>} : memref<32x256xf32, #tpu.memory_space<vmem>>, vector<16xf32>,
            %max3A_428 = arith.maximumf %max3A_404, %get3A_427 : vector<16xf32>
            %add3A_429 = arith.addf %add3A_405, %get3A_427 : vector<16xf32>
            %get3A_430 = arith.constant 26 : i32
            %get3A_431 = arith.index_cast %get3A_430 : i32 to index
            %get3A_432 = arith.index_cast %multiple_of3A : i32 to index
            %get3A_433 = tpu.vector_load %arg9[%get3A_431, %get3A_432] {strides = array<i32>} : memref<32x256xf32, #tpu.memory_space<vmem>>, vector<16xf32>,
            %max3A_434 = arith.maximumf %max3A_410, %get3A_433 : vector<16xf32>
            %add3A_435 = arith.addf %add3A_411, %get3A_433 : vector<16xf32>
            %get3A_436 = arith.constant 27 : i32
            %get3A_437 = arith.index_cast %get3A_436 : i32 to index
            %get3A_438 = arith.index_cast %multiple_of3A : i32 to index
            %get3A_439 = tpu.vector_load %arg9[%get3A_437, %get3A_438] {strides = array<i32>} : memref<32x256xf32, #tpu.memory_space<vmem>>, vector<16xf32>,
            %max3A_440 = arith.maximumf %max3A_416, %get3A_439 : vector<16xf32>
            %add3A_441 = arith.addf %add3A_417, %get3A_439 : vector<16xf32>
            %get3A_442 = arith.constant 28 : i32
            %get3A_443 = arith.index_cast %get3A_442 : i32 to index
            %get3A_444 = arith.index_cast %multiple_of3A : i32 to index
            %get3A_445 = tpu.vector_load %arg9[%get3A_443, %get3A_444] {strides = array<i32>} : memref<32x256xf32, #tpu.memory_space<vmem>>, vector<16xf32>,
            %max3A_446 = arith.maximumf %max3A_422, %get3A_445 : vector<16xf32>
            %add3A_447 = arith.addf %add3A_423, %get3A_445 : vector<16xf32>
            %get3A_448 = arith.constant 29 : i32
            %get3A_449 = arith.index_cast %get3A_448 : i32 to index
            %get3A_450 = arith.index_cast %multiple_of3A : i32 to index
            %get3A_451 = tpu.vector_load %arg9[%get3A_449, %get3A_450] {strides = array<i32>} : memref<32x256xf32, #tpu.memory_space<vmem>>, vector<16xf32>,
            %max3A_452 = arith.maximumf %max3A_428, %get3A_451 : vector<16xf32>
            %add3A_453 = arith.addf %add3A_429, %get3A_451 : vector<16xf32>
            %get3A_454 = arith.constant 30 : i32
            %get3A_455 = arith.index_cast %get3A_454 : i32 to index
            %get3A_456 = arith.index_cast %multiple_of3A : i32 to index
            %get3A_457 = tpu.vector_load %arg9[%get3A_455, %get3A_456] {strides = array<i32>} : memref<32x256xf32, #tpu.memory_space<vmem>>, vector<16xf32>,
            %max3A_458 = arith.maximumf %max3A_434, %get3A_457 : vector<16xf32>
            %add3A_459 = arith.addf %add3A_435, %get3A_457 : vector<16xf32>
            %get3A_460 = arith.constant 31 : i32
            %get3A_461 = arith.index_cast %get3A_460 : i32 to index
            %get3A_462 = arith.index_cast %multiple_of3A : i32 to index
            %get3A_463 = tpu.vector_load %arg9[%get3A_461, %get3A_462] {strides = array<i32>} : memref<32x256xf32, #tpu.memory_space<vmem>>, vector<16xf32>,
            %max3A_464 = arith.maximumf %max3A_440, %get3A_463 : vector<16xf32>
            %add3A_465 = arith.addf %add3A_441, %get3A_463 : vector<16xf32>
            %max3A_466 = arith.maximumf %max3A_446, %max3A_452 : vector<16xf32>
            %add3A_467 = arith.addf %add3A_447, %add3A_453 : vector<16xf32>
            %max3A_468 = arith.maximumf %max3A_466, %max3A_458 : vector<16xf32>
            %add3A_469 = arith.addf %add3A_467, %add3A_459 : vector<16xf32>
            %max3A_470 = arith.maximumf %max3A_468, %max3A_464 : vector<16xf32>
            %add3A_471 = arith.addf %add3A_469, %add3A_465 : vector<16xf32>
            %get3A_472 = arith.index_cast %scan3A_39 : i32 to index
            %get3A_473 = arith.index_cast %multiple_of3A : i32 to index
            %get3A_474 = tpu.vector_load %arg15[%get3A_472, %get3A_473] {strides = array<i32>} : memref<16x256xf32, #tpu.memory_space<vmem>>, vector<16xf32>,
            %max3A_475 = arith.maximumf %get3A_474, %max3A_470 : vector<16xf32>
            %swap3A = arith.index_cast %scan3A_39 : i32 to index
            %swap3A_476 = arith.index_cast %multiple_of3A : i32 to index
            %swap3A_477 = tpu.vector_load %arg15[%swap3A, %swap3A_476] {strides = array<i32>} : memref<16x256xf32, #tpu.memory_space<vmem>>, vector<16xf32>,
            tpu.vector_store %arg15[%swap3A, %swap3A_476], %max3A_475 {strides = array<i32>} : memref<16x256xf32, #tpu.memory_space<vmem>>, vector<16xf32>,
            %get3A_478 = arith.index_cast %scan3A_39 : i32 to index
            %get3A_479 = arith.index_cast %multiple_of3A : i32 to index
            %get3A_480 = tpu.vector_load %arg16[%get3A_478, %get3A_479] {strides = array<i32>} : memref<16x256xf32, #tpu.memory_space<vmem>>, vector<16xf32>,
            %add3A_481 = arith.addf %get3A_480, %add3A_471 : vector<16xf32>
            %swap3A_482 = arith.index_cast %scan3A_39 : i32 to index
            %swap3A_483 = arith.index_cast %multiple_of3A : i32 to index
            %swap3A_484 = tpu.vector_load %arg16[%swap3A_482, %swap3A_483] {strides = array<i32>} : memref<16x256xf32, #tpu.memory_space<vmem>>, vector<16xf32>,
            tpu.vector_store %arg16[%swap3A_482, %swap3A_483], %add3A_481 {strides = array<i32>} : memref<16x256xf32, #tpu.memory_space<vmem>>, vector<16xf32>,
            %scan3A_485 = arith.constant 0 : i32
            scf.yield %scan3A_485 : i32
          }
          %scan3A_246 = arith.constant 16 : i32
          %add3A_247 = arith.constant 1 : i32
          %add3A_248 = arith.addi %mul3A_197, %add3A_247 : i32
          %add3A_249 = arith.constant 6 : i32
          %add3A_250 = arith.addi %add3A_248, %add3A_249 : i32
          %lt3A_251 = arith.cmpi slt, %add3A_250, %div3A_62 : i32
          %convert_element_type3A_252 = arith.extui %lt3A_251 : i1 to i32
          %cond3A_253 = arith.constant 0 : i32
          %cond3A_254 = arith.cmpi ne, %convert_element_type3A_252, %cond3A_253 : i32
          scf.if %cond3A_254 {
            %add3A_255 = arith.constant 1 : i32
            %add3A_256 = arith.addi %mul3A_197, %add3A_255 : i32
            %add3A_257 = arith.constant 6 : i32
            %add3A_258 = arith.addi %add3A_256, %add3A_257 : i32
            %mul3A_259 = arith.constant 32 : i32
            %mul3A_260 = arith.muli %add3A_258, %mul3A_259 : i32
            %add3A_261 = arith.addi %mul3A_59, %mul3A_260 : i32
            %multiple_of3A = tpu.assume_multiple %add3A_261, 8 : i32
            %dma_start3A = arith.constant 0 : i32
            %dma_start3A_262 = tpu.memref_slice %arg3[%multiple_of3A, %dma_start3A] : memref<50000x256xf32, #tpu.memory_space<hbm>> -> memref<32x256xf32, #tpu.memory_space<hbm>>
            %dma_start3A_263 = arith.constant 0 : i32
            %dma_start3A_264 = tpu.memref_slice %arg3[%multiple_of3A, %dma_start3A_263] : memref<50000x256xf32, #tpu.memory_space<hbm>> -> memref<32x256xf32, #tpu.memory_space<hbm>>
            tpu.enqueue_dma source(%dma_start3A_264 : memref<32x256xf32, #tpu.memory_space<hbm>>) target(%arg9 : memref<32x256xf32, #tpu.memory_space<vmem>>) target_semaphore(%arg19 : memref<!tpu.dma_semaphore, #tpu.memory_space<semaphore_mem>>)
          } else {
          }
        } else {
        }
        %add3A_210 = arith.constant 2 : i32
        %add3A_211 = arith.addi %mul3A_197, %add3A_210 : i32
        %lt3A_212 = arith.cmpi slt, %add3A_211, %div3A_62 : i32
        %convert_element_type3A_213 = arith.extui %lt3A_212 : i1 to i32
        %cond3A_214 = arith.constant 0 : i32
        %cond3A_215 = arith.cmpi ne, %convert_element_type3A_213, %cond3A_214 : i32
        scf.if %cond3A_215 {
          %dma_wait3A = arith.constant 0 : i32
          %dma_wait3A_235 = arith.constant 0 : i32
          %dma_wait3A_236 = tpu.memref_slice %arg3[%dma_wait3A, %dma_wait3A_235] : memref<50000x256xf32, #tpu.memory_space<hbm>> -> memref<32x256xf32, #tpu.memory_space<hbm>>
          %dma_wait3A_237 = arith.constant 0 : i32
          %dma_wait3A_238 = arith.constant 0 : i32
          %dma_wait3A_239 = tpu.memref_slice %arg3[%dma_wait3A_237, %dma_wait3A_238] : memref<50000x256xf32, #tpu.memory_space<hbm>> -> memref<32x256xf32, #tpu.memory_space<hbm>>
          tpu.wait_dma2 semaphore(%arg20 : memref<!tpu.dma_semaphore, #tpu.memory_space<semaphore_mem>>) src(%dma_wait3A_239 : memref<32x256xf32, #tpu.memory_space<hbm>>) dst(%arg10 : memref<32x256xf32, #tpu.memory_space<vmem>>)
          %scan3A_240 = arith.constant 0 : i32
          %scan3A_241 = arith.constant 0 : i32
          %scan3A_242 = arith.constant 16 : i32
          %scan3A_243 = arith.addi %scan3A_241, %scan3A_242 : i32
          %scan3A_244 = arith.constant 1 : i32
          %scan3A_245 = scf.for %scan3A_255 = %scan3A_241 to %scan3A_243 step %scan3A_244 iter_args(%scan3A_256 = %scan3A_240) -> (i32)  : i32 {
            %mul3A_257 = arith.constant 16 : i32
            %mul3A_258 = arith.muli %scan3A_255, %mul3A_257 : i32
            %multiple_of3A = tpu.assume_multiple %mul3A_258, 16 : i32
            %broadcast_in_dim3A_259 = arith.constant 0xFF800000 : f32
            %broadcast_in_dim3A_260 = vector.broadcast %broadcast_in_dim3A_259 : f32 to vector<16xf32>
            %broadcast_in_dim3A_261 = arith.constant 0xFF800000 : f32
            %broadcast_in_dim3A_262 = vector.broadcast %broadcast_in_dim3A_261 : f32 to vector<16xf32>
            %broadcast_in_dim3A_263 = arith.constant 0xFF800000 : f32
            %broadcast_in_dim3A_264 = vector.broadcast %broadcast_in_dim3A_263 : f32 to vector<16xf32>
            %broadcast_in_dim3A_265 = arith.constant 0xFF800000 : f32
            %broadcast_in_dim3A_266 = vector.broadcast %broadcast_in_dim3A_265 : f32 to vector<16xf32>
            %broadcast_in_dim3A_267 = arith.constant 0.000000e+00 : f32
            %broadcast_in_dim3A_268 = vector.broadcast %broadcast_in_dim3A_267 : f32 to vector<16xf32>
            %broadcast_in_dim3A_269 = arith.constant 0.000000e+00 : f32
            %broadcast_in_dim3A_270 = vector.broadcast %broadcast_in_dim3A_269 : f32 to vector<16xf32>
            %broadcast_in_dim3A_271 = arith.constant 0.000000e+00 : f32
            %broadcast_in_dim3A_272 = vector.broadcast %broadcast_in_dim3A_271 : f32 to vector<16xf32>
            %broadcast_in_dim3A_273 = arith.constant 0.000000e+00 : f32
            %broadcast_in_dim3A_274 = vector.broadcast %broadcast_in_dim3A_273 : f32 to vector<16xf32>
            %get3A = arith.constant 0 : i32
            %get3A_275 = arith.index_cast %get3A : i32 to index
            %get3A_276 = arith.index_cast %multiple_of3A : i32 to index
            %get3A_277 = tpu.vector_load %arg10[%get3A_275, %get3A_276] {strides = array<i32>} : memref<32x256xf32, #tpu.memory_space<vmem>>, vector<16xf32>,
            %max3A_278 = arith.maximumf %broadcast_in_dim3A_260, %get3A_277 : vector<16xf32>
            %add3A_279 = arith.addf %broadcast_in_dim3A_268, %get3A_277 : vector<16xf32>
            %get3A_280 = arith.constant 1 : i32
            %get3A_281 = arith.index_cast %get3A_280 : i32 to index
            %get3A_282 = arith.index_cast %multiple_of3A : i32 to index
            %get3A_283 = tpu.vector_load %arg10[%get3A_281, %get3A_282] {strides = array<i32>} : memref<32x256xf32, #tpu.memory_space<vmem>>, vector<16xf32>,
            %max3A_284 = arith.maximumf %broadcast_in_dim3A_262, %get3A_283 : vector<16xf32>
            %add3A_285 = arith.addf %broadcast_in_dim3A_270, %get3A_283 : vector<16xf32>
            %get3A_286 = arith.constant 2 : i32
            %get3A_287 = arith.index_cast %get3A_286 : i32 to index
            %get3A_288 = arith.index_cast %multiple_of3A : i32 to index
            %get3A_289 = tpu.vector_load %arg10[%get3A_287, %get3A_288] {strides = array<i32>} : memref<32x256xf32, #tpu.memory_space<vmem>>, vector<16xf32>,
            %max3A_290 = arith.maximumf %broadcast_in_dim3A_264, %get3A_289 : vector<16xf32>
            %add3A_291 = arith.addf %broadcast_in_dim3A_272, %get3A_289 : vector<16xf32>
            %get3A_292 = arith.constant 3 : i32
            %get3A_293 = arith.index_cast %get3A_292 : i32 to index
            %get3A_294 = arith.index_cast %multiple_of3A : i32 to index
            %get3A_295 = tpu.vector_load %arg10[%get3A_293, %get3A_294] {strides = array<i32>} : memref<32x256xf32, #tpu.memory_space<vmem>>, vector<16xf32>,
            %max3A_296 = arith.maximumf %broadcast_in_dim3A_266, %get3A_295 : vector<16xf32>
            %add3A_297 = arith.addf %broadcast_in_dim3A_274, %get3A_295 : vector<16xf32>
            %get3A_298 = arith.constant 4 : i32
            %get3A_299 = arith.index_cast %get3A_298 : i32 to index
            %get3A_300 = arith.index_cast %multiple_of3A : i32 to index
            %get3A_301 = tpu.vector_load %arg10[%get3A_299, %get3A_300] {strides = array<i32>} : memref<32x256xf32, #tpu.memory_space<vmem>>, vector<16xf32>,
            %max3A_302 = arith.maximumf %max3A_278, %get3A_301 : vector<16xf32>
            %add3A_303 = arith.addf %add3A_279, %get3A_301 : vector<16xf32>
            %get3A_304 = arith.constant 5 : i32
            %get3A_305 = arith.index_cast %get3A_304 : i32 to index
            %get3A_306 = arith.index_cast %multiple_of3A : i32 to index
            %get3A_307 = tpu.vector_load %arg10[%get3A_305, %get3A_306] {strides = array<i32>} : memref<32x256xf32, #tpu.memory_space<vmem>>, vector<16xf32>,
            %max3A_308 = arith.maximumf %max3A_284, %get3A_307 : vector<16xf32>
            %add3A_309 = arith.addf %add3A_285, %get3A_307 : vector<16xf32>
            %get3A_310 = arith.constant 6 : i32
            %get3A_311 = arith.index_cast %get3A_310 : i32 to index
            %get3A_312 = arith.index_cast %multiple_of3A : i32 to index
            %get3A_313 = tpu.vector_load %arg10[%get3A_311, %get3A_312] {strides = array<i32>} : memref<32x256xf32, #tpu.memory_space<vmem>>, vector<16xf32>,
            %max3A_314 = arith.maximumf %max3A_290, %get3A_313 : vector<16xf32>
            %add3A_315 = arith.addf %add3A_291, %get3A_313 : vector<16xf32>
            %get3A_316 = arith.constant 7 : i32
            %get3A_317 = arith.index_cast %get3A_316 : i32 to index
            %get3A_318 = arith.index_cast %multiple_of3A : i32 to index
            %get3A_319 = tpu.vector_load %arg10[%get3A_317, %get3A_318] {strides = array<i32>} : memref<32x256xf32, #tpu.memory_space<vmem>>, vector<16xf32>,
            %max3A_320 = arith.maximumf %max3A_296, %get3A_319 : vector<16xf32>
            %add3A_321 = arith.addf %add3A_297, %get3A_319 : vector<16xf32>
            %get3A_322 = arith.constant 8 : i32
            %get3A_323 = arith.index_cast %get3A_322 : i32 to index
            %get3A_324 = arith.index_cast %multiple_of3A : i32 to index
            %get3A_325 = tpu.vector_load %arg10[%get3A_323, %get3A_324] {strides = array<i32>} : memref<32x256xf32, #tpu.memory_space<vmem>>, vector<16xf32>,
            %max3A_326 = arith.maximumf %max3A_302, %get3A_325 : vector<16xf32>
            %add3A_327 = arith.addf %add3A_303, %get3A_325 : vector<16xf32>
            %get3A_328 = arith.constant 9 : i32
            %get3A_329 = arith.index_cast %get3A_328 : i32 to index
            %get3A_330 = arith.index_cast %multiple_of3A : i32 to index
            %get3A_331 = tpu.vector_load %arg10[%get3A_329, %get3A_330] {strides = array<i32>} : memref<32x256xf32, #tpu.memory_space<vmem>>, vector<16xf32>,
            %max3A_332 = arith.maximumf %max3A_308, %get3A_331 : vector<16xf32>
            %add3A_333 = arith.addf %add3A_309, %get3A_331 : vector<16xf32>
            %get3A_334 = arith.constant 10 : i32
            %get3A_335 = arith.index_cast %get3A_334 : i32 to index
            %get3A_336 = arith.index_cast %multiple_of3A : i32 to index
            %get3A_337 = tpu.vector_load %arg10[%get3A_335, %get3A_336] {strides = array<i32>} : memref<32x256xf32, #tpu.memory_space<vmem>>, vector<16xf32>,
            %max3A_338 = arith.maximumf %max3A_314, %get3A_337 : vector<16xf32>
            %add3A_339 = arith.addf %add3A_315, %get3A_337 : vector<16xf32>
            %get3A_340 = arith.constant 11 : i32
            %get3A_341 = arith.index_cast %get3A_340 : i32 to index
            %get3A_342 = arith.index_cast %multiple_of3A : i32 to index
            %get3A_343 = tpu.vector_load %arg10[%get3A_341, %get3A_342] {strides = array<i32>} : memref<32x256xf32, #tpu.memory_space<vmem>>, vector<16xf32>,
            %max3A_344 = arith.maximumf %max3A_320, %get3A_343 : vector<16xf32>
            %add3A_345 = arith.addf %add3A_321, %get3A_343 : vector<16xf32>
            %get3A_346 = arith.constant 12 : i32
            %get3A_347 = arith.index_cast %get3A_346 : i32 to index
            %get3A_348 = arith.index_cast %multiple_of3A : i32 to index
            %get3A_349 = tpu.vector_load %arg10[%get3A_347, %get3A_348] {strides = array<i32>} : memref<32x256xf32, #tpu.memory_space<vmem>>, vector<16xf32>,
            %max3A_350 = arith.maximumf %max3A_326, %get3A_349 : vector<16xf32>
            %add3A_351 = arith.addf %add3A_327, %get3A_349 : vector<16xf32>
            %get3A_352 = arith.constant 13 : i32
            %get3A_353 = arith.index_cast %get3A_352 : i32 to index
            %get3A_354 = arith.index_cast %multiple_of3A : i32 to index
            %get3A_355 = tpu.vector_load %arg10[%get3A_353, %get3A_354] {strides = array<i32>} : memref<32x256xf32, #tpu.memory_space<vmem>>, vector<16xf32>,
            %max3A_356 = arith.maximumf %max3A_332, %get3A_355 : vector<16xf32>
            %add3A_357 = arith.addf %add3A_333, %get3A_355 : vector<16xf32>
            %get3A_358 = arith.constant 14 : i32
            %get3A_359 = arith.index_cast %get3A_358 : i32 to index
            %get3A_360 = arith.index_cast %multiple_of3A : i32 to index
            %get3A_361 = tpu.vector_load %arg10[%get3A_359, %get3A_360] {strides = array<i32>} : memref<32x256xf32, #tpu.memory_space<vmem>>, vector<16xf32>,
            %max3A_362 = arith.maximumf %max3A_338, %get3A_361 : vector<16xf32>
            %add3A_363 = arith.addf %add3A_339, %get3A_361 : vector<16xf32>
            %get3A_364 = arith.constant 15 : i32
            %get3A_365 = arith.index_cast %get3A_364 : i32 to index
            %get3A_366 = arith.index_cast %multiple_of3A : i32 to index
            %get3A_367 = tpu.vector_load %arg10[%get3A_365, %get3A_366] {strides = array<i32>} : memref<32x256xf32, #tpu.memory_space<vmem>>, vector<16xf32>,
            %max3A_368 = arith.maximumf %max3A_344, %get3A_367 : vector<16xf32>
            %add3A_369 = arith.addf %add3A_345, %get3A_367 : vector<16xf32>
            %get3A_370 = arith.constant 16 : i32
            %get3A_371 = arith.index_cast %get3A_370 : i32 to index
            %get3A_372 = arith.index_cast %multiple_of3A : i32 to index
            %get3A_373 = tpu.vector_load %arg10[%get3A_371, %get3A_372] {strides = array<i32>} : memref<32x256xf32, #tpu.memory_space<vmem>>, vector<16xf32>,
            %max3A_374 = arith.maximumf %max3A_350, %get3A_373 : vector<16xf32>
            %add3A_375 = arith.addf %add3A_351, %get3A_373 : vector<16xf32>
            %get3A_376 = arith.constant 17 : i32
            %get3A_377 = arith.index_cast %get3A_376 : i32 to index
            %get3A_378 = arith.index_cast %multiple_of3A : i32 to index
            %get3A_379 = tpu.vector_load %arg10[%get3A_377, %get3A_378] {strides = array<i32>} : memref<32x256xf32, #tpu.memory_space<vmem>>, vector<16xf32>,
            %max3A_380 = arith.maximumf %max3A_356, %get3A_379 : vector<16xf32>
            %add3A_381 = arith.addf %add3A_357, %get3A_379 : vector<16xf32>
            %get3A_382 = arith.constant 18 : i32
            %get3A_383 = arith.index_cast %get3A_382 : i32 to index
            %get3A_384 = arith.index_cast %multiple_of3A : i32 to index
            %get3A_385 = tpu.vector_load %arg10[%get3A_383, %get3A_384] {strides = array<i32>} : memref<32x256xf32, #tpu.memory_space<vmem>>, vector<16xf32>,
            %max3A_386 = arith.maximumf %max3A_362, %get3A_385 : vector<16xf32>
            %add3A_387 = arith.addf %add3A_363, %get3A_385 : vector<16xf32>
            %get3A_388 = arith.constant 19 : i32
            %get3A_389 = arith.index_cast %get3A_388 : i32 to index
            %get3A_390 = arith.index_cast %multiple_of3A : i32 to index
            %get3A_391 = tpu.vector_load %arg10[%get3A_389, %get3A_390] {strides = array<i32>} : memref<32x256xf32, #tpu.memory_space<vmem>>, vector<16xf32>,
            %max3A_392 = arith.maximumf %max3A_368, %get3A_391 : vector<16xf32>
            %add3A_393 = arith.addf %add3A_369, %get3A_391 : vector<16xf32>
            %get3A_394 = arith.constant 20 : i32
            %get3A_395 = arith.index_cast %get3A_394 : i32 to index
            %get3A_396 = arith.index_cast %multiple_of3A : i32 to index
            %get3A_397 = tpu.vector_load %arg10[%get3A_395, %get3A_396] {strides = array<i32>} : memref<32x256xf32, #tpu.memory_space<vmem>>, vector<16xf32>,
            %max3A_398 = arith.maximumf %max3A_374, %get3A_397 : vector<16xf32>
            %add3A_399 = arith.addf %add3A_375, %get3A_397 : vector<16xf32>
            %get3A_400 = arith.constant 21 : i32
            %get3A_401 = arith.index_cast %get3A_400 : i32 to index
            %get3A_402 = arith.index_cast %multiple_of3A : i32 to index
            %get3A_403 = tpu.vector_load %arg10[%get3A_401, %get3A_402] {strides = array<i32>} : memref<32x256xf32, #tpu.memory_space<vmem>>, vector<16xf32>,
            %max3A_404 = arith.maximumf %max3A_380, %get3A_403 : vector<16xf32>
            %add3A_405 = arith.addf %add3A_381, %get3A_403 : vector<16xf32>
            %get3A_406 = arith.constant 22 : i32
            %get3A_407 = arith.index_cast %get3A_406 : i32 to index
            %get3A_408 = arith.index_cast %multiple_of3A : i32 to index
            %get3A_409 = tpu.vector_load %arg10[%get3A_407, %get3A_408] {strides = array<i32>} : memref<32x256xf32, #tpu.memory_space<vmem>>, vector<16xf32>,
            %max3A_410 = arith.maximumf %max3A_386, %get3A_409 : vector<16xf32>
            %add3A_411 = arith.addf %add3A_387, %get3A_409 : vector<16xf32>
            %get3A_412 = arith.constant 23 : i32
            %get3A_413 = arith.index_cast %get3A_412 : i32 to index
            %get3A_414 = arith.index_cast %multiple_of3A : i32 to index
            %get3A_415 = tpu.vector_load %arg10[%get3A_413, %get3A_414] {strides = array<i32>} : memref<32x256xf32, #tpu.memory_space<vmem>>, vector<16xf32>,
            %max3A_416 = arith.maximumf %max3A_392, %get3A_415 : vector<16xf32>
            %add3A_417 = arith.addf %add3A_393, %get3A_415 : vector<16xf32>
            %get3A_418 = arith.constant 24 : i32
            %get3A_419 = arith.index_cast %get3A_418 : i32 to index
            %get3A_420 = arith.index_cast %multiple_of3A : i32 to index
            %get3A_421 = tpu.vector_load %arg10[%get3A_419, %get3A_420] {strides = array<i32>} : memref<32x256xf32, #tpu.memory_space<vmem>>, vector<16xf32>,
            %max3A_422 = arith.maximumf %max3A_398, %get3A_421 : vector<16xf32>
            %add3A_423 = arith.addf %add3A_399, %get3A_421 : vector<16xf32>
            %get3A_424 = arith.constant 25 : i32
            %get3A_425 = arith.index_cast %get3A_424 : i32 to index
            %get3A_426 = arith.index_cast %multiple_of3A : i32 to index
            %get3A_427 = tpu.vector_load %arg10[%get3A_425, %get3A_426] {strides = array<i32>} : memref<32x256xf32, #tpu.memory_space<vmem>>, vector<16xf32>,
            %max3A_428 = arith.maximumf %max3A_404, %get3A_427 : vector<16xf32>
            %add3A_429 = arith.addf %add3A_405, %get3A_427 : vector<16xf32>
            %get3A_430 = arith.constant 26 : i32
            %get3A_431 = arith.index_cast %get3A_430 : i32 to index
            %get3A_432 = arith.index_cast %multiple_of3A : i32 to index
            %get3A_433 = tpu.vector_load %arg10[%get3A_431, %get3A_432] {strides = array<i32>} : memref<32x256xf32, #tpu.memory_space<vmem>>, vector<16xf32>,
            %max3A_434 = arith.maximumf %max3A_410, %get3A_433 : vector<16xf32>
            %add3A_435 = arith.addf %add3A_411, %get3A_433 : vector<16xf32>
            %get3A_436 = arith.constant 27 : i32
            %get3A_437 = arith.index_cast %get3A_436 : i32 to index
            %get3A_438 = arith.index_cast %multiple_of3A : i32 to index
            %get3A_439 = tpu.vector_load %arg10[%get3A_437, %get3A_438] {strides = array<i32>} : memref<32x256xf32, #tpu.memory_space<vmem>>, vector<16xf32>,
            %max3A_440 = arith.maximumf %max3A_416, %get3A_439 : vector<16xf32>
            %add3A_441 = arith.addf %add3A_417, %get3A_439 : vector<16xf32>
            %get3A_442 = arith.constant 28 : i32
            %get3A_443 = arith.index_cast %get3A_442 : i32 to index
            %get3A_444 = arith.index_cast %multiple_of3A : i32 to index
            %get3A_445 = tpu.vector_load %arg10[%get3A_443, %get3A_444] {strides = array<i32>} : memref<32x256xf32, #tpu.memory_space<vmem>>, vector<16xf32>,
            %max3A_446 = arith.maximumf %max3A_422, %get3A_445 : vector<16xf32>
            %add3A_447 = arith.addf %add3A_423, %get3A_445 : vector<16xf32>
            %get3A_448 = arith.constant 29 : i32
            %get3A_449 = arith.index_cast %get3A_448 : i32 to index
            %get3A_450 = arith.index_cast %multiple_of3A : i32 to index
            %get3A_451 = tpu.vector_load %arg10[%get3A_449, %get3A_450] {strides = array<i32>} : memref<32x256xf32, #tpu.memory_space<vmem>>, vector<16xf32>,
            %max3A_452 = arith.maximumf %max3A_428, %get3A_451 : vector<16xf32>
            %add3A_453 = arith.addf %add3A_429, %get3A_451 : vector<16xf32>
            %get3A_454 = arith.constant 30 : i32
            %get3A_455 = arith.index_cast %get3A_454 : i32 to index
            %get3A_456 = arith.index_cast %multiple_of3A : i32 to index
            %get3A_457 = tpu.vector_load %arg10[%get3A_455, %get3A_456] {strides = array<i32>} : memref<32x256xf32, #tpu.memory_space<vmem>>, vector<16xf32>,
            %max3A_458 = arith.maximumf %max3A_434, %get3A_457 : vector<16xf32>
            %add3A_459 = arith.addf %add3A_435, %get3A_457 : vector<16xf32>
            %get3A_460 = arith.constant 31 : i32
            %get3A_461 = arith.index_cast %get3A_460 : i32 to index
            %get3A_462 = arith.index_cast %multiple_of3A : i32 to index
            %get3A_463 = tpu.vector_load %arg10[%get3A_461, %get3A_462] {strides = array<i32>} : memref<32x256xf32, #tpu.memory_space<vmem>>, vector<16xf32>,
            %max3A_464 = arith.maximumf %max3A_440, %get3A_463 : vector<16xf32>
            %add3A_465 = arith.addf %add3A_441, %get3A_463 : vector<16xf32>
            %max3A_466 = arith.maximumf %max3A_446, %max3A_452 : vector<16xf32>
            %add3A_467 = arith.addf %add3A_447, %add3A_453 : vector<16xf32>
            %max3A_468 = arith.maximumf %max3A_466, %max3A_458 : vector<16xf32>
            %add3A_469 = arith.addf %add3A_467, %add3A_459 : vector<16xf32>
            %max3A_470 = arith.maximumf %max3A_468, %max3A_464 : vector<16xf32>
            %add3A_471 = arith.addf %add3A_469, %add3A_465 : vector<16xf32>
            %get3A_472 = arith.index_cast %scan3A_39 : i32 to index
            %get3A_473 = arith.index_cast %multiple_of3A : i32 to index
            %get3A_474 = tpu.vector_load %arg15[%get3A_472, %get3A_473] {strides = array<i32>} : memref<16x256xf32, #tpu.memory_space<vmem>>, vector<16xf32>,
            %max3A_475 = arith.maximumf %get3A_474, %max3A_470 : vector<16xf32>
            %swap3A = arith.index_cast %scan3A_39 : i32 to index
            %swap3A_476 = arith.index_cast %multiple_of3A : i32 to index
            %swap3A_477 = tpu.vector_load %arg15[%swap3A, %swap3A_476] {strides = array<i32>} : memref<16x256xf32, #tpu.memory_space<vmem>>, vector<16xf32>,
            tpu.vector_store %arg15[%swap3A, %swap3A_476], %max3A_475 {strides = array<i32>} : memref<16x256xf32, #tpu.memory_space<vmem>>, vector<16xf32>,
            %get3A_478 = arith.index_cast %scan3A_39 : i32 to index
            %get3A_479 = arith.index_cast %multiple_of3A : i32 to index
            %get3A_480 = tpu.vector_load %arg16[%get3A_478, %get3A_479] {strides = array<i32>} : memref<16x256xf32, #tpu.memory_space<vmem>>, vector<16xf32>,
            %add3A_481 = arith.addf %get3A_480, %add3A_471 : vector<16xf32>
            %swap3A_482 = arith.index_cast %scan3A_39 : i32 to index
            %swap3A_483 = arith.index_cast %multiple_of3A : i32 to index
            %swap3A_484 = tpu.vector_load %arg16[%swap3A_482, %swap3A_483] {strides = array<i32>} : memref<16x256xf32, #tpu.memory_space<vmem>>, vector<16xf32>,
            tpu.vector_store %arg16[%swap3A_482, %swap3A_483], %add3A_481 {strides = array<i32>} : memref<16x256xf32, #tpu.memory_space<vmem>>, vector<16xf32>,
            %scan3A_485 = arith.constant 0 : i32
            scf.yield %scan3A_485 : i32
          }
          %scan3A_246 = arith.constant 16 : i32
          %add3A_247 = arith.constant 2 : i32
          %add3A_248 = arith.addi %mul3A_197, %add3A_247 : i32
          %add3A_249 = arith.constant 6 : i32
          %add3A_250 = arith.addi %add3A_248, %add3A_249 : i32
          %lt3A_251 = arith.cmpi slt, %add3A_250, %div3A_62 : i32
          %convert_element_type3A_252 = arith.extui %lt3A_251 : i1 to i32
          %cond3A_253 = arith.constant 0 : i32
          %cond3A_254 = arith.cmpi ne, %convert_element_type3A_252, %cond3A_253 : i32
          scf.if %cond3A_254 {
            %add3A_255 = arith.constant 2 : i32
            %add3A_256 = arith.addi %mul3A_197, %add3A_255 : i32
            %add3A_257 = arith.constant 6 : i32
            %add3A_258 = arith.addi %add3A_256, %add3A_257 : i32
            %mul3A_259 = arith.constant 32 : i32
            %mul3A_260 = arith.muli %add3A_258, %mul3A_259 : i32
            %add3A_261 = arith.addi %mul3A_59, %mul3A_260 : i32
            %multiple_of3A = tpu.assume_multiple %add3A_261, 8 : i32
            %dma_start3A = arith.constant 0 : i32
            %dma_start3A_262 = tpu.memref_slice %arg3[%multiple_of3A, %dma_start3A] : memref<50000x256xf32, #tpu.memory_space<hbm>> -> memref<32x256xf32, #tpu.memory_space<hbm>>
            %dma_start3A_263 = arith.constant 0 : i32
            %dma_start3A_264 = tpu.memref_slice %arg3[%multiple_of3A, %dma_start3A_263] : memref<50000x256xf32, #tpu.memory_space<hbm>> -> memref<32x256xf32, #tpu.memory_space<hbm>>
            tpu.enqueue_dma source(%dma_start3A_264 : memref<32x256xf32, #tpu.memory_space<hbm>>) target(%arg10 : memref<32x256xf32, #tpu.memory_space<vmem>>) target_semaphore(%arg20 : memref<!tpu.dma_semaphore, #tpu.memory_space<semaphore_mem>>)
          } else {
          }
        } else {
        }
        %add3A_216 = arith.constant 3 : i32
        %add3A_217 = arith.addi %mul3A_197, %add3A_216 : i32
        %lt3A_218 = arith.cmpi slt, %add3A_217, %div3A_62 : i32
        %convert_element_type3A_219 = arith.extui %lt3A_218 : i1 to i32
        %cond3A_220 = arith.constant 0 : i32
        %cond3A_221 = arith.cmpi ne, %convert_element_type3A_219, %cond3A_220 : i32
        scf.if %cond3A_221 {
          %dma_wait3A = arith.constant 0 : i32
          %dma_wait3A_235 = arith.constant 0 : i32
          %dma_wait3A_236 = tpu.memref_slice %arg3[%dma_wait3A, %dma_wait3A_235] : memref<50000x256xf32, #tpu.memory_space<hbm>> -> memref<32x256xf32, #tpu.memory_space<hbm>>
          %dma_wait3A_237 = arith.constant 0 : i32
          %dma_wait3A_238 = arith.constant 0 : i32
          %dma_wait3A_239 = tpu.memref_slice %arg3[%dma_wait3A_237, %dma_wait3A_238] : memref<50000x256xf32, #tpu.memory_space<hbm>> -> memref<32x256xf32, #tpu.memory_space<hbm>>
          tpu.wait_dma2 semaphore(%arg21 : memref<!tpu.dma_semaphore, #tpu.memory_space<semaphore_mem>>) src(%dma_wait3A_239 : memref<32x256xf32, #tpu.memory_space<hbm>>) dst(%arg11 : memref<32x256xf32, #tpu.memory_space<vmem>>)
          %scan3A_240 = arith.constant 0 : i32
          %scan3A_241 = arith.constant 0 : i32
          %scan3A_242 = arith.constant 16 : i32
          %scan3A_243 = arith.addi %scan3A_241, %scan3A_242 : i32
          %scan3A_244 = arith.constant 1 : i32
          %scan3A_245 = scf.for %scan3A_255 = %scan3A_241 to %scan3A_243 step %scan3A_244 iter_args(%scan3A_256 = %scan3A_240) -> (i32)  : i32 {
            %mul3A_257 = arith.constant 16 : i32
            %mul3A_258 = arith.muli %scan3A_255, %mul3A_257 : i32
            %multiple_of3A = tpu.assume_multiple %mul3A_258, 16 : i32
            %broadcast_in_dim3A_259 = arith.constant 0xFF800000 : f32
            %broadcast_in_dim3A_260 = vector.broadcast %broadcast_in_dim3A_259 : f32 to vector<16xf32>
            %broadcast_in_dim3A_261 = arith.constant 0xFF800000 : f32
            %broadcast_in_dim3A_262 = vector.broadcast %broadcast_in_dim3A_261 : f32 to vector<16xf32>
            %broadcast_in_dim3A_263 = arith.constant 0xFF800000 : f32
            %broadcast_in_dim3A_264 = vector.broadcast %broadcast_in_dim3A_263 : f32 to vector<16xf32>
            %broadcast_in_dim3A_265 = arith.constant 0xFF800000 : f32
            %broadcast_in_dim3A_266 = vector.broadcast %broadcast_in_dim3A_265 : f32 to vector<16xf32>
            %broadcast_in_dim3A_267 = arith.constant 0.000000e+00 : f32
            %broadcast_in_dim3A_268 = vector.broadcast %broadcast_in_dim3A_267 : f32 to vector<16xf32>
            %broadcast_in_dim3A_269 = arith.constant 0.000000e+00 : f32
            %broadcast_in_dim3A_270 = vector.broadcast %broadcast_in_dim3A_269 : f32 to vector<16xf32>
            %broadcast_in_dim3A_271 = arith.constant 0.000000e+00 : f32
            %broadcast_in_dim3A_272 = vector.broadcast %broadcast_in_dim3A_271 : f32 to vector<16xf32>
            %broadcast_in_dim3A_273 = arith.constant 0.000000e+00 : f32
            %broadcast_in_dim3A_274 = vector.broadcast %broadcast_in_dim3A_273 : f32 to vector<16xf32>
            %get3A = arith.constant 0 : i32
            %get3A_275 = arith.index_cast %get3A : i32 to index
            %get3A_276 = arith.index_cast %multiple_of3A : i32 to index
            %get3A_277 = tpu.vector_load %arg11[%get3A_275, %get3A_276] {strides = array<i32>} : memref<32x256xf32, #tpu.memory_space<vmem>>, vector<16xf32>,
            %max3A_278 = arith.maximumf %broadcast_in_dim3A_260, %get3A_277 : vector<16xf32>
            %add3A_279 = arith.addf %broadcast_in_dim3A_268, %get3A_277 : vector<16xf32>
            %get3A_280 = arith.constant 1 : i32
            %get3A_281 = arith.index_cast %get3A_280 : i32 to index
            %get3A_282 = arith.index_cast %multiple_of3A : i32 to index
            %get3A_283 = tpu.vector_load %arg11[%get3A_281, %get3A_282] {strides = array<i32>} : memref<32x256xf32, #tpu.memory_space<vmem>>, vector<16xf32>,
            %max3A_284 = arith.maximumf %broadcast_in_dim3A_262, %get3A_283 : vector<16xf32>
            %add3A_285 = arith.addf %broadcast_in_dim3A_270, %get3A_283 : vector<16xf32>
            %get3A_286 = arith.constant 2 : i32
            %get3A_287 = arith.index_cast %get3A_286 : i32 to index
            %get3A_288 = arith.index_cast %multiple_of3A : i32 to index
            %get3A_289 = tpu.vector_load %arg11[%get3A_287, %get3A_288] {strides = array<i32>} : memref<32x256xf32, #tpu.memory_space<vmem>>, vector<16xf32>,
            %max3A_290 = arith.maximumf %broadcast_in_dim3A_264, %get3A_289 : vector<16xf32>
            %add3A_291 = arith.addf %broadcast_in_dim3A_272, %get3A_289 : vector<16xf32>
            %get3A_292 = arith.constant 3 : i32
            %get3A_293 = arith.index_cast %get3A_292 : i32 to index
            %get3A_294 = arith.index_cast %multiple_of3A : i32 to index
            %get3A_295 = tpu.vector_load %arg11[%get3A_293, %get3A_294] {strides = array<i32>} : memref<32x256xf32, #tpu.memory_space<vmem>>, vector<16xf32>,
            %max3A_296 = arith.maximumf %broadcast_in_dim3A_266, %get3A_295 : vector<16xf32>
            %add3A_297 = arith.addf %broadcast_in_dim3A_274, %get3A_295 : vector<16xf32>
            %get3A_298 = arith.constant 4 : i32
            %get3A_299 = arith.index_cast %get3A_298 : i32 to index
            %get3A_300 = arith.index_cast %multiple_of3A : i32 to index
            %get3A_301 = tpu.vector_load %arg11[%get3A_299, %get3A_300] {strides = array<i32>} : memref<32x256xf32, #tpu.memory_space<vmem>>, vector<16xf32>,
            %max3A_302 = arith.maximumf %max3A_278, %get3A_301 : vector<16xf32>
            %add3A_303 = arith.addf %add3A_279, %get3A_301 : vector<16xf32>
            %get3A_304 = arith.constant 5 : i32
            %get3A_305 = arith.index_cast %get3A_304 : i32 to index
            %get3A_306 = arith.index_cast %multiple_of3A : i32 to index
            %get3A_307 = tpu.vector_load %arg11[%get3A_305, %get3A_306] {strides = array<i32>} : memref<32x256xf32, #tpu.memory_space<vmem>>, vector<16xf32>,
            %max3A_308 = arith.maximumf %max3A_284, %get3A_307 : vector<16xf32>
            %add3A_309 = arith.addf %add3A_285, %get3A_307 : vector<16xf32>
            %get3A_310 = arith.constant 6 : i32
            %get3A_311 = arith.index_cast %get3A_310 : i32 to index
            %get3A_312 = arith.index_cast %multiple_of3A : i32 to index
            %get3A_313 = tpu.vector_load %arg11[%get3A_311, %get3A_312] {strides = array<i32>} : memref<32x256xf32, #tpu.memory_space<vmem>>, vector<16xf32>,
            %max3A_314 = arith.maximumf %max3A_290, %get3A_313 : vector<16xf32>
            %add3A_315 = arith.addf %add3A_291, %get3A_313 : vector<16xf32>
            %get3A_316 = arith.constant 7 : i32
            %get3A_317 = arith.index_cast %get3A_316 : i32 to index
            %get3A_318 = arith.index_cast %multiple_of3A : i32 to index
            %get3A_319 = tpu.vector_load %arg11[%get3A_317, %get3A_318] {strides = array<i32>} : memref<32x256xf32, #tpu.memory_space<vmem>>, vector<16xf32>,
            %max3A_320 = arith.maximumf %max3A_296, %get3A_319 : vector<16xf32>
            %add3A_321 = arith.addf %add3A_297, %get3A_319 : vector<16xf32>
            %get3A_322 = arith.constant 8 : i32
            %get3A_323 = arith.index_cast %get3A_322 : i32 to index
            %get3A_324 = arith.index_cast %multiple_of3A : i32 to index
            %get3A_325 = tpu.vector_load %arg11[%get3A_323, %get3A_324] {strides = array<i32>} : memref<32x256xf32, #tpu.memory_space<vmem>>, vector<16xf32>,
            %max3A_326 = arith.maximumf %max3A_302, %get3A_325 : vector<16xf32>
            %add3A_327 = arith.addf %add3A_303, %get3A_325 : vector<16xf32>
            %get3A_328 = arith.constant 9 : i32
            %get3A_329 = arith.index_cast %get3A_328 : i32 to index
            %get3A_330 = arith.index_cast %multiple_of3A : i32 to index
            %get3A_331 = tpu.vector_load %arg11[%get3A_329, %get3A_330] {strides = array<i32>} : memref<32x256xf32, #tpu.memory_space<vmem>>, vector<16xf32>,
            %max3A_332 = arith.maximumf %max3A_308, %get3A_331 : vector<16xf32>
            %add3A_333 = arith.addf %add3A_309, %get3A_331 : vector<16xf32>
            %get3A_334 = arith.constant 10 : i32
            %get3A_335 = arith.index_cast %get3A_334 : i32 to index
            %get3A_336 = arith.index_cast %multiple_of3A : i32 to index
            %get3A_337 = tpu.vector_load %arg11[%get3A_335, %get3A_336] {strides = array<i32>} : memref<32x256xf32, #tpu.memory_space<vmem>>, vector<16xf32>,
            %max3A_338 = arith.maximumf %max3A_314, %get3A_337 : vector<16xf32>
            %add3A_339 = arith.addf %add3A_315, %get3A_337 : vector<16xf32>
            %get3A_340 = arith.constant 11 : i32
            %get3A_341 = arith.index_cast %get3A_340 : i32 to index
            %get3A_342 = arith.index_cast %multiple_of3A : i32 to index
            %get3A_343 = tpu.vector_load %arg11[%get3A_341, %get3A_342] {strides = array<i32>} : memref<32x256xf32, #tpu.memory_space<vmem>>, vector<16xf32>,
            %max3A_344 = arith.maximumf %max3A_320, %get3A_343 : vector<16xf32>
            %add3A_345 = arith.addf %add3A_321, %get3A_343 : vector<16xf32>
            %get3A_346 = arith.constant 12 : i32
            %get3A_347 = arith.index_cast %get3A_346 : i32 to index
            %get3A_348 = arith.index_cast %multiple_of3A : i32 to index
            %get3A_349 = tpu.vector_load %arg11[%get3A_347, %get3A_348] {strides = array<i32>} : memref<32x256xf32, #tpu.memory_space<vmem>>, vector<16xf32>,
            %max3A_350 = arith.maximumf %max3A_326, %get3A_349 : vector<16xf32>
            %add3A_351 = arith.addf %add3A_327, %get3A_349 : vector<16xf32>
            %get3A_352 = arith.constant 13 : i32
            %get3A_353 = arith.index_cast %get3A_352 : i32 to index
            %get3A_354 = arith.index_cast %multiple_of3A : i32 to index
            %get3A_355 = tpu.vector_load %arg11[%get3A_353, %get3A_354] {strides = array<i32>} : memref<32x256xf32, #tpu.memory_space<vmem>>, vector<16xf32>,
            %max3A_356 = arith.maximumf %max3A_332, %get3A_355 : vector<16xf32>
            %add3A_357 = arith.addf %add3A_333, %get3A_355 : vector<16xf32>
            %get3A_358 = arith.constant 14 : i32
            %get3A_359 = arith.index_cast %get3A_358 : i32 to index
            %get3A_360 = arith.index_cast %multiple_of3A : i32 to index
            %get3A_361 = tpu.vector_load %arg11[%get3A_359, %get3A_360] {strides = array<i32>} : memref<32x256xf32, #tpu.memory_space<vmem>>, vector<16xf32>,
            %max3A_362 = arith.maximumf %max3A_338, %get3A_361 : vector<16xf32>
            %add3A_363 = arith.addf %add3A_339, %get3A_361 : vector<16xf32>
            %get3A_364 = arith.constant 15 : i32
            %get3A_365 = arith.index_cast %get3A_364 : i32 to index
            %get3A_366 = arith.index_cast %multiple_of3A : i32 to index
            %get3A_367 = tpu.vector_load %arg11[%get3A_365, %get3A_366] {strides = array<i32>} : memref<32x256xf32, #tpu.memory_space<vmem>>, vector<16xf32>,
            %max3A_368 = arith.maximumf %max3A_344, %get3A_367 : vector<16xf32>
            %add3A_369 = arith.addf %add3A_345, %get3A_367 : vector<16xf32>
            %get3A_370 = arith.constant 16 : i32
            %get3A_371 = arith.index_cast %get3A_370 : i32 to index
            %get3A_372 = arith.index_cast %multiple_of3A : i32 to index
            %get3A_373 = tpu.vector_load %arg11[%get3A_371, %get3A_372] {strides = array<i32>} : memref<32x256xf32, #tpu.memory_space<vmem>>, vector<16xf32>,
            %max3A_374 = arith.maximumf %max3A_350, %get3A_373 : vector<16xf32>
            %add3A_375 = arith.addf %add3A_351, %get3A_373 : vector<16xf32>
            %get3A_376 = arith.constant 17 : i32
            %get3A_377 = arith.index_cast %get3A_376 : i32 to index
            %get3A_378 = arith.index_cast %multiple_of3A : i32 to index
            %get3A_379 = tpu.vector_load %arg11[%get3A_377, %get3A_378] {strides = array<i32>} : memref<32x256xf32, #tpu.memory_space<vmem>>, vector<16xf32>,
            %max3A_380 = arith.maximumf %max3A_356, %get3A_379 : vector<16xf32>
            %add3A_381 = arith.addf %add3A_357, %get3A_379 : vector<16xf32>
            %get3A_382 = arith.constant 18 : i32
            %get3A_383 = arith.index_cast %get3A_382 : i32 to index
            %get3A_384 = arith.index_cast %multiple_of3A : i32 to index
            %get3A_385 = tpu.vector_load %arg11[%get3A_383, %get3A_384] {strides = array<i32>} : memref<32x256xf32, #tpu.memory_space<vmem>>, vector<16xf32>,
            %max3A_386 = arith.maximumf %max3A_362, %get3A_385 : vector<16xf32>
            %add3A_387 = arith.addf %add3A_363, %get3A_385 : vector<16xf32>
            %get3A_388 = arith.constant 19 : i32
            %get3A_389 = arith.index_cast %get3A_388 : i32 to index
            %get3A_390 = arith.index_cast %multiple_of3A : i32 to index
            %get3A_391 = tpu.vector_load %arg11[%get3A_389, %get3A_390] {strides = array<i32>} : memref<32x256xf32, #tpu.memory_space<vmem>>, vector<16xf32>,
            %max3A_392 = arith.maximumf %max3A_368, %get3A_391 : vector<16xf32>
            %add3A_393 = arith.addf %add3A_369, %get3A_391 : vector<16xf32>
            %get3A_394 = arith.constant 20 : i32
            %get3A_395 = arith.index_cast %get3A_394 : i32 to index
            %get3A_396 = arith.index_cast %multiple_of3A : i32 to index
            %get3A_397 = tpu.vector_load %arg11[%get3A_395, %get3A_396] {strides = array<i32>} : memref<32x256xf32, #tpu.memory_space<vmem>>, vector<16xf32>,
            %max3A_398 = arith.maximumf %max3A_374, %get3A_397 : vector<16xf32>
            %add3A_399 = arith.addf %add3A_375, %get3A_397 : vector<16xf32>
            %get3A_400 = arith.constant 21 : i32
            %get3A_401 = arith.index_cast %get3A_400 : i32 to index
            %get3A_402 = arith.index_cast %multiple_of3A : i32 to index
            %get3A_403 = tpu.vector_load %arg11[%get3A_401, %get3A_402] {strides = array<i32>} : memref<32x256xf32, #tpu.memory_space<vmem>>, vector<16xf32>,
            %max3A_404 = arith.maximumf %max3A_380, %get3A_403 : vector<16xf32>
            %add3A_405 = arith.addf %add3A_381, %get3A_403 : vector<16xf32>
            %get3A_406 = arith.constant 22 : i32
            %get3A_407 = arith.index_cast %get3A_406 : i32 to index
            %get3A_408 = arith.index_cast %multiple_of3A : i32 to index
            %get3A_409 = tpu.vector_load %arg11[%get3A_407, %get3A_408] {strides = array<i32>} : memref<32x256xf32, #tpu.memory_space<vmem>>, vector<16xf32>,
            %max3A_410 = arith.maximumf %max3A_386, %get3A_409 : vector<16xf32>
            %add3A_411 = arith.addf %add3A_387, %get3A_409 : vector<16xf32>
            %get3A_412 = arith.constant 23 : i32
            %get3A_413 = arith.index_cast %get3A_412 : i32 to index
            %get3A_414 = arith.index_cast %multiple_of3A : i32 to index
            %get3A_415 = tpu.vector_load %arg11[%get3A_413, %get3A_414] {strides = array<i32>} : memref<32x256xf32, #tpu.memory_space<vmem>>, vector<16xf32>,
            %max3A_416 = arith.maximumf %max3A_392, %get3A_415 : vector<16xf32>
            %add3A_417 = arith.addf %add3A_393, %get3A_415 : vector<16xf32>
            %get3A_418 = arith.constant 24 : i32
            %get3A_419 = arith.index_cast %get3A_418 : i32 to index
            %get3A_420 = arith.index_cast %multiple_of3A : i32 to index
            %get3A_421 = tpu.vector_load %arg11[%get3A_419, %get3A_420] {strides = array<i32>} : memref<32x256xf32, #tpu.memory_space<vmem>>, vector<16xf32>,
            %max3A_422 = arith.maximumf %max3A_398, %get3A_421 : vector<16xf32>
            %add3A_423 = arith.addf %add3A_399, %get3A_421 : vector<16xf32>
            %get3A_424 = arith.constant 25 : i32
            %get3A_425 = arith.index_cast %get3A_424 : i32 to index
            %get3A_426 = arith.index_cast %multiple_of3A : i32 to index
            %get3A_427 = tpu.vector_load %arg11[%get3A_425, %get3A_426] {strides = array<i32>} : memref<32x256xf32, #tpu.memory_space<vmem>>, vector<16xf32>,
            %max3A_428 = arith.maximumf %max3A_404, %get3A_427 : vector<16xf32>
            %add3A_429 = arith.addf %add3A_405, %get3A_427 : vector<16xf32>
            %get3A_430 = arith.constant 26 : i32
            %get3A_431 = arith.index_cast %get3A_430 : i32 to index
            %get3A_432 = arith.index_cast %multiple_of3A : i32 to index
            %get3A_433 = tpu.vector_load %arg11[%get3A_431, %get3A_432] {strides = array<i32>} : memref<32x256xf32, #tpu.memory_space<vmem>>, vector<16xf32>,
            %max3A_434 = arith.maximumf %max3A_410, %get3A_433 : vector<16xf32>
            %add3A_435 = arith.addf %add3A_411, %get3A_433 : vector<16xf32>
            %get3A_436 = arith.constant 27 : i32
            %get3A_437 = arith.index_cast %get3A_436 : i32 to index
            %get3A_438 = arith.index_cast %multiple_of3A : i32 to index
            %get3A_439 = tpu.vector_load %arg11[%get3A_437, %get3A_438] {strides = array<i32>} : memref<32x256xf32, #tpu.memory_space<vmem>>, vector<16xf32>,
            %max3A_440 = arith.maximumf %max3A_416, %get3A_439 : vector<16xf32>
            %add3A_441 = arith.addf %add3A_417, %get3A_439 : vector<16xf32>
            %get3A_442 = arith.constant 28 : i32
            %get3A_443 = arith.index_cast %get3A_442 : i32 to index
            %get3A_444 = arith.index_cast %multiple_of3A : i32 to index
            %get3A_445 = tpu.vector_load %arg11[%get3A_443, %get3A_444] {strides = array<i32>} : memref<32x256xf32, #tpu.memory_space<vmem>>, vector<16xf32>,
            %max3A_446 = arith.maximumf %max3A_422, %get3A_445 : vector<16xf32>
            %add3A_447 = arith.addf %add3A_423, %get3A_445 : vector<16xf32>
            %get3A_448 = arith.constant 29 : i32
            %get3A_449 = arith.index_cast %get3A_448 : i32 to index
            %get3A_450 = arith.index_cast %multiple_of3A : i32 to index
            %get3A_451 = tpu.vector_load %arg11[%get3A_449, %get3A_450] {strides = array<i32>} : memref<32x256xf32, #tpu.memory_space<vmem>>, vector<16xf32>,
            %max3A_452 = arith.maximumf %max3A_428, %get3A_451 : vector<16xf32>
            %add3A_453 = arith.addf %add3A_429, %get3A_451 : vector<16xf32>
            %get3A_454 = arith.constant 30 : i32
            %get3A_455 = arith.index_cast %get3A_454 : i32 to index
            %get3A_456 = arith.index_cast %multiple_of3A : i32 to index
            %get3A_457 = tpu.vector_load %arg11[%get3A_455, %get3A_456] {strides = array<i32>} : memref<32x256xf32, #tpu.memory_space<vmem>>, vector<16xf32>,
            %max3A_458 = arith.maximumf %max3A_434, %get3A_457 : vector<16xf32>
            %add3A_459 = arith.addf %add3A_435, %get3A_457 : vector<16xf32>
            %get3A_460 = arith.constant 31 : i32
            %get3A_461 = arith.index_cast %get3A_460 : i32 to index
            %get3A_462 = arith.index_cast %multiple_of3A : i32 to index
            %get3A_463 = tpu.vector_load %arg11[%get3A_461, %get3A_462] {strides = array<i32>} : memref<32x256xf32, #tpu.memory_space<vmem>>, vector<16xf32>,
            %max3A_464 = arith.maximumf %max3A_440, %get3A_463 : vector<16xf32>
            %add3A_465 = arith.addf %add3A_441, %get3A_463 : vector<16xf32>
            %max3A_466 = arith.maximumf %max3A_446, %max3A_452 : vector<16xf32>
            %add3A_467 = arith.addf %add3A_447, %add3A_453 : vector<16xf32>
            %max3A_468 = arith.maximumf %max3A_466, %max3A_458 : vector<16xf32>
            %add3A_469 = arith.addf %add3A_467, %add3A_459 : vector<16xf32>
            %max3A_470 = arith.maximumf %max3A_468, %max3A_464 : vector<16xf32>
            %add3A_471 = arith.addf %add3A_469, %add3A_465 : vector<16xf32>
            %get3A_472 = arith.index_cast %scan3A_39 : i32 to index
            %get3A_473 = arith.index_cast %multiple_of3A : i32 to index
            %get3A_474 = tpu.vector_load %arg15[%get3A_472, %get3A_473] {strides = array<i32>} : memref<16x256xf32, #tpu.memory_space<vmem>>, vector<16xf32>,
            %max3A_475 = arith.maximumf %get3A_474, %max3A_470 : vector<16xf32>
            %swap3A = arith.index_cast %scan3A_39 : i32 to index
            %swap3A_476 = arith.index_cast %multiple_of3A : i32 to index
            %swap3A_477 = tpu.vector_load %arg15[%swap3A, %swap3A_476] {strides = array<i32>} : memref<16x256xf32, #tpu.memory_space<vmem>>, vector<16xf32>,
            tpu.vector_store %arg15[%swap3A, %swap3A_476], %max3A_475 {strides = array<i32>} : memref<16x256xf32, #tpu.memory_space<vmem>>, vector<16xf32>,
            %get3A_478 = arith.index_cast %scan3A_39 : i32 to index
            %get3A_479 = arith.index_cast %multiple_of3A : i32 to index
            %get3A_480 = tpu.vector_load %arg16[%get3A_478, %get3A_479] {strides = array<i32>} : memref<16x256xf32, #tpu.memory_space<vmem>>, vector<16xf32>,
            %add3A_481 = arith.addf %get3A_480, %add3A_471 : vector<16xf32>
            %swap3A_482 = arith.index_cast %scan3A_39 : i32 to index
            %swap3A_483 = arith.index_cast %multiple_of3A : i32 to index
            %swap3A_484 = tpu.vector_load %arg16[%swap3A_482, %swap3A_483] {strides = array<i32>} : memref<16x256xf32, #tpu.memory_space<vmem>>, vector<16xf32>,
            tpu.vector_store %arg16[%swap3A_482, %swap3A_483], %add3A_481 {strides = array<i32>} : memref<16x256xf32, #tpu.memory_space<vmem>>, vector<16xf32>,
            %scan3A_485 = arith.constant 0 : i32
            scf.yield %scan3A_485 : i32
          }
          %scan3A_246 = arith.constant 16 : i32
          %add3A_247 = arith.constant 3 : i32
          %add3A_248 = arith.addi %mul3A_197, %add3A_247 : i32
          %add3A_249 = arith.constant 6 : i32
          %add3A_250 = arith.addi %add3A_248, %add3A_249 : i32
          %lt3A_251 = arith.cmpi slt, %add3A_250, %div3A_62 : i32
          %convert_element_type3A_252 = arith.extui %lt3A_251 : i1 to i32
          %cond3A_253 = arith.constant 0 : i32
          %cond3A_254 = arith.cmpi ne, %convert_element_type3A_252, %cond3A_253 : i32
          scf.if %cond3A_254 {
            %add3A_255 = arith.constant 3 : i32
            %add3A_256 = arith.addi %mul3A_197, %add3A_255 : i32
            %add3A_257 = arith.constant 6 : i32
            %add3A_258 = arith.addi %add3A_256, %add3A_257 : i32
            %mul3A_259 = arith.constant 32 : i32
            %mul3A_260 = arith.muli %add3A_258, %mul3A_259 : i32
            %add3A_261 = arith.addi %mul3A_59, %mul3A_260 : i32
            %multiple_of3A = tpu.assume_multiple %add3A_261, 8 : i32
            %dma_start3A = arith.constant 0 : i32
            %dma_start3A_262 = tpu.memref_slice %arg3[%multiple_of3A, %dma_start3A] : memref<50000x256xf32, #tpu.memory_space<hbm>> -> memref<32x256xf32, #tpu.memory_space<hbm>>
            %dma_start3A_263 = arith.constant 0 : i32
            %dma_start3A_264 = tpu.memref_slice %arg3[%multiple_of3A, %dma_start3A_263] : memref<50000x256xf32, #tpu.memory_space<hbm>> -> memref<32x256xf32, #tpu.memory_space<hbm>>
            tpu.enqueue_dma source(%dma_start3A_264 : memref<32x256xf32, #tpu.memory_space<hbm>>) target(%arg11 : memref<32x256xf32, #tpu.memory_space<vmem>>) target_semaphore(%arg21 : memref<!tpu.dma_semaphore, #tpu.memory_space<semaphore_mem>>)
          } else {
          }
        } else {
        }
        %add3A_222 = arith.constant 4 : i32
        %add3A_223 = arith.addi %mul3A_197, %add3A_222 : i32
        %lt3A_224 = arith.cmpi slt, %add3A_223, %div3A_62 : i32
        %convert_element_type3A_225 = arith.extui %lt3A_224 : i1 to i32
        %cond3A_226 = arith.constant 0 : i32
        %cond3A_227 = arith.cmpi ne, %convert_element_type3A_225, %cond3A_226 : i32
        scf.if %cond3A_227 {
          %dma_wait3A = arith.constant 0 : i32
          %dma_wait3A_235 = arith.constant 0 : i32
          %dma_wait3A_236 = tpu.memref_slice %arg3[%dma_wait3A, %dma_wait3A_235] : memref<50000x256xf32, #tpu.memory_space<hbm>> -> memref<32x256xf32, #tpu.memory_space<hbm>>
          %dma_wait3A_237 = arith.constant 0 : i32
          %dma_wait3A_238 = arith.constant 0 : i32
          %dma_wait3A_239 = tpu.memref_slice %arg3[%dma_wait3A_237, %dma_wait3A_238] : memref<50000x256xf32, #tpu.memory_space<hbm>> -> memref<32x256xf32, #tpu.memory_space<hbm>>
          tpu.wait_dma2 semaphore(%arg22 : memref<!tpu.dma_semaphore, #tpu.memory_space<semaphore_mem>>) src(%dma_wait3A_239 : memref<32x256xf32, #tpu.memory_space<hbm>>) dst(%arg12 : memref<32x256xf32, #tpu.memory_space<vmem>>)
          %scan3A_240 = arith.constant 0 : i32
          %scan3A_241 = arith.constant 0 : i32
          %scan3A_242 = arith.constant 16 : i32
          %scan3A_243 = arith.addi %scan3A_241, %scan3A_242 : i32
          %scan3A_244 = arith.constant 1 : i32
          %scan3A_245 = scf.for %scan3A_255 = %scan3A_241 to %scan3A_243 step %scan3A_244 iter_args(%scan3A_256 = %scan3A_240) -> (i32)  : i32 {
            %mul3A_257 = arith.constant 16 : i32
            %mul3A_258 = arith.muli %scan3A_255, %mul3A_257 : i32
            %multiple_of3A = tpu.assume_multiple %mul3A_258, 16 : i32
            %broadcast_in_dim3A_259 = arith.constant 0xFF800000 : f32
            %broadcast_in_dim3A_260 = vector.broadcast %broadcast_in_dim3A_259 : f32 to vector<16xf32>
            %broadcast_in_dim3A_261 = arith.constant 0xFF800000 : f32
            %broadcast_in_dim3A_262 = vector.broadcast %broadcast_in_dim3A_261 : f32 to vector<16xf32>
            %broadcast_in_dim3A_263 = arith.constant 0xFF800000 : f32
            %broadcast_in_dim3A_264 = vector.broadcast %broadcast_in_dim3A_263 : f32 to vector<16xf32>
            %broadcast_in_dim3A_265 = arith.constant 0xFF800000 : f32
            %broadcast_in_dim3A_266 = vector.broadcast %broadcast_in_dim3A_265 : f32 to vector<16xf32>
            %broadcast_in_dim3A_267 = arith.constant 0.000000e+00 : f32
            %broadcast_in_dim3A_268 = vector.broadcast %broadcast_in_dim3A_267 : f32 to vector<16xf32>
            %broadcast_in_dim3A_269 = arith.constant 0.000000e+00 : f32
            %broadcast_in_dim3A_270 = vector.broadcast %broadcast_in_dim3A_269 : f32 to vector<16xf32>
            %broadcast_in_dim3A_271 = arith.constant 0.000000e+00 : f32
            %broadcast_in_dim3A_272 = vector.broadcast %broadcast_in_dim3A_271 : f32 to vector<16xf32>
            %broadcast_in_dim3A_273 = arith.constant 0.000000e+00 : f32
            %broadcast_in_dim3A_274 = vector.broadcast %broadcast_in_dim3A_273 : f32 to vector<16xf32>
            %get3A = arith.constant 0 : i32
            %get3A_275 = arith.index_cast %get3A : i32 to index
            %get3A_276 = arith.index_cast %multiple_of3A : i32 to index
            %get3A_277 = tpu.vector_load %arg12[%get3A_275, %get3A_276] {strides = array<i32>} : memref<32x256xf32, #tpu.memory_space<vmem>>, vector<16xf32>,
            %max3A_278 = arith.maximumf %broadcast_in_dim3A_260, %get3A_277 : vector<16xf32>
            %add3A_279 = arith.addf %broadcast_in_dim3A_268, %get3A_277 : vector<16xf32>
            %get3A_280 = arith.constant 1 : i32
            %get3A_281 = arith.index_cast %get3A_280 : i32 to index
            %get3A_282 = arith.index_cast %multiple_of3A : i32 to index
            %get3A_283 = tpu.vector_load %arg12[%get3A_281, %get3A_282] {strides = array<i32>} : memref<32x256xf32, #tpu.memory_space<vmem>>, vector<16xf32>,
            %max3A_284 = arith.maximumf %broadcast_in_dim3A_262, %get3A_283 : vector<16xf32>
            %add3A_285 = arith.addf %broadcast_in_dim3A_270, %get3A_283 : vector<16xf32>
            %get3A_286 = arith.constant 2 : i32
            %get3A_287 = arith.index_cast %get3A_286 : i32 to index
            %get3A_288 = arith.index_cast %multiple_of3A : i32 to index
            %get3A_289 = tpu.vector_load %arg12[%get3A_287, %get3A_288] {strides = array<i32>} : memref<32x256xf32, #tpu.memory_space<vmem>>, vector<16xf32>,
            %max3A_290 = arith.maximumf %broadcast_in_dim3A_264, %get3A_289 : vector<16xf32>
            %add3A_291 = arith.addf %broadcast_in_dim3A_272, %get3A_289 : vector<16xf32>
            %get3A_292 = arith.constant 3 : i32
            %get3A_293 = arith.index_cast %get3A_292 : i32 to index
            %get3A_294 = arith.index_cast %multiple_of3A : i32 to index
            %get3A_295 = tpu.vector_load %arg12[%get3A_293, %get3A_294] {strides = array<i32>} : memref<32x256xf32, #tpu.memory_space<vmem>>, vector<16xf32>,
            %max3A_296 = arith.maximumf %broadcast_in_dim3A_266, %get3A_295 : vector<16xf32>
            %add3A_297 = arith.addf %broadcast_in_dim3A_274, %get3A_295 : vector<16xf32>
            %get3A_298 = arith.constant 4 : i32
            %get3A_299 = arith.index_cast %get3A_298 : i32 to index
            %get3A_300 = arith.index_cast %multiple_of3A : i32 to index
            %get3A_301 = tpu.vector_load %arg12[%get3A_299, %get3A_300] {strides = array<i32>} : memref<32x256xf32, #tpu.memory_space<vmem>>, vector<16xf32>,
            %max3A_302 = arith.maximumf %max3A_278, %get3A_301 : vector<16xf32>
            %add3A_303 = arith.addf %add3A_279, %get3A_301 : vector<16xf32>
            %get3A_304 = arith.constant 5 : i32
            %get3A_305 = arith.index_cast %get3A_304 : i32 to index
            %get3A_306 = arith.index_cast %multiple_of3A : i32 to index
            %get3A_307 = tpu.vector_load %arg12[%get3A_305, %get3A_306] {strides = array<i32>} : memref<32x256xf32, #tpu.memory_space<vmem>>, vector<16xf32>,
            %max3A_308 = arith.maximumf %max3A_284, %get3A_307 : vector<16xf32>
            %add3A_309 = arith.addf %add3A_285, %get3A_307 : vector<16xf32>
            %get3A_310 = arith.constant 6 : i32
            %get3A_311 = arith.index_cast %get3A_310 : i32 to index
            %get3A_312 = arith.index_cast %multiple_of3A : i32 to index
            %get3A_313 = tpu.vector_load %arg12[%get3A_311, %get3A_312] {strides = array<i32>} : memref<32x256xf32, #tpu.memory_space<vmem>>, vector<16xf32>,
            %max3A_314 = arith.maximumf %max3A_290, %get3A_313 : vector<16xf32>
            %add3A_315 = arith.addf %add3A_291, %get3A_313 : vector<16xf32>
            %get3A_316 = arith.constant 7 : i32
            %get3A_317 = arith.index_cast %get3A_316 : i32 to index
            %get3A_318 = arith.index_cast %multiple_of3A : i32 to index
            %get3A_319 = tpu.vector_load %arg12[%get3A_317, %get3A_318] {strides = array<i32>} : memref<32x256xf32, #tpu.memory_space<vmem>>, vector<16xf32>,
            %max3A_320 = arith.maximumf %max3A_296, %get3A_319 : vector<16xf32>
            %add3A_321 = arith.addf %add3A_297, %get3A_319 : vector<16xf32>
            %get3A_322 = arith.constant 8 : i32
            %get3A_323 = arith.index_cast %get3A_322 : i32 to index
            %get3A_324 = arith.index_cast %multiple_of3A : i32 to index
            %get3A_325 = tpu.vector_load %arg12[%get3A_323, %get3A_324] {strides = array<i32>} : memref<32x256xf32, #tpu.memory_space<vmem>>, vector<16xf32>,
            %max3A_326 = arith.maximumf %max3A_302, %get3A_325 : vector<16xf32>
            %add3A_327 = arith.addf %add3A_303, %get3A_325 : vector<16xf32>
            %get3A_328 = arith.constant 9 : i32
            %get3A_329 = arith.index_cast %get3A_328 : i32 to index
            %get3A_330 = arith.index_cast %multiple_of3A : i32 to index
            %get3A_331 = tpu.vector_load %arg12[%get3A_329, %get3A_330] {strides = array<i32>} : memref<32x256xf32, #tpu.memory_space<vmem>>, vector<16xf32>,
            %max3A_332 = arith.maximumf %max3A_308, %get3A_331 : vector<16xf32>
            %add3A_333 = arith.addf %add3A_309, %get3A_331 : vector<16xf32>
            %get3A_334 = arith.constant 10 : i32
            %get3A_335 = arith.index_cast %get3A_334 : i32 to index
            %get3A_336 = arith.index_cast %multiple_of3A : i32 to index
            %get3A_337 = tpu.vector_load %arg12[%get3A_335, %get3A_336] {strides = array<i32>} : memref<32x256xf32, #tpu.memory_space<vmem>>, vector<16xf32>,
            %max3A_338 = arith.maximumf %max3A_314, %get3A_337 : vector<16xf32>
            %add3A_339 = arith.addf %add3A_315, %get3A_337 : vector<16xf32>
            %get3A_340 = arith.constant 11 : i32
            %get3A_341 = arith.index_cast %get3A_340 : i32 to index
            %get3A_342 = arith.index_cast %multiple_of3A : i32 to index
            %get3A_343 = tpu.vector_load %arg12[%get3A_341, %get3A_342] {strides = array<i32>} : memref<32x256xf32, #tpu.memory_space<vmem>>, vector<16xf32>,
            %max3A_344 = arith.maximumf %max3A_320, %get3A_343 : vector<16xf32>
            %add3A_345 = arith.addf %add3A_321, %get3A_343 : vector<16xf32>
            %get3A_346 = arith.constant 12 : i32
            %get3A_347 = arith.index_cast %get3A_346 : i32 to index
            %get3A_348 = arith.index_cast %multiple_of3A : i32 to index
            %get3A_349 = tpu.vector_load %arg12[%get3A_347, %get3A_348] {strides = array<i32>} : memref<32x256xf32, #tpu.memory_space<vmem>>, vector<16xf32>,
            %max3A_350 = arith.maximumf %max3A_326, %get3A_349 : vector<16xf32>
            %add3A_351 = arith.addf %add3A_327, %get3A_349 : vector<16xf32>
            %get3A_352 = arith.constant 13 : i32
            %get3A_353 = arith.index_cast %get3A_352 : i32 to index
            %get3A_354 = arith.index_cast %multiple_of3A : i32 to index
            %get3A_355 = tpu.vector_load %arg12[%get3A_353, %get3A_354] {strides = array<i32>} : memref<32x256xf32, #tpu.memory_space<vmem>>, vector<16xf32>,
            %max3A_356 = arith.maximumf %max3A_332, %get3A_355 : vector<16xf32>
            %add3A_357 = arith.addf %add3A_333, %get3A_355 : vector<16xf32>
            %get3A_358 = arith.constant 14 : i32
            %get3A_359 = arith.index_cast %get3A_358 : i32 to index
            %get3A_360 = arith.index_cast %multiple_of3A : i32 to index
            %get3A_361 = tpu.vector_load %arg12[%get3A_359, %get3A_360] {strides = array<i32>} : memref<32x256xf32, #tpu.memory_space<vmem>>, vector<16xf32>,
            %max3A_362 = arith.maximumf %max3A_338, %get3A_361 : vector<16xf32>
            %add3A_363 = arith.addf %add3A_339, %get3A_361 : vector<16xf32>
            %get3A_364 = arith.constant 15 : i32
            %get3A_365 = arith.index_cast %get3A_364 : i32 to index
            %get3A_366 = arith.index_cast %multiple_of3A : i32 to index
            %get3A_367 = tpu.vector_load %arg12[%get3A_365, %get3A_366] {strides = array<i32>} : memref<32x256xf32, #tpu.memory_space<vmem>>, vector<16xf32>,
            %max3A_368 = arith.maximumf %max3A_344, %get3A_367 : vector<16xf32>
            %add3A_369 = arith.addf %add3A_345, %get3A_367 : vector<16xf32>
            %get3A_370 = arith.constant 16 : i32
            %get3A_371 = arith.index_cast %get3A_370 : i32 to index
            %get3A_372 = arith.index_cast %multiple_of3A : i32 to index
            %get3A_373 = tpu.vector_load %arg12[%get3A_371, %get3A_372] {strides = array<i32>} : memref<32x256xf32, #tpu.memory_space<vmem>>, vector<16xf32>,
            %max3A_374 = arith.maximumf %max3A_350, %get3A_373 : vector<16xf32>
            %add3A_375 = arith.addf %add3A_351, %get3A_373 : vector<16xf32>
            %get3A_376 = arith.constant 17 : i32
            %get3A_377 = arith.index_cast %get3A_376 : i32 to index
            %get3A_378 = arith.index_cast %multiple_of3A : i32 to index
            %get3A_379 = tpu.vector_load %arg12[%get3A_377, %get3A_378] {strides = array<i32>} : memref<32x256xf32, #tpu.memory_space<vmem>>, vector<16xf32>,
            %max3A_380 = arith.maximumf %max3A_356, %get3A_379 : vector<16xf32>
            %add3A_381 = arith.addf %add3A_357, %get3A_379 : vector<16xf32>
            %get3A_382 = arith.constant 18 : i32
            %get3A_383 = arith.index_cast %get3A_382 : i32 to index
            %get3A_384 = arith.index_cast %multiple_of3A : i32 to index
            %get3A_385 = tpu.vector_load %arg12[%get3A_383, %get3A_384] {strides = array<i32>} : memref<32x256xf32, #tpu.memory_space<vmem>>, vector<16xf32>,
            %max3A_386 = arith.maximumf %max3A_362, %get3A_385 : vector<16xf32>
            %add3A_387 = arith.addf %add3A_363, %get3A_385 : vector<16xf32>
            %get3A_388 = arith.constant 19 : i32
            %get3A_389 = arith.index_cast %get3A_388 : i32 to index
            %get3A_390 = arith.index_cast %multiple_of3A : i32 to index
            %get3A_391 = tpu.vector_load %arg12[%get3A_389, %get3A_390] {strides = array<i32>} : memref<32x256xf32, #tpu.memory_space<vmem>>, vector<16xf32>,
            %max3A_392 = arith.maximumf %max3A_368, %get3A_391 : vector<16xf32>
            %add3A_393 = arith.addf %add3A_369, %get3A_391 : vector<16xf32>
            %get3A_394 = arith.constant 20 : i32
            %get3A_395 = arith.index_cast %get3A_394 : i32 to index
            %get3A_396 = arith.index_cast %multiple_of3A : i32 to index
            %get3A_397 = tpu.vector_load %arg12[%get3A_395, %get3A_396] {strides = array<i32>} : memref<32x256xf32, #tpu.memory_space<vmem>>, vector<16xf32>,
            %max3A_398 = arith.maximumf %max3A_374, %get3A_397 : vector<16xf32>
            %add3A_399 = arith.addf %add3A_375, %get3A_397 : vector<16xf32>
            %get3A_400 = arith.constant 21 : i32
            %get3A_401 = arith.index_cast %get3A_400 : i32 to index
            %get3A_402 = arith.index_cast %multiple_of3A : i32 to index
            %get3A_403 = tpu.vector_load %arg12[%get3A_401, %get3A_402] {strides = array<i32>} : memref<32x256xf32, #tpu.memory_space<vmem>>, vector<16xf32>,
            %max3A_404 = arith.maximumf %max3A_380, %get3A_403 : vector<16xf32>
            %add3A_405 = arith.addf %add3A_381, %get3A_403 : vector<16xf32>
            %get3A_406 = arith.constant 22 : i32
            %get3A_407 = arith.index_cast %get3A_406 : i32 to index
            %get3A_408 = arith.index_cast %multiple_of3A : i32 to index
            %get3A_409 = tpu.vector_load %arg12[%get3A_407, %get3A_408] {strides = array<i32>} : memref<32x256xf32, #tpu.memory_space<vmem>>, vector<16xf32>,
            %max3A_410 = arith.maximumf %max3A_386, %get3A_409 : vector<16xf32>
            %add3A_411 = arith.addf %add3A_387, %get3A_409 : vector<16xf32>
            %get3A_412 = arith.constant 23 : i32
            %get3A_413 = arith.index_cast %get3A_412 : i32 to index
            %get3A_414 = arith.index_cast %multiple_of3A : i32 to index
            %get3A_415 = tpu.vector_load %arg12[%get3A_413, %get3A_414] {strides = array<i32>} : memref<32x256xf32, #tpu.memory_space<vmem>>, vector<16xf32>,
            %max3A_416 = arith.maximumf %max3A_392, %get3A_415 : vector<16xf32>
            %add3A_417 = arith.addf %add3A_393, %get3A_415 : vector<16xf32>
            %get3A_418 = arith.constant 24 : i32
            %get3A_419 = arith.index_cast %get3A_418 : i32 to index
            %get3A_420 = arith.index_cast %multiple_of3A : i32 to index
            %get3A_421 = tpu.vector_load %arg12[%get3A_419, %get3A_420] {strides = array<i32>} : memref<32x256xf32, #tpu.memory_space<vmem>>, vector<16xf32>,
            %max3A_422 = arith.maximumf %max3A_398, %get3A_421 : vector<16xf32>
            %add3A_423 = arith.addf %add3A_399, %get3A_421 : vector<16xf32>
            %get3A_424 = arith.constant 25 : i32
            %get3A_425 = arith.index_cast %get3A_424 : i32 to index
            %get3A_426 = arith.index_cast %multiple_of3A : i32 to index
            %get3A_427 = tpu.vector_load %arg12[%get3A_425, %get3A_426] {strides = array<i32>} : memref<32x256xf32, #tpu.memory_space<vmem>>, vector<16xf32>,
            %max3A_428 = arith.maximumf %max3A_404, %get3A_427 : vector<16xf32>
            %add3A_429 = arith.addf %add3A_405, %get3A_427 : vector<16xf32>
            %get3A_430 = arith.constant 26 : i32
            %get3A_431 = arith.index_cast %get3A_430 : i32 to index
            %get3A_432 = arith.index_cast %multiple_of3A : i32 to index
            %get3A_433 = tpu.vector_load %arg12[%get3A_431, %get3A_432] {strides = array<i32>} : memref<32x256xf32, #tpu.memory_space<vmem>>, vector<16xf32>,
            %max3A_434 = arith.maximumf %max3A_410, %get3A_433 : vector<16xf32>
            %add3A_435 = arith.addf %add3A_411, %get3A_433 : vector<16xf32>
            %get3A_436 = arith.constant 27 : i32
            %get3A_437 = arith.index_cast %get3A_436 : i32 to index
            %get3A_438 = arith.index_cast %multiple_of3A : i32 to index
            %get3A_439 = tpu.vector_load %arg12[%get3A_437, %get3A_438] {strides = array<i32>} : memref<32x256xf32, #tpu.memory_space<vmem>>, vector<16xf32>,
            %max3A_440 = arith.maximumf %max3A_416, %get3A_439 : vector<16xf32>
            %add3A_441 = arith.addf %add3A_417, %get3A_439 : vector<16xf32>
            %get3A_442 = arith.constant 28 : i32
            %get3A_443 = arith.index_cast %get3A_442 : i32 to index
            %get3A_444 = arith.index_cast %multiple_of3A : i32 to index
            %get3A_445 = tpu.vector_load %arg12[%get3A_443, %get3A_444] {strides = array<i32>} : memref<32x256xf32, #tpu.memory_space<vmem>>, vector<16xf32>,
            %max3A_446 = arith.maximumf %max3A_422, %get3A_445 : vector<16xf32>
            %add3A_447 = arith.addf %add3A_423, %get3A_445 : vector<16xf32>
            %get3A_448 = arith.constant 29 : i32
            %get3A_449 = arith.index_cast %get3A_448 : i32 to index
            %get3A_450 = arith.index_cast %multiple_of3A : i32 to index
            %get3A_451 = tpu.vector_load %arg12[%get3A_449, %get3A_450] {strides = array<i32>} : memref<32x256xf32, #tpu.memory_space<vmem>>, vector<16xf32>,
            %max3A_452 = arith.maximumf %max3A_428, %get3A_451 : vector<16xf32>
            %add3A_453 = arith.addf %add3A_429, %get3A_451 : vector<16xf32>
            %get3A_454 = arith.constant 30 : i32
            %get3A_455 = arith.index_cast %get3A_454 : i32 to index
            %get3A_456 = arith.index_cast %multiple_of3A : i32 to index
            %get3A_457 = tpu.vector_load %arg12[%get3A_455, %get3A_456] {strides = array<i32>} : memref<32x256xf32, #tpu.memory_space<vmem>>, vector<16xf32>,
            %max3A_458 = arith.maximumf %max3A_434, %get3A_457 : vector<16xf32>
            %add3A_459 = arith.addf %add3A_435, %get3A_457 : vector<16xf32>
            %get3A_460 = arith.constant 31 : i32
            %get3A_461 = arith.index_cast %get3A_460 : i32 to index
            %get3A_462 = arith.index_cast %multiple_of3A : i32 to index
            %get3A_463 = tpu.vector_load %arg12[%get3A_461, %get3A_462] {strides = array<i32>} : memref<32x256xf32, #tpu.memory_space<vmem>>, vector<16xf32>,
            %max3A_464 = arith.maximumf %max3A_440, %get3A_463 : vector<16xf32>
            %add3A_465 = arith.addf %add3A_441, %get3A_463 : vector<16xf32>
            %max3A_466 = arith.maximumf %max3A_446, %max3A_452 : vector<16xf32>
            %add3A_467 = arith.addf %add3A_447, %add3A_453 : vector<16xf32>
            %max3A_468 = arith.maximumf %max3A_466, %max3A_458 : vector<16xf32>
            %add3A_469 = arith.addf %add3A_467, %add3A_459 : vector<16xf32>
            %max3A_470 = arith.maximumf %max3A_468, %max3A_464 : vector<16xf32>
            %add3A_471 = arith.addf %add3A_469, %add3A_465 : vector<16xf32>
            %get3A_472 = arith.index_cast %scan3A_39 : i32 to index
            %get3A_473 = arith.index_cast %multiple_of3A : i32 to index
            %get3A_474 = tpu.vector_load %arg15[%get3A_472, %get3A_473] {strides = array<i32>} : memref<16x256xf32, #tpu.memory_space<vmem>>, vector<16xf32>,
            %max3A_475 = arith.maximumf %get3A_474, %max3A_470 : vector<16xf32>
            %swap3A = arith.index_cast %scan3A_39 : i32 to index
            %swap3A_476 = arith.index_cast %multiple_of3A : i32 to index
            %swap3A_477 = tpu.vector_load %arg15[%swap3A, %swap3A_476] {strides = array<i32>} : memref<16x256xf32, #tpu.memory_space<vmem>>, vector<16xf32>,
            tpu.vector_store %arg15[%swap3A, %swap3A_476], %max3A_475 {strides = array<i32>} : memref<16x256xf32, #tpu.memory_space<vmem>>, vector<16xf32>,
            %get3A_478 = arith.index_cast %scan3A_39 : i32 to index
            %get3A_479 = arith.index_cast %multiple_of3A : i32 to index
            %get3A_480 = tpu.vector_load %arg16[%get3A_478, %get3A_479] {strides = array<i32>} : memref<16x256xf32, #tpu.memory_space<vmem>>, vector<16xf32>,
            %add3A_481 = arith.addf %get3A_480, %add3A_471 : vector<16xf32>
            %swap3A_482 = arith.index_cast %scan3A_39 : i32 to index
            %swap3A_483 = arith.index_cast %multiple_of3A : i32 to index
            %swap3A_484 = tpu.vector_load %arg16[%swap3A_482, %swap3A_483] {strides = array<i32>} : memref<16x256xf32, #tpu.memory_space<vmem>>, vector<16xf32>,
            tpu.vector_store %arg16[%swap3A_482, %swap3A_483], %add3A_481 {strides = array<i32>} : memref<16x256xf32, #tpu.memory_space<vmem>>, vector<16xf32>,
            %scan3A_485 = arith.constant 0 : i32
            scf.yield %scan3A_485 : i32
          }
          %scan3A_246 = arith.constant 16 : i32
          %add3A_247 = arith.constant 4 : i32
          %add3A_248 = arith.addi %mul3A_197, %add3A_247 : i32
          %add3A_249 = arith.constant 6 : i32
          %add3A_250 = arith.addi %add3A_248, %add3A_249 : i32
          %lt3A_251 = arith.cmpi slt, %add3A_250, %div3A_62 : i32
          %convert_element_type3A_252 = arith.extui %lt3A_251 : i1 to i32
          %cond3A_253 = arith.constant 0 : i32
          %cond3A_254 = arith.cmpi ne, %convert_element_type3A_252, %cond3A_253 : i32
          scf.if %cond3A_254 {
            %add3A_255 = arith.constant 4 : i32
            %add3A_256 = arith.addi %mul3A_197, %add3A_255 : i32
            %add3A_257 = arith.constant 6 : i32
            %add3A_258 = arith.addi %add3A_256, %add3A_257 : i32
            %mul3A_259 = arith.constant 32 : i32
            %mul3A_260 = arith.muli %add3A_258, %mul3A_259 : i32
            %add3A_261 = arith.addi %mul3A_59, %mul3A_260 : i32
            %multiple_of3A = tpu.assume_multiple %add3A_261, 8 : i32
            %dma_start3A = arith.constant 0 : i32
            %dma_start3A_262 = tpu.memref_slice %arg3[%multiple_of3A, %dma_start3A] : memref<50000x256xf32, #tpu.memory_space<hbm>> -> memref<32x256xf32, #tpu.memory_space<hbm>>
            %dma_start3A_263 = arith.constant 0 : i32
            %dma_start3A_264 = tpu.memref_slice %arg3[%multiple_of3A, %dma_start3A_263] : memref<50000x256xf32, #tpu.memory_space<hbm>> -> memref<32x256xf32, #tpu.memory_space<hbm>>
            tpu.enqueue_dma source(%dma_start3A_264 : memref<32x256xf32, #tpu.memory_space<hbm>>) target(%arg12 : memref<32x256xf32, #tpu.memory_space<vmem>>) target_semaphore(%arg22 : memref<!tpu.dma_semaphore, #tpu.memory_space<semaphore_mem>>)
          } else {
          }
        } else {
        }
        %add3A_228 = arith.constant 5 : i32
        %add3A_229 = arith.addi %mul3A_197, %add3A_228 : i32
        %lt3A_230 = arith.cmpi slt, %add3A_229, %div3A_62 : i32
        %convert_element_type3A_231 = arith.extui %lt3A_230 : i1 to i32
        %cond3A_232 = arith.constant 0 : i32
        %cond3A_233 = arith.cmpi ne, %convert_element_type3A_231, %cond3A_232 : i32
        scf.if %cond3A_233 {
          %dma_wait3A = arith.constant 0 : i32
          %dma_wait3A_235 = arith.constant 0 : i32
          %dma_wait3A_236 = tpu.memref_slice %arg3[%dma_wait3A, %dma_wait3A_235] : memref<50000x256xf32, #tpu.memory_space<hbm>> -> memref<32x256xf32, #tpu.memory_space<hbm>>
          %dma_wait3A_237 = arith.constant 0 : i32
          %dma_wait3A_238 = arith.constant 0 : i32
          %dma_wait3A_239 = tpu.memref_slice %arg3[%dma_wait3A_237, %dma_wait3A_238] : memref<50000x256xf32, #tpu.memory_space<hbm>> -> memref<32x256xf32, #tpu.memory_space<hbm>>
          tpu.wait_dma2 semaphore(%arg23 : memref<!tpu.dma_semaphore, #tpu.memory_space<semaphore_mem>>) src(%dma_wait3A_239 : memref<32x256xf32, #tpu.memory_space<hbm>>) dst(%arg13 : memref<32x256xf32, #tpu.memory_space<vmem>>)
          %scan3A_240 = arith.constant 0 : i32
          %scan3A_241 = arith.constant 0 : i32
          %scan3A_242 = arith.constant 16 : i32
          %scan3A_243 = arith.addi %scan3A_241, %scan3A_242 : i32
          %scan3A_244 = arith.constant 1 : i32
          %scan3A_245 = scf.for %scan3A_255 = %scan3A_241 to %scan3A_243 step %scan3A_244 iter_args(%scan3A_256 = %scan3A_240) -> (i32)  : i32 {
            %mul3A_257 = arith.constant 16 : i32
            %mul3A_258 = arith.muli %scan3A_255, %mul3A_257 : i32
            %multiple_of3A = tpu.assume_multiple %mul3A_258, 16 : i32
            %broadcast_in_dim3A_259 = arith.constant 0xFF800000 : f32
            %broadcast_in_dim3A_260 = vector.broadcast %broadcast_in_dim3A_259 : f32 to vector<16xf32>
            %broadcast_in_dim3A_261 = arith.constant 0xFF800000 : f32
            %broadcast_in_dim3A_262 = vector.broadcast %broadcast_in_dim3A_261 : f32 to vector<16xf32>
            %broadcast_in_dim3A_263 = arith.constant 0xFF800000 : f32
            %broadcast_in_dim3A_264 = vector.broadcast %broadcast_in_dim3A_263 : f32 to vector<16xf32>
            %broadcast_in_dim3A_265 = arith.constant 0xFF800000 : f32
            %broadcast_in_dim3A_266 = vector.broadcast %broadcast_in_dim3A_265 : f32 to vector<16xf32>
            %broadcast_in_dim3A_267 = arith.constant 0.000000e+00 : f32
            %broadcast_in_dim3A_268 = vector.broadcast %broadcast_in_dim3A_267 : f32 to vector<16xf32>
            %broadcast_in_dim3A_269 = arith.constant 0.000000e+00 : f32
            %broadcast_in_dim3A_270 = vector.broadcast %broadcast_in_dim3A_269 : f32 to vector<16xf32>
            %broadcast_in_dim3A_271 = arith.constant 0.000000e+00 : f32
            %broadcast_in_dim3A_272 = vector.broadcast %broadcast_in_dim3A_271 : f32 to vector<16xf32>
            %broadcast_in_dim3A_273 = arith.constant 0.000000e+00 : f32
            %broadcast_in_dim3A_274 = vector.broadcast %broadcast_in_dim3A_273 : f32 to vector<16xf32>
            %get3A = arith.constant 0 : i32
            %get3A_275 = arith.index_cast %get3A : i32 to index
            %get3A_276 = arith.index_cast %multiple_of3A : i32 to index
            %get3A_277 = tpu.vector_load %arg13[%get3A_275, %get3A_276] {strides = array<i32>} : memref<32x256xf32, #tpu.memory_space<vmem>>, vector<16xf32>,
            %max3A_278 = arith.maximumf %broadcast_in_dim3A_260, %get3A_277 : vector<16xf32>
            %add3A_279 = arith.addf %broadcast_in_dim3A_268, %get3A_277 : vector<16xf32>
            %get3A_280 = arith.constant 1 : i32
            %get3A_281 = arith.index_cast %get3A_280 : i32 to index
            %get3A_282 = arith.index_cast %multiple_of3A : i32 to index
            %get3A_283 = tpu.vector_load %arg13[%get3A_281, %get3A_282] {strides = array<i32>} : memref<32x256xf32, #tpu.memory_space<vmem>>, vector<16xf32>,
            %max3A_284 = arith.maximumf %broadcast_in_dim3A_262, %get3A_283 : vector<16xf32>
            %add3A_285 = arith.addf %broadcast_in_dim3A_270, %get3A_283 : vector<16xf32>
            %get3A_286 = arith.constant 2 : i32
            %get3A_287 = arith.index_cast %get3A_286 : i32 to index
            %get3A_288 = arith.index_cast %multiple_of3A : i32 to index
            %get3A_289 = tpu.vector_load %arg13[%get3A_287, %get3A_288] {strides = array<i32>} : memref<32x256xf32, #tpu.memory_space<vmem>>, vector<16xf32>,
            %max3A_290 = arith.maximumf %broadcast_in_dim3A_264, %get3A_289 : vector<16xf32>
            %add3A_291 = arith.addf %broadcast_in_dim3A_272, %get3A_289 : vector<16xf32>
            %get3A_292 = arith.constant 3 : i32
            %get3A_293 = arith.index_cast %get3A_292 : i32 to index
            %get3A_294 = arith.index_cast %multiple_of3A : i32 to index
            %get3A_295 = tpu.vector_load %arg13[%get3A_293, %get3A_294] {strides = array<i32>} : memref<32x256xf32, #tpu.memory_space<vmem>>, vector<16xf32>,
            %max3A_296 = arith.maximumf %broadcast_in_dim3A_266, %get3A_295 : vector<16xf32>
            %add3A_297 = arith.addf %broadcast_in_dim3A_274, %get3A_295 : vector<16xf32>
            %get3A_298 = arith.constant 4 : i32
            %get3A_299 = arith.index_cast %get3A_298 : i32 to index
            %get3A_300 = arith.index_cast %multiple_of3A : i32 to index
            %get3A_301 = tpu.vector_load %arg13[%get3A_299, %get3A_300] {strides = array<i32>} : memref<32x256xf32, #tpu.memory_space<vmem>>, vector<16xf32>,
            %max3A_302 = arith.maximumf %max3A_278, %get3A_301 : vector<16xf32>
            %add3A_303 = arith.addf %add3A_279, %get3A_301 : vector<16xf32>
            %get3A_304 = arith.constant 5 : i32
            %get3A_305 = arith.index_cast %get3A_304 : i32 to index
            %get3A_306 = arith.index_cast %multiple_of3A : i32 to index
            %get3A_307 = tpu.vector_load %arg13[%get3A_305, %get3A_306] {strides = array<i32>} : memref<32x256xf32, #tpu.memory_space<vmem>>, vector<16xf32>,
            %max3A_308 = arith.maximumf %max3A_284, %get3A_307 : vector<16xf32>
            %add3A_309 = arith.addf %add3A_285, %get3A_307 : vector<16xf32>
            %get3A_310 = arith.constant 6 : i32
            %get3A_311 = arith.index_cast %get3A_310 : i32 to index
            %get3A_312 = arith.index_cast %multiple_of3A : i32 to index
            %get3A_313 = tpu.vector_load %arg13[%get3A_311, %get3A_312] {strides = array<i32>} : memref<32x256xf32, #tpu.memory_space<vmem>>, vector<16xf32>,
            %max3A_314 = arith.maximumf %max3A_290, %get3A_313 : vector<16xf32>
            %add3A_315 = arith.addf %add3A_291, %get3A_313 : vector<16xf32>
            %get3A_316 = arith.constant 7 : i32
            %get3A_317 = arith.index_cast %get3A_316 : i32 to index
            %get3A_318 = arith.index_cast %multiple_of3A : i32 to index
            %get3A_319 = tpu.vector_load %arg13[%get3A_317, %get3A_318] {strides = array<i32>} : memref<32x256xf32, #tpu.memory_space<vmem>>, vector<16xf32>,
            %max3A_320 = arith.maximumf %max3A_296, %get3A_319 : vector<16xf32>
            %add3A_321 = arith.addf %add3A_297, %get3A_319 : vector<16xf32>
            %get3A_322 = arith.constant 8 : i32
            %get3A_323 = arith.index_cast %get3A_322 : i32 to index
            %get3A_324 = arith.index_cast %multiple_of3A : i32 to index
            %get3A_325 = tpu.vector_load %arg13[%get3A_323, %get3A_324] {strides = array<i32>} : memref<32x256xf32, #tpu.memory_space<vmem>>, vector<16xf32>,
            %max3A_326 = arith.maximumf %max3A_302, %get3A_325 : vector<16xf32>
            %add3A_327 = arith.addf %add3A_303, %get3A_325 : vector<16xf32>
            %get3A_328 = arith.constant 9 : i32
            %get3A_329 = arith.index_cast %get3A_328 : i32 to index
            %get3A_330 = arith.index_cast %multiple_of3A : i32 to index
            %get3A_331 = tpu.vector_load %arg13[%get3A_329, %get3A_330] {strides = array<i32>} : memref<32x256xf32, #tpu.memory_space<vmem>>, vector<16xf32>,
            %max3A_332 = arith.maximumf %max3A_308, %get3A_331 : vector<16xf32>
            %add3A_333 = arith.addf %add3A_309, %get3A_331 : vector<16xf32>
            %get3A_334 = arith.constant 10 : i32
            %get3A_335 = arith.index_cast %get3A_334 : i32 to index
            %get3A_336 = arith.index_cast %multiple_of3A : i32 to index
            %get3A_337 = tpu.vector_load %arg13[%get3A_335, %get3A_336] {strides = array<i32>} : memref<32x256xf32, #tpu.memory_space<vmem>>, vector<16xf32>,
            %max3A_338 = arith.maximumf %max3A_314, %get3A_337 : vector<16xf32>
            %add3A_339 = arith.addf %add3A_315, %get3A_337 : vector<16xf32>
            %get3A_340 = arith.constant 11 : i32
            %get3A_341 = arith.index_cast %get3A_340 : i32 to index
            %get3A_342 = arith.index_cast %multiple_of3A : i32 to index
            %get3A_343 = tpu.vector_load %arg13[%get3A_341, %get3A_342] {strides = array<i32>} : memref<32x256xf32, #tpu.memory_space<vmem>>, vector<16xf32>,
            %max3A_344 = arith.maximumf %max3A_320, %get3A_343 : vector<16xf32>
            %add3A_345 = arith.addf %add3A_321, %get3A_343 : vector<16xf32>
            %get3A_346 = arith.constant 12 : i32
            %get3A_347 = arith.index_cast %get3A_346 : i32 to index
            %get3A_348 = arith.index_cast %multiple_of3A : i32 to index
            %get3A_349 = tpu.vector_load %arg13[%get3A_347, %get3A_348] {strides = array<i32>} : memref<32x256xf32, #tpu.memory_space<vmem>>, vector<16xf32>,
            %max3A_350 = arith.maximumf %max3A_326, %get3A_349 : vector<16xf32>
            %add3A_351 = arith.addf %add3A_327, %get3A_349 : vector<16xf32>
            %get3A_352 = arith.constant 13 : i32
            %get3A_353 = arith.index_cast %get3A_352 : i32 to index
            %get3A_354 = arith.index_cast %multiple_of3A : i32 to index
            %get3A_355 = tpu.vector_load %arg13[%get3A_353, %get3A_354] {strides = array<i32>} : memref<32x256xf32, #tpu.memory_space<vmem>>, vector<16xf32>,
            %max3A_356 = arith.maximumf %max3A_332, %get3A_355 : vector<16xf32>
            %add3A_357 = arith.addf %add3A_333, %get3A_355 : vector<16xf32>
            %get3A_358 = arith.constant 14 : i32
            %get3A_359 = arith.index_cast %get3A_358 : i32 to index
            %get3A_360 = arith.index_cast %multiple_of3A : i32 to index
            %get3A_361 = tpu.vector_load %arg13[%get3A_359, %get3A_360] {strides = array<i32>} : memref<32x256xf32, #tpu.memory_space<vmem>>, vector<16xf32>,
            %max3A_362 = arith.maximumf %max3A_338, %get3A_361 : vector<16xf32>
            %add3A_363 = arith.addf %add3A_339, %get3A_361 : vector<16xf32>
            %get3A_364 = arith.constant 15 : i32
            %get3A_365 = arith.index_cast %get3A_364 : i32 to index
            %get3A_366 = arith.index_cast %multiple_of3A : i32 to index
            %get3A_367 = tpu.vector_load %arg13[%get3A_365, %get3A_366] {strides = array<i32>} : memref<32x256xf32, #tpu.memory_space<vmem>>, vector<16xf32>,
            %max3A_368 = arith.maximumf %max3A_344, %get3A_367 : vector<16xf32>
            %add3A_369 = arith.addf %add3A_345, %get3A_367 : vector<16xf32>
            %get3A_370 = arith.constant 16 : i32
            %get3A_371 = arith.index_cast %get3A_370 : i32 to index
            %get3A_372 = arith.index_cast %multiple_of3A : i32 to index
            %get3A_373 = tpu.vector_load %arg13[%get3A_371, %get3A_372] {strides = array<i32>} : memref<32x256xf32, #tpu.memory_space<vmem>>, vector<16xf32>,
            %max3A_374 = arith.maximumf %max3A_350, %get3A_373 : vector<16xf32>
            %add3A_375 = arith.addf %add3A_351, %get3A_373 : vector<16xf32>
            %get3A_376 = arith.constant 17 : i32
            %get3A_377 = arith.index_cast %get3A_376 : i32 to index
            %get3A_378 = arith.index_cast %multiple_of3A : i32 to index
            %get3A_379 = tpu.vector_load %arg13[%get3A_377, %get3A_378] {strides = array<i32>} : memref<32x256xf32, #tpu.memory_space<vmem>>, vector<16xf32>,
            %max3A_380 = arith.maximumf %max3A_356, %get3A_379 : vector<16xf32>
            %add3A_381 = arith.addf %add3A_357, %get3A_379 : vector<16xf32>
            %get3A_382 = arith.constant 18 : i32
            %get3A_383 = arith.index_cast %get3A_382 : i32 to index
            %get3A_384 = arith.index_cast %multiple_of3A : i32 to index
            %get3A_385 = tpu.vector_load %arg13[%get3A_383, %get3A_384] {strides = array<i32>} : memref<32x256xf32, #tpu.memory_space<vmem>>, vector<16xf32>,
            %max3A_386 = arith.maximumf %max3A_362, %get3A_385 : vector<16xf32>
            %add3A_387 = arith.addf %add3A_363, %get3A_385 : vector<16xf32>
            %get3A_388 = arith.constant 19 : i32
            %get3A_389 = arith.index_cast %get3A_388 : i32 to index
            %get3A_390 = arith.index_cast %multiple_of3A : i32 to index
            %get3A_391 = tpu.vector_load %arg13[%get3A_389, %get3A_390] {strides = array<i32>} : memref<32x256xf32, #tpu.memory_space<vmem>>, vector<16xf32>,
            %max3A_392 = arith.maximumf %max3A_368, %get3A_391 : vector<16xf32>
            %add3A_393 = arith.addf %add3A_369, %get3A_391 : vector<16xf32>
            %get3A_394 = arith.constant 20 : i32
            %get3A_395 = arith.index_cast %get3A_394 : i32 to index
            %get3A_396 = arith.index_cast %multiple_of3A : i32 to index
            %get3A_397 = tpu.vector_load %arg13[%get3A_395, %get3A_396] {strides = array<i32>} : memref<32x256xf32, #tpu.memory_space<vmem>>, vector<16xf32>,
            %max3A_398 = arith.maximumf %max3A_374, %get3A_397 : vector<16xf32>
            %add3A_399 = arith.addf %add3A_375, %get3A_397 : vector<16xf32>
            %get3A_400 = arith.constant 21 : i32
            %get3A_401 = arith.index_cast %get3A_400 : i32 to index
            %get3A_402 = arith.index_cast %multiple_of3A : i32 to index
            %get3A_403 = tpu.vector_load %arg13[%get3A_401, %get3A_402] {strides = array<i32>} : memref<32x256xf32, #tpu.memory_space<vmem>>, vector<16xf32>,
            %max3A_404 = arith.maximumf %max3A_380, %get3A_403 : vector<16xf32>
            %add3A_405 = arith.addf %add3A_381, %get3A_403 : vector<16xf32>
            %get3A_406 = arith.constant 22 : i32
            %get3A_407 = arith.index_cast %get3A_406 : i32 to index
            %get3A_408 = arith.index_cast %multiple_of3A : i32 to index
            %get3A_409 = tpu.vector_load %arg13[%get3A_407, %get3A_408] {strides = array<i32>} : memref<32x256xf32, #tpu.memory_space<vmem>>, vector<16xf32>,
            %max3A_410 = arith.maximumf %max3A_386, %get3A_409 : vector<16xf32>
            %add3A_411 = arith.addf %add3A_387, %get3A_409 : vector<16xf32>
            %get3A_412 = arith.constant 23 : i32
            %get3A_413 = arith.index_cast %get3A_412 : i32 to index
            %get3A_414 = arith.index_cast %multiple_of3A : i32 to index
            %get3A_415 = tpu.vector_load %arg13[%get3A_413, %get3A_414] {strides = array<i32>} : memref<32x256xf32, #tpu.memory_space<vmem>>, vector<16xf32>,
            %max3A_416 = arith.maximumf %max3A_392, %get3A_415 : vector<16xf32>
            %add3A_417 = arith.addf %add3A_393, %get3A_415 : vector<16xf32>
            %get3A_418 = arith.constant 24 : i32
            %get3A_419 = arith.index_cast %get3A_418 : i32 to index
            %get3A_420 = arith.index_cast %multiple_of3A : i32 to index
            %get3A_421 = tpu.vector_load %arg13[%get3A_419, %get3A_420] {strides = array<i32>} : memref<32x256xf32, #tpu.memory_space<vmem>>, vector<16xf32>,
            %max3A_422 = arith.maximumf %max3A_398, %get3A_421 : vector<16xf32>
            %add3A_423 = arith.addf %add3A_399, %get3A_421 : vector<16xf32>
            %get3A_424 = arith.constant 25 : i32
            %get3A_425 = arith.index_cast %get3A_424 : i32 to index
            %get3A_426 = arith.index_cast %multiple_of3A : i32 to index
            %get3A_427 = tpu.vector_load %arg13[%get3A_425, %get3A_426] {strides = array<i32>} : memref<32x256xf32, #tpu.memory_space<vmem>>, vector<16xf32>,
            %max3A_428 = arith.maximumf %max3A_404, %get3A_427 : vector<16xf32>
            %add3A_429 = arith.addf %add3A_405, %get3A_427 : vector<16xf32>
            %get3A_430 = arith.constant 26 : i32
            %get3A_431 = arith.index_cast %get3A_430 : i32 to index
            %get3A_432 = arith.index_cast %multiple_of3A : i32 to index
            %get3A_433 = tpu.vector_load %arg13[%get3A_431, %get3A_432] {strides = array<i32>} : memref<32x256xf32, #tpu.memory_space<vmem>>, vector<16xf32>,
            %max3A_434 = arith.maximumf %max3A_410, %get3A_433 : vector<16xf32>
            %add3A_435 = arith.addf %add3A_411, %get3A_433 : vector<16xf32>
            %get3A_436 = arith.constant 27 : i32
            %get3A_437 = arith.index_cast %get3A_436 : i32 to index
            %get3A_438 = arith.index_cast %multiple_of3A : i32 to index
            %get3A_439 = tpu.vector_load %arg13[%get3A_437, %get3A_438] {strides = array<i32>} : memref<32x256xf32, #tpu.memory_space<vmem>>, vector<16xf32>,
            %max3A_440 = arith.maximumf %max3A_416, %get3A_439 : vector<16xf32>
            %add3A_441 = arith.addf %add3A_417, %get3A_439 : vector<16xf32>
            %get3A_442 = arith.constant 28 : i32
            %get3A_443 = arith.index_cast %get3A_442 : i32 to index
            %get3A_444 = arith.index_cast %multiple_of3A : i32 to index
            %get3A_445 = tpu.vector_load %arg13[%get3A_443, %get3A_444] {strides = array<i32>} : memref<32x256xf32, #tpu.memory_space<vmem>>, vector<16xf32>,
            %max3A_446 = arith.maximumf %max3A_422, %get3A_445 : vector<16xf32>
            %add3A_447 = arith.addf %add3A_423, %get3A_445 : vector<16xf32>
            %get3A_448 = arith.constant 29 : i32
            %get3A_449 = arith.index_cast %get3A_448 : i32 to index
            %get3A_450 = arith.index_cast %multiple_of3A : i32 to index
            %get3A_451 = tpu.vector_load %arg13[%get3A_449, %get3A_450] {strides = array<i32>} : memref<32x256xf32, #tpu.memory_space<vmem>>, vector<16xf32>,
            %max3A_452 = arith.maximumf %max3A_428, %get3A_451 : vector<16xf32>
            %add3A_453 = arith.addf %add3A_429, %get3A_451 : vector<16xf32>
            %get3A_454 = arith.constant 30 : i32
            %get3A_455 = arith.index_cast %get3A_454 : i32 to index
            %get3A_456 = arith.index_cast %multiple_of3A : i32 to index
            %get3A_457 = tpu.vector_load %arg13[%get3A_455, %get3A_456] {strides = array<i32>} : memref<32x256xf32, #tpu.memory_space<vmem>>, vector<16xf32>,
            %max3A_458 = arith.maximumf %max3A_434, %get3A_457 : vector<16xf32>
            %add3A_459 = arith.addf %add3A_435, %get3A_457 : vector<16xf32>
            %get3A_460 = arith.constant 31 : i32
            %get3A_461 = arith.index_cast %get3A_460 : i32 to index
            %get3A_462 = arith.index_cast %multiple_of3A : i32 to index
            %get3A_463 = tpu.vector_load %arg13[%get3A_461, %get3A_462] {strides = array<i32>} : memref<32x256xf32, #tpu.memory_space<vmem>>, vector<16xf32>,
            %max3A_464 = arith.maximumf %max3A_440, %get3A_463 : vector<16xf32>
            %add3A_465 = arith.addf %add3A_441, %get3A_463 : vector<16xf32>
            %max3A_466 = arith.maximumf %max3A_446, %max3A_452 : vector<16xf32>
            %add3A_467 = arith.addf %add3A_447, %add3A_453 : vector<16xf32>
            %max3A_468 = arith.maximumf %max3A_466, %max3A_458 : vector<16xf32>
            %add3A_469 = arith.addf %add3A_467, %add3A_459 : vector<16xf32>
            %max3A_470 = arith.maximumf %max3A_468, %max3A_464 : vector<16xf32>
            %add3A_471 = arith.addf %add3A_469, %add3A_465 : vector<16xf32>
            %get3A_472 = arith.index_cast %scan3A_39 : i32 to index
            %get3A_473 = arith.index_cast %multiple_of3A : i32 to index
            %get3A_474 = tpu.vector_load %arg15[%get3A_472, %get3A_473] {strides = array<i32>} : memref<16x256xf32, #tpu.memory_space<vmem>>, vector<16xf32>,
            %max3A_475 = arith.maximumf %get3A_474, %max3A_470 : vector<16xf32>
            %swap3A = arith.index_cast %scan3A_39 : i32 to index
            %swap3A_476 = arith.index_cast %multiple_of3A : i32 to index
            %swap3A_477 = tpu.vector_load %arg15[%swap3A, %swap3A_476] {strides = array<i32>} : memref<16x256xf32, #tpu.memory_space<vmem>>, vector<16xf32>,
            tpu.vector_store %arg15[%swap3A, %swap3A_476], %max3A_475 {strides = array<i32>} : memref<16x256xf32, #tpu.memory_space<vmem>>, vector<16xf32>,
            %get3A_478 = arith.index_cast %scan3A_39 : i32 to index
            %get3A_479 = arith.index_cast %multiple_of3A : i32 to index
            %get3A_480 = tpu.vector_load %arg16[%get3A_478, %get3A_479] {strides = array<i32>} : memref<16x256xf32, #tpu.memory_space<vmem>>, vector<16xf32>,
            %add3A_481 = arith.addf %get3A_480, %add3A_471 : vector<16xf32>
            %swap3A_482 = arith.index_cast %scan3A_39 : i32 to index
            %swap3A_483 = arith.index_cast %multiple_of3A : i32 to index
            %swap3A_484 = tpu.vector_load %arg16[%swap3A_482, %swap3A_483] {strides = array<i32>} : memref<16x256xf32, #tpu.memory_space<vmem>>, vector<16xf32>,
            tpu.vector_store %arg16[%swap3A_482, %swap3A_483], %add3A_481 {strides = array<i32>} : memref<16x256xf32, #tpu.memory_space<vmem>>, vector<16xf32>,
            %scan3A_485 = arith.constant 0 : i32
            scf.yield %scan3A_485 : i32
          }
          %scan3A_246 = arith.constant 16 : i32
          %add3A_247 = arith.constant 5 : i32
          %add3A_248 = arith.addi %mul3A_197, %add3A_247 : i32
          %add3A_249 = arith.constant 6 : i32
          %add3A_250 = arith.addi %add3A_248, %add3A_249 : i32
          %lt3A_251 = arith.cmpi slt, %add3A_250, %div3A_62 : i32
          %convert_element_type3A_252 = arith.extui %lt3A_251 : i1 to i32
          %cond3A_253 = arith.constant 0 : i32
          %cond3A_254 = arith.cmpi ne, %convert_element_type3A_252, %cond3A_253 : i32
          scf.if %cond3A_254 {
            %add3A_255 = arith.constant 5 : i32
            %add3A_256 = arith.addi %mul3A_197, %add3A_255 : i32
            %add3A_257 = arith.constant 6 : i32
            %add3A_258 = arith.addi %add3A_256, %add3A_257 : i32
            %mul3A_259 = arith.constant 32 : i32
            %mul3A_260 = arith.muli %add3A_258, %mul3A_259 : i32
            %add3A_261 = arith.addi %mul3A_59, %mul3A_260 : i32
            %multiple_of3A = tpu.assume_multiple %add3A_261, 8 : i32
            %dma_start3A = arith.constant 0 : i32
            %dma_start3A_262 = tpu.memref_slice %arg3[%multiple_of3A, %dma_start3A] : memref<50000x256xf32, #tpu.memory_space<hbm>> -> memref<32x256xf32, #tpu.memory_space<hbm>>
            %dma_start3A_263 = arith.constant 0 : i32
            %dma_start3A_264 = tpu.memref_slice %arg3[%multiple_of3A, %dma_start3A_263] : memref<50000x256xf32, #tpu.memory_space<hbm>> -> memref<32x256xf32, #tpu.memory_space<hbm>>
            tpu.enqueue_dma source(%dma_start3A_264 : memref<32x256xf32, #tpu.memory_space<hbm>>) target(%arg13 : memref<32x256xf32, #tpu.memory_space<vmem>>) target_semaphore(%arg23 : memref<!tpu.dma_semaphore, #tpu.memory_space<semaphore_mem>>)
          } else {
          }
        } else {
        }
        %while3A_234 = arith.constant 0 : i32
        scf.yield %while3A_234 : i32
      }
      %while3A_164 = arith.constant 1 : i32
      %while3A_165 = scf.for %while3A_194 = %while3A_161 to %while3A_157 step %while3A_164 iter_args(%while3A_195 = %while3A_163) -> (i32)  : i32 {
        %mul3A_196 = arith.constant 6 : i32
        %mul3A_197 = arith.muli %mul3A_196, %while3A_194 : i32
        %add3A_198 = arith.constant 0 : i32
        %add3A_199 = arith.addi %mul3A_197, %add3A_198 : i32
        %lt3A_200 = arith.cmpi slt, %add3A_199, %div3A_62 : i32
        %convert_element_type3A_201 = arith.extui %lt3A_200 : i1 to i32
        %cond3A_202 = arith.constant 0 : i32
        %cond3A_203 = arith.cmpi ne, %convert_element_type3A_201, %cond3A_202 : i32
        scf.if %cond3A_203 {
          %dma_wait3A = arith.constant 0 : i32
          %dma_wait3A_235 = arith.constant 0 : i32
          %dma_wait3A_236 = tpu.memref_slice %arg3[%dma_wait3A, %dma_wait3A_235] : memref<50000x256xf32, #tpu.memory_space<hbm>> -> memref<32x256xf32, #tpu.memory_space<hbm>>
          %dma_wait3A_237 = arith.constant 0 : i32
          %dma_wait3A_238 = arith.constant 0 : i32
          %dma_wait3A_239 = tpu.memref_slice %arg3[%dma_wait3A_237, %dma_wait3A_238] : memref<50000x256xf32, #tpu.memory_space<hbm>> -> memref<32x256xf32, #tpu.memory_space<hbm>>
          tpu.wait_dma2 semaphore(%arg18 : memref<!tpu.dma_semaphore, #tpu.memory_space<semaphore_mem>>) src(%dma_wait3A_239 : memref<32x256xf32, #tpu.memory_space<hbm>>) dst(%arg8 : memref<32x256xf32, #tpu.memory_space<vmem>>)
          %scan3A_240 = arith.constant 0 : i32
          %scan3A_241 = arith.constant 0 : i32
          %scan3A_242 = arith.constant 16 : i32
          %scan3A_243 = arith.addi %scan3A_241, %scan3A_242 : i32
          %scan3A_244 = arith.constant 1 : i32
          %scan3A_245 = scf.for %scan3A_255 = %scan3A_241 to %scan3A_243 step %scan3A_244 iter_args(%scan3A_256 = %scan3A_240) -> (i32)  : i32 {
            %mul3A_257 = arith.constant 16 : i32
            %mul3A_258 = arith.muli %scan3A_255, %mul3A_257 : i32
            %multiple_of3A = tpu.assume_multiple %mul3A_258, 16 : i32
            %broadcast_in_dim3A_259 = arith.constant 0xFF800000 : f32
            %broadcast_in_dim3A_260 = vector.broadcast %broadcast_in_dim3A_259 : f32 to vector<16xf32>
            %broadcast_in_dim3A_261 = arith.constant 0xFF800000 : f32
            %broadcast_in_dim3A_262 = vector.broadcast %broadcast_in_dim3A_261 : f32 to vector<16xf32>
            %broadcast_in_dim3A_263 = arith.constant 0xFF800000 : f32
            %broadcast_in_dim3A_264 = vector.broadcast %broadcast_in_dim3A_263 : f32 to vector<16xf32>
            %broadcast_in_dim3A_265 = arith.constant 0xFF800000 : f32
            %broadcast_in_dim3A_266 = vector.broadcast %broadcast_in_dim3A_265 : f32 to vector<16xf32>
            %broadcast_in_dim3A_267 = arith.constant 0.000000e+00 : f32
            %broadcast_in_dim3A_268 = vector.broadcast %broadcast_in_dim3A_267 : f32 to vector<16xf32>
            %broadcast_in_dim3A_269 = arith.constant 0.000000e+00 : f32
            %broadcast_in_dim3A_270 = vector.broadcast %broadcast_in_dim3A_269 : f32 to vector<16xf32>
            %broadcast_in_dim3A_271 = arith.constant 0.000000e+00 : f32
            %broadcast_in_dim3A_272 = vector.broadcast %broadcast_in_dim3A_271 : f32 to vector<16xf32>
            %broadcast_in_dim3A_273 = arith.constant 0.000000e+00 : f32
            %broadcast_in_dim3A_274 = vector.broadcast %broadcast_in_dim3A_273 : f32 to vector<16xf32>
            %get3A = arith.constant 0 : i32
            %get3A_275 = arith.index_cast %get3A : i32 to index
            %get3A_276 = arith.index_cast %multiple_of3A : i32 to index
            %get3A_277 = tpu.vector_load %arg8[%get3A_275, %get3A_276] {strides = array<i32>} : memref<32x256xf32, #tpu.memory_space<vmem>>, vector<16xf32>,
            %max3A_278 = arith.maximumf %broadcast_in_dim3A_260, %get3A_277 : vector<16xf32>
            %add3A_279 = arith.addf %broadcast_in_dim3A_268, %get3A_277 : vector<16xf32>
            %get3A_280 = arith.constant 1 : i32
            %get3A_281 = arith.index_cast %get3A_280 : i32 to index
            %get3A_282 = arith.index_cast %multiple_of3A : i32 to index
            %get3A_283 = tpu.vector_load %arg8[%get3A_281, %get3A_282] {strides = array<i32>} : memref<32x256xf32, #tpu.memory_space<vmem>>, vector<16xf32>,
            %max3A_284 = arith.maximumf %broadcast_in_dim3A_262, %get3A_283 : vector<16xf32>
            %add3A_285 = arith.addf %broadcast_in_dim3A_270, %get3A_283 : vector<16xf32>
            %get3A_286 = arith.constant 2 : i32
            %get3A_287 = arith.index_cast %get3A_286 : i32 to index
            %get3A_288 = arith.index_cast %multiple_of3A : i32 to index
            %get3A_289 = tpu.vector_load %arg8[%get3A_287, %get3A_288] {strides = array<i32>} : memref<32x256xf32, #tpu.memory_space<vmem>>, vector<16xf32>,
            %max3A_290 = arith.maximumf %broadcast_in_dim3A_264, %get3A_289 : vector<16xf32>
            %add3A_291 = arith.addf %broadcast_in_dim3A_272, %get3A_289 : vector<16xf32>
            %get3A_292 = arith.constant 3 : i32
            %get3A_293 = arith.index_cast %get3A_292 : i32 to index
            %get3A_294 = arith.index_cast %multiple_of3A : i32 to index
            %get3A_295 = tpu.vector_load %arg8[%get3A_293, %get3A_294] {strides = array<i32>} : memref<32x256xf32, #tpu.memory_space<vmem>>, vector<16xf32>,
            %max3A_296 = arith.maximumf %broadcast_in_dim3A_266, %get3A_295 : vector<16xf32>
            %add3A_297 = arith.addf %broadcast_in_dim3A_274, %get3A_295 : vector<16xf32>
            %get3A_298 = arith.constant 4 : i32
            %get3A_299 = arith.index_cast %get3A_298 : i32 to index
            %get3A_300 = arith.index_cast %multiple_of3A : i32 to index
            %get3A_301 = tpu.vector_load %arg8[%get3A_299, %get3A_300] {strides = array<i32>} : memref<32x256xf32, #tpu.memory_space<vmem>>, vector<16xf32>,
            %max3A_302 = arith.maximumf %max3A_278, %get3A_301 : vector<16xf32>
            %add3A_303 = arith.addf %add3A_279, %get3A_301 : vector<16xf32>
            %get3A_304 = arith.constant 5 : i32
            %get3A_305 = arith.index_cast %get3A_304 : i32 to index
            %get3A_306 = arith.index_cast %multiple_of3A : i32 to index
            %get3A_307 = tpu.vector_load %arg8[%get3A_305, %get3A_306] {strides = array<i32>} : memref<32x256xf32, #tpu.memory_space<vmem>>, vector<16xf32>,
            %max3A_308 = arith.maximumf %max3A_284, %get3A_307 : vector<16xf32>
            %add3A_309 = arith.addf %add3A_285, %get3A_307 : vector<16xf32>
            %get3A_310 = arith.constant 6 : i32
            %get3A_311 = arith.index_cast %get3A_310 : i32 to index
            %get3A_312 = arith.index_cast %multiple_of3A : i32 to index
            %get3A_313 = tpu.vector_load %arg8[%get3A_311, %get3A_312] {strides = array<i32>} : memref<32x256xf32, #tpu.memory_space<vmem>>, vector<16xf32>,
            %max3A_314 = arith.maximumf %max3A_290, %get3A_313 : vector<16xf32>
            %add3A_315 = arith.addf %add3A_291, %get3A_313 : vector<16xf32>
            %get3A_316 = arith.constant 7 : i32
            %get3A_317 = arith.index_cast %get3A_316 : i32 to index
            %get3A_318 = arith.index_cast %multiple_of3A : i32 to index
            %get3A_319 = tpu.vector_load %arg8[%get3A_317, %get3A_318] {strides = array<i32>} : memref<32x256xf32, #tpu.memory_space<vmem>>, vector<16xf32>,
            %max3A_320 = arith.maximumf %max3A_296, %get3A_319 : vector<16xf32>
            %add3A_321 = arith.addf %add3A_297, %get3A_319 : vector<16xf32>
            %get3A_322 = arith.constant 8 : i32
            %get3A_323 = arith.index_cast %get3A_322 : i32 to index
            %get3A_324 = arith.index_cast %multiple_of3A : i32 to index
            %get3A_325 = tpu.vector_load %arg8[%get3A_323, %get3A_324] {strides = array<i32>} : memref<32x256xf32, #tpu.memory_space<vmem>>, vector<16xf32>,
            %max3A_326 = arith.maximumf %max3A_302, %get3A_325 : vector<16xf32>
            %add3A_327 = arith.addf %add3A_303, %get3A_325 : vector<16xf32>
            %get3A_328 = arith.constant 9 : i32
            %get3A_329 = arith.index_cast %get3A_328 : i32 to index
            %get3A_330 = arith.index_cast %multiple_of3A : i32 to index
            %get3A_331 = tpu.vector_load %arg8[%get3A_329, %get3A_330] {strides = array<i32>} : memref<32x256xf32, #tpu.memory_space<vmem>>, vector<16xf32>,
            %max3A_332 = arith.maximumf %max3A_308, %get3A_331 : vector<16xf32>
            %add3A_333 = arith.addf %add3A_309, %get3A_331 : vector<16xf32>
            %get3A_334 = arith.constant 10 : i32
            %get3A_335 = arith.index_cast %get3A_334 : i32 to index
            %get3A_336 = arith.index_cast %multiple_of3A : i32 to index
            %get3A_337 = tpu.vector_load %arg8[%get3A_335, %get3A_336] {strides = array<i32>} : memref<32x256xf32, #tpu.memory_space<vmem>>, vector<16xf32>,
            %max3A_338 = arith.maximumf %max3A_314, %get3A_337 : vector<16xf32>
            %add3A_339 = arith.addf %add3A_315, %get3A_337 : vector<16xf32>
            %get3A_340 = arith.constant 11 : i32
            %get3A_341 = arith.index_cast %get3A_340 : i32 to index
            %get3A_342 = arith.index_cast %multiple_of3A : i32 to index
            %get3A_343 = tpu.vector_load %arg8[%get3A_341, %get3A_342] {strides = array<i32>} : memref<32x256xf32, #tpu.memory_space<vmem>>, vector<16xf32>,
            %max3A_344 = arith.maximumf %max3A_320, %get3A_343 : vector<16xf32>
            %add3A_345 = arith.addf %add3A_321, %get3A_343 : vector<16xf32>
            %get3A_346 = arith.constant 12 : i32
            %get3A_347 = arith.index_cast %get3A_346 : i32 to index
            %get3A_348 = arith.index_cast %multiple_of3A : i32 to index
            %get3A_349 = tpu.vector_load %arg8[%get3A_347, %get3A_348] {strides = array<i32>} : memref<32x256xf32, #tpu.memory_space<vmem>>, vector<16xf32>,
            %max3A_350 = arith.maximumf %max3A_326, %get3A_349 : vector<16xf32>
            %add3A_351 = arith.addf %add3A_327, %get3A_349 : vector<16xf32>
            %get3A_352 = arith.constant 13 : i32
            %get3A_353 = arith.index_cast %get3A_352 : i32 to index
            %get3A_354 = arith.index_cast %multiple_of3A : i32 to index
            %get3A_355 = tpu.vector_load %arg8[%get3A_353, %get3A_354] {strides = array<i32>} : memref<32x256xf32, #tpu.memory_space<vmem>>, vector<16xf32>,
            %max3A_356 = arith.maximumf %max3A_332, %get3A_355 : vector<16xf32>
            %add3A_357 = arith.addf %add3A_333, %get3A_355 : vector<16xf32>
            %get3A_358 = arith.constant 14 : i32
            %get3A_359 = arith.index_cast %get3A_358 : i32 to index
            %get3A_360 = arith.index_cast %multiple_of3A : i32 to index
            %get3A_361 = tpu.vector_load %arg8[%get3A_359, %get3A_360] {strides = array<i32>} : memref<32x256xf32, #tpu.memory_space<vmem>>, vector<16xf32>,
            %max3A_362 = arith.maximumf %max3A_338, %get3A_361 : vector<16xf32>
            %add3A_363 = arith.addf %add3A_339, %get3A_361 : vector<16xf32>
            %get3A_364 = arith.constant 15 : i32
            %get3A_365 = arith.index_cast %get3A_364 : i32 to index
            %get3A_366 = arith.index_cast %multiple_of3A : i32 to index
            %get3A_367 = tpu.vector_load %arg8[%get3A_365, %get3A_366] {strides = array<i32>} : memref<32x256xf32, #tpu.memory_space<vmem>>, vector<16xf32>,
            %max3A_368 = arith.maximumf %max3A_344, %get3A_367 : vector<16xf32>
            %add3A_369 = arith.addf %add3A_345, %get3A_367 : vector<16xf32>
            %get3A_370 = arith.constant 16 : i32
            %get3A_371 = arith.index_cast %get3A_370 : i32 to index
            %get3A_372 = arith.index_cast %multiple_of3A : i32 to index
            %get3A_373 = tpu.vector_load %arg8[%get3A_371, %get3A_372] {strides = array<i32>} : memref<32x256xf32, #tpu.memory_space<vmem>>, vector<16xf32>,
            %max3A_374 = arith.maximumf %max3A_350, %get3A_373 : vector<16xf32>
            %add3A_375 = arith.addf %add3A_351, %get3A_373 : vector<16xf32>
            %get3A_376 = arith.constant 17 : i32
            %get3A_377 = arith.index_cast %get3A_376 : i32 to index
            %get3A_378 = arith.index_cast %multiple_of3A : i32 to index
            %get3A_379 = tpu.vector_load %arg8[%get3A_377, %get3A_378] {strides = array<i32>} : memref<32x256xf32, #tpu.memory_space<vmem>>, vector<16xf32>,
            %max3A_380 = arith.maximumf %max3A_356, %get3A_379 : vector<16xf32>
            %add3A_381 = arith.addf %add3A_357, %get3A_379 : vector<16xf32>
            %get3A_382 = arith.constant 18 : i32
            %get3A_383 = arith.index_cast %get3A_382 : i32 to index
            %get3A_384 = arith.index_cast %multiple_of3A : i32 to index
            %get3A_385 = tpu.vector_load %arg8[%get3A_383, %get3A_384] {strides = array<i32>} : memref<32x256xf32, #tpu.memory_space<vmem>>, vector<16xf32>,
            %max3A_386 = arith.maximumf %max3A_362, %get3A_385 : vector<16xf32>
            %add3A_387 = arith.addf %add3A_363, %get3A_385 : vector<16xf32>
            %get3A_388 = arith.constant 19 : i32
            %get3A_389 = arith.index_cast %get3A_388 : i32 to index
            %get3A_390 = arith.index_cast %multiple_of3A : i32 to index
            %get3A_391 = tpu.vector_load %arg8[%get3A_389, %get3A_390] {strides = array<i32>} : memref<32x256xf32, #tpu.memory_space<vmem>>, vector<16xf32>,
            %max3A_392 = arith.maximumf %max3A_368, %get3A_391 : vector<16xf32>
            %add3A_393 = arith.addf %add3A_369, %get3A_391 : vector<16xf32>
            %get3A_394 = arith.constant 20 : i32
            %get3A_395 = arith.index_cast %get3A_394 : i32 to index
            %get3A_396 = arith.index_cast %multiple_of3A : i32 to index
            %get3A_397 = tpu.vector_load %arg8[%get3A_395, %get3A_396] {strides = array<i32>} : memref<32x256xf32, #tpu.memory_space<vmem>>, vector<16xf32>,
            %max3A_398 = arith.maximumf %max3A_374, %get3A_397 : vector<16xf32>
            %add3A_399 = arith.addf %add3A_375, %get3A_397 : vector<16xf32>
            %get3A_400 = arith.constant 21 : i32
            %get3A_401 = arith.index_cast %get3A_400 : i32 to index
            %get3A_402 = arith.index_cast %multiple_of3A : i32 to index
            %get3A_403 = tpu.vector_load %arg8[%get3A_401, %get3A_402] {strides = array<i32>} : memref<32x256xf32, #tpu.memory_space<vmem>>, vector<16xf32>,
            %max3A_404 = arith.maximumf %max3A_380, %get3A_403 : vector<16xf32>
            %add3A_405 = arith.addf %add3A_381, %get3A_403 : vector<16xf32>
            %get3A_406 = arith.constant 22 : i32
            %get3A_407 = arith.index_cast %get3A_406 : i32 to index
            %get3A_408 = arith.index_cast %multiple_of3A : i32 to index
            %get3A_409 = tpu.vector_load %arg8[%get3A_407, %get3A_408] {strides = array<i32>} : memref<32x256xf32, #tpu.memory_space<vmem>>, vector<16xf32>,
            %max3A_410 = arith.maximumf %max3A_386, %get3A_409 : vector<16xf32>
            %add3A_411 = arith.addf %add3A_387, %get3A_409 : vector<16xf32>
            %get3A_412 = arith.constant 23 : i32
            %get3A_413 = arith.index_cast %get3A_412 : i32 to index
            %get3A_414 = arith.index_cast %multiple_of3A : i32 to index
            %get3A_415 = tpu.vector_load %arg8[%get3A_413, %get3A_414] {strides = array<i32>} : memref<32x256xf32, #tpu.memory_space<vmem>>, vector<16xf32>,
            %max3A_416 = arith.maximumf %max3A_392, %get3A_415 : vector<16xf32>
            %add3A_417 = arith.addf %add3A_393, %get3A_415 : vector<16xf32>
            %get3A_418 = arith.constant 24 : i32
            %get3A_419 = arith.index_cast %get3A_418 : i32 to index
            %get3A_420 = arith.index_cast %multiple_of3A : i32 to index
            %get3A_421 = tpu.vector_load %arg8[%get3A_419, %get3A_420] {strides = array<i32>} : memref<32x256xf32, #tpu.memory_space<vmem>>, vector<16xf32>,
            %max3A_422 = arith.maximumf %max3A_398, %get3A_421 : vector<16xf32>
            %add3A_423 = arith.addf %add3A_399, %get3A_421 : vector<16xf32>
            %get3A_424 = arith.constant 25 : i32
            %get3A_425 = arith.index_cast %get3A_424 : i32 to index
            %get3A_426 = arith.index_cast %multiple_of3A : i32 to index
            %get3A_427 = tpu.vector_load %arg8[%get3A_425, %get3A_426] {strides = array<i32>} : memref<32x256xf32, #tpu.memory_space<vmem>>, vector<16xf32>,
            %max3A_428 = arith.maximumf %max3A_404, %get3A_427 : vector<16xf32>
            %add3A_429 = arith.addf %add3A_405, %get3A_427 : vector<16xf32>
            %get3A_430 = arith.constant 26 : i32
            %get3A_431 = arith.index_cast %get3A_430 : i32 to index
            %get3A_432 = arith.index_cast %multiple_of3A : i32 to index
            %get3A_433 = tpu.vector_load %arg8[%get3A_431, %get3A_432] {strides = array<i32>} : memref<32x256xf32, #tpu.memory_space<vmem>>, vector<16xf32>,
            %max3A_434 = arith.maximumf %max3A_410, %get3A_433 : vector<16xf32>
            %add3A_435 = arith.addf %add3A_411, %get3A_433 : vector<16xf32>
            %get3A_436 = arith.constant 27 : i32
            %get3A_437 = arith.index_cast %get3A_436 : i32 to index
            %get3A_438 = arith.index_cast %multiple_of3A : i32 to index
            %get3A_439 = tpu.vector_load %arg8[%get3A_437, %get3A_438] {strides = array<i32>} : memref<32x256xf32, #tpu.memory_space<vmem>>, vector<16xf32>,
            %max3A_440 = arith.maximumf %max3A_416, %get3A_439 : vector<16xf32>
            %add3A_441 = arith.addf %add3A_417, %get3A_439 : vector<16xf32>
            %get3A_442 = arith.constant 28 : i32
            %get3A_443 = arith.index_cast %get3A_442 : i32 to index
            %get3A_444 = arith.index_cast %multiple_of3A : i32 to index
            %get3A_445 = tpu.vector_load %arg8[%get3A_443, %get3A_444] {strides = array<i32>} : memref<32x256xf32, #tpu.memory_space<vmem>>, vector<16xf32>,
            %max3A_446 = arith.maximumf %max3A_422, %get3A_445 : vector<16xf32>
            %add3A_447 = arith.addf %add3A_423, %get3A_445 : vector<16xf32>
            %get3A_448 = arith.constant 29 : i32
            %get3A_449 = arith.index_cast %get3A_448 : i32 to index
            %get3A_450 = arith.index_cast %multiple_of3A : i32 to index
            %get3A_451 = tpu.vector_load %arg8[%get3A_449, %get3A_450] {strides = array<i32>} : memref<32x256xf32, #tpu.memory_space<vmem>>, vector<16xf32>,
            %max3A_452 = arith.maximumf %max3A_428, %get3A_451 : vector<16xf32>
            %add3A_453 = arith.addf %add3A_429, %get3A_451 : vector<16xf32>
            %get3A_454 = arith.constant 30 : i32
            %get3A_455 = arith.index_cast %get3A_454 : i32 to index
            %get3A_456 = arith.index_cast %multiple_of3A : i32 to index
            %get3A_457 = tpu.vector_load %arg8[%get3A_455, %get3A_456] {strides = array<i32>} : memref<32x256xf32, #tpu.memory_space<vmem>>, vector<16xf32>,
            %max3A_458 = arith.maximumf %max3A_434, %get3A_457 : vector<16xf32>
            %add3A_459 = arith.addf %add3A_435, %get3A_457 : vector<16xf32>
            %get3A_460 = arith.constant 31 : i32
            %get3A_461 = arith.index_cast %get3A_460 : i32 to index
            %get3A_462 = arith.index_cast %multiple_of3A : i32 to index
            %get3A_463 = tpu.vector_load %arg8[%get3A_461, %get3A_462] {strides = array<i32>} : memref<32x256xf32, #tpu.memory_space<vmem>>, vector<16xf32>,
            %max3A_464 = arith.maximumf %max3A_440, %get3A_463 : vector<16xf32>
            %add3A_465 = arith.addf %add3A_441, %get3A_463 : vector<16xf32>
            %max3A_466 = arith.maximumf %max3A_446, %max3A_452 : vector<16xf32>
            %add3A_467 = arith.addf %add3A_447, %add3A_453 : vector<16xf32>
            %max3A_468 = arith.maximumf %max3A_466, %max3A_458 : vector<16xf32>
            %add3A_469 = arith.addf %add3A_467, %add3A_459 : vector<16xf32>
            %max3A_470 = arith.maximumf %max3A_468, %max3A_464 : vector<16xf32>
            %add3A_471 = arith.addf %add3A_469, %add3A_465 : vector<16xf32>
            %get3A_472 = arith.index_cast %scan3A_39 : i32 to index
            %get3A_473 = arith.index_cast %multiple_of3A : i32 to index
            %get3A_474 = tpu.vector_load %arg15[%get3A_472, %get3A_473] {strides = array<i32>} : memref<16x256xf32, #tpu.memory_space<vmem>>, vector<16xf32>,
            %max3A_475 = arith.maximumf %get3A_474, %max3A_470 : vector<16xf32>
            %swap3A = arith.index_cast %scan3A_39 : i32 to index
            %swap3A_476 = arith.index_cast %multiple_of3A : i32 to index
            %swap3A_477 = tpu.vector_load %arg15[%swap3A, %swap3A_476] {strides = array<i32>} : memref<16x256xf32, #tpu.memory_space<vmem>>, vector<16xf32>,
            tpu.vector_store %arg15[%swap3A, %swap3A_476], %max3A_475 {strides = array<i32>} : memref<16x256xf32, #tpu.memory_space<vmem>>, vector<16xf32>,
            %get3A_478 = arith.index_cast %scan3A_39 : i32 to index
            %get3A_479 = arith.index_cast %multiple_of3A : i32 to index
            %get3A_480 = tpu.vector_load %arg16[%get3A_478, %get3A_479] {strides = array<i32>} : memref<16x256xf32, #tpu.memory_space<vmem>>, vector<16xf32>,
            %add3A_481 = arith.addf %get3A_480, %add3A_471 : vector<16xf32>
            %swap3A_482 = arith.index_cast %scan3A_39 : i32 to index
            %swap3A_483 = arith.index_cast %multiple_of3A : i32 to index
            %swap3A_484 = tpu.vector_load %arg16[%swap3A_482, %swap3A_483] {strides = array<i32>} : memref<16x256xf32, #tpu.memory_space<vmem>>, vector<16xf32>,
            tpu.vector_store %arg16[%swap3A_482, %swap3A_483], %add3A_481 {strides = array<i32>} : memref<16x256xf32, #tpu.memory_space<vmem>>, vector<16xf32>,
            %scan3A_485 = arith.constant 0 : i32
            scf.yield %scan3A_485 : i32
          }
          %scan3A_246 = arith.constant 16 : i32
          %add3A_247 = arith.constant 0 : i32
          %add3A_248 = arith.addi %mul3A_197, %add3A_247 : i32
          %add3A_249 = arith.constant 6 : i32
          %add3A_250 = arith.addi %add3A_248, %add3A_249 : i32
          %lt3A_251 = arith.cmpi slt, %add3A_250, %div3A_62 : i32
          %convert_element_type3A_252 = arith.extui %lt3A_251 : i1 to i32
          %cond3A_253 = arith.constant 0 : i32
          %cond3A_254 = arith.cmpi ne, %convert_element_type3A_252, %cond3A_253 : i32
          scf.if %cond3A_254 {
            %add3A_255 = arith.constant 0 : i32
            %add3A_256 = arith.addi %mul3A_197, %add3A_255 : i32
            %add3A_257 = arith.constant 6 : i32
            %add3A_258 = arith.addi %add3A_256, %add3A_257 : i32
            %mul3A_259 = arith.constant 32 : i32
            %mul3A_260 = arith.muli %add3A_258, %mul3A_259 : i32
            %add3A_261 = arith.addi %mul3A_59, %mul3A_260 : i32
            %multiple_of3A = tpu.assume_multiple %add3A_261, 8 : i32
            %dma_start3A = arith.constant 0 : i32
            %dma_start3A_262 = tpu.memref_slice %arg3[%multiple_of3A, %dma_start3A] : memref<50000x256xf32, #tpu.memory_space<hbm>> -> memref<32x256xf32, #tpu.memory_space<hbm>>
            %dma_start3A_263 = arith.constant 0 : i32
            %dma_start3A_264 = tpu.memref_slice %arg3[%multiple_of3A, %dma_start3A_263] : memref<50000x256xf32, #tpu.memory_space<hbm>> -> memref<32x256xf32, #tpu.memory_space<hbm>>
            tpu.enqueue_dma source(%dma_start3A_264 : memref<32x256xf32, #tpu.memory_space<hbm>>) target(%arg8 : memref<32x256xf32, #tpu.memory_space<vmem>>) target_semaphore(%arg18 : memref<!tpu.dma_semaphore, #tpu.memory_space<semaphore_mem>>)
          } else {
          }
        } else {
        }
        %add3A_204 = arith.constant 1 : i32
        %add3A_205 = arith.addi %mul3A_197, %add3A_204 : i32
        %lt3A_206 = arith.cmpi slt, %add3A_205, %div3A_62 : i32
        %convert_element_type3A_207 = arith.extui %lt3A_206 : i1 to i32
        %cond3A_208 = arith.constant 0 : i32
        %cond3A_209 = arith.cmpi ne, %convert_element_type3A_207, %cond3A_208 : i32
        scf.if %cond3A_209 {
          %dma_wait3A = arith.constant 0 : i32
          %dma_wait3A_235 = arith.constant 0 : i32
          %dma_wait3A_236 = tpu.memref_slice %arg3[%dma_wait3A, %dma_wait3A_235] : memref<50000x256xf32, #tpu.memory_space<hbm>> -> memref<32x256xf32, #tpu.memory_space<hbm>>
          %dma_wait3A_237 = arith.constant 0 : i32
          %dma_wait3A_238 = arith.constant 0 : i32
          %dma_wait3A_239 = tpu.memref_slice %arg3[%dma_wait3A_237, %dma_wait3A_238] : memref<50000x256xf32, #tpu.memory_space<hbm>> -> memref<32x256xf32, #tpu.memory_space<hbm>>
          tpu.wait_dma2 semaphore(%arg19 : memref<!tpu.dma_semaphore, #tpu.memory_space<semaphore_mem>>) src(%dma_wait3A_239 : memref<32x256xf32, #tpu.memory_space<hbm>>) dst(%arg9 : memref<32x256xf32, #tpu.memory_space<vmem>>)
          %scan3A_240 = arith.constant 0 : i32
          %scan3A_241 = arith.constant 0 : i32
          %scan3A_242 = arith.constant 16 : i32
          %scan3A_243 = arith.addi %scan3A_241, %scan3A_242 : i32
          %scan3A_244 = arith.constant 1 : i32
          %scan3A_245 = scf.for %scan3A_255 = %scan3A_241 to %scan3A_243 step %scan3A_244 iter_args(%scan3A_256 = %scan3A_240) -> (i32)  : i32 {
            %mul3A_257 = arith.constant 16 : i32
            %mul3A_258 = arith.muli %scan3A_255, %mul3A_257 : i32
            %multiple_of3A = tpu.assume_multiple %mul3A_258, 16 : i32
            %broadcast_in_dim3A_259 = arith.constant 0xFF800000 : f32
            %broadcast_in_dim3A_260 = vector.broadcast %broadcast_in_dim3A_259 : f32 to vector<16xf32>
            %broadcast_in_dim3A_261 = arith.constant 0xFF800000 : f32
            %broadcast_in_dim3A_262 = vector.broadcast %broadcast_in_dim3A_261 : f32 to vector<16xf32>
            %broadcast_in_dim3A_263 = arith.constant 0xFF800000 : f32
            %broadcast_in_dim3A_264 = vector.broadcast %broadcast_in_dim3A_263 : f32 to vector<16xf32>
            %broadcast_in_dim3A_265 = arith.constant 0xFF800000 : f32
            %broadcast_in_dim3A_266 = vector.broadcast %broadcast_in_dim3A_265 : f32 to vector<16xf32>
            %broadcast_in_dim3A_267 = arith.constant 0.000000e+00 : f32
            %broadcast_in_dim3A_268 = vector.broadcast %broadcast_in_dim3A_267 : f32 to vector<16xf32>
            %broadcast_in_dim3A_269 = arith.constant 0.000000e+00 : f32
            %broadcast_in_dim3A_270 = vector.broadcast %broadcast_in_dim3A_269 : f32 to vector<16xf32>
            %broadcast_in_dim3A_271 = arith.constant 0.000000e+00 : f32
            %broadcast_in_dim3A_272 = vector.broadcast %broadcast_in_dim3A_271 : f32 to vector<16xf32>
            %broadcast_in_dim3A_273 = arith.constant 0.000000e+00 : f32
            %broadcast_in_dim3A_274 = vector.broadcast %broadcast_in_dim3A_273 : f32 to vector<16xf32>
            %get3A = arith.constant 0 : i32
            %get3A_275 = arith.index_cast %get3A : i32 to index
            %get3A_276 = arith.index_cast %multiple_of3A : i32 to index
            %get3A_277 = tpu.vector_load %arg9[%get3A_275, %get3A_276] {strides = array<i32>} : memref<32x256xf32, #tpu.memory_space<vmem>>, vector<16xf32>,
            %max3A_278 = arith.maximumf %broadcast_in_dim3A_260, %get3A_277 : vector<16xf32>
            %add3A_279 = arith.addf %broadcast_in_dim3A_268, %get3A_277 : vector<16xf32>
            %get3A_280 = arith.constant 1 : i32
            %get3A_281 = arith.index_cast %get3A_280 : i32 to index
            %get3A_282 = arith.index_cast %multiple_of3A : i32 to index
            %get3A_283 = tpu.vector_load %arg9[%get3A_281, %get3A_282] {strides = array<i32>} : memref<32x256xf32, #tpu.memory_space<vmem>>, vector<16xf32>,
            %max3A_284 = arith.maximumf %broadcast_in_dim3A_262, %get3A_283 : vector<16xf32>
            %add3A_285 = arith.addf %broadcast_in_dim3A_270, %get3A_283 : vector<16xf32>
            %get3A_286 = arith.constant 2 : i32
            %get3A_287 = arith.index_cast %get3A_286 : i32 to index
            %get3A_288 = arith.index_cast %multiple_of3A : i32 to index
            %get3A_289 = tpu.vector_load %arg9[%get3A_287, %get3A_288] {strides = array<i32>} : memref<32x256xf32, #tpu.memory_space<vmem>>, vector<16xf32>,
            %max3A_290 = arith.maximumf %broadcast_in_dim3A_264, %get3A_289 : vector<16xf32>
            %add3A_291 = arith.addf %broadcast_in_dim3A_272, %get3A_289 : vector<16xf32>
            %get3A_292 = arith.constant 3 : i32
            %get3A_293 = arith.index_cast %get3A_292 : i32 to index
            %get3A_294 = arith.index_cast %multiple_of3A : i32 to index
            %get3A_295 = tpu.vector_load %arg9[%get3A_293, %get3A_294] {strides = array<i32>} : memref<32x256xf32, #tpu.memory_space<vmem>>, vector<16xf32>,
            %max3A_296 = arith.maximumf %broadcast_in_dim3A_266, %get3A_295 : vector<16xf32>
            %add3A_297 = arith.addf %broadcast_in_dim3A_274, %get3A_295 : vector<16xf32>
            %get3A_298 = arith.constant 4 : i32
            %get3A_299 = arith.index_cast %get3A_298 : i32 to index
            %get3A_300 = arith.index_cast %multiple_of3A : i32 to index
            %get3A_301 = tpu.vector_load %arg9[%get3A_299, %get3A_300] {strides = array<i32>} : memref<32x256xf32, #tpu.memory_space<vmem>>, vector<16xf32>,
            %max3A_302 = arith.maximumf %max3A_278, %get3A_301 : vector<16xf32>
            %add3A_303 = arith.addf %add3A_279, %get3A_301 : vector<16xf32>
            %get3A_304 = arith.constant 5 : i32
            %get3A_305 = arith.index_cast %get3A_304 : i32 to index
            %get3A_306 = arith.index_cast %multiple_of3A : i32 to index
            %get3A_307 = tpu.vector_load %arg9[%get3A_305, %get3A_306] {strides = array<i32>} : memref<32x256xf32, #tpu.memory_space<vmem>>, vector<16xf32>,
            %max3A_308 = arith.maximumf %max3A_284, %get3A_307 : vector<16xf32>
            %add3A_309 = arith.addf %add3A_285, %get3A_307 : vector<16xf32>
            %get3A_310 = arith.constant 6 : i32
            %get3A_311 = arith.index_cast %get3A_310 : i32 to index
            %get3A_312 = arith.index_cast %multiple_of3A : i32 to index
            %get3A_313 = tpu.vector_load %arg9[%get3A_311, %get3A_312] {strides = array<i32>} : memref<32x256xf32, #tpu.memory_space<vmem>>, vector<16xf32>,
            %max3A_314 = arith.maximumf %max3A_290, %get3A_313 : vector<16xf32>
            %add3A_315 = arith.addf %add3A_291, %get3A_313 : vector<16xf32>
            %get3A_316 = arith.constant 7 : i32
            %get3A_317 = arith.index_cast %get3A_316 : i32 to index
            %get3A_318 = arith.index_cast %multiple_of3A : i32 to index
            %get3A_319 = tpu.vector_load %arg9[%get3A_317, %get3A_318] {strides = array<i32>} : memref<32x256xf32, #tpu.memory_space<vmem>>, vector<16xf32>,
            %max3A_320 = arith.maximumf %max3A_296, %get3A_319 : vector<16xf32>
            %add3A_321 = arith.addf %add3A_297, %get3A_319 : vector<16xf32>
            %get3A_322 = arith.constant 8 : i32
            %get3A_323 = arith.index_cast %get3A_322 : i32 to index
            %get3A_324 = arith.index_cast %multiple_of3A : i32 to index
            %get3A_325 = tpu.vector_load %arg9[%get3A_323, %get3A_324] {strides = array<i32>} : memref<32x256xf32, #tpu.memory_space<vmem>>, vector<16xf32>,
            %max3A_326 = arith.maximumf %max3A_302, %get3A_325 : vector<16xf32>
            %add3A_327 = arith.addf %add3A_303, %get3A_325 : vector<16xf32>
            %get3A_328 = arith.constant 9 : i32
            %get3A_329 = arith.index_cast %get3A_328 : i32 to index
            %get3A_330 = arith.index_cast %multiple_of3A : i32 to index
            %get3A_331 = tpu.vector_load %arg9[%get3A_329, %get3A_330] {strides = array<i32>} : memref<32x256xf32, #tpu.memory_space<vmem>>, vector<16xf32>,
            %max3A_332 = arith.maximumf %max3A_308, %get3A_331 : vector<16xf32>
            %add3A_333 = arith.addf %add3A_309, %get3A_331 : vector<16xf32>
            %get3A_334 = arith.constant 10 : i32
            %get3A_335 = arith.index_cast %get3A_334 : i32 to index
            %get3A_336 = arith.index_cast %multiple_of3A : i32 to index
            %get3A_337 = tpu.vector_load %arg9[%get3A_335, %get3A_336] {strides = array<i32>} : memref<32x256xf32, #tpu.memory_space<vmem>>, vector<16xf32>,
            %max3A_338 = arith.maximumf %max3A_314, %get3A_337 : vector<16xf32>
            %add3A_339 = arith.addf %add3A_315, %get3A_337 : vector<16xf32>
            %get3A_340 = arith.constant 11 : i32
            %get3A_341 = arith.index_cast %get3A_340 : i32 to index
            %get3A_342 = arith.index_cast %multiple_of3A : i32 to index
            %get3A_343 = tpu.vector_load %arg9[%get3A_341, %get3A_342] {strides = array<i32>} : memref<32x256xf32, #tpu.memory_space<vmem>>, vector<16xf32>,
            %max3A_344 = arith.maximumf %max3A_320, %get3A_343 : vector<16xf32>
            %add3A_345 = arith.addf %add3A_321, %get3A_343 : vector<16xf32>
            %get3A_346 = arith.constant 12 : i32
            %get3A_347 = arith.index_cast %get3A_346 : i32 to index
            %get3A_348 = arith.index_cast %multiple_of3A : i32 to index
            %get3A_349 = tpu.vector_load %arg9[%get3A_347, %get3A_348] {strides = array<i32>} : memref<32x256xf32, #tpu.memory_space<vmem>>, vector<16xf32>,
            %max3A_350 = arith.maximumf %max3A_326, %get3A_349 : vector<16xf32>
            %add3A_351 = arith.addf %add3A_327, %get3A_349 : vector<16xf32>
            %get3A_352 = arith.constant 13 : i32
            %get3A_353 = arith.index_cast %get3A_352 : i32 to index
            %get3A_354 = arith.index_cast %multiple_of3A : i32 to index
            %get3A_355 = tpu.vector_load %arg9[%get3A_353, %get3A_354] {strides = array<i32>} : memref<32x256xf32, #tpu.memory_space<vmem>>, vector<16xf32>,
            %max3A_356 = arith.maximumf %max3A_332, %get3A_355 : vector<16xf32>
            %add3A_357 = arith.addf %add3A_333, %get3A_355 : vector<16xf32>
            %get3A_358 = arith.constant 14 : i32
            %get3A_359 = arith.index_cast %get3A_358 : i32 to index
            %get3A_360 = arith.index_cast %multiple_of3A : i32 to index
            %get3A_361 = tpu.vector_load %arg9[%get3A_359, %get3A_360] {strides = array<i32>} : memref<32x256xf32, #tpu.memory_space<vmem>>, vector<16xf32>,
            %max3A_362 = arith.maximumf %max3A_338, %get3A_361 : vector<16xf32>
            %add3A_363 = arith.addf %add3A_339, %get3A_361 : vector<16xf32>
            %get3A_364 = arith.constant 15 : i32
            %get3A_365 = arith.index_cast %get3A_364 : i32 to index
            %get3A_366 = arith.index_cast %multiple_of3A : i32 to index
            %get3A_367 = tpu.vector_load %arg9[%get3A_365, %get3A_366] {strides = array<i32>} : memref<32x256xf32, #tpu.memory_space<vmem>>, vector<16xf32>,
            %max3A_368 = arith.maximumf %max3A_344, %get3A_367 : vector<16xf32>
            %add3A_369 = arith.addf %add3A_345, %get3A_367 : vector<16xf32>
            %get3A_370 = arith.constant 16 : i32
            %get3A_371 = arith.index_cast %get3A_370 : i32 to index
            %get3A_372 = arith.index_cast %multiple_of3A : i32 to index
            %get3A_373 = tpu.vector_load %arg9[%get3A_371, %get3A_372] {strides = array<i32>} : memref<32x256xf32, #tpu.memory_space<vmem>>, vector<16xf32>,
            %max3A_374 = arith.maximumf %max3A_350, %get3A_373 : vector<16xf32>
            %add3A_375 = arith.addf %add3A_351, %get3A_373 : vector<16xf32>
            %get3A_376 = arith.constant 17 : i32
            %get3A_377 = arith.index_cast %get3A_376 : i32 to index
            %get3A_378 = arith.index_cast %multiple_of3A : i32 to index
            %get3A_379 = tpu.vector_load %arg9[%get3A_377, %get3A_378] {strides = array<i32>} : memref<32x256xf32, #tpu.memory_space<vmem>>, vector<16xf32>,
            %max3A_380 = arith.maximumf %max3A_356, %get3A_379 : vector<16xf32>
            %add3A_381 = arith.addf %add3A_357, %get3A_379 : vector<16xf32>
            %get3A_382 = arith.constant 18 : i32
            %get3A_383 = arith.index_cast %get3A_382 : i32 to index
            %get3A_384 = arith.index_cast %multiple_of3A : i32 to index
            %get3A_385 = tpu.vector_load %arg9[%get3A_383, %get3A_384] {strides = array<i32>} : memref<32x256xf32, #tpu.memory_space<vmem>>, vector<16xf32>,
            %max3A_386 = arith.maximumf %max3A_362, %get3A_385 : vector<16xf32>
            %add3A_387 = arith.addf %add3A_363, %get3A_385 : vector<16xf32>
            %get3A_388 = arith.constant 19 : i32
            %get3A_389 = arith.index_cast %get3A_388 : i32 to index
            %get3A_390 = arith.index_cast %multiple_of3A : i32 to index
            %get3A_391 = tpu.vector_load %arg9[%get3A_389, %get3A_390] {strides = array<i32>} : memref<32x256xf32, #tpu.memory_space<vmem>>, vector<16xf32>,
            %max3A_392 = arith.maximumf %max3A_368, %get3A_391 : vector<16xf32>
            %add3A_393 = arith.addf %add3A_369, %get3A_391 : vector<16xf32>
            %get3A_394 = arith.constant 20 : i32
            %get3A_395 = arith.index_cast %get3A_394 : i32 to index
            %get3A_396 = arith.index_cast %multiple_of3A : i32 to index
            %get3A_397 = tpu.vector_load %arg9[%get3A_395, %get3A_396] {strides = array<i32>} : memref<32x256xf32, #tpu.memory_space<vmem>>, vector<16xf32>,
            %max3A_398 = arith.maximumf %max3A_374, %get3A_397 : vector<16xf32>
            %add3A_399 = arith.addf %add3A_375, %get3A_397 : vector<16xf32>
            %get3A_400 = arith.constant 21 : i32
            %get3A_401 = arith.index_cast %get3A_400 : i32 to index
            %get3A_402 = arith.index_cast %multiple_of3A : i32 to index
            %get3A_403 = tpu.vector_load %arg9[%get3A_401, %get3A_402] {strides = array<i32>} : memref<32x256xf32, #tpu.memory_space<vmem>>, vector<16xf32>,
            %max3A_404 = arith.maximumf %max3A_380, %get3A_403 : vector<16xf32>
            %add3A_405 = arith.addf %add3A_381, %get3A_403 : vector<16xf32>
            %get3A_406 = arith.constant 22 : i32
            %get3A_407 = arith.index_cast %get3A_406 : i32 to index
            %get3A_408 = arith.index_cast %multiple_of3A : i32 to index
            %get3A_409 = tpu.vector_load %arg9[%get3A_407, %get3A_408] {strides = array<i32>} : memref<32x256xf32, #tpu.memory_space<vmem>>, vector<16xf32>,
            %max3A_410 = arith.maximumf %max3A_386, %get3A_409 : vector<16xf32>
            %add3A_411 = arith.addf %add3A_387, %get3A_409 : vector<16xf32>
            %get3A_412 = arith.constant 23 : i32
            %get3A_413 = arith.index_cast %get3A_412 : i32 to index
            %get3A_414 = arith.index_cast %multiple_of3A : i32 to index
            %get3A_415 = tpu.vector_load %arg9[%get3A_413, %get3A_414] {strides = array<i32>} : memref<32x256xf32, #tpu.memory_space<vmem>>, vector<16xf32>,
            %max3A_416 = arith.maximumf %max3A_392, %get3A_415 : vector<16xf32>
            %add3A_417 = arith.addf %add3A_393, %get3A_415 : vector<16xf32>
            %get3A_418 = arith.constant 24 : i32
            %get3A_419 = arith.index_cast %get3A_418 : i32 to index
            %get3A_420 = arith.index_cast %multiple_of3A : i32 to index
            %get3A_421 = tpu.vector_load %arg9[%get3A_419, %get3A_420] {strides = array<i32>} : memref<32x256xf32, #tpu.memory_space<vmem>>, vector<16xf32>,
            %max3A_422 = arith.maximumf %max3A_398, %get3A_421 : vector<16xf32>
            %add3A_423 = arith.addf %add3A_399, %get3A_421 : vector<16xf32>
            %get3A_424 = arith.constant 25 : i32
            %get3A_425 = arith.index_cast %get3A_424 : i32 to index
            %get3A_426 = arith.index_cast %multiple_of3A : i32 to index
            %get3A_427 = tpu.vector_load %arg9[%get3A_425, %get3A_426] {strides = array<i32>} : memref<32x256xf32, #tpu.memory_space<vmem>>, vector<16xf32>,
            %max3A_428 = arith.maximumf %max3A_404, %get3A_427 : vector<16xf32>
            %add3A_429 = arith.addf %add3A_405, %get3A_427 : vector<16xf32>
            %get3A_430 = arith.constant 26 : i32
            %get3A_431 = arith.index_cast %get3A_430 : i32 to index
            %get3A_432 = arith.index_cast %multiple_of3A : i32 to index
            %get3A_433 = tpu.vector_load %arg9[%get3A_431, %get3A_432] {strides = array<i32>} : memref<32x256xf32, #tpu.memory_space<vmem>>, vector<16xf32>,
            %max3A_434 = arith.maximumf %max3A_410, %get3A_433 : vector<16xf32>
            %add3A_435 = arith.addf %add3A_411, %get3A_433 : vector<16xf32>
            %get3A_436 = arith.constant 27 : i32
            %get3A_437 = arith.index_cast %get3A_436 : i32 to index
            %get3A_438 = arith.index_cast %multiple_of3A : i32 to index
            %get3A_439 = tpu.vector_load %arg9[%get3A_437, %get3A_438] {strides = array<i32>} : memref<32x256xf32, #tpu.memory_space<vmem>>, vector<16xf32>,
            %max3A_440 = arith.maximumf %max3A_416, %get3A_439 : vector<16xf32>
            %add3A_441 = arith.addf %add3A_417, %get3A_439 : vector<16xf32>
            %get3A_442 = arith.constant 28 : i32
            %get3A_443 = arith.index_cast %get3A_442 : i32 to index
            %get3A_444 = arith.index_cast %multiple_of3A : i32 to index
            %get3A_445 = tpu.vector_load %arg9[%get3A_443, %get3A_444] {strides = array<i32>} : memref<32x256xf32, #tpu.memory_space<vmem>>, vector<16xf32>,
            %max3A_446 = arith.maximumf %max3A_422, %get3A_445 : vector<16xf32>
            %add3A_447 = arith.addf %add3A_423, %get3A_445 : vector<16xf32>
            %get3A_448 = arith.constant 29 : i32
            %get3A_449 = arith.index_cast %get3A_448 : i32 to index
            %get3A_450 = arith.index_cast %multiple_of3A : i32 to index
            %get3A_451 = tpu.vector_load %arg9[%get3A_449, %get3A_450] {strides = array<i32>} : memref<32x256xf32, #tpu.memory_space<vmem>>, vector<16xf32>,
            %max3A_452 = arith.maximumf %max3A_428, %get3A_451 : vector<16xf32>
            %add3A_453 = arith.addf %add3A_429, %get3A_451 : vector<16xf32>
            %get3A_454 = arith.constant 30 : i32
            %get3A_455 = arith.index_cast %get3A_454 : i32 to index
            %get3A_456 = arith.index_cast %multiple_of3A : i32 to index
            %get3A_457 = tpu.vector_load %arg9[%get3A_455, %get3A_456] {strides = array<i32>} : memref<32x256xf32, #tpu.memory_space<vmem>>, vector<16xf32>,
            %max3A_458 = arith.maximumf %max3A_434, %get3A_457 : vector<16xf32>
            %add3A_459 = arith.addf %add3A_435, %get3A_457 : vector<16xf32>
            %get3A_460 = arith.constant 31 : i32
            %get3A_461 = arith.index_cast %get3A_460 : i32 to index
            %get3A_462 = arith.index_cast %multiple_of3A : i32 to index
            %get3A_463 = tpu.vector_load %arg9[%get3A_461, %get3A_462] {strides = array<i32>} : memref<32x256xf32, #tpu.memory_space<vmem>>, vector<16xf32>,
            %max3A_464 = arith.maximumf %max3A_440, %get3A_463 : vector<16xf32>
            %add3A_465 = arith.addf %add3A_441, %get3A_463 : vector<16xf32>
            %max3A_466 = arith.maximumf %max3A_446, %max3A_452 : vector<16xf32>
            %add3A_467 = arith.addf %add3A_447, %add3A_453 : vector<16xf32>
            %max3A_468 = arith.maximumf %max3A_466, %max3A_458 : vector<16xf32>
            %add3A_469 = arith.addf %add3A_467, %add3A_459 : vector<16xf32>
            %max3A_470 = arith.maximumf %max3A_468, %max3A_464 : vector<16xf32>
            %add3A_471 = arith.addf %add3A_469, %add3A_465 : vector<16xf32>
            %get3A_472 = arith.index_cast %scan3A_39 : i32 to index
            %get3A_473 = arith.index_cast %multiple_of3A : i32 to index
            %get3A_474 = tpu.vector_load %arg15[%get3A_472, %get3A_473] {strides = array<i32>} : memref<16x256xf32, #tpu.memory_space<vmem>>, vector<16xf32>,
            %max3A_475 = arith.maximumf %get3A_474, %max3A_470 : vector<16xf32>
            %swap3A = arith.index_cast %scan3A_39 : i32 to index
            %swap3A_476 = arith.index_cast %multiple_of3A : i32 to index
            %swap3A_477 = tpu.vector_load %arg15[%swap3A, %swap3A_476] {strides = array<i32>} : memref<16x256xf32, #tpu.memory_space<vmem>>, vector<16xf32>,
            tpu.vector_store %arg15[%swap3A, %swap3A_476], %max3A_475 {strides = array<i32>} : memref<16x256xf32, #tpu.memory_space<vmem>>, vector<16xf32>,
            %get3A_478 = arith.index_cast %scan3A_39 : i32 to index
            %get3A_479 = arith.index_cast %multiple_of3A : i32 to index
            %get3A_480 = tpu.vector_load %arg16[%get3A_478, %get3A_479] {strides = array<i32>} : memref<16x256xf32, #tpu.memory_space<vmem>>, vector<16xf32>,
            %add3A_481 = arith.addf %get3A_480, %add3A_471 : vector<16xf32>
            %swap3A_482 = arith.index_cast %scan3A_39 : i32 to index
            %swap3A_483 = arith.index_cast %multiple_of3A : i32 to index
            %swap3A_484 = tpu.vector_load %arg16[%swap3A_482, %swap3A_483] {strides = array<i32>} : memref<16x256xf32, #tpu.memory_space<vmem>>, vector<16xf32>,
            tpu.vector_store %arg16[%swap3A_482, %swap3A_483], %add3A_481 {strides = array<i32>} : memref<16x256xf32, #tpu.memory_space<vmem>>, vector<16xf32>,
            %scan3A_485 = arith.constant 0 : i32
            scf.yield %scan3A_485 : i32
          }
          %scan3A_246 = arith.constant 16 : i32
          %add3A_247 = arith.constant 1 : i32
          %add3A_248 = arith.addi %mul3A_197, %add3A_247 : i32
          %add3A_249 = arith.constant 6 : i32
          %add3A_250 = arith.addi %add3A_248, %add3A_249 : i32
          %lt3A_251 = arith.cmpi slt, %add3A_250, %div3A_62 : i32
          %convert_element_type3A_252 = arith.extui %lt3A_251 : i1 to i32
          %cond3A_253 = arith.constant 0 : i32
          %cond3A_254 = arith.cmpi ne, %convert_element_type3A_252, %cond3A_253 : i32
          scf.if %cond3A_254 {
            %add3A_255 = arith.constant 1 : i32
            %add3A_256 = arith.addi %mul3A_197, %add3A_255 : i32
            %add3A_257 = arith.constant 6 : i32
            %add3A_258 = arith.addi %add3A_256, %add3A_257 : i32
            %mul3A_259 = arith.constant 32 : i32
            %mul3A_260 = arith.muli %add3A_258, %mul3A_259 : i32
            %add3A_261 = arith.addi %mul3A_59, %mul3A_260 : i32
            %multiple_of3A = tpu.assume_multiple %add3A_261, 8 : i32
            %dma_start3A = arith.constant 0 : i32
            %dma_start3A_262 = tpu.memref_slice %arg3[%multiple_of3A, %dma_start3A] : memref<50000x256xf32, #tpu.memory_space<hbm>> -> memref<32x256xf32, #tpu.memory_space<hbm>>
            %dma_start3A_263 = arith.constant 0 : i32
            %dma_start3A_264 = tpu.memref_slice %arg3[%multiple_of3A, %dma_start3A_263] : memref<50000x256xf32, #tpu.memory_space<hbm>> -> memref<32x256xf32, #tpu.memory_space<hbm>>
            tpu.enqueue_dma source(%dma_start3A_264 : memref<32x256xf32, #tpu.memory_space<hbm>>) target(%arg9 : memref<32x256xf32, #tpu.memory_space<vmem>>) target_semaphore(%arg19 : memref<!tpu.dma_semaphore, #tpu.memory_space<semaphore_mem>>)
          } else {
          }
        } else {
        }
        %add3A_210 = arith.constant 2 : i32
        %add3A_211 = arith.addi %mul3A_197, %add3A_210 : i32
        %lt3A_212 = arith.cmpi slt, %add3A_211, %div3A_62 : i32
        %convert_element_type3A_213 = arith.extui %lt3A_212 : i1 to i32
        %cond3A_214 = arith.constant 0 : i32
        %cond3A_215 = arith.cmpi ne, %convert_element_type3A_213, %cond3A_214 : i32
        scf.if %cond3A_215 {
          %dma_wait3A = arith.constant 0 : i32
          %dma_wait3A_235 = arith.constant 0 : i32
          %dma_wait3A_236 = tpu.memref_slice %arg3[%dma_wait3A, %dma_wait3A_235] : memref<50000x256xf32, #tpu.memory_space<hbm>> -> memref<32x256xf32, #tpu.memory_space<hbm>>
          %dma_wait3A_237 = arith.constant 0 : i32
          %dma_wait3A_238 = arith.constant 0 : i32
          %dma_wait3A_239 = tpu.memref_slice %arg3[%dma_wait3A_237, %dma_wait3A_238] : memref<50000x256xf32, #tpu.memory_space<hbm>> -> memref<32x256xf32, #tpu.memory_space<hbm>>
          tpu.wait_dma2 semaphore(%arg20 : memref<!tpu.dma_semaphore, #tpu.memory_space<semaphore_mem>>) src(%dma_wait3A_239 : memref<32x256xf32, #tpu.memory_space<hbm>>) dst(%arg10 : memref<32x256xf32, #tpu.memory_space<vmem>>)
          %scan3A_240 = arith.constant 0 : i32
          %scan3A_241 = arith.constant 0 : i32
          %scan3A_242 = arith.constant 16 : i32
          %scan3A_243 = arith.addi %scan3A_241, %scan3A_242 : i32
          %scan3A_244 = arith.constant 1 : i32
          %scan3A_245 = scf.for %scan3A_255 = %scan3A_241 to %scan3A_243 step %scan3A_244 iter_args(%scan3A_256 = %scan3A_240) -> (i32)  : i32 {
            %mul3A_257 = arith.constant 16 : i32
            %mul3A_258 = arith.muli %scan3A_255, %mul3A_257 : i32
            %multiple_of3A = tpu.assume_multiple %mul3A_258, 16 : i32
            %broadcast_in_dim3A_259 = arith.constant 0xFF800000 : f32
            %broadcast_in_dim3A_260 = vector.broadcast %broadcast_in_dim3A_259 : f32 to vector<16xf32>
            %broadcast_in_dim3A_261 = arith.constant 0xFF800000 : f32
            %broadcast_in_dim3A_262 = vector.broadcast %broadcast_in_dim3A_261 : f32 to vector<16xf32>
            %broadcast_in_dim3A_263 = arith.constant 0xFF800000 : f32
            %broadcast_in_dim3A_264 = vector.broadcast %broadcast_in_dim3A_263 : f32 to vector<16xf32>
            %broadcast_in_dim3A_265 = arith.constant 0xFF800000 : f32
            %broadcast_in_dim3A_266 = vector.broadcast %broadcast_in_dim3A_265 : f32 to vector<16xf32>
            %broadcast_in_dim3A_267 = arith.constant 0.000000e+00 : f32
            %broadcast_in_dim3A_268 = vector.broadcast %broadcast_in_dim3A_267 : f32 to vector<16xf32>
            %broadcast_in_dim3A_269 = arith.constant 0.000000e+00 : f32
            %broadcast_in_dim3A_270 = vector.broadcast %broadcast_in_dim3A_269 : f32 to vector<16xf32>
            %broadcast_in_dim3A_271 = arith.constant 0.000000e+00 : f32
            %broadcast_in_dim3A_272 = vector.broadcast %broadcast_in_dim3A_271 : f32 to vector<16xf32>
            %broadcast_in_dim3A_273 = arith.constant 0.000000e+00 : f32
            %broadcast_in_dim3A_274 = vector.broadcast %broadcast_in_dim3A_273 : f32 to vector<16xf32>
            %get3A = arith.constant 0 : i32
            %get3A_275 = arith.index_cast %get3A : i32 to index
            %get3A_276 = arith.index_cast %multiple_of3A : i32 to index
            %get3A_277 = tpu.vector_load %arg10[%get3A_275, %get3A_276] {strides = array<i32>} : memref<32x256xf32, #tpu.memory_space<vmem>>, vector<16xf32>,
            %max3A_278 = arith.maximumf %broadcast_in_dim3A_260, %get3A_277 : vector<16xf32>
            %add3A_279 = arith.addf %broadcast_in_dim3A_268, %get3A_277 : vector<16xf32>
            %get3A_280 = arith.constant 1 : i32
            %get3A_281 = arith.index_cast %get3A_280 : i32 to index
            %get3A_282 = arith.index_cast %multiple_of3A : i32 to index
            %get3A_283 = tpu.vector_load %arg10[%get3A_281, %get3A_282] {strides = array<i32>} : memref<32x256xf32, #tpu.memory_space<vmem>>, vector<16xf32>,
            %max3A_284 = arith.maximumf %broadcast_in_dim3A_262, %get3A_283 : vector<16xf32>
            %add3A_285 = arith.addf %broadcast_in_dim3A_270, %get3A_283 : vector<16xf32>
            %get3A_286 = arith.constant 2 : i32
            %get3A_287 = arith.index_cast %get3A_286 : i32 to index
            %get3A_288 = arith.index_cast %multiple_of3A : i32 to index
            %get3A_289 = tpu.vector_load %arg10[%get3A_287, %get3A_288] {strides = array<i32>} : memref<32x256xf32, #tpu.memory_space<vmem>>, vector<16xf32>,
            %max3A_290 = arith.maximumf %broadcast_in_dim3A_264, %get3A_289 : vector<16xf32>
            %add3A_291 = arith.addf %broadcast_in_dim3A_272, %get3A_289 : vector<16xf32>
            %get3A_292 = arith.constant 3 : i32
            %get3A_293 = arith.index_cast %get3A_292 : i32 to index
            %get3A_294 = arith.index_cast %multiple_of3A : i32 to index
            %get3A_295 = tpu.vector_load %arg10[%get3A_293, %get3A_294] {strides = array<i32>} : memref<32x256xf32, #tpu.memory_space<vmem>>, vector<16xf32>,
            %max3A_296 = arith.maximumf %broadcast_in_dim3A_266, %get3A_295 : vector<16xf32>
            %add3A_297 = arith.addf %broadcast_in_dim3A_274, %get3A_295 : vector<16xf32>
            %get3A_298 = arith.constant 4 : i32
            %get3A_299 = arith.index_cast %get3A_298 : i32 to index
            %get3A_300 = arith.index_cast %multiple_of3A : i32 to index
            %get3A_301 = tpu.vector_load %arg10[%get3A_299, %get3A_300] {strides = array<i32>} : memref<32x256xf32, #tpu.memory_space<vmem>>, vector<16xf32>,
            %max3A_302 = arith.maximumf %max3A_278, %get3A_301 : vector<16xf32>
            %add3A_303 = arith.addf %add3A_279, %get3A_301 : vector<16xf32>
            %get3A_304 = arith.constant 5 : i32
            %get3A_305 = arith.index_cast %get3A_304 : i32 to index
            %get3A_306 = arith.index_cast %multiple_of3A : i32 to index
            %get3A_307 = tpu.vector_load %arg10[%get3A_305, %get3A_306] {strides = array<i32>} : memref<32x256xf32, #tpu.memory_space<vmem>>, vector<16xf32>,
            %max3A_308 = arith.maximumf %max3A_284, %get3A_307 : vector<16xf32>
            %add3A_309 = arith.addf %add3A_285, %get3A_307 : vector<16xf32>
            %get3A_310 = arith.constant 6 : i32
            %get3A_311 = arith.index_cast %get3A_310 : i32 to index
            %get3A_312 = arith.index_cast %multiple_of3A : i32 to index
            %get3A_313 = tpu.vector_load %arg10[%get3A_311, %get3A_312] {strides = array<i32>} : memref<32x256xf32, #tpu.memory_space<vmem>>, vector<16xf32>,
            %max3A_314 = arith.maximumf %max3A_290, %get3A_313 : vector<16xf32>
            %add3A_315 = arith.addf %add3A_291, %get3A_313 : vector<16xf32>
            %get3A_316 = arith.constant 7 : i32
            %get3A_317 = arith.index_cast %get3A_316 : i32 to index
            %get3A_318 = arith.index_cast %multiple_of3A : i32 to index
            %get3A_319 = tpu.vector_load %arg10[%get3A_317, %get3A_318] {strides = array<i32>} : memref<32x256xf32, #tpu.memory_space<vmem>>, vector<16xf32>,
            %max3A_320 = arith.maximumf %max3A_296, %get3A_319 : vector<16xf32>
            %add3A_321 = arith.addf %add3A_297, %get3A_319 : vector<16xf32>
            %get3A_322 = arith.constant 8 : i32
            %get3A_323 = arith.index_cast %get3A_322 : i32 to index
            %get3A_324 = arith.index_cast %multiple_of3A : i32 to index
            %get3A_325 = tpu.vector_load %arg10[%get3A_323, %get3A_324] {strides = array<i32>} : memref<32x256xf32, #tpu.memory_space<vmem>>, vector<16xf32>,
            %max3A_326 = arith.maximumf %max3A_302, %get3A_325 : vector<16xf32>
            %add3A_327 = arith.addf %add3A_303, %get3A_325 : vector<16xf32>
            %get3A_328 = arith.constant 9 : i32
            %get3A_329 = arith.index_cast %get3A_328 : i32 to index
            %get3A_330 = arith.index_cast %multiple_of3A : i32 to index
            %get3A_331 = tpu.vector_load %arg10[%get3A_329, %get3A_330] {strides = array<i32>} : memref<32x256xf32, #tpu.memory_space<vmem>>, vector<16xf32>,
            %max3A_332 = arith.maximumf %max3A_308, %get3A_331 : vector<16xf32>
            %add3A_333 = arith.addf %add3A_309, %get3A_331 : vector<16xf32>
            %get3A_334 = arith.constant 10 : i32
            %get3A_335 = arith.index_cast %get3A_334 : i32 to index
            %get3A_336 = arith.index_cast %multiple_of3A : i32 to index
            %get3A_337 = tpu.vector_load %arg10[%get3A_335, %get3A_336] {strides = array<i32>} : memref<32x256xf32, #tpu.memory_space<vmem>>, vector<16xf32>,
            %max3A_338 = arith.maximumf %max3A_314, %get3A_337 : vector<16xf32>
            %add3A_339 = arith.addf %add3A_315, %get3A_337 : vector<16xf32>
            %get3A_340 = arith.constant 11 : i32
            %get3A_341 = arith.index_cast %get3A_340 : i32 to index
            %get3A_342 = arith.index_cast %multiple_of3A : i32 to index
            %get3A_343 = tpu.vector_load %arg10[%get3A_341, %get3A_342] {strides = array<i32>} : memref<32x256xf32, #tpu.memory_space<vmem>>, vector<16xf32>,
            %max3A_344 = arith.maximumf %max3A_320, %get3A_343 : vector<16xf32>
            %add3A_345 = arith.addf %add3A_321, %get3A_343 : vector<16xf32>
            %get3A_346 = arith.constant 12 : i32
            %get3A_347 = arith.index_cast %get3A_346 : i32 to index
            %get3A_348 = arith.index_cast %multiple_of3A : i32 to index
            %get3A_349 = tpu.vector_load %arg10[%get3A_347, %get3A_348] {strides = array<i32>} : memref<32x256xf32, #tpu.memory_space<vmem>>, vector<16xf32>,
            %max3A_350 = arith.maximumf %max3A_326, %get3A_349 : vector<16xf32>
            %add3A_351 = arith.addf %add3A_327, %get3A_349 : vector<16xf32>
            %get3A_352 = arith.constant 13 : i32
            %get3A_353 = arith.index_cast %get3A_352 : i32 to index
            %get3A_354 = arith.index_cast %multiple_of3A : i32 to index
            %get3A_355 = tpu.vector_load %arg10[%get3A_353, %get3A_354] {strides = array<i32>} : memref<32x256xf32, #tpu.memory_space<vmem>>, vector<16xf32>,
            %max3A_356 = arith.maximumf %max3A_332, %get3A_355 : vector<16xf32>
            %add3A_357 = arith.addf %add3A_333, %get3A_355 : vector<16xf32>
            %get3A_358 = arith.constant 14 : i32
            %get3A_359 = arith.index_cast %get3A_358 : i32 to index
            %get3A_360 = arith.index_cast %multiple_of3A : i32 to index
            %get3A_361 = tpu.vector_load %arg10[%get3A_359, %get3A_360] {strides = array<i32>} : memref<32x256xf32, #tpu.memory_space<vmem>>, vector<16xf32>,
            %max3A_362 = arith.maximumf %max3A_338, %get3A_361 : vector<16xf32>
            %add3A_363 = arith.addf %add3A_339, %get3A_361 : vector<16xf32>
            %get3A_364 = arith.constant 15 : i32
            %get3A_365 = arith.index_cast %get3A_364 : i32 to index
            %get3A_366 = arith.index_cast %multiple_of3A : i32 to index
            %get3A_367 = tpu.vector_load %arg10[%get3A_365, %get3A_366] {strides = array<i32>} : memref<32x256xf32, #tpu.memory_space<vmem>>, vector<16xf32>,
            %max3A_368 = arith.maximumf %max3A_344, %get3A_367 : vector<16xf32>
            %add3A_369 = arith.addf %add3A_345, %get3A_367 : vector<16xf32>
            %get3A_370 = arith.constant 16 : i32
            %get3A_371 = arith.index_cast %get3A_370 : i32 to index
            %get3A_372 = arith.index_cast %multiple_of3A : i32 to index
            %get3A_373 = tpu.vector_load %arg10[%get3A_371, %get3A_372] {strides = array<i32>} : memref<32x256xf32, #tpu.memory_space<vmem>>, vector<16xf32>,
            %max3A_374 = arith.maximumf %max3A_350, %get3A_373 : vector<16xf32>
            %add3A_375 = arith.addf %add3A_351, %get3A_373 : vector<16xf32>
            %get3A_376 = arith.constant 17 : i32
            %get3A_377 = arith.index_cast %get3A_376 : i32 to index
            %get3A_378 = arith.index_cast %multiple_of3A : i32 to index
            %get3A_379 = tpu.vector_load %arg10[%get3A_377, %get3A_378] {strides = array<i32>} : memref<32x256xf32, #tpu.memory_space<vmem>>, vector<16xf32>,
            %max3A_380 = arith.maximumf %max3A_356, %get3A_379 : vector<16xf32>
            %add3A_381 = arith.addf %add3A_357, %get3A_379 : vector<16xf32>
            %get3A_382 = arith.constant 18 : i32
            %get3A_383 = arith.index_cast %get3A_382 : i32 to index
            %get3A_384 = arith.index_cast %multiple_of3A : i32 to index
            %get3A_385 = tpu.vector_load %arg10[%get3A_383, %get3A_384] {strides = array<i32>} : memref<32x256xf32, #tpu.memory_space<vmem>>, vector<16xf32>,
            %max3A_386 = arith.maximumf %max3A_362, %get3A_385 : vector<16xf32>
            %add3A_387 = arith.addf %add3A_363, %get3A_385 : vector<16xf32>
            %get3A_388 = arith.constant 19 : i32
            %get3A_389 = arith.index_cast %get3A_388 : i32 to index
            %get3A_390 = arith.index_cast %multiple_of3A : i32 to index
            %get3A_391 = tpu.vector_load %arg10[%get3A_389, %get3A_390] {strides = array<i32>} : memref<32x256xf32, #tpu.memory_space<vmem>>, vector<16xf32>,
            %max3A_392 = arith.maximumf %max3A_368, %get3A_391 : vector<16xf32>
            %add3A_393 = arith.addf %add3A_369, %get3A_391 : vector<16xf32>
            %get3A_394 = arith.constant 20 : i32
            %get3A_395 = arith.index_cast %get3A_394 : i32 to index
            %get3A_396 = arith.index_cast %multiple_of3A : i32 to index
            %get3A_397 = tpu.vector_load %arg10[%get3A_395, %get3A_396] {strides = array<i32>} : memref<32x256xf32, #tpu.memory_space<vmem>>, vector<16xf32>,
            %max3A_398 = arith.maximumf %max3A_374, %get3A_397 : vector<16xf32>
            %add3A_399 = arith.addf %add3A_375, %get3A_397 : vector<16xf32>
            %get3A_400 = arith.constant 21 : i32
            %get3A_401 = arith.index_cast %get3A_400 : i32 to index
            %get3A_402 = arith.index_cast %multiple_of3A : i32 to index
            %get3A_403 = tpu.vector_load %arg10[%get3A_401, %get3A_402] {strides = array<i32>} : memref<32x256xf32, #tpu.memory_space<vmem>>, vector<16xf32>,
            %max3A_404 = arith.maximumf %max3A_380, %get3A_403 : vector<16xf32>
            %add3A_405 = arith.addf %add3A_381, %get3A_403 : vector<16xf32>
            %get3A_406 = arith.constant 22 : i32
            %get3A_407 = arith.index_cast %get3A_406 : i32 to index
            %get3A_408 = arith.index_cast %multiple_of3A : i32 to index
            %get3A_409 = tpu.vector_load %arg10[%get3A_407, %get3A_408] {strides = array<i32>} : memref<32x256xf32, #tpu.memory_space<vmem>>, vector<16xf32>,
            %max3A_410 = arith.maximumf %max3A_386, %get3A_409 : vector<16xf32>
            %add3A_411 = arith.addf %add3A_387, %get3A_409 : vector<16xf32>
            %get3A_412 = arith.constant 23 : i32
            %get3A_413 = arith.index_cast %get3A_412 : i32 to index
            %get3A_414 = arith.index_cast %multiple_of3A : i32 to index
            %get3A_415 = tpu.vector_load %arg10[%get3A_413, %get3A_414] {strides = array<i32>} : memref<32x256xf32, #tpu.memory_space<vmem>>, vector<16xf32>,
            %max3A_416 = arith.maximumf %max3A_392, %get3A_415 : vector<16xf32>
            %add3A_417 = arith.addf %add3A_393, %get3A_415 : vector<16xf32>
            %get3A_418 = arith.constant 24 : i32
            %get3A_419 = arith.index_cast %get3A_418 : i32 to index
            %get3A_420 = arith.index_cast %multiple_of3A : i32 to index
            %get3A_421 = tpu.vector_load %arg10[%get3A_419, %get3A_420] {strides = array<i32>} : memref<32x256xf32, #tpu.memory_space<vmem>>, vector<16xf32>,
            %max3A_422 = arith.maximumf %max3A_398, %get3A_421 : vector<16xf32>
            %add3A_423 = arith.addf %add3A_399, %get3A_421 : vector<16xf32>
            %get3A_424 = arith.constant 25 : i32
            %get3A_425 = arith.index_cast %get3A_424 : i32 to index
            %get3A_426 = arith.index_cast %multiple_of3A : i32 to index
            %get3A_427 = tpu.vector_load %arg10[%get3A_425, %get3A_426] {strides = array<i32>} : memref<32x256xf32, #tpu.memory_space<vmem>>, vector<16xf32>,
            %max3A_428 = arith.maximumf %max3A_404, %get3A_427 : vector<16xf32>
            %add3A_429 = arith.addf %add3A_405, %get3A_427 : vector<16xf32>
            %get3A_430 = arith.constant 26 : i32
            %get3A_431 = arith.index_cast %get3A_430 : i32 to index
            %get3A_432 = arith.index_cast %multiple_of3A : i32 to index
            %get3A_433 = tpu.vector_load %arg10[%get3A_431, %get3A_432] {strides = array<i32>} : memref<32x256xf32, #tpu.memory_space<vmem>>, vector<16xf32>,
            %max3A_434 = arith.maximumf %max3A_410, %get3A_433 : vector<16xf32>
            %add3A_435 = arith.addf %add3A_411, %get3A_433 : vector<16xf32>
            %get3A_436 = arith.constant 27 : i32
            %get3A_437 = arith.index_cast %get3A_436 : i32 to index
            %get3A_438 = arith.index_cast %multiple_of3A : i32 to index
            %get3A_439 = tpu.vector_load %arg10[%get3A_437, %get3A_438] {strides = array<i32>} : memref<32x256xf32, #tpu.memory_space<vmem>>, vector<16xf32>,
            %max3A_440 = arith.maximumf %max3A_416, %get3A_439 : vector<16xf32>
            %add3A_441 = arith.addf %add3A_417, %get3A_439 : vector<16xf32>
            %get3A_442 = arith.constant 28 : i32
            %get3A_443 = arith.index_cast %get3A_442 : i32 to index
            %get3A_444 = arith.index_cast %multiple_of3A : i32 to index
            %get3A_445 = tpu.vector_load %arg10[%get3A_443, %get3A_444] {strides = array<i32>} : memref<32x256xf32, #tpu.memory_space<vmem>>, vector<16xf32>,
            %max3A_446 = arith.maximumf %max3A_422, %get3A_445 : vector<16xf32>
            %add3A_447 = arith.addf %add3A_423, %get3A_445 : vector<16xf32>
            %get3A_448 = arith.constant 29 : i32
            %get3A_449 = arith.index_cast %get3A_448 : i32 to index
            %get3A_450 = arith.index_cast %multiple_of3A : i32 to index
            %get3A_451 = tpu.vector_load %arg10[%get3A_449, %get3A_450] {strides = array<i32>} : memref<32x256xf32, #tpu.memory_space<vmem>>, vector<16xf32>,
            %max3A_452 = arith.maximumf %max3A_428, %get3A_451 : vector<16xf32>
            %add3A_453 = arith.addf %add3A_429, %get3A_451 : vector<16xf32>
            %get3A_454 = arith.constant 30 : i32
            %get3A_455 = arith.index_cast %get3A_454 : i32 to index
            %get3A_456 = arith.index_cast %multiple_of3A : i32 to index
            %get3A_457 = tpu.vector_load %arg10[%get3A_455, %get3A_456] {strides = array<i32>} : memref<32x256xf32, #tpu.memory_space<vmem>>, vector<16xf32>,
            %max3A_458 = arith.maximumf %max3A_434, %get3A_457 : vector<16xf32>
            %add3A_459 = arith.addf %add3A_435, %get3A_457 : vector<16xf32>
            %get3A_460 = arith.constant 31 : i32
            %get3A_461 = arith.index_cast %get3A_460 : i32 to index
            %get3A_462 = arith.index_cast %multiple_of3A : i32 to index
            %get3A_463 = tpu.vector_load %arg10[%get3A_461, %get3A_462] {strides = array<i32>} : memref<32x256xf32, #tpu.memory_space<vmem>>, vector<16xf32>,
            %max3A_464 = arith.maximumf %max3A_440, %get3A_463 : vector<16xf32>
            %add3A_465 = arith.addf %add3A_441, %get3A_463 : vector<16xf32>
            %max3A_466 = arith.maximumf %max3A_446, %max3A_452 : vector<16xf32>
            %add3A_467 = arith.addf %add3A_447, %add3A_453 : vector<16xf32>
            %max3A_468 = arith.maximumf %max3A_466, %max3A_458 : vector<16xf32>
            %add3A_469 = arith.addf %add3A_467, %add3A_459 : vector<16xf32>
            %max3A_470 = arith.maximumf %max3A_468, %max3A_464 : vector<16xf32>
            %add3A_471 = arith.addf %add3A_469, %add3A_465 : vector<16xf32>
            %get3A_472 = arith.index_cast %scan3A_39 : i32 to index
            %get3A_473 = arith.index_cast %multiple_of3A : i32 to index
            %get3A_474 = tpu.vector_load %arg15[%get3A_472, %get3A_473] {strides = array<i32>} : memref<16x256xf32, #tpu.memory_space<vmem>>, vector<16xf32>,
            %max3A_475 = arith.maximumf %get3A_474, %max3A_470 : vector<16xf32>
            %swap3A = arith.index_cast %scan3A_39 : i32 to index
            %swap3A_476 = arith.index_cast %multiple_of3A : i32 to index
            %swap3A_477 = tpu.vector_load %arg15[%swap3A, %swap3A_476] {strides = array<i32>} : memref<16x256xf32, #tpu.memory_space<vmem>>, vector<16xf32>,
            tpu.vector_store %arg15[%swap3A, %swap3A_476], %max3A_475 {strides = array<i32>} : memref<16x256xf32, #tpu.memory_space<vmem>>, vector<16xf32>,
            %get3A_478 = arith.index_cast %scan3A_39 : i32 to index
            %get3A_479 = arith.index_cast %multiple_of3A : i32 to index
            %get3A_480 = tpu.vector_load %arg16[%get3A_478, %get3A_479] {strides = array<i32>} : memref<16x256xf32, #tpu.memory_space<vmem>>, vector<16xf32>,
            %add3A_481 = arith.addf %get3A_480, %add3A_471 : vector<16xf32>
            %swap3A_482 = arith.index_cast %scan3A_39 : i32 to index
            %swap3A_483 = arith.index_cast %multiple_of3A : i32 to index
            %swap3A_484 = tpu.vector_load %arg16[%swap3A_482, %swap3A_483] {strides = array<i32>} : memref<16x256xf32, #tpu.memory_space<vmem>>, vector<16xf32>,
            tpu.vector_store %arg16[%swap3A_482, %swap3A_483], %add3A_481 {strides = array<i32>} : memref<16x256xf32, #tpu.memory_space<vmem>>, vector<16xf32>,
            %scan3A_485 = arith.constant 0 : i32
            scf.yield %scan3A_485 : i32
          }
          %scan3A_246 = arith.constant 16 : i32
          %add3A_247 = arith.constant 2 : i32
          %add3A_248 = arith.addi %mul3A_197, %add3A_247 : i32
          %add3A_249 = arith.constant 6 : i32
          %add3A_250 = arith.addi %add3A_248, %add3A_249 : i32
          %lt3A_251 = arith.cmpi slt, %add3A_250, %div3A_62 : i32
          %convert_element_type3A_252 = arith.extui %lt3A_251 : i1 to i32
          %cond3A_253 = arith.constant 0 : i32
          %cond3A_254 = arith.cmpi ne, %convert_element_type3A_252, %cond3A_253 : i32
          scf.if %cond3A_254 {
            %add3A_255 = arith.constant 2 : i32
            %add3A_256 = arith.addi %mul3A_197, %add3A_255 : i32
            %add3A_257 = arith.constant 6 : i32
            %add3A_258 = arith.addi %add3A_256, %add3A_257 : i32
            %mul3A_259 = arith.constant 32 : i32
            %mul3A_260 = arith.muli %add3A_258, %mul3A_259 : i32
            %add3A_261 = arith.addi %mul3A_59, %mul3A_260 : i32
            %multiple_of3A = tpu.assume_multiple %add3A_261, 8 : i32
            %dma_start3A = arith.constant 0 : i32
            %dma_start3A_262 = tpu.memref_slice %arg3[%multiple_of3A, %dma_start3A] : memref<50000x256xf32, #tpu.memory_space<hbm>> -> memref<32x256xf32, #tpu.memory_space<hbm>>
            %dma_start3A_263 = arith.constant 0 : i32
            %dma_start3A_264 = tpu.memref_slice %arg3[%multiple_of3A, %dma_start3A_263] : memref<50000x256xf32, #tpu.memory_space<hbm>> -> memref<32x256xf32, #tpu.memory_space<hbm>>
            tpu.enqueue_dma source(%dma_start3A_264 : memref<32x256xf32, #tpu.memory_space<hbm>>) target(%arg10 : memref<32x256xf32, #tpu.memory_space<vmem>>) target_semaphore(%arg20 : memref<!tpu.dma_semaphore, #tpu.memory_space<semaphore_mem>>)
          } else {
          }
        } else {
        }
        %add3A_216 = arith.constant 3 : i32
        %add3A_217 = arith.addi %mul3A_197, %add3A_216 : i32
        %lt3A_218 = arith.cmpi slt, %add3A_217, %div3A_62 : i32
        %convert_element_type3A_219 = arith.extui %lt3A_218 : i1 to i32
        %cond3A_220 = arith.constant 0 : i32
        %cond3A_221 = arith.cmpi ne, %convert_element_type3A_219, %cond3A_220 : i32
        scf.if %cond3A_221 {
          %dma_wait3A = arith.constant 0 : i32
          %dma_wait3A_235 = arith.constant 0 : i32
          %dma_wait3A_236 = tpu.memref_slice %arg3[%dma_wait3A, %dma_wait3A_235] : memref<50000x256xf32, #tpu.memory_space<hbm>> -> memref<32x256xf32, #tpu.memory_space<hbm>>
          %dma_wait3A_237 = arith.constant 0 : i32
          %dma_wait3A_238 = arith.constant 0 : i32
          %dma_wait3A_239 = tpu.memref_slice %arg3[%dma_wait3A_237, %dma_wait3A_238] : memref<50000x256xf32, #tpu.memory_space<hbm>> -> memref<32x256xf32, #tpu.memory_space<hbm>>
          tpu.wait_dma2 semaphore(%arg21 : memref<!tpu.dma_semaphore, #tpu.memory_space<semaphore_mem>>) src(%dma_wait3A_239 : memref<32x256xf32, #tpu.memory_space<hbm>>) dst(%arg11 : memref<32x256xf32, #tpu.memory_space<vmem>>)
          %scan3A_240 = arith.constant 0 : i32
          %scan3A_241 = arith.constant 0 : i32
          %scan3A_242 = arith.constant 16 : i32
          %scan3A_243 = arith.addi %scan3A_241, %scan3A_242 : i32
          %scan3A_244 = arith.constant 1 : i32
          %scan3A_245 = scf.for %scan3A_255 = %scan3A_241 to %scan3A_243 step %scan3A_244 iter_args(%scan3A_256 = %scan3A_240) -> (i32)  : i32 {
            %mul3A_257 = arith.constant 16 : i32
            %mul3A_258 = arith.muli %scan3A_255, %mul3A_257 : i32
            %multiple_of3A = tpu.assume_multiple %mul3A_258, 16 : i32
            %broadcast_in_dim3A_259 = arith.constant 0xFF800000 : f32
            %broadcast_in_dim3A_260 = vector.broadcast %broadcast_in_dim3A_259 : f32 to vector<16xf32>
            %broadcast_in_dim3A_261 = arith.constant 0xFF800000 : f32
            %broadcast_in_dim3A_262 = vector.broadcast %broadcast_in_dim3A_261 : f32 to vector<16xf32>
            %broadcast_in_dim3A_263 = arith.constant 0xFF800000 : f32
            %broadcast_in_dim3A_264 = vector.broadcast %broadcast_in_dim3A_263 : f32 to vector<16xf32>
            %broadcast_in_dim3A_265 = arith.constant 0xFF800000 : f32
            %broadcast_in_dim3A_266 = vector.broadcast %broadcast_in_dim3A_265 : f32 to vector<16xf32>
            %broadcast_in_dim3A_267 = arith.constant 0.000000e+00 : f32
            %broadcast_in_dim3A_268 = vector.broadcast %broadcast_in_dim3A_267 : f32 to vector<16xf32>
            %broadcast_in_dim3A_269 = arith.constant 0.000000e+00 : f32
            %broadcast_in_dim3A_270 = vector.broadcast %broadcast_in_dim3A_269 : f32 to vector<16xf32>
            %broadcast_in_dim3A_271 = arith.constant 0.000000e+00 : f32
            %broadcast_in_dim3A_272 = vector.broadcast %broadcast_in_dim3A_271 : f32 to vector<16xf32>
            %broadcast_in_dim3A_273 = arith.constant 0.000000e+00 : f32
            %broadcast_in_dim3A_274 = vector.broadcast %broadcast_in_dim3A_273 : f32 to vector<16xf32>
            %get3A = arith.constant 0 : i32
            %get3A_275 = arith.index_cast %get3A : i32 to index
            %get3A_276 = arith.index_cast %multiple_of3A : i32 to index
            %get3A_277 = tpu.vector_load %arg11[%get3A_275, %get3A_276] {strides = array<i32>} : memref<32x256xf32, #tpu.memory_space<vmem>>, vector<16xf32>,
            %max3A_278 = arith.maximumf %broadcast_in_dim3A_260, %get3A_277 : vector<16xf32>
            %add3A_279 = arith.addf %broadcast_in_dim3A_268, %get3A_277 : vector<16xf32>
            %get3A_280 = arith.constant 1 : i32
            %get3A_281 = arith.index_cast %get3A_280 : i32 to index
            %get3A_282 = arith.index_cast %multiple_of3A : i32 to index
            %get3A_283 = tpu.vector_load %arg11[%get3A_281, %get3A_282] {strides = array<i32>} : memref<32x256xf32, #tpu.memory_space<vmem>>, vector<16xf32>,
            %max3A_284 = arith.maximumf %broadcast_in_dim3A_262, %get3A_283 : vector<16xf32>
            %add3A_285 = arith.addf %broadcast_in_dim3A_270, %get3A_283 : vector<16xf32>
            %get3A_286 = arith.constant 2 : i32
            %get3A_287 = arith.index_cast %get3A_286 : i32 to index
            %get3A_288 = arith.index_cast %multiple_of3A : i32 to index
            %get3A_289 = tpu.vector_load %arg11[%get3A_287, %get3A_288] {strides = array<i32>} : memref<32x256xf32, #tpu.memory_space<vmem>>, vector<16xf32>,
            %max3A_290 = arith.maximumf %broadcast_in_dim3A_264, %get3A_289 : vector<16xf32>
            %add3A_291 = arith.addf %broadcast_in_dim3A_272, %get3A_289 : vector<16xf32>
            %get3A_292 = arith.constant 3 : i32
            %get3A_293 = arith.index_cast %get3A_292 : i32 to index
            %get3A_294 = arith.index_cast %multiple_of3A : i32 to index
            %get3A_295 = tpu.vector_load %arg11[%get3A_293, %get3A_294] {strides = array<i32>} : memref<32x256xf32, #tpu.memory_space<vmem>>, vector<16xf32>,
            %max3A_296 = arith.maximumf %broadcast_in_dim3A_266, %get3A_295 : vector<16xf32>
            %add3A_297 = arith.addf %broadcast_in_dim3A_274, %get3A_295 : vector<16xf32>
            %get3A_298 = arith.constant 4 : i32
            %get3A_299 = arith.index_cast %get3A_298 : i32 to index
            %get3A_300 = arith.index_cast %multiple_of3A : i32 to index
            %get3A_301 = tpu.vector_load %arg11[%get3A_299, %get3A_300] {strides = array<i32>} : memref<32x256xf32, #tpu.memory_space<vmem>>, vector<16xf32>,
            %max3A_302 = arith.maximumf %max3A_278, %get3A_301 : vector<16xf32>
            %add3A_303 = arith.addf %add3A_279, %get3A_301 : vector<16xf32>
            %get3A_304 = arith.constant 5 : i32
            %get3A_305 = arith.index_cast %get3A_304 : i32 to index
            %get3A_306 = arith.index_cast %multiple_of3A : i32 to index
            %get3A_307 = tpu.vector_load %arg11[%get3A_305, %get3A_306] {strides = array<i32>} : memref<32x256xf32, #tpu.memory_space<vmem>>, vector<16xf32>,
            %max3A_308 = arith.maximumf %max3A_284, %get3A_307 : vector<16xf32>
            %add3A_309 = arith.addf %add3A_285, %get3A_307 : vector<16xf32>
            %get3A_310 = arith.constant 6 : i32
            %get3A_311 = arith.index_cast %get3A_310 : i32 to index
            %get3A_312 = arith.index_cast %multiple_of3A : i32 to index
            %get3A_313 = tpu.vector_load %arg11[%get3A_311, %get3A_312] {strides = array<i32>} : memref<32x256xf32, #tpu.memory_space<vmem>>, vector<16xf32>,
            %max3A_314 = arith.maximumf %max3A_290, %get3A_313 : vector<16xf32>
            %add3A_315 = arith.addf %add3A_291, %get3A_313 : vector<16xf32>
            %get3A_316 = arith.constant 7 : i32
            %get3A_317 = arith.index_cast %get3A_316 : i32 to index
            %get3A_318 = arith.index_cast %multiple_of3A : i32 to index
            %get3A_319 = tpu.vector_load %arg11[%get3A_317, %get3A_318] {strides = array<i32>} : memref<32x256xf32, #tpu.memory_space<vmem>>, vector<16xf32>,
            %max3A_320 = arith.maximumf %max3A_296, %get3A_319 : vector<16xf32>
            %add3A_321 = arith.addf %add3A_297, %get3A_319 : vector<16xf32>
            %get3A_322 = arith.constant 8 : i32
            %get3A_323 = arith.index_cast %get3A_322 : i32 to index
            %get3A_324 = arith.index_cast %multiple_of3A : i32 to index
            %get3A_325 = tpu.vector_load %arg11[%get3A_323, %get3A_324] {strides = array<i32>} : memref<32x256xf32, #tpu.memory_space<vmem>>, vector<16xf32>,
            %max3A_326 = arith.maximumf %max3A_302, %get3A_325 : vector<16xf32>
            %add3A_327 = arith.addf %add3A_303, %get3A_325 : vector<16xf32>
            %get3A_328 = arith.constant 9 : i32
            %get3A_329 = arith.index_cast %get3A_328 : i32 to index
            %get3A_330 = arith.index_cast %multiple_of3A : i32 to index
            %get3A_331 = tpu.vector_load %arg11[%get3A_329, %get3A_330] {strides = array<i32>} : memref<32x256xf32, #tpu.memory_space<vmem>>, vector<16xf32>,
            %max3A_332 = arith.maximumf %max3A_308, %get3A_331 : vector<16xf32>
            %add3A_333 = arith.addf %add3A_309, %get3A_331 : vector<16xf32>
            %get3A_334 = arith.constant 10 : i32
            %get3A_335 = arith.index_cast %get3A_334 : i32 to index
            %get3A_336 = arith.index_cast %multiple_of3A : i32 to index
            %get3A_337 = tpu.vector_load %arg11[%get3A_335, %get3A_336] {strides = array<i32>} : memref<32x256xf32, #tpu.memory_space<vmem>>, vector<16xf32>,
            %max3A_338 = arith.maximumf %max3A_314, %get3A_337 : vector<16xf32>
            %add3A_339 = arith.addf %add3A_315, %get3A_337 : vector<16xf32>
            %get3A_340 = arith.constant 11 : i32
            %get3A_341 = arith.index_cast %get3A_340 : i32 to index
            %get3A_342 = arith.index_cast %multiple_of3A : i32 to index
            %get3A_343 = tpu.vector_load %arg11[%get3A_341, %get3A_342] {strides = array<i32>} : memref<32x256xf32, #tpu.memory_space<vmem>>, vector<16xf32>,
            %max3A_344 = arith.maximumf %max3A_320, %get3A_343 : vector<16xf32>
            %add3A_345 = arith.addf %add3A_321, %get3A_343 : vector<16xf32>
            %get3A_346 = arith.constant 12 : i32
            %get3A_347 = arith.index_cast %get3A_346 : i32 to index
            %get3A_348 = arith.index_cast %multiple_of3A : i32 to index
            %get3A_349 = tpu.vector_load %arg11[%get3A_347, %get3A_348] {strides = array<i32>} : memref<32x256xf32, #tpu.memory_space<vmem>>, vector<16xf32>,
            %max3A_350 = arith.maximumf %max3A_326, %get3A_349 : vector<16xf32>
            %add3A_351 = arith.addf %add3A_327, %get3A_349 : vector<16xf32>
            %get3A_352 = arith.constant 13 : i32
            %get3A_353 = arith.index_cast %get3A_352 : i32 to index
            %get3A_354 = arith.index_cast %multiple_of3A : i32 to index
            %get3A_355 = tpu.vector_load %arg11[%get3A_353, %get3A_354] {strides = array<i32>} : memref<32x256xf32, #tpu.memory_space<vmem>>, vector<16xf32>,
            %max3A_356 = arith.maximumf %max3A_332, %get3A_355 : vector<16xf32>
            %add3A_357 = arith.addf %add3A_333, %get3A_355 : vector<16xf32>
            %get3A_358 = arith.constant 14 : i32
            %get3A_359 = arith.index_cast %get3A_358 : i32 to index
            %get3A_360 = arith.index_cast %multiple_of3A : i32 to index
            %get3A_361 = tpu.vector_load %arg11[%get3A_359, %get3A_360] {strides = array<i32>} : memref<32x256xf32, #tpu.memory_space<vmem>>, vector<16xf32>,
            %max3A_362 = arith.maximumf %max3A_338, %get3A_361 : vector<16xf32>
            %add3A_363 = arith.addf %add3A_339, %get3A_361 : vector<16xf32>
            %get3A_364 = arith.constant 15 : i32
            %get3A_365 = arith.index_cast %get3A_364 : i32 to index
            %get3A_366 = arith.index_cast %multiple_of3A : i32 to index
            %get3A_367 = tpu.vector_load %arg11[%get3A_365, %get3A_366] {strides = array<i32>} : memref<32x256xf32, #tpu.memory_space<vmem>>, vector<16xf32>,
            %max3A_368 = arith.maximumf %max3A_344, %get3A_367 : vector<16xf32>
            %add3A_369 = arith.addf %add3A_345, %get3A_367 : vector<16xf32>
            %get3A_370 = arith.constant 16 : i32
            %get3A_371 = arith.index_cast %get3A_370 : i32 to index
            %get3A_372 = arith.index_cast %multiple_of3A : i32 to index
            %get3A_373 = tpu.vector_load %arg11[%get3A_371, %get3A_372] {strides = array<i32>} : memref<32x256xf32, #tpu.memory_space<vmem>>, vector<16xf32>,
            %max3A_374 = arith.maximumf %max3A_350, %get3A_373 : vector<16xf32>
            %add3A_375 = arith.addf %add3A_351, %get3A_373 : vector<16xf32>
            %get3A_376 = arith.constant 17 : i32
            %get3A_377 = arith.index_cast %get3A_376 : i32 to index
            %get3A_378 = arith.index_cast %multiple_of3A : i32 to index
            %get3A_379 = tpu.vector_load %arg11[%get3A_377, %get3A_378] {strides = array<i32>} : memref<32x256xf32, #tpu.memory_space<vmem>>, vector<16xf32>,
            %max3A_380 = arith.maximumf %max3A_356, %get3A_379 : vector<16xf32>
            %add3A_381 = arith.addf %add3A_357, %get3A_379 : vector<16xf32>
            %get3A_382 = arith.constant 18 : i32
            %get3A_383 = arith.index_cast %get3A_382 : i32 to index
            %get3A_384 = arith.index_cast %multiple_of3A : i32 to index
            %get3A_385 = tpu.vector_load %arg11[%get3A_383, %get3A_384] {strides = array<i32>} : memref<32x256xf32, #tpu.memory_space<vmem>>, vector<16xf32>,
            %max3A_386 = arith.maximumf %max3A_362, %get3A_385 : vector<16xf32>
            %add3A_387 = arith.addf %add3A_363, %get3A_385 : vector<16xf32>
            %get3A_388 = arith.constant 19 : i32
            %get3A_389 = arith.index_cast %get3A_388 : i32 to index
            %get3A_390 = arith.index_cast %multiple_of3A : i32 to index
            %get3A_391 = tpu.vector_load %arg11[%get3A_389, %get3A_390] {strides = array<i32>} : memref<32x256xf32, #tpu.memory_space<vmem>>, vector<16xf32>,
            %max3A_392 = arith.maximumf %max3A_368, %get3A_391 : vector<16xf32>
            %add3A_393 = arith.addf %add3A_369, %get3A_391 : vector<16xf32>
            %get3A_394 = arith.constant 20 : i32
            %get3A_395 = arith.index_cast %get3A_394 : i32 to index
            %get3A_396 = arith.index_cast %multiple_of3A : i32 to index
            %get3A_397 = tpu.vector_load %arg11[%get3A_395, %get3A_396] {strides = array<i32>} : memref<32x256xf32, #tpu.memory_space<vmem>>, vector<16xf32>,
            %max3A_398 = arith.maximumf %max3A_374, %get3A_397 : vector<16xf32>
            %add3A_399 = arith.addf %add3A_375, %get3A_397 : vector<16xf32>
            %get3A_400 = arith.constant 21 : i32
            %get3A_401 = arith.index_cast %get3A_400 : i32 to index
            %get3A_402 = arith.index_cast %multiple_of3A : i32 to index
            %get3A_403 = tpu.vector_load %arg11[%get3A_401, %get3A_402] {strides = array<i32>} : memref<32x256xf32, #tpu.memory_space<vmem>>, vector<16xf32>,
            %max3A_404 = arith.maximumf %max3A_380, %get3A_403 : vector<16xf32>
            %add3A_405 = arith.addf %add3A_381, %get3A_403 : vector<16xf32>
            %get3A_406 = arith.constant 22 : i32
            %get3A_407 = arith.index_cast %get3A_406 : i32 to index
            %get3A_408 = arith.index_cast %multiple_of3A : i32 to index
            %get3A_409 = tpu.vector_load %arg11[%get3A_407, %get3A_408] {strides = array<i32>} : memref<32x256xf32, #tpu.memory_space<vmem>>, vector<16xf32>,
            %max3A_410 = arith.maximumf %max3A_386, %get3A_409 : vector<16xf32>
            %add3A_411 = arith.addf %add3A_387, %get3A_409 : vector<16xf32>
            %get3A_412 = arith.constant 23 : i32
            %get3A_413 = arith.index_cast %get3A_412 : i32 to index
            %get3A_414 = arith.index_cast %multiple_of3A : i32 to index
            %get3A_415 = tpu.vector_load %arg11[%get3A_413, %get3A_414] {strides = array<i32>} : memref<32x256xf32, #tpu.memory_space<vmem>>, vector<16xf32>,
            %max3A_416 = arith.maximumf %max3A_392, %get3A_415 : vector<16xf32>
            %add3A_417 = arith.addf %add3A_393, %get3A_415 : vector<16xf32>
            %get3A_418 = arith.constant 24 : i32
            %get3A_419 = arith.index_cast %get3A_418 : i32 to index
            %get3A_420 = arith.index_cast %multiple_of3A : i32 to index
            %get3A_421 = tpu.vector_load %arg11[%get3A_419, %get3A_420] {strides = array<i32>} : memref<32x256xf32, #tpu.memory_space<vmem>>, vector<16xf32>,
            %max3A_422 = arith.maximumf %max3A_398, %get3A_421 : vector<16xf32>
            %add3A_423 = arith.addf %add3A_399, %get3A_421 : vector<16xf32>
            %get3A_424 = arith.constant 25 : i32
            %get3A_425 = arith.index_cast %get3A_424 : i32 to index
            %get3A_426 = arith.index_cast %multiple_of3A : i32 to index
            %get3A_427 = tpu.vector_load %arg11[%get3A_425, %get3A_426] {strides = array<i32>} : memref<32x256xf32, #tpu.memory_space<vmem>>, vector<16xf32>,
            %max3A_428 = arith.maximumf %max3A_404, %get3A_427 : vector<16xf32>
            %add3A_429 = arith.addf %add3A_405, %get3A_427 : vector<16xf32>
            %get3A_430 = arith.constant 26 : i32
            %get3A_431 = arith.index_cast %get3A_430 : i32 to index
            %get3A_432 = arith.index_cast %multiple_of3A : i32 to index
            %get3A_433 = tpu.vector_load %arg11[%get3A_431, %get3A_432] {strides = array<i32>} : memref<32x256xf32, #tpu.memory_space<vmem>>, vector<16xf32>,
            %max3A_434 = arith.maximumf %max3A_410, %get3A_433 : vector<16xf32>
            %add3A_435 = arith.addf %add3A_411, %get3A_433 : vector<16xf32>
            %get3A_436 = arith.constant 27 : i32
            %get3A_437 = arith.index_cast %get3A_436 : i32 to index
            %get3A_438 = arith.index_cast %multiple_of3A : i32 to index
            %get3A_439 = tpu.vector_load %arg11[%get3A_437, %get3A_438] {strides = array<i32>} : memref<32x256xf32, #tpu.memory_space<vmem>>, vector<16xf32>,
            %max3A_440 = arith.maximumf %max3A_416, %get3A_439 : vector<16xf32>
            %add3A_441 = arith.addf %add3A_417, %get3A_439 : vector<16xf32>
            %get3A_442 = arith.constant 28 : i32
            %get3A_443 = arith.index_cast %get3A_442 : i32 to index
            %get3A_444 = arith.index_cast %multiple_of3A : i32 to index
            %get3A_445 = tpu.vector_load %arg11[%get3A_443, %get3A_444] {strides = array<i32>} : memref<32x256xf32, #tpu.memory_space<vmem>>, vector<16xf32>,
            %max3A_446 = arith.maximumf %max3A_422, %get3A_445 : vector<16xf32>
            %add3A_447 = arith.addf %add3A_423, %get3A_445 : vector<16xf32>
            %get3A_448 = arith.constant 29 : i32
            %get3A_449 = arith.index_cast %get3A_448 : i32 to index
            %get3A_450 = arith.index_cast %multiple_of3A : i32 to index
            %get3A_451 = tpu.vector_load %arg11[%get3A_449, %get3A_450] {strides = array<i32>} : memref<32x256xf32, #tpu.memory_space<vmem>>, vector<16xf32>,
            %max3A_452 = arith.maximumf %max3A_428, %get3A_451 : vector<16xf32>
            %add3A_453 = arith.addf %add3A_429, %get3A_451 : vector<16xf32>
            %get3A_454 = arith.constant 30 : i32
            %get3A_455 = arith.index_cast %get3A_454 : i32 to index
            %get3A_456 = arith.index_cast %multiple_of3A : i32 to index
            %get3A_457 = tpu.vector_load %arg11[%get3A_455, %get3A_456] {strides = array<i32>} : memref<32x256xf32, #tpu.memory_space<vmem>>, vector<16xf32>,
            %max3A_458 = arith.maximumf %max3A_434, %get3A_457 : vector<16xf32>
            %add3A_459 = arith.addf %add3A_435, %get3A_457 : vector<16xf32>
            %get3A_460 = arith.constant 31 : i32
            %get3A_461 = arith.index_cast %get3A_460 : i32 to index
            %get3A_462 = arith.index_cast %multiple_of3A : i32 to index
            %get3A_463 = tpu.vector_load %arg11[%get3A_461, %get3A_462] {strides = array<i32>} : memref<32x256xf32, #tpu.memory_space<vmem>>, vector<16xf32>,
            %max3A_464 = arith.maximumf %max3A_440, %get3A_463 : vector<16xf32>
            %add3A_465 = arith.addf %add3A_441, %get3A_463 : vector<16xf32>
            %max3A_466 = arith.maximumf %max3A_446, %max3A_452 : vector<16xf32>
            %add3A_467 = arith.addf %add3A_447, %add3A_453 : vector<16xf32>
            %max3A_468 = arith.maximumf %max3A_466, %max3A_458 : vector<16xf32>
            %add3A_469 = arith.addf %add3A_467, %add3A_459 : vector<16xf32>
            %max3A_470 = arith.maximumf %max3A_468, %max3A_464 : vector<16xf32>
            %add3A_471 = arith.addf %add3A_469, %add3A_465 : vector<16xf32>
            %get3A_472 = arith.index_cast %scan3A_39 : i32 to index
            %get3A_473 = arith.index_cast %multiple_of3A : i32 to index
            %get3A_474 = tpu.vector_load %arg15[%get3A_472, %get3A_473] {strides = array<i32>} : memref<16x256xf32, #tpu.memory_space<vmem>>, vector<16xf32>,
            %max3A_475 = arith.maximumf %get3A_474, %max3A_470 : vector<16xf32>
            %swap3A = arith.index_cast %scan3A_39 : i32 to index
            %swap3A_476 = arith.index_cast %multiple_of3A : i32 to index
            %swap3A_477 = tpu.vector_load %arg15[%swap3A, %swap3A_476] {strides = array<i32>} : memref<16x256xf32, #tpu.memory_space<vmem>>, vector<16xf32>,
            tpu.vector_store %arg15[%swap3A, %swap3A_476], %max3A_475 {strides = array<i32>} : memref<16x256xf32, #tpu.memory_space<vmem>>, vector<16xf32>,
            %get3A_478 = arith.index_cast %scan3A_39 : i32 to index
            %get3A_479 = arith.index_cast %multiple_of3A : i32 to index
            %get3A_480 = tpu.vector_load %arg16[%get3A_478, %get3A_479] {strides = array<i32>} : memref<16x256xf32, #tpu.memory_space<vmem>>, vector<16xf32>,
            %add3A_481 = arith.addf %get3A_480, %add3A_471 : vector<16xf32>
            %swap3A_482 = arith.index_cast %scan3A_39 : i32 to index
            %swap3A_483 = arith.index_cast %multiple_of3A : i32 to index
            %swap3A_484 = tpu.vector_load %arg16[%swap3A_482, %swap3A_483] {strides = array<i32>} : memref<16x256xf32, #tpu.memory_space<vmem>>, vector<16xf32>,
            tpu.vector_store %arg16[%swap3A_482, %swap3A_483], %add3A_481 {strides = array<i32>} : memref<16x256xf32, #tpu.memory_space<vmem>>, vector<16xf32>,
            %scan3A_485 = arith.constant 0 : i32
            scf.yield %scan3A_485 : i32
          }
          %scan3A_246 = arith.constant 16 : i32
          %add3A_247 = arith.constant 3 : i32
          %add3A_248 = arith.addi %mul3A_197, %add3A_247 : i32
          %add3A_249 = arith.constant 6 : i32
          %add3A_250 = arith.addi %add3A_248, %add3A_249 : i32
          %lt3A_251 = arith.cmpi slt, %add3A_250, %div3A_62 : i32
          %convert_element_type3A_252 = arith.extui %lt3A_251 : i1 to i32
          %cond3A_253 = arith.constant 0 : i32
          %cond3A_254 = arith.cmpi ne, %convert_element_type3A_252, %cond3A_253 : i32
          scf.if %cond3A_254 {
            %add3A_255 = arith.constant 3 : i32
            %add3A_256 = arith.addi %mul3A_197, %add3A_255 : i32
            %add3A_257 = arith.constant 6 : i32
            %add3A_258 = arith.addi %add3A_256, %add3A_257 : i32
            %mul3A_259 = arith.constant 32 : i32
            %mul3A_260 = arith.muli %add3A_258, %mul3A_259 : i32
            %add3A_261 = arith.addi %mul3A_59, %mul3A_260 : i32
            %multiple_of3A = tpu.assume_multiple %add3A_261, 8 : i32
            %dma_start3A = arith.constant 0 : i32
            %dma_start3A_262 = tpu.memref_slice %arg3[%multiple_of3A, %dma_start3A] : memref<50000x256xf32, #tpu.memory_space<hbm>> -> memref<32x256xf32, #tpu.memory_space<hbm>>
            %dma_start3A_263 = arith.constant 0 : i32
            %dma_start3A_264 = tpu.memref_slice %arg3[%multiple_of3A, %dma_start3A_263] : memref<50000x256xf32, #tpu.memory_space<hbm>> -> memref<32x256xf32, #tpu.memory_space<hbm>>
            tpu.enqueue_dma source(%dma_start3A_264 : memref<32x256xf32, #tpu.memory_space<hbm>>) target(%arg11 : memref<32x256xf32, #tpu.memory_space<vmem>>) target_semaphore(%arg21 : memref<!tpu.dma_semaphore, #tpu.memory_space<semaphore_mem>>)
          } else {
          }
        } else {
        }
        %add3A_222 = arith.constant 4 : i32
        %add3A_223 = arith.addi %mul3A_197, %add3A_222 : i32
        %lt3A_224 = arith.cmpi slt, %add3A_223, %div3A_62 : i32
        %convert_element_type3A_225 = arith.extui %lt3A_224 : i1 to i32
        %cond3A_226 = arith.constant 0 : i32
        %cond3A_227 = arith.cmpi ne, %convert_element_type3A_225, %cond3A_226 : i32
        scf.if %cond3A_227 {
          %dma_wait3A = arith.constant 0 : i32
          %dma_wait3A_235 = arith.constant 0 : i32
          %dma_wait3A_236 = tpu.memref_slice %arg3[%dma_wait3A, %dma_wait3A_235] : memref<50000x256xf32, #tpu.memory_space<hbm>> -> memref<32x256xf32, #tpu.memory_space<hbm>>
          %dma_wait3A_237 = arith.constant 0 : i32
          %dma_wait3A_238 = arith.constant 0 : i32
          %dma_wait3A_239 = tpu.memref_slice %arg3[%dma_wait3A_237, %dma_wait3A_238] : memref<50000x256xf32, #tpu.memory_space<hbm>> -> memref<32x256xf32, #tpu.memory_space<hbm>>
          tpu.wait_dma2 semaphore(%arg22 : memref<!tpu.dma_semaphore, #tpu.memory_space<semaphore_mem>>) src(%dma_wait3A_239 : memref<32x256xf32, #tpu.memory_space<hbm>>) dst(%arg12 : memref<32x256xf32, #tpu.memory_space<vmem>>)
          %scan3A_240 = arith.constant 0 : i32
          %scan3A_241 = arith.constant 0 : i32
          %scan3A_242 = arith.constant 16 : i32
          %scan3A_243 = arith.addi %scan3A_241, %scan3A_242 : i32
          %scan3A_244 = arith.constant 1 : i32
          %scan3A_245 = scf.for %scan3A_255 = %scan3A_241 to %scan3A_243 step %scan3A_244 iter_args(%scan3A_256 = %scan3A_240) -> (i32)  : i32 {
            %mul3A_257 = arith.constant 16 : i32
            %mul3A_258 = arith.muli %scan3A_255, %mul3A_257 : i32
            %multiple_of3A = tpu.assume_multiple %mul3A_258, 16 : i32
            %broadcast_in_dim3A_259 = arith.constant 0xFF800000 : f32
            %broadcast_in_dim3A_260 = vector.broadcast %broadcast_in_dim3A_259 : f32 to vector<16xf32>
            %broadcast_in_dim3A_261 = arith.constant 0xFF800000 : f32
            %broadcast_in_dim3A_262 = vector.broadcast %broadcast_in_dim3A_261 : f32 to vector<16xf32>
            %broadcast_in_dim3A_263 = arith.constant 0xFF800000 : f32
            %broadcast_in_dim3A_264 = vector.broadcast %broadcast_in_dim3A_263 : f32 to vector<16xf32>
            %broadcast_in_dim3A_265 = arith.constant 0xFF800000 : f32
            %broadcast_in_dim3A_266 = vector.broadcast %broadcast_in_dim3A_265 : f32 to vector<16xf32>
            %broadcast_in_dim3A_267 = arith.constant 0.000000e+00 : f32
            %broadcast_in_dim3A_268 = vector.broadcast %broadcast_in_dim3A_267 : f32 to vector<16xf32>
            %broadcast_in_dim3A_269 = arith.constant 0.000000e+00 : f32
            %broadcast_in_dim3A_270 = vector.broadcast %broadcast_in_dim3A_269 : f32 to vector<16xf32>
            %broadcast_in_dim3A_271 = arith.constant 0.000000e+00 : f32
            %broadcast_in_dim3A_272 = vector.broadcast %broadcast_in_dim3A_271 : f32 to vector<16xf32>
            %broadcast_in_dim3A_273 = arith.constant 0.000000e+00 : f32
            %broadcast_in_dim3A_274 = vector.broadcast %broadcast_in_dim3A_273 : f32 to vector<16xf32>
            %get3A = arith.constant 0 : i32
            %get3A_275 = arith.index_cast %get3A : i32 to index
            %get3A_276 = arith.index_cast %multiple_of3A : i32 to index
            %get3A_277 = tpu.vector_load %arg12[%get3A_275, %get3A_276] {strides = array<i32>} : memref<32x256xf32, #tpu.memory_space<vmem>>, vector<16xf32>,
            %max3A_278 = arith.maximumf %broadcast_in_dim3A_260, %get3A_277 : vector<16xf32>
            %add3A_279 = arith.addf %broadcast_in_dim3A_268, %get3A_277 : vector<16xf32>
            %get3A_280 = arith.constant 1 : i32
            %get3A_281 = arith.index_cast %get3A_280 : i32 to index
            %get3A_282 = arith.index_cast %multiple_of3A : i32 to index
            %get3A_283 = tpu.vector_load %arg12[%get3A_281, %get3A_282] {strides = array<i32>} : memref<32x256xf32, #tpu.memory_space<vmem>>, vector<16xf32>,
            %max3A_284 = arith.maximumf %broadcast_in_dim3A_262, %get3A_283 : vector<16xf32>
            %add3A_285 = arith.addf %broadcast_in_dim3A_270, %get3A_283 : vector<16xf32>
            %get3A_286 = arith.constant 2 : i32
            %get3A_287 = arith.index_cast %get3A_286 : i32 to index
            %get3A_288 = arith.index_cast %multiple_of3A : i32 to index
            %get3A_289 = tpu.vector_load %arg12[%get3A_287, %get3A_288] {strides = array<i32>} : memref<32x256xf32, #tpu.memory_space<vmem>>, vector<16xf32>,
            %max3A_290 = arith.maximumf %broadcast_in_dim3A_264, %get3A_289 : vector<16xf32>
            %add3A_291 = arith.addf %broadcast_in_dim3A_272, %get3A_289 : vector<16xf32>
            %get3A_292 = arith.constant 3 : i32
            %get3A_293 = arith.index_cast %get3A_292 : i32 to index
            %get3A_294 = arith.index_cast %multiple_of3A : i32 to index
            %get3A_295 = tpu.vector_load %arg12[%get3A_293, %get3A_294] {strides = array<i32>} : memref<32x256xf32, #tpu.memory_space<vmem>>, vector<16xf32>,
            %max3A_296 = arith.maximumf %broadcast_in_dim3A_266, %get3A_295 : vector<16xf32>
            %add3A_297 = arith.addf %broadcast_in_dim3A_274, %get3A_295 : vector<16xf32>
            %get3A_298 = arith.constant 4 : i32
            %get3A_299 = arith.index_cast %get3A_298 : i32 to index
            %get3A_300 = arith.index_cast %multiple_of3A : i32 to index
            %get3A_301 = tpu.vector_load %arg12[%get3A_299, %get3A_300] {strides = array<i32>} : memref<32x256xf32, #tpu.memory_space<vmem>>, vector<16xf32>,
            %max3A_302 = arith.maximumf %max3A_278, %get3A_301 : vector<16xf32>
            %add3A_303 = arith.addf %add3A_279, %get3A_301 : vector<16xf32>
            %get3A_304 = arith.constant 5 : i32
            %get3A_305 = arith.index_cast %get3A_304 : i32 to index
            %get3A_306 = arith.index_cast %multiple_of3A : i32 to index
            %get3A_307 = tpu.vector_load %arg12[%get3A_305, %get3A_306] {strides = array<i32>} : memref<32x256xf32, #tpu.memory_space<vmem>>, vector<16xf32>,
            %max3A_308 = arith.maximumf %max3A_284, %get3A_307 : vector<16xf32>
            %add3A_309 = arith.addf %add3A_285, %get3A_307 : vector<16xf32>
            %get3A_310 = arith.constant 6 : i32
            %get3A_311 = arith.index_cast %get3A_310 : i32 to index
            %get3A_312 = arith.index_cast %multiple_of3A : i32 to index
            %get3A_313 = tpu.vector_load %arg12[%get3A_311, %get3A_312] {strides = array<i32>} : memref<32x256xf32, #tpu.memory_space<vmem>>, vector<16xf32>,
            %max3A_314 = arith.maximumf %max3A_290, %get3A_313 : vector<16xf32>
            %add3A_315 = arith.addf %add3A_291, %get3A_313 : vector<16xf32>
            %get3A_316 = arith.constant 7 : i32
            %get3A_317 = arith.index_cast %get3A_316 : i32 to index
            %get3A_318 = arith.index_cast %multiple_of3A : i32 to index
            %get3A_319 = tpu.vector_load %arg12[%get3A_317, %get3A_318] {strides = array<i32>} : memref<32x256xf32, #tpu.memory_space<vmem>>, vector<16xf32>,
            %max3A_320 = arith.maximumf %max3A_296, %get3A_319 : vector<16xf32>
            %add3A_321 = arith.addf %add3A_297, %get3A_319 : vector<16xf32>
            %get3A_322 = arith.constant 8 : i32
            %get3A_323 = arith.index_cast %get3A_322 : i32 to index
            %get3A_324 = arith.index_cast %multiple_of3A : i32 to index
            %get3A_325 = tpu.vector_load %arg12[%get3A_323, %get3A_324] {strides = array<i32>} : memref<32x256xf32, #tpu.memory_space<vmem>>, vector<16xf32>,
            %max3A_326 = arith.maximumf %max3A_302, %get3A_325 : vector<16xf32>
            %add3A_327 = arith.addf %add3A_303, %get3A_325 : vector<16xf32>
            %get3A_328 = arith.constant 9 : i32
            %get3A_329 = arith.index_cast %get3A_328 : i32 to index
            %get3A_330 = arith.index_cast %multiple_of3A : i32 to index
            %get3A_331 = tpu.vector_load %arg12[%get3A_329, %get3A_330] {strides = array<i32>} : memref<32x256xf32, #tpu.memory_space<vmem>>, vector<16xf32>,
            %max3A_332 = arith.maximumf %max3A_308, %get3A_331 : vector<16xf32>
            %add3A_333 = arith.addf %add3A_309, %get3A_331 : vector<16xf32>
            %get3A_334 = arith.constant 10 : i32
            %get3A_335 = arith.index_cast %get3A_334 : i32 to index
            %get3A_336 = arith.index_cast %multiple_of3A : i32 to index
            %get3A_337 = tpu.vector_load %arg12[%get3A_335, %get3A_336] {strides = array<i32>} : memref<32x256xf32, #tpu.memory_space<vmem>>, vector<16xf32>,
            %max3A_338 = arith.maximumf %max3A_314, %get3A_337 : vector<16xf32>
            %add3A_339 = arith.addf %add3A_315, %get3A_337 : vector<16xf32>
            %get3A_340 = arith.constant 11 : i32
            %get3A_341 = arith.index_cast %get3A_340 : i32 to index
            %get3A_342 = arith.index_cast %multiple_of3A : i32 to index
            %get3A_343 = tpu.vector_load %arg12[%get3A_341, %get3A_342] {strides = array<i32>} : memref<32x256xf32, #tpu.memory_space<vmem>>, vector<16xf32>,
            %max3A_344 = arith.maximumf %max3A_320, %get3A_343 : vector<16xf32>
            %add3A_345 = arith.addf %add3A_321, %get3A_343 : vector<16xf32>
            %get3A_346 = arith.constant 12 : i32
            %get3A_347 = arith.index_cast %get3A_346 : i32 to index
            %get3A_348 = arith.index_cast %multiple_of3A : i32 to index
            %get3A_349 = tpu.vector_load %arg12[%get3A_347, %get3A_348] {strides = array<i32>} : memref<32x256xf32, #tpu.memory_space<vmem>>, vector<16xf32>,
            %max3A_350 = arith.maximumf %max3A_326, %get3A_349 : vector<16xf32>
            %add3A_351 = arith.addf %add3A_327, %get3A_349 : vector<16xf32>
            %get3A_352 = arith.constant 13 : i32
            %get3A_353 = arith.index_cast %get3A_352 : i32 to index
            %get3A_354 = arith.index_cast %multiple_of3A : i32 to index
            %get3A_355 = tpu.vector_load %arg12[%get3A_353, %get3A_354] {strides = array<i32>} : memref<32x256xf32, #tpu.memory_space<vmem>>, vector<16xf32>,
            %max3A_356 = arith.maximumf %max3A_332, %get3A_355 : vector<16xf32>
            %add3A_357 = arith.addf %add3A_333, %get3A_355 : vector<16xf32>
            %get3A_358 = arith.constant 14 : i32
            %get3A_359 = arith.index_cast %get3A_358 : i32 to index
            %get3A_360 = arith.index_cast %multiple_of3A : i32 to index
            %get3A_361 = tpu.vector_load %arg12[%get3A_359, %get3A_360] {strides = array<i32>} : memref<32x256xf32, #tpu.memory_space<vmem>>, vector<16xf32>,
            %max3A_362 = arith.maximumf %max3A_338, %get3A_361 : vector<16xf32>
            %add3A_363 = arith.addf %add3A_339, %get3A_361 : vector<16xf32>
            %get3A_364 = arith.constant 15 : i32
            %get3A_365 = arith.index_cast %get3A_364 : i32 to index
            %get3A_366 = arith.index_cast %multiple_of3A : i32 to index
            %get3A_367 = tpu.vector_load %arg12[%get3A_365, %get3A_366] {strides = array<i32>} : memref<32x256xf32, #tpu.memory_space<vmem>>, vector<16xf32>,
            %max3A_368 = arith.maximumf %max3A_344, %get3A_367 : vector<16xf32>
            %add3A_369 = arith.addf %add3A_345, %get3A_367 : vector<16xf32>
            %get3A_370 = arith.constant 16 : i32
            %get3A_371 = arith.index_cast %get3A_370 : i32 to index
            %get3A_372 = arith.index_cast %multiple_of3A : i32 to index
            %get3A_373 = tpu.vector_load %arg12[%get3A_371, %get3A_372] {strides = array<i32>} : memref<32x256xf32, #tpu.memory_space<vmem>>, vector<16xf32>,
            %max3A_374 = arith.maximumf %max3A_350, %get3A_373 : vector<16xf32>
            %add3A_375 = arith.addf %add3A_351, %get3A_373 : vector<16xf32>
            %get3A_376 = arith.constant 17 : i32
            %get3A_377 = arith.index_cast %get3A_376 : i32 to index
            %get3A_378 = arith.index_cast %multiple_of3A : i32 to index
            %get3A_379 = tpu.vector_load %arg12[%get3A_377, %get3A_378] {strides = array<i32>} : memref<32x256xf32, #tpu.memory_space<vmem>>, vector<16xf32>,
            %max3A_380 = arith.maximumf %max3A_356, %get3A_379 : vector<16xf32>
            %add3A_381 = arith.addf %add3A_357, %get3A_379 : vector<16xf32>
            %get3A_382 = arith.constant 18 : i32
            %get3A_383 = arith.index_cast %get3A_382 : i32 to index
            %get3A_384 = arith.index_cast %multiple_of3A : i32 to index
            %get3A_385 = tpu.vector_load %arg12[%get3A_383, %get3A_384] {strides = array<i32>} : memref<32x256xf32, #tpu.memory_space<vmem>>, vector<16xf32>,
            %max3A_386 = arith.maximumf %max3A_362, %get3A_385 : vector<16xf32>
            %add3A_387 = arith.addf %add3A_363, %get3A_385 : vector<16xf32>
            %get3A_388 = arith.constant 19 : i32
            %get3A_389 = arith.index_cast %get3A_388 : i32 to index
            %get3A_390 = arith.index_cast %multiple_of3A : i32 to index
            %get3A_391 = tpu.vector_load %arg12[%get3A_389, %get3A_390] {strides = array<i32>} : memref<32x256xf32, #tpu.memory_space<vmem>>, vector<16xf32>,
            %max3A_392 = arith.maximumf %max3A_368, %get3A_391 : vector<16xf32>
            %add3A_393 = arith.addf %add3A_369, %get3A_391 : vector<16xf32>
            %get3A_394 = arith.constant 20 : i32
            %get3A_395 = arith.index_cast %get3A_394 : i32 to index
            %get3A_396 = arith.index_cast %multiple_of3A : i32 to index
            %get3A_397 = tpu.vector_load %arg12[%get3A_395, %get3A_396] {strides = array<i32>} : memref<32x256xf32, #tpu.memory_space<vmem>>, vector<16xf32>,
            %max3A_398 = arith.maximumf %max3A_374, %get3A_397 : vector<16xf32>
            %add3A_399 = arith.addf %add3A_375, %get3A_397 : vector<16xf32>
            %get3A_400 = arith.constant 21 : i32
            %get3A_401 = arith.index_cast %get3A_400 : i32 to index
            %get3A_402 = arith.index_cast %multiple_of3A : i32 to index
            %get3A_403 = tpu.vector_load %arg12[%get3A_401, %get3A_402] {strides = array<i32>} : memref<32x256xf32, #tpu.memory_space<vmem>>, vector<16xf32>,
            %max3A_404 = arith.maximumf %max3A_380, %get3A_403 : vector<16xf32>
            %add3A_405 = arith.addf %add3A_381, %get3A_403 : vector<16xf32>
            %get3A_406 = arith.constant 22 : i32
            %get3A_407 = arith.index_cast %get3A_406 : i32 to index
            %get3A_408 = arith.index_cast %multiple_of3A : i32 to index
            %get3A_409 = tpu.vector_load %arg12[%get3A_407, %get3A_408] {strides = array<i32>} : memref<32x256xf32, #tpu.memory_space<vmem>>, vector<16xf32>,
            %max3A_410 = arith.maximumf %max3A_386, %get3A_409 : vector<16xf32>
            %add3A_411 = arith.addf %add3A_387, %get3A_409 : vector<16xf32>
            %get3A_412 = arith.constant 23 : i32
            %get3A_413 = arith.index_cast %get3A_412 : i32 to index
            %get3A_414 = arith.index_cast %multiple_of3A : i32 to index
            %get3A_415 = tpu.vector_load %arg12[%get3A_413, %get3A_414] {strides = array<i32>} : memref<32x256xf32, #tpu.memory_space<vmem>>, vector<16xf32>,
            %max3A_416 = arith.maximumf %max3A_392, %get3A_415 : vector<16xf32>
            %add3A_417 = arith.addf %add3A_393, %get3A_415 : vector<16xf32>
            %get3A_418 = arith.constant 24 : i32
            %get3A_419 = arith.index_cast %get3A_418 : i32 to index
            %get3A_420 = arith.index_cast %multiple_of3A : i32 to index
            %get3A_421 = tpu.vector_load %arg12[%get3A_419, %get3A_420] {strides = array<i32>} : memref<32x256xf32, #tpu.memory_space<vmem>>, vector<16xf32>,
            %max3A_422 = arith.maximumf %max3A_398, %get3A_421 : vector<16xf32>
            %add3A_423 = arith.addf %add3A_399, %get3A_421 : vector<16xf32>
            %get3A_424 = arith.constant 25 : i32
            %get3A_425 = arith.index_cast %get3A_424 : i32 to index
            %get3A_426 = arith.index_cast %multiple_of3A : i32 to index
            %get3A_427 = tpu.vector_load %arg12[%get3A_425, %get3A_426] {strides = array<i32>} : memref<32x256xf32, #tpu.memory_space<vmem>>, vector<16xf32>,
            %max3A_428 = arith.maximumf %max3A_404, %get3A_427 : vector<16xf32>
            %add3A_429 = arith.addf %add3A_405, %get3A_427 : vector<16xf32>
            %get3A_430 = arith.constant 26 : i32
            %get3A_431 = arith.index_cast %get3A_430 : i32 to index
            %get3A_432 = arith.index_cast %multiple_of3A : i32 to index
            %get3A_433 = tpu.vector_load %arg12[%get3A_431, %get3A_432] {strides = array<i32>} : memref<32x256xf32, #tpu.memory_space<vmem>>, vector<16xf32>,
            %max3A_434 = arith.maximumf %max3A_410, %get3A_433 : vector<16xf32>
            %add3A_435 = arith.addf %add3A_411, %get3A_433 : vector<16xf32>
            %get3A_436 = arith.constant 27 : i32
            %get3A_437 = arith.index_cast %get3A_436 : i32 to index
            %get3A_438 = arith.index_cast %multiple_of3A : i32 to index
            %get3A_439 = tpu.vector_load %arg12[%get3A_437, %get3A_438] {strides = array<i32>} : memref<32x256xf32, #tpu.memory_space<vmem>>, vector<16xf32>,
            %max3A_440 = arith.maximumf %max3A_416, %get3A_439 : vector<16xf32>
            %add3A_441 = arith.addf %add3A_417, %get3A_439 : vector<16xf32>
            %get3A_442 = arith.constant 28 : i32
            %get3A_443 = arith.index_cast %get3A_442 : i32 to index
            %get3A_444 = arith.index_cast %multiple_of3A : i32 to index
            %get3A_445 = tpu.vector_load %arg12[%get3A_443, %get3A_444] {strides = array<i32>} : memref<32x256xf32, #tpu.memory_space<vmem>>, vector<16xf32>,
            %max3A_446 = arith.maximumf %max3A_422, %get3A_445 : vector<16xf32>
            %add3A_447 = arith.addf %add3A_423, %get3A_445 : vector<16xf32>
            %get3A_448 = arith.constant 29 : i32
            %get3A_449 = arith.index_cast %get3A_448 : i32 to index
            %get3A_450 = arith.index_cast %multiple_of3A : i32 to index
            %get3A_451 = tpu.vector_load %arg12[%get3A_449, %get3A_450] {strides = array<i32>} : memref<32x256xf32, #tpu.memory_space<vmem>>, vector<16xf32>,
            %max3A_452 = arith.maximumf %max3A_428, %get3A_451 : vector<16xf32>
            %add3A_453 = arith.addf %add3A_429, %get3A_451 : vector<16xf32>
            %get3A_454 = arith.constant 30 : i32
            %get3A_455 = arith.index_cast %get3A_454 : i32 to index
            %get3A_456 = arith.index_cast %multiple_of3A : i32 to index
            %get3A_457 = tpu.vector_load %arg12[%get3A_455, %get3A_456] {strides = array<i32>} : memref<32x256xf32, #tpu.memory_space<vmem>>, vector<16xf32>,
            %max3A_458 = arith.maximumf %max3A_434, %get3A_457 : vector<16xf32>
            %add3A_459 = arith.addf %add3A_435, %get3A_457 : vector<16xf32>
            %get3A_460 = arith.constant 31 : i32
            %get3A_461 = arith.index_cast %get3A_460 : i32 to index
            %get3A_462 = arith.index_cast %multiple_of3A : i32 to index
            %get3A_463 = tpu.vector_load %arg12[%get3A_461, %get3A_462] {strides = array<i32>} : memref<32x256xf32, #tpu.memory_space<vmem>>, vector<16xf32>,
            %max3A_464 = arith.maximumf %max3A_440, %get3A_463 : vector<16xf32>
            %add3A_465 = arith.addf %add3A_441, %get3A_463 : vector<16xf32>
            %max3A_466 = arith.maximumf %max3A_446, %max3A_452 : vector<16xf32>
            %add3A_467 = arith.addf %add3A_447, %add3A_453 : vector<16xf32>
            %max3A_468 = arith.maximumf %max3A_466, %max3A_458 : vector<16xf32>
            %add3A_469 = arith.addf %add3A_467, %add3A_459 : vector<16xf32>
            %max3A_470 = arith.maximumf %max3A_468, %max3A_464 : vector<16xf32>
            %add3A_471 = arith.addf %add3A_469, %add3A_465 : vector<16xf32>
            %get3A_472 = arith.index_cast %scan3A_39 : i32 to index
            %get3A_473 = arith.index_cast %multiple_of3A : i32 to index
            %get3A_474 = tpu.vector_load %arg15[%get3A_472, %get3A_473] {strides = array<i32>} : memref<16x256xf32, #tpu.memory_space<vmem>>, vector<16xf32>,
            %max3A_475 = arith.maximumf %get3A_474, %max3A_470 : vector<16xf32>
            %swap3A = arith.index_cast %scan3A_39 : i32 to index
            %swap3A_476 = arith.index_cast %multiple_of3A : i32 to index
            %swap3A_477 = tpu.vector_load %arg15[%swap3A, %swap3A_476] {strides = array<i32>} : memref<16x256xf32, #tpu.memory_space<vmem>>, vector<16xf32>,
            tpu.vector_store %arg15[%swap3A, %swap3A_476], %max3A_475 {strides = array<i32>} : memref<16x256xf32, #tpu.memory_space<vmem>>, vector<16xf32>,
            %get3A_478 = arith.index_cast %scan3A_39 : i32 to index
            %get3A_479 = arith.index_cast %multiple_of3A : i32 to index
            %get3A_480 = tpu.vector_load %arg16[%get3A_478, %get3A_479] {strides = array<i32>} : memref<16x256xf32, #tpu.memory_space<vmem>>, vector<16xf32>,
            %add3A_481 = arith.addf %get3A_480, %add3A_471 : vector<16xf32>
            %swap3A_482 = arith.index_cast %scan3A_39 : i32 to index
            %swap3A_483 = arith.index_cast %multiple_of3A : i32 to index
            %swap3A_484 = tpu.vector_load %arg16[%swap3A_482, %swap3A_483] {strides = array<i32>} : memref<16x256xf32, #tpu.memory_space<vmem>>, vector<16xf32>,
            tpu.vector_store %arg16[%swap3A_482, %swap3A_483], %add3A_481 {strides = array<i32>} : memref<16x256xf32, #tpu.memory_space<vmem>>, vector<16xf32>,
            %scan3A_485 = arith.constant 0 : i32
            scf.yield %scan3A_485 : i32
          }
          %scan3A_246 = arith.constant 16 : i32
          %add3A_247 = arith.constant 4 : i32
          %add3A_248 = arith.addi %mul3A_197, %add3A_247 : i32
          %add3A_249 = arith.constant 6 : i32
          %add3A_250 = arith.addi %add3A_248, %add3A_249 : i32
          %lt3A_251 = arith.cmpi slt, %add3A_250, %div3A_62 : i32
          %convert_element_type3A_252 = arith.extui %lt3A_251 : i1 to i32
          %cond3A_253 = arith.constant 0 : i32
          %cond3A_254 = arith.cmpi ne, %convert_element_type3A_252, %cond3A_253 : i32
          scf.if %cond3A_254 {
            %add3A_255 = arith.constant 4 : i32
            %add3A_256 = arith.addi %mul3A_197, %add3A_255 : i32
            %add3A_257 = arith.constant 6 : i32
            %add3A_258 = arith.addi %add3A_256, %add3A_257 : i32
            %mul3A_259 = arith.constant 32 : i32
            %mul3A_260 = arith.muli %add3A_258, %mul3A_259 : i32
            %add3A_261 = arith.addi %mul3A_59, %mul3A_260 : i32
            %multiple_of3A = tpu.assume_multiple %add3A_261, 8 : i32
            %dma_start3A = arith.constant 0 : i32
            %dma_start3A_262 = tpu.memref_slice %arg3[%multiple_of3A, %dma_start3A] : memref<50000x256xf32, #tpu.memory_space<hbm>> -> memref<32x256xf32, #tpu.memory_space<hbm>>
            %dma_start3A_263 = arith.constant 0 : i32
            %dma_start3A_264 = tpu.memref_slice %arg3[%multiple_of3A, %dma_start3A_263] : memref<50000x256xf32, #tpu.memory_space<hbm>> -> memref<32x256xf32, #tpu.memory_space<hbm>>
            tpu.enqueue_dma source(%dma_start3A_264 : memref<32x256xf32, #tpu.memory_space<hbm>>) target(%arg12 : memref<32x256xf32, #tpu.memory_space<vmem>>) target_semaphore(%arg22 : memref<!tpu.dma_semaphore, #tpu.memory_space<semaphore_mem>>)
          } else {
          }
        } else {
        }
        %add3A_228 = arith.constant 5 : i32
        %add3A_229 = arith.addi %mul3A_197, %add3A_228 : i32
        %lt3A_230 = arith.cmpi slt, %add3A_229, %div3A_62 : i32
        %convert_element_type3A_231 = arith.extui %lt3A_230 : i1 to i32
        %cond3A_232 = arith.constant 0 : i32
        %cond3A_233 = arith.cmpi ne, %convert_element_type3A_231, %cond3A_232 : i32
        scf.if %cond3A_233 {
          %dma_wait3A = arith.constant 0 : i32
          %dma_wait3A_235 = arith.constant 0 : i32
          %dma_wait3A_236 = tpu.memref_slice %arg3[%dma_wait3A, %dma_wait3A_235] : memref<50000x256xf32, #tpu.memory_space<hbm>> -> memref<32x256xf32, #tpu.memory_space<hbm>>
          %dma_wait3A_237 = arith.constant 0 : i32
          %dma_wait3A_238 = arith.constant 0 : i32
          %dma_wait3A_239 = tpu.memref_slice %arg3[%dma_wait3A_237, %dma_wait3A_238] : memref<50000x256xf32, #tpu.memory_space<hbm>> -> memref<32x256xf32, #tpu.memory_space<hbm>>
          tpu.wait_dma2 semaphore(%arg23 : memref<!tpu.dma_semaphore, #tpu.memory_space<semaphore_mem>>) src(%dma_wait3A_239 : memref<32x256xf32, #tpu.memory_space<hbm>>) dst(%arg13 : memref<32x256xf32, #tpu.memory_space<vmem>>)
          %scan3A_240 = arith.constant 0 : i32
          %scan3A_241 = arith.constant 0 : i32
          %scan3A_242 = arith.constant 16 : i32
          %scan3A_243 = arith.addi %scan3A_241, %scan3A_242 : i32
          %scan3A_244 = arith.constant 1 : i32
          %scan3A_245 = scf.for %scan3A_255 = %scan3A_241 to %scan3A_243 step %scan3A_244 iter_args(%scan3A_256 = %scan3A_240) -> (i32)  : i32 {
            %mul3A_257 = arith.constant 16 : i32
            %mul3A_258 = arith.muli %scan3A_255, %mul3A_257 : i32
            %multiple_of3A = tpu.assume_multiple %mul3A_258, 16 : i32
            %broadcast_in_dim3A_259 = arith.constant 0xFF800000 : f32
            %broadcast_in_dim3A_260 = vector.broadcast %broadcast_in_dim3A_259 : f32 to vector<16xf32>
            %broadcast_in_dim3A_261 = arith.constant 0xFF800000 : f32
            %broadcast_in_dim3A_262 = vector.broadcast %broadcast_in_dim3A_261 : f32 to vector<16xf32>
            %broadcast_in_dim3A_263 = arith.constant 0xFF800000 : f32
            %broadcast_in_dim3A_264 = vector.broadcast %broadcast_in_dim3A_263 : f32 to vector<16xf32>
            %broadcast_in_dim3A_265 = arith.constant 0xFF800000 : f32
            %broadcast_in_dim3A_266 = vector.broadcast %broadcast_in_dim3A_265 : f32 to vector<16xf32>
            %broadcast_in_dim3A_267 = arith.constant 0.000000e+00 : f32
            %broadcast_in_dim3A_268 = vector.broadcast %broadcast_in_dim3A_267 : f32 to vector<16xf32>
            %broadcast_in_dim3A_269 = arith.constant 0.000000e+00 : f32
            %broadcast_in_dim3A_270 = vector.broadcast %broadcast_in_dim3A_269 : f32 to vector<16xf32>
            %broadcast_in_dim3A_271 = arith.constant 0.000000e+00 : f32
            %broadcast_in_dim3A_272 = vector.broadcast %broadcast_in_dim3A_271 : f32 to vector<16xf32>
            %broadcast_in_dim3A_273 = arith.constant 0.000000e+00 : f32
            %broadcast_in_dim3A_274 = vector.broadcast %broadcast_in_dim3A_273 : f32 to vector<16xf32>
            %get3A = arith.constant 0 : i32
            %get3A_275 = arith.index_cast %get3A : i32 to index
            %get3A_276 = arith.index_cast %multiple_of3A : i32 to index
            %get3A_277 = tpu.vector_load %arg13[%get3A_275, %get3A_276] {strides = array<i32>} : memref<32x256xf32, #tpu.memory_space<vmem>>, vector<16xf32>,
            %max3A_278 = arith.maximumf %broadcast_in_dim3A_260, %get3A_277 : vector<16xf32>
            %add3A_279 = arith.addf %broadcast_in_dim3A_268, %get3A_277 : vector<16xf32>
            %get3A_280 = arith.constant 1 : i32
            %get3A_281 = arith.index_cast %get3A_280 : i32 to index
            %get3A_282 = arith.index_cast %multiple_of3A : i32 to index
            %get3A_283 = tpu.vector_load %arg13[%get3A_281, %get3A_282] {strides = array<i32>} : memref<32x256xf32, #tpu.memory_space<vmem>>, vector<16xf32>,
            %max3A_284 = arith.maximumf %broadcast_in_dim3A_262, %get3A_283 : vector<16xf32>
            %add3A_285 = arith.addf %broadcast_in_dim3A_270, %get3A_283 : vector<16xf32>
            %get3A_286 = arith.constant 2 : i32
            %get3A_287 = arith.index_cast %get3A_286 : i32 to index
            %get3A_288 = arith.index_cast %multiple_of3A : i32 to index
            %get3A_289 = tpu.vector_load %arg13[%get3A_287, %get3A_288] {strides = array<i32>} : memref<32x256xf32, #tpu.memory_space<vmem>>, vector<16xf32>,
            %max3A_290 = arith.maximumf %broadcast_in_dim3A_264, %get3A_289 : vector<16xf32>
            %add3A_291 = arith.addf %broadcast_in_dim3A_272, %get3A_289 : vector<16xf32>
            %get3A_292 = arith.constant 3 : i32
            %get3A_293 = arith.index_cast %get3A_292 : i32 to index
            %get3A_294 = arith.index_cast %multiple_of3A : i32 to index
            %get3A_295 = tpu.vector_load %arg13[%get3A_293, %get3A_294] {strides = array<i32>} : memref<32x256xf32, #tpu.memory_space<vmem>>, vector<16xf32>,
            %max3A_296 = arith.maximumf %broadcast_in_dim3A_266, %get3A_295 : vector<16xf32>
            %add3A_297 = arith.addf %broadcast_in_dim3A_274, %get3A_295 : vector<16xf32>
            %get3A_298 = arith.constant 4 : i32
            %get3A_299 = arith.index_cast %get3A_298 : i32 to index
            %get3A_300 = arith.index_cast %multiple_of3A : i32 to index
            %get3A_301 = tpu.vector_load %arg13[%get3A_299, %get3A_300] {strides = array<i32>} : memref<32x256xf32, #tpu.memory_space<vmem>>, vector<16xf32>,
            %max3A_302 = arith.maximumf %max3A_278, %get3A_301 : vector<16xf32>
            %add3A_303 = arith.addf %add3A_279, %get3A_301 : vector<16xf32>
            %get3A_304 = arith.constant 5 : i32
            %get3A_305 = arith.index_cast %get3A_304 : i32 to index
            %get3A_306 = arith.index_cast %multiple_of3A : i32 to index
            %get3A_307 = tpu.vector_load %arg13[%get3A_305, %get3A_306] {strides = array<i32>} : memref<32x256xf32, #tpu.memory_space<vmem>>, vector<16xf32>,
            %max3A_308 = arith.maximumf %max3A_284, %get3A_307 : vector<16xf32>
            %add3A_309 = arith.addf %add3A_285, %get3A_307 : vector<16xf32>
            %get3A_310 = arith.constant 6 : i32
            %get3A_311 = arith.index_cast %get3A_310 : i32 to index
            %get3A_312 = arith.index_cast %multiple_of3A : i32 to index
            %get3A_313 = tpu.vector_load %arg13[%get3A_311, %get3A_312] {strides = array<i32>} : memref<32x256xf32, #tpu.memory_space<vmem>>, vector<16xf32>,
            %max3A_314 = arith.maximumf %max3A_290, %get3A_313 : vector<16xf32>
            %add3A_315 = arith.addf %add3A_291, %get3A_313 : vector<16xf32>
            %get3A_316 = arith.constant 7 : i32
            %get3A_317 = arith.index_cast %get3A_316 : i32 to index
            %get3A_318 = arith.index_cast %multiple_of3A : i32 to index
            %get3A_319 = tpu.vector_load %arg13[%get3A_317, %get3A_318] {strides = array<i32>} : memref<32x256xf32, #tpu.memory_space<vmem>>, vector<16xf32>,
            %max3A_320 = arith.maximumf %max3A_296, %get3A_319 : vector<16xf32>
            %add3A_321 = arith.addf %add3A_297, %get3A_319 : vector<16xf32>
            %get3A_322 = arith.constant 8 : i32
            %get3A_323 = arith.index_cast %get3A_322 : i32 to index
            %get3A_324 = arith.index_cast %multiple_of3A : i32 to index
            %get3A_325 = tpu.vector_load %arg13[%get3A_323, %get3A_324] {strides = array<i32>} : memref<32x256xf32, #tpu.memory_space<vmem>>, vector<16xf32>,
            %max3A_326 = arith.maximumf %max3A_302, %get3A_325 : vector<16xf32>
            %add3A_327 = arith.addf %add3A_303, %get3A_325 : vector<16xf32>
            %get3A_328 = arith.constant 9 : i32
            %get3A_329 = arith.index_cast %get3A_328 : i32 to index
            %get3A_330 = arith.index_cast %multiple_of3A : i32 to index
            %get3A_331 = tpu.vector_load %arg13[%get3A_329, %get3A_330] {strides = array<i32>} : memref<32x256xf32, #tpu.memory_space<vmem>>, vector<16xf32>,
            %max3A_332 = arith.maximumf %max3A_308, %get3A_331 : vector<16xf32>
            %add3A_333 = arith.addf %add3A_309, %get3A_331 : vector<16xf32>
            %get3A_334 = arith.constant 10 : i32
            %get3A_335 = arith.index_cast %get3A_334 : i32 to index
            %get3A_336 = arith.index_cast %multiple_of3A : i32 to index
            %get3A_337 = tpu.vector_load %arg13[%get3A_335, %get3A_336] {strides = array<i32>} : memref<32x256xf32, #tpu.memory_space<vmem>>, vector<16xf32>,
            %max3A_338 = arith.maximumf %max3A_314, %get3A_337 : vector<16xf32>
            %add3A_339 = arith.addf %add3A_315, %get3A_337 : vector<16xf32>
            %get3A_340 = arith.constant 11 : i32
            %get3A_341 = arith.index_cast %get3A_340 : i32 to index
            %get3A_342 = arith.index_cast %multiple_of3A : i32 to index
            %get3A_343 = tpu.vector_load %arg13[%get3A_341, %get3A_342] {strides = array<i32>} : memref<32x256xf32, #tpu.memory_space<vmem>>, vector<16xf32>,
            %max3A_344 = arith.maximumf %max3A_320, %get3A_343 : vector<16xf32>
            %add3A_345 = arith.addf %add3A_321, %get3A_343 : vector<16xf32>
            %get3A_346 = arith.constant 12 : i32
            %get3A_347 = arith.index_cast %get3A_346 : i32 to index
            %get3A_348 = arith.index_cast %multiple_of3A : i32 to index
            %get3A_349 = tpu.vector_load %arg13[%get3A_347, %get3A_348] {strides = array<i32>} : memref<32x256xf32, #tpu.memory_space<vmem>>, vector<16xf32>,
            %max3A_350 = arith.maximumf %max3A_326, %get3A_349 : vector<16xf32>
            %add3A_351 = arith.addf %add3A_327, %get3A_349 : vector<16xf32>
            %get3A_352 = arith.constant 13 : i32
            %get3A_353 = arith.index_cast %get3A_352 : i32 to index
            %get3A_354 = arith.index_cast %multiple_of3A : i32 to index
            %get3A_355 = tpu.vector_load %arg13[%get3A_353, %get3A_354] {strides = array<i32>} : memref<32x256xf32, #tpu.memory_space<vmem>>, vector<16xf32>,
            %max3A_356 = arith.maximumf %max3A_332, %get3A_355 : vector<16xf32>
            %add3A_357 = arith.addf %add3A_333, %get3A_355 : vector<16xf32>
            %get3A_358 = arith.constant 14 : i32
            %get3A_359 = arith.index_cast %get3A_358 : i32 to index
            %get3A_360 = arith.index_cast %multiple_of3A : i32 to index
            %get3A_361 = tpu.vector_load %arg13[%get3A_359, %get3A_360] {strides = array<i32>} : memref<32x256xf32, #tpu.memory_space<vmem>>, vector<16xf32>,
            %max3A_362 = arith.maximumf %max3A_338, %get3A_361 : vector<16xf32>
            %add3A_363 = arith.addf %add3A_339, %get3A_361 : vector<16xf32>
            %get3A_364 = arith.constant 15 : i32
            %get3A_365 = arith.index_cast %get3A_364 : i32 to index
            %get3A_366 = arith.index_cast %multiple_of3A : i32 to index
            %get3A_367 = tpu.vector_load %arg13[%get3A_365, %get3A_366] {strides = array<i32>} : memref<32x256xf32, #tpu.memory_space<vmem>>, vector<16xf32>,
            %max3A_368 = arith.maximumf %max3A_344, %get3A_367 : vector<16xf32>
            %add3A_369 = arith.addf %add3A_345, %get3A_367 : vector<16xf32>
            %get3A_370 = arith.constant 16 : i32
            %get3A_371 = arith.index_cast %get3A_370 : i32 to index
            %get3A_372 = arith.index_cast %multiple_of3A : i32 to index
            %get3A_373 = tpu.vector_load %arg13[%get3A_371, %get3A_372] {strides = array<i32>} : memref<32x256xf32, #tpu.memory_space<vmem>>, vector<16xf32>,
            %max3A_374 = arith.maximumf %max3A_350, %get3A_373 : vector<16xf32>
            %add3A_375 = arith.addf %add3A_351, %get3A_373 : vector<16xf32>
            %get3A_376 = arith.constant 17 : i32
            %get3A_377 = arith.index_cast %get3A_376 : i32 to index
            %get3A_378 = arith.index_cast %multiple_of3A : i32 to index
            %get3A_379 = tpu.vector_load %arg13[%get3A_377, %get3A_378] {strides = array<i32>} : memref<32x256xf32, #tpu.memory_space<vmem>>, vector<16xf32>,
            %max3A_380 = arith.maximumf %max3A_356, %get3A_379 : vector<16xf32>
            %add3A_381 = arith.addf %add3A_357, %get3A_379 : vector<16xf32>
            %get3A_382 = arith.constant 18 : i32
            %get3A_383 = arith.index_cast %get3A_382 : i32 to index
            %get3A_384 = arith.index_cast %multiple_of3A : i32 to index
            %get3A_385 = tpu.vector_load %arg13[%get3A_383, %get3A_384] {strides = array<i32>} : memref<32x256xf32, #tpu.memory_space<vmem>>, vector<16xf32>,
            %max3A_386 = arith.maximumf %max3A_362, %get3A_385 : vector<16xf32>
            %add3A_387 = arith.addf %add3A_363, %get3A_385 : vector<16xf32>
            %get3A_388 = arith.constant 19 : i32
            %get3A_389 = arith.index_cast %get3A_388 : i32 to index
            %get3A_390 = arith.index_cast %multiple_of3A : i32 to index
            %get3A_391 = tpu.vector_load %arg13[%get3A_389, %get3A_390] {strides = array<i32>} : memref<32x256xf32, #tpu.memory_space<vmem>>, vector<16xf32>,
            %max3A_392 = arith.maximumf %max3A_368, %get3A_391 : vector<16xf32>
            %add3A_393 = arith.addf %add3A_369, %get3A_391 : vector<16xf32>
            %get3A_394 = arith.constant 20 : i32
            %get3A_395 = arith.index_cast %get3A_394 : i32 to index
            %get3A_396 = arith.index_cast %multiple_of3A : i32 to index
            %get3A_397 = tpu.vector_load %arg13[%get3A_395, %get3A_396] {strides = array<i32>} : memref<32x256xf32, #tpu.memory_space<vmem>>, vector<16xf32>,
            %max3A_398 = arith.maximumf %max3A_374, %get3A_397 : vector<16xf32>
            %add3A_399 = arith.addf %add3A_375, %get3A_397 : vector<16xf32>
            %get3A_400 = arith.constant 21 : i32
            %get3A_401 = arith.index_cast %get3A_400 : i32 to index
            %get3A_402 = arith.index_cast %multiple_of3A : i32 to index
            %get3A_403 = tpu.vector_load %arg13[%get3A_401, %get3A_402] {strides = array<i32>} : memref<32x256xf32, #tpu.memory_space<vmem>>, vector<16xf32>,
            %max3A_404 = arith.maximumf %max3A_380, %get3A_403 : vector<16xf32>
            %add3A_405 = arith.addf %add3A_381, %get3A_403 : vector<16xf32>
            %get3A_406 = arith.constant 22 : i32
            %get3A_407 = arith.index_cast %get3A_406 : i32 to index
            %get3A_408 = arith.index_cast %multiple_of3A : i32 to index
            %get3A_409 = tpu.vector_load %arg13[%get3A_407, %get3A_408] {strides = array<i32>} : memref<32x256xf32, #tpu.memory_space<vmem>>, vector<16xf32>,
            %max3A_410 = arith.maximumf %max3A_386, %get3A_409 : vector<16xf32>
            %add3A_411 = arith.addf %add3A_387, %get3A_409 : vector<16xf32>
            %get3A_412 = arith.constant 23 : i32
            %get3A_413 = arith.index_cast %get3A_412 : i32 to index
            %get3A_414 = arith.index_cast %multiple_of3A : i32 to index
            %get3A_415 = tpu.vector_load %arg13[%get3A_413, %get3A_414] {strides = array<i32>} : memref<32x256xf32, #tpu.memory_space<vmem>>, vector<16xf32>,
            %max3A_416 = arith.maximumf %max3A_392, %get3A_415 : vector<16xf32>
            %add3A_417 = arith.addf %add3A_393, %get3A_415 : vector<16xf32>
            %get3A_418 = arith.constant 24 : i32
            %get3A_419 = arith.index_cast %get3A_418 : i32 to index
            %get3A_420 = arith.index_cast %multiple_of3A : i32 to index
            %get3A_421 = tpu.vector_load %arg13[%get3A_419, %get3A_420] {strides = array<i32>} : memref<32x256xf32, #tpu.memory_space<vmem>>, vector<16xf32>,
            %max3A_422 = arith.maximumf %max3A_398, %get3A_421 : vector<16xf32>
            %add3A_423 = arith.addf %add3A_399, %get3A_421 : vector<16xf32>
            %get3A_424 = arith.constant 25 : i32
            %get3A_425 = arith.index_cast %get3A_424 : i32 to index
            %get3A_426 = arith.index_cast %multiple_of3A : i32 to index
            %get3A_427 = tpu.vector_load %arg13[%get3A_425, %get3A_426] {strides = array<i32>} : memref<32x256xf32, #tpu.memory_space<vmem>>, vector<16xf32>,
            %max3A_428 = arith.maximumf %max3A_404, %get3A_427 : vector<16xf32>
            %add3A_429 = arith.addf %add3A_405, %get3A_427 : vector<16xf32>
            %get3A_430 = arith.constant 26 : i32
            %get3A_431 = arith.index_cast %get3A_430 : i32 to index
            %get3A_432 = arith.index_cast %multiple_of3A : i32 to index
            %get3A_433 = tpu.vector_load %arg13[%get3A_431, %get3A_432] {strides = array<i32>} : memref<32x256xf32, #tpu.memory_space<vmem>>, vector<16xf32>,
            %max3A_434 = arith.maximumf %max3A_410, %get3A_433 : vector<16xf32>
            %add3A_435 = arith.addf %add3A_411, %get3A_433 : vector<16xf32>
            %get3A_436 = arith.constant 27 : i32
            %get3A_437 = arith.index_cast %get3A_436 : i32 to index
            %get3A_438 = arith.index_cast %multiple_of3A : i32 to index
            %get3A_439 = tpu.vector_load %arg13[%get3A_437, %get3A_438] {strides = array<i32>} : memref<32x256xf32, #tpu.memory_space<vmem>>, vector<16xf32>,
            %max3A_440 = arith.maximumf %max3A_416, %get3A_439 : vector<16xf32>
            %add3A_441 = arith.addf %add3A_417, %get3A_439 : vector<16xf32>
            %get3A_442 = arith.constant 28 : i32
            %get3A_443 = arith.index_cast %get3A_442 : i32 to index
            %get3A_444 = arith.index_cast %multiple_of3A : i32 to index
            %get3A_445 = tpu.vector_load %arg13[%get3A_443, %get3A_444] {strides = array<i32>} : memref<32x256xf32, #tpu.memory_space<vmem>>, vector<16xf32>,
            %max3A_446 = arith.maximumf %max3A_422, %get3A_445 : vector<16xf32>
            %add3A_447 = arith.addf %add3A_423, %get3A_445 : vector<16xf32>
            %get3A_448 = arith.constant 29 : i32
            %get3A_449 = arith.index_cast %get3A_448 : i32 to index
            %get3A_450 = arith.index_cast %multiple_of3A : i32 to index
            %get3A_451 = tpu.vector_load %arg13[%get3A_449, %get3A_450] {strides = array<i32>} : memref<32x256xf32, #tpu.memory_space<vmem>>, vector<16xf32>,
            %max3A_452 = arith.maximumf %max3A_428, %get3A_451 : vector<16xf32>
            %add3A_453 = arith.addf %add3A_429, %get3A_451 : vector<16xf32>
            %get3A_454 = arith.constant 30 : i32
            %get3A_455 = arith.index_cast %get3A_454 : i32 to index
            %get3A_456 = arith.index_cast %multiple_of3A : i32 to index
            %get3A_457 = tpu.vector_load %arg13[%get3A_455, %get3A_456] {strides = array<i32>} : memref<32x256xf32, #tpu.memory_space<vmem>>, vector<16xf32>,
            %max3A_458 = arith.maximumf %max3A_434, %get3A_457 : vector<16xf32>
            %add3A_459 = arith.addf %add3A_435, %get3A_457 : vector<16xf32>
            %get3A_460 = arith.constant 31 : i32
            %get3A_461 = arith.index_cast %get3A_460 : i32 to index
            %get3A_462 = arith.index_cast %multiple_of3A : i32 to index
            %get3A_463 = tpu.vector_load %arg13[%get3A_461, %get3A_462] {strides = array<i32>} : memref<32x256xf32, #tpu.memory_space<vmem>>, vector<16xf32>,
            %max3A_464 = arith.maximumf %max3A_440, %get3A_463 : vector<16xf32>
            %add3A_465 = arith.addf %add3A_441, %get3A_463 : vector<16xf32>
            %max3A_466 = arith.maximumf %max3A_446, %max3A_452 : vector<16xf32>
            %add3A_467 = arith.addf %add3A_447, %add3A_453 : vector<16xf32>
            %max3A_468 = arith.maximumf %max3A_466, %max3A_458 : vector<16xf32>
            %add3A_469 = arith.addf %add3A_467, %add3A_459 : vector<16xf32>
            %max3A_470 = arith.maximumf %max3A_468, %max3A_464 : vector<16xf32>
            %add3A_471 = arith.addf %add3A_469, %add3A_465 : vector<16xf32>
            %get3A_472 = arith.index_cast %scan3A_39 : i32 to index
            %get3A_473 = arith.index_cast %multiple_of3A : i32 to index
            %get3A_474 = tpu.vector_load %arg15[%get3A_472, %get3A_473] {strides = array<i32>} : memref<16x256xf32, #tpu.memory_space<vmem>>, vector<16xf32>,
            %max3A_475 = arith.maximumf %get3A_474, %max3A_470 : vector<16xf32>
            %swap3A = arith.index_cast %scan3A_39 : i32 to index
            %swap3A_476 = arith.index_cast %multiple_of3A : i32 to index
            %swap3A_477 = tpu.vector_load %arg15[%swap3A, %swap3A_476] {strides = array<i32>} : memref<16x256xf32, #tpu.memory_space<vmem>>, vector<16xf32>,
            tpu.vector_store %arg15[%swap3A, %swap3A_476], %max3A_475 {strides = array<i32>} : memref<16x256xf32, #tpu.memory_space<vmem>>, vector<16xf32>,
            %get3A_478 = arith.index_cast %scan3A_39 : i32 to index
            %get3A_479 = arith.index_cast %multiple_of3A : i32 to index
            %get3A_480 = tpu.vector_load %arg16[%get3A_478, %get3A_479] {strides = array<i32>} : memref<16x256xf32, #tpu.memory_space<vmem>>, vector<16xf32>,
            %add3A_481 = arith.addf %get3A_480, %add3A_471 : vector<16xf32>
            %swap3A_482 = arith.index_cast %scan3A_39 : i32 to index
            %swap3A_483 = arith.index_cast %multiple_of3A : i32 to index
            %swap3A_484 = tpu.vector_load %arg16[%swap3A_482, %swap3A_483] {strides = array<i32>} : memref<16x256xf32, #tpu.memory_space<vmem>>, vector<16xf32>,
            tpu.vector_store %arg16[%swap3A_482, %swap3A_483], %add3A_481 {strides = array<i32>} : memref<16x256xf32, #tpu.memory_space<vmem>>, vector<16xf32>,
            %scan3A_485 = arith.constant 0 : i32
            scf.yield %scan3A_485 : i32
          }
          %scan3A_246 = arith.constant 16 : i32
          %add3A_247 = arith.constant 5 : i32
          %add3A_248 = arith.addi %mul3A_197, %add3A_247 : i32
          %add3A_249 = arith.constant 6 : i32
          %add3A_250 = arith.addi %add3A_248, %add3A_249 : i32
          %lt3A_251 = arith.cmpi slt, %add3A_250, %div3A_62 : i32
          %convert_element_type3A_252 = arith.extui %lt3A_251 : i1 to i32
          %cond3A_253 = arith.constant 0 : i32
          %cond3A_254 = arith.cmpi ne, %convert_element_type3A_252, %cond3A_253 : i32
          scf.if %cond3A_254 {
            %add3A_255 = arith.constant 5 : i32
            %add3A_256 = arith.addi %mul3A_197, %add3A_255 : i32
            %add3A_257 = arith.constant 6 : i32
            %add3A_258 = arith.addi %add3A_256, %add3A_257 : i32
            %mul3A_259 = arith.constant 32 : i32
            %mul3A_260 = arith.muli %add3A_258, %mul3A_259 : i32
            %add3A_261 = arith.addi %mul3A_59, %mul3A_260 : i32
            %multiple_of3A = tpu.assume_multiple %add3A_261, 8 : i32
            %dma_start3A = arith.constant 0 : i32
            %dma_start3A_262 = tpu.memref_slice %arg3[%multiple_of3A, %dma_start3A] : memref<50000x256xf32, #tpu.memory_space<hbm>> -> memref<32x256xf32, #tpu.memory_space<hbm>>
            %dma_start3A_263 = arith.constant 0 : i32
            %dma_start3A_264 = tpu.memref_slice %arg3[%multiple_of3A, %dma_start3A_263] : memref<50000x256xf32, #tpu.memory_space<hbm>> -> memref<32x256xf32, #tpu.memory_space<hbm>>
            tpu.enqueue_dma source(%dma_start3A_264 : memref<32x256xf32, #tpu.memory_space<hbm>>) target(%arg13 : memref<32x256xf32, #tpu.memory_space<vmem>>) target_semaphore(%arg23 : memref<!tpu.dma_semaphore, #tpu.memory_space<semaphore_mem>>)
          } else {
          }
        } else {
        }
        %while3A_234 = arith.constant 0 : i32
        scf.yield %while3A_234 : i32
      }
      %gt3A_166 = arith.constant 0 : i32
      %gt3A_167 = arith.cmpi sgt, %div3A_77, %gt3A_166 : i32
      %convert_element_type3A_168 = arith.extui %gt3A_167 : i1 to i32
      %cond3A_169 = arith.constant 0 : i32
      %cond3A_170 = arith.cmpi ne, %convert_element_type3A_168, %cond3A_169 : i32
      scf.if %cond3A_170 {
        %dma_wait3A = arith.constant 0 : i32
        %dma_wait3A_194 = arith.constant 0 : i32
        %dma_wait3A_195 = tpu.memref_slice %arg14[%dma_wait3A, %dma_wait3A_194] : memref<32x256xf32, #tpu.memory_space<vmem>> -> memref<8x256xf32, #tpu.memory_space<vmem>>
        %dma_wait3A_196 = arith.constant 0 : i32
        %dma_wait3A_197 = arith.constant 0 : i32
        %dma_wait3A_198 = tpu.memref_slice %arg3[%dma_wait3A_196, %dma_wait3A_197] : memref<50000x256xf32, #tpu.memory_space<hbm>> -> memref<8x256xf32, #tpu.memory_space<hbm>>
        %dma_wait3A_199 = arith.constant 0 : i32
        %dma_wait3A_200 = arith.constant 0 : i32
        %dma_wait3A_201 = tpu.memref_slice %arg14[%dma_wait3A_199, %dma_wait3A_200] : memref<32x256xf32, #tpu.memory_space<vmem>> -> memref<8x256xf32, #tpu.memory_space<vmem>>
        %dma_wait3A_202 = arith.constant 0 : i32
        %dma_wait3A_203 = arith.constant 0 : i32
        %dma_wait3A_204 = tpu.memref_slice %arg3[%dma_wait3A_202, %dma_wait3A_203] : memref<50000x256xf32, #tpu.memory_space<hbm>> -> memref<8x256xf32, #tpu.memory_space<hbm>>
        tpu.wait_dma2 semaphore(%arg24 : memref<!tpu.dma_semaphore, #tpu.memory_space<semaphore_mem>>) src(%dma_wait3A_204 : memref<8x256xf32, #tpu.memory_space<hbm>>) dst(%dma_wait3A_201 : memref<8x256xf32, #tpu.memory_space<vmem>>)
        %scan3A_205 = arith.constant 0 : i32
        %scan3A_206 = arith.constant 0 : i32
        %scan3A_207 = arith.constant 16 : i32
        %scan3A_208 = arith.addi %scan3A_206, %scan3A_207 : i32
        %scan3A_209 = arith.constant 1 : i32
        %scan3A_210 = scf.for %scan3A_212 = %scan3A_206 to %scan3A_208 step %scan3A_209 iter_args(%scan3A_213 = %scan3A_205) -> (i32)  : i32 {
          %mul3A_214 = arith.constant 16 : i32
          %mul3A_215 = arith.muli %scan3A_212, %mul3A_214 : i32
          %multiple_of3A = tpu.assume_multiple %mul3A_215, 16 : i32
          %broadcast_in_dim3A_216 = arith.constant 0xFF800000 : f32
          %broadcast_in_dim3A_217 = vector.broadcast %broadcast_in_dim3A_216 : f32 to vector<16xf32>
          %broadcast_in_dim3A_218 = arith.constant 0xFF800000 : f32
          %broadcast_in_dim3A_219 = vector.broadcast %broadcast_in_dim3A_218 : f32 to vector<16xf32>
          %broadcast_in_dim3A_220 = arith.constant 0xFF800000 : f32
          %broadcast_in_dim3A_221 = vector.broadcast %broadcast_in_dim3A_220 : f32 to vector<16xf32>
          %broadcast_in_dim3A_222 = arith.constant 0xFF800000 : f32
          %broadcast_in_dim3A_223 = vector.broadcast %broadcast_in_dim3A_222 : f32 to vector<16xf32>
          %broadcast_in_dim3A_224 = arith.constant 0.000000e+00 : f32
          %broadcast_in_dim3A_225 = vector.broadcast %broadcast_in_dim3A_224 : f32 to vector<16xf32>
          %broadcast_in_dim3A_226 = arith.constant 0.000000e+00 : f32
          %broadcast_in_dim3A_227 = vector.broadcast %broadcast_in_dim3A_226 : f32 to vector<16xf32>
          %broadcast_in_dim3A_228 = arith.constant 0.000000e+00 : f32
          %broadcast_in_dim3A_229 = vector.broadcast %broadcast_in_dim3A_228 : f32 to vector<16xf32>
          %broadcast_in_dim3A_230 = arith.constant 0.000000e+00 : f32
          %broadcast_in_dim3A_231 = vector.broadcast %broadcast_in_dim3A_230 : f32 to vector<16xf32>
          %get3A = arith.constant 0 : i32
          %get3A_232 = arith.index_cast %get3A : i32 to index
          %get3A_233 = arith.index_cast %multiple_of3A : i32 to index
          %get3A_234 = tpu.vector_load %arg14[%get3A_232, %get3A_233] {strides = array<i32>} : memref<32x256xf32, #tpu.memory_space<vmem>>, vector<16xf32>,
          %max3A_235 = arith.maximumf %broadcast_in_dim3A_217, %get3A_234 : vector<16xf32>
          %add3A_236 = arith.addf %broadcast_in_dim3A_225, %get3A_234 : vector<16xf32>
          %get3A_237 = arith.constant 1 : i32
          %get3A_238 = arith.index_cast %get3A_237 : i32 to index
          %get3A_239 = arith.index_cast %multiple_of3A : i32 to index
          %get3A_240 = tpu.vector_load %arg14[%get3A_238, %get3A_239] {strides = array<i32>} : memref<32x256xf32, #tpu.memory_space<vmem>>, vector<16xf32>,
          %max3A_241 = arith.maximumf %broadcast_in_dim3A_219, %get3A_240 : vector<16xf32>
          %add3A_242 = arith.addf %broadcast_in_dim3A_227, %get3A_240 : vector<16xf32>
          %get3A_243 = arith.constant 2 : i32
          %get3A_244 = arith.index_cast %get3A_243 : i32 to index
          %get3A_245 = arith.index_cast %multiple_of3A : i32 to index
          %get3A_246 = tpu.vector_load %arg14[%get3A_244, %get3A_245] {strides = array<i32>} : memref<32x256xf32, #tpu.memory_space<vmem>>, vector<16xf32>,
          %max3A_247 = arith.maximumf %broadcast_in_dim3A_221, %get3A_246 : vector<16xf32>
          %add3A_248 = arith.addf %broadcast_in_dim3A_229, %get3A_246 : vector<16xf32>
          %get3A_249 = arith.constant 3 : i32
          %get3A_250 = arith.index_cast %get3A_249 : i32 to index
          %get3A_251 = arith.index_cast %multiple_of3A : i32 to index
          %get3A_252 = tpu.vector_load %arg14[%get3A_250, %get3A_251] {strides = array<i32>} : memref<32x256xf32, #tpu.memory_space<vmem>>, vector<16xf32>,
          %max3A_253 = arith.maximumf %broadcast_in_dim3A_223, %get3A_252 : vector<16xf32>
          %add3A_254 = arith.addf %broadcast_in_dim3A_231, %get3A_252 : vector<16xf32>
          %get3A_255 = arith.constant 4 : i32
          %get3A_256 = arith.index_cast %get3A_255 : i32 to index
          %get3A_257 = arith.index_cast %multiple_of3A : i32 to index
          %get3A_258 = tpu.vector_load %arg14[%get3A_256, %get3A_257] {strides = array<i32>} : memref<32x256xf32, #tpu.memory_space<vmem>>, vector<16xf32>,
          %max3A_259 = arith.maximumf %max3A_235, %get3A_258 : vector<16xf32>
          %add3A_260 = arith.addf %add3A_236, %get3A_258 : vector<16xf32>
          %get3A_261 = arith.constant 5 : i32
          %get3A_262 = arith.index_cast %get3A_261 : i32 to index
          %get3A_263 = arith.index_cast %multiple_of3A : i32 to index
          %get3A_264 = tpu.vector_load %arg14[%get3A_262, %get3A_263] {strides = array<i32>} : memref<32x256xf32, #tpu.memory_space<vmem>>, vector<16xf32>,
          %max3A_265 = arith.maximumf %max3A_241, %get3A_264 : vector<16xf32>
          %add3A_266 = arith.addf %add3A_242, %get3A_264 : vector<16xf32>
          %get3A_267 = arith.constant 6 : i32
          %get3A_268 = arith.index_cast %get3A_267 : i32 to index
          %get3A_269 = arith.index_cast %multiple_of3A : i32 to index
          %get3A_270 = tpu.vector_load %arg14[%get3A_268, %get3A_269] {strides = array<i32>} : memref<32x256xf32, #tpu.memory_space<vmem>>, vector<16xf32>,
          %max3A_271 = arith.maximumf %max3A_247, %get3A_270 : vector<16xf32>
          %add3A_272 = arith.addf %add3A_248, %get3A_270 : vector<16xf32>
          %get3A_273 = arith.constant 7 : i32
          %get3A_274 = arith.index_cast %get3A_273 : i32 to index
          %get3A_275 = arith.index_cast %multiple_of3A : i32 to index
          %get3A_276 = tpu.vector_load %arg14[%get3A_274, %get3A_275] {strides = array<i32>} : memref<32x256xf32, #tpu.memory_space<vmem>>, vector<16xf32>,
          %max3A_277 = arith.maximumf %max3A_253, %get3A_276 : vector<16xf32>
          %add3A_278 = arith.addf %add3A_254, %get3A_276 : vector<16xf32>
          %max3A_279 = arith.maximumf %max3A_259, %max3A_265 : vector<16xf32>
          %add3A_280 = arith.addf %add3A_260, %add3A_266 : vector<16xf32>
          %max3A_281 = arith.maximumf %max3A_279, %max3A_271 : vector<16xf32>
          %add3A_282 = arith.addf %add3A_280, %add3A_272 : vector<16xf32>
          %max3A_283 = arith.maximumf %max3A_281, %max3A_277 : vector<16xf32>
          %add3A_284 = arith.addf %add3A_282, %add3A_278 : vector<16xf32>
          %get3A_285 = arith.index_cast %scan3A_39 : i32 to index
          %get3A_286 = arith.index_cast %multiple_of3A : i32 to index
          %get3A_287 = tpu.vector_load %arg15[%get3A_285, %get3A_286] {strides = array<i32>} : memref<16x256xf32, #tpu.memory_space<vmem>>, vector<16xf32>,
          %max3A_288 = arith.maximumf %get3A_287, %max3A_283 : vector<16xf32>
          %swap3A = arith.index_cast %scan3A_39 : i32 to index
          %swap3A_289 = arith.index_cast %multiple_of3A : i32 to index
          %swap3A_290 = tpu.vector_load %arg15[%swap3A, %swap3A_289] {strides = array<i32>} : memref<16x256xf32, #tpu.memory_space<vmem>>, vector<16xf32>,
          tpu.vector_store %arg15[%swap3A, %swap3A_289], %max3A_288 {strides = array<i32>} : memref<16x256xf32, #tpu.memory_space<vmem>>, vector<16xf32>,
          %get3A_291 = arith.index_cast %scan3A_39 : i32 to index
          %get3A_292 = arith.index_cast %multiple_of3A : i32 to index
          %get3A_293 = tpu.vector_load %arg16[%get3A_291, %get3A_292] {strides = array<i32>} : memref<16x256xf32, #tpu.memory_space<vmem>>, vector<16xf32>,
          %add3A_294 = arith.addf %get3A_293, %add3A_284 : vector<16xf32>
          %swap3A_295 = arith.index_cast %scan3A_39 : i32 to index
          %swap3A_296 = arith.index_cast %multiple_of3A : i32 to index
          %swap3A_297 = tpu.vector_load %arg16[%swap3A_295, %swap3A_296] {strides = array<i32>} : memref<16x256xf32, #tpu.memory_space<vmem>>, vector<16xf32>,
          tpu.vector_store %arg16[%swap3A_295, %swap3A_296], %add3A_294 {strides = array<i32>} : memref<16x256xf32, #tpu.memory_space<vmem>>, vector<16xf32>,
          %scan3A_298 = arith.constant 0 : i32
          scf.yield %scan3A_298 : i32
        }
        %scan3A_211 = arith.constant 16 : i32
      } else {
      }
      %gt3A_171 = arith.constant 1 : i32
      %gt3A_172 = arith.cmpi sgt, %div3A_77, %gt3A_171 : i32
      %convert_element_type3A_173 = arith.extui %gt3A_172 : i1 to i32
      %cond3A_174 = arith.constant 0 : i32
      %cond3A_175 = arith.cmpi ne, %convert_element_type3A_173, %cond3A_174 : i32
      scf.if %cond3A_175 {
        %dma_wait3A = arith.constant 8 : i32
        %dma_wait3A_194 = arith.constant 0 : i32
        %dma_wait3A_195 = tpu.memref_slice %arg14[%dma_wait3A, %dma_wait3A_194] : memref<32x256xf32, #tpu.memory_space<vmem>> -> memref<8x256xf32, #tpu.memory_space<vmem>>
        %dma_wait3A_196 = arith.constant 0 : i32
        %dma_wait3A_197 = arith.constant 0 : i32
        %dma_wait3A_198 = tpu.memref_slice %arg3[%dma_wait3A_196, %dma_wait3A_197] : memref<50000x256xf32, #tpu.memory_space<hbm>> -> memref<8x256xf32, #tpu.memory_space<hbm>>
        %dma_wait3A_199 = arith.constant 8 : i32
        %dma_wait3A_200 = arith.constant 0 : i32
        %dma_wait3A_201 = tpu.memref_slice %arg14[%dma_wait3A_199, %dma_wait3A_200] : memref<32x256xf32, #tpu.memory_space<vmem>> -> memref<8x256xf32, #tpu.memory_space<vmem>>
        %dma_wait3A_202 = arith.constant 0 : i32
        %dma_wait3A_203 = arith.constant 0 : i32
        %dma_wait3A_204 = tpu.memref_slice %arg3[%dma_wait3A_202, %dma_wait3A_203] : memref<50000x256xf32, #tpu.memory_space<hbm>> -> memref<8x256xf32, #tpu.memory_space<hbm>>
        tpu.wait_dma2 semaphore(%arg24 : memref<!tpu.dma_semaphore, #tpu.memory_space<semaphore_mem>>) src(%dma_wait3A_204 : memref<8x256xf32, #tpu.memory_space<hbm>>) dst(%dma_wait3A_201 : memref<8x256xf32, #tpu.memory_space<vmem>>)
        %scan3A_205 = arith.constant 0 : i32
        %scan3A_206 = arith.constant 0 : i32
        %scan3A_207 = arith.constant 16 : i32
        %scan3A_208 = arith.addi %scan3A_206, %scan3A_207 : i32
        %scan3A_209 = arith.constant 1 : i32
        %scan3A_210 = scf.for %scan3A_212 = %scan3A_206 to %scan3A_208 step %scan3A_209 iter_args(%scan3A_213 = %scan3A_205) -> (i32)  : i32 {
          %mul3A_214 = arith.constant 16 : i32
          %mul3A_215 = arith.muli %scan3A_212, %mul3A_214 : i32
          %multiple_of3A = tpu.assume_multiple %mul3A_215, 16 : i32
          %broadcast_in_dim3A_216 = arith.constant 0xFF800000 : f32
          %broadcast_in_dim3A_217 = vector.broadcast %broadcast_in_dim3A_216 : f32 to vector<16xf32>
          %broadcast_in_dim3A_218 = arith.constant 0xFF800000 : f32
          %broadcast_in_dim3A_219 = vector.broadcast %broadcast_in_dim3A_218 : f32 to vector<16xf32>
          %broadcast_in_dim3A_220 = arith.constant 0xFF800000 : f32
          %broadcast_in_dim3A_221 = vector.broadcast %broadcast_in_dim3A_220 : f32 to vector<16xf32>
          %broadcast_in_dim3A_222 = arith.constant 0xFF800000 : f32
          %broadcast_in_dim3A_223 = vector.broadcast %broadcast_in_dim3A_222 : f32 to vector<16xf32>
          %broadcast_in_dim3A_224 = arith.constant 0.000000e+00 : f32
          %broadcast_in_dim3A_225 = vector.broadcast %broadcast_in_dim3A_224 : f32 to vector<16xf32>
          %broadcast_in_dim3A_226 = arith.constant 0.000000e+00 : f32
          %broadcast_in_dim3A_227 = vector.broadcast %broadcast_in_dim3A_226 : f32 to vector<16xf32>
          %broadcast_in_dim3A_228 = arith.constant 0.000000e+00 : f32
          %broadcast_in_dim3A_229 = vector.broadcast %broadcast_in_dim3A_228 : f32 to vector<16xf32>
          %broadcast_in_dim3A_230 = arith.constant 0.000000e+00 : f32
          %broadcast_in_dim3A_231 = vector.broadcast %broadcast_in_dim3A_230 : f32 to vector<16xf32>
          %get3A = arith.constant 8 : i32
          %get3A_232 = arith.index_cast %get3A : i32 to index
          %get3A_233 = arith.index_cast %multiple_of3A : i32 to index
          %get3A_234 = tpu.vector_load %arg14[%get3A_232, %get3A_233] {strides = array<i32>} : memref<32x256xf32, #tpu.memory_space<vmem>>, vector<16xf32>,
          %max3A_235 = arith.maximumf %broadcast_in_dim3A_217, %get3A_234 : vector<16xf32>
          %add3A_236 = arith.addf %broadcast_in_dim3A_225, %get3A_234 : vector<16xf32>
          %get3A_237 = arith.constant 9 : i32
          %get3A_238 = arith.index_cast %get3A_237 : i32 to index
          %get3A_239 = arith.index_cast %multiple_of3A : i32 to index
          %get3A_240 = tpu.vector_load %arg14[%get3A_238, %get3A_239] {strides = array<i32>} : memref<32x256xf32, #tpu.memory_space<vmem>>, vector<16xf32>,
          %max3A_241 = arith.maximumf %broadcast_in_dim3A_219, %get3A_240 : vector<16xf32>
          %add3A_242 = arith.addf %broadcast_in_dim3A_227, %get3A_240 : vector<16xf32>
          %get3A_243 = arith.constant 10 : i32
          %get3A_244 = arith.index_cast %get3A_243 : i32 to index
          %get3A_245 = arith.index_cast %multiple_of3A : i32 to index
          %get3A_246 = tpu.vector_load %arg14[%get3A_244, %get3A_245] {strides = array<i32>} : memref<32x256xf32, #tpu.memory_space<vmem>>, vector<16xf32>,
          %max3A_247 = arith.maximumf %broadcast_in_dim3A_221, %get3A_246 : vector<16xf32>
          %add3A_248 = arith.addf %broadcast_in_dim3A_229, %get3A_246 : vector<16xf32>
          %get3A_249 = arith.constant 11 : i32
          %get3A_250 = arith.index_cast %get3A_249 : i32 to index
          %get3A_251 = arith.index_cast %multiple_of3A : i32 to index
          %get3A_252 = tpu.vector_load %arg14[%get3A_250, %get3A_251] {strides = array<i32>} : memref<32x256xf32, #tpu.memory_space<vmem>>, vector<16xf32>,
          %max3A_253 = arith.maximumf %broadcast_in_dim3A_223, %get3A_252 : vector<16xf32>
          %add3A_254 = arith.addf %broadcast_in_dim3A_231, %get3A_252 : vector<16xf32>
          %get3A_255 = arith.constant 12 : i32
          %get3A_256 = arith.index_cast %get3A_255 : i32 to index
          %get3A_257 = arith.index_cast %multiple_of3A : i32 to index
          %get3A_258 = tpu.vector_load %arg14[%get3A_256, %get3A_257] {strides = array<i32>} : memref<32x256xf32, #tpu.memory_space<vmem>>, vector<16xf32>,
          %max3A_259 = arith.maximumf %max3A_235, %get3A_258 : vector<16xf32>
          %add3A_260 = arith.addf %add3A_236, %get3A_258 : vector<16xf32>
          %get3A_261 = arith.constant 13 : i32
          %get3A_262 = arith.index_cast %get3A_261 : i32 to index
          %get3A_263 = arith.index_cast %multiple_of3A : i32 to index
          %get3A_264 = tpu.vector_load %arg14[%get3A_262, %get3A_263] {strides = array<i32>} : memref<32x256xf32, #tpu.memory_space<vmem>>, vector<16xf32>,
          %max3A_265 = arith.maximumf %max3A_241, %get3A_264 : vector<16xf32>
          %add3A_266 = arith.addf %add3A_242, %get3A_264 : vector<16xf32>
          %get3A_267 = arith.constant 14 : i32
          %get3A_268 = arith.index_cast %get3A_267 : i32 to index
          %get3A_269 = arith.index_cast %multiple_of3A : i32 to index
          %get3A_270 = tpu.vector_load %arg14[%get3A_268, %get3A_269] {strides = array<i32>} : memref<32x256xf32, #tpu.memory_space<vmem>>, vector<16xf32>,
          %max3A_271 = arith.maximumf %max3A_247, %get3A_270 : vector<16xf32>
          %add3A_272 = arith.addf %add3A_248, %get3A_270 : vector<16xf32>
          %get3A_273 = arith.constant 15 : i32
          %get3A_274 = arith.index_cast %get3A_273 : i32 to index
          %get3A_275 = arith.index_cast %multiple_of3A : i32 to index
          %get3A_276 = tpu.vector_load %arg14[%get3A_274, %get3A_275] {strides = array<i32>} : memref<32x256xf32, #tpu.memory_space<vmem>>, vector<16xf32>,
          %max3A_277 = arith.maximumf %max3A_253, %get3A_276 : vector<16xf32>
          %add3A_278 = arith.addf %add3A_254, %get3A_276 : vector<16xf32>
          %max3A_279 = arith.maximumf %max3A_259, %max3A_265 : vector<16xf32>
          %add3A_280 = arith.addf %add3A_260, %add3A_266 : vector<16xf32>
          %max3A_281 = arith.maximumf %max3A_279, %max3A_271 : vector<16xf32>
          %add3A_282 = arith.addf %add3A_280, %add3A_272 : vector<16xf32>
          %max3A_283 = arith.maximumf %max3A_281, %max3A_277 : vector<16xf32>
          %add3A_284 = arith.addf %add3A_282, %add3A_278 : vector<16xf32>
          %get3A_285 = arith.index_cast %scan3A_39 : i32 to index
          %get3A_286 = arith.index_cast %multiple_of3A : i32 to index
          %get3A_287 = tpu.vector_load %arg15[%get3A_285, %get3A_286] {strides = array<i32>} : memref<16x256xf32, #tpu.memory_space<vmem>>, vector<16xf32>,
          %max3A_288 = arith.maximumf %get3A_287, %max3A_283 : vector<16xf32>
          %swap3A = arith.index_cast %scan3A_39 : i32 to index
          %swap3A_289 = arith.index_cast %multiple_of3A : i32 to index
          %swap3A_290 = tpu.vector_load %arg15[%swap3A, %swap3A_289] {strides = array<i32>} : memref<16x256xf32, #tpu.memory_space<vmem>>, vector<16xf32>,
          tpu.vector_store %arg15[%swap3A, %swap3A_289], %max3A_288 {strides = array<i32>} : memref<16x256xf32, #tpu.memory_space<vmem>>, vector<16xf32>,
          %get3A_291 = arith.index_cast %scan3A_39 : i32 to index
          %get3A_292 = arith.index_cast %multiple_of3A : i32 to index
          %get3A_293 = tpu.vector_load %arg16[%get3A_291, %get3A_292] {strides = array<i32>} : memref<16x256xf32, #tpu.memory_space<vmem>>, vector<16xf32>,
          %add3A_294 = arith.addf %get3A_293, %add3A_284 : vector<16xf32>
          %swap3A_295 = arith.index_cast %scan3A_39 : i32 to index
          %swap3A_296 = arith.index_cast %multiple_of3A : i32 to index
          %swap3A_297 = tpu.vector_load %arg16[%swap3A_295, %swap3A_296] {strides = array<i32>} : memref<16x256xf32, #tpu.memory_space<vmem>>, vector<16xf32>,
          tpu.vector_store %arg16[%swap3A_295, %swap3A_296], %add3A_294 {strides = array<i32>} : memref<16x256xf32, #tpu.memory_space<vmem>>, vector<16xf32>,
          %scan3A_298 = arith.constant 0 : i32
          scf.yield %scan3A_298 : i32
        }
        %scan3A_211 = arith.constant 16 : i32
      } else {
      }
      %gt3A_176 = arith.constant 2 : i32
      %gt3A_177 = arith.cmpi sgt, %div3A_77, %gt3A_176 : i32
      %convert_element_type3A_178 = arith.extui %gt3A_177 : i1 to i32
      %cond3A_179 = arith.constant 0 : i32
      %cond3A_180 = arith.cmpi ne, %convert_element_type3A_178, %cond3A_179 : i32
      scf.if %cond3A_180 {
        %dma_wait3A = arith.constant 16 : i32
        %dma_wait3A_194 = arith.constant 0 : i32
        %dma_wait3A_195 = tpu.memref_slice %arg14[%dma_wait3A, %dma_wait3A_194] : memref<32x256xf32, #tpu.memory_space<vmem>> -> memref<8x256xf32, #tpu.memory_space<vmem>>
        %dma_wait3A_196 = arith.constant 0 : i32
        %dma_wait3A_197 = arith.constant 0 : i32
        %dma_wait3A_198 = tpu.memref_slice %arg3[%dma_wait3A_196, %dma_wait3A_197] : memref<50000x256xf32, #tpu.memory_space<hbm>> -> memref<8x256xf32, #tpu.memory_space<hbm>>
        %dma_wait3A_199 = arith.constant 16 : i32
        %dma_wait3A_200 = arith.constant 0 : i32
        %dma_wait3A_201 = tpu.memref_slice %arg14[%dma_wait3A_199, %dma_wait3A_200] : memref<32x256xf32, #tpu.memory_space<vmem>> -> memref<8x256xf32, #tpu.memory_space<vmem>>
        %dma_wait3A_202 = arith.constant 0 : i32
        %dma_wait3A_203 = arith.constant 0 : i32
        %dma_wait3A_204 = tpu.memref_slice %arg3[%dma_wait3A_202, %dma_wait3A_203] : memref<50000x256xf32, #tpu.memory_space<hbm>> -> memref<8x256xf32, #tpu.memory_space<hbm>>
        tpu.wait_dma2 semaphore(%arg24 : memref<!tpu.dma_semaphore, #tpu.memory_space<semaphore_mem>>) src(%dma_wait3A_204 : memref<8x256xf32, #tpu.memory_space<hbm>>) dst(%dma_wait3A_201 : memref<8x256xf32, #tpu.memory_space<vmem>>)
        %scan3A_205 = arith.constant 0 : i32
        %scan3A_206 = arith.constant 0 : i32
        %scan3A_207 = arith.constant 16 : i32
        %scan3A_208 = arith.addi %scan3A_206, %scan3A_207 : i32
        %scan3A_209 = arith.constant 1 : i32
        %scan3A_210 = scf.for %scan3A_212 = %scan3A_206 to %scan3A_208 step %scan3A_209 iter_args(%scan3A_213 = %scan3A_205) -> (i32)  : i32 {
          %mul3A_214 = arith.constant 16 : i32
          %mul3A_215 = arith.muli %scan3A_212, %mul3A_214 : i32
          %multiple_of3A = tpu.assume_multiple %mul3A_215, 16 : i32
          %broadcast_in_dim3A_216 = arith.constant 0xFF800000 : f32
          %broadcast_in_dim3A_217 = vector.broadcast %broadcast_in_dim3A_216 : f32 to vector<16xf32>
          %broadcast_in_dim3A_218 = arith.constant 0xFF800000 : f32
          %broadcast_in_dim3A_219 = vector.broadcast %broadcast_in_dim3A_218 : f32 to vector<16xf32>
          %broadcast_in_dim3A_220 = arith.constant 0xFF800000 : f32
          %broadcast_in_dim3A_221 = vector.broadcast %broadcast_in_dim3A_220 : f32 to vector<16xf32>
          %broadcast_in_dim3A_222 = arith.constant 0xFF800000 : f32
          %broadcast_in_dim3A_223 = vector.broadcast %broadcast_in_dim3A_222 : f32 to vector<16xf32>
          %broadcast_in_dim3A_224 = arith.constant 0.000000e+00 : f32
          %broadcast_in_dim3A_225 = vector.broadcast %broadcast_in_dim3A_224 : f32 to vector<16xf32>
          %broadcast_in_dim3A_226 = arith.constant 0.000000e+00 : f32
          %broadcast_in_dim3A_227 = vector.broadcast %broadcast_in_dim3A_226 : f32 to vector<16xf32>
          %broadcast_in_dim3A_228 = arith.constant 0.000000e+00 : f32
          %broadcast_in_dim3A_229 = vector.broadcast %broadcast_in_dim3A_228 : f32 to vector<16xf32>
          %broadcast_in_dim3A_230 = arith.constant 0.000000e+00 : f32
          %broadcast_in_dim3A_231 = vector.broadcast %broadcast_in_dim3A_230 : f32 to vector<16xf32>
          %get3A = arith.constant 16 : i32
          %get3A_232 = arith.index_cast %get3A : i32 to index
          %get3A_233 = arith.index_cast %multiple_of3A : i32 to index
          %get3A_234 = tpu.vector_load %arg14[%get3A_232, %get3A_233] {strides = array<i32>} : memref<32x256xf32, #tpu.memory_space<vmem>>, vector<16xf32>,
          %max3A_235 = arith.maximumf %broadcast_in_dim3A_217, %get3A_234 : vector<16xf32>
          %add3A_236 = arith.addf %broadcast_in_dim3A_225, %get3A_234 : vector<16xf32>
          %get3A_237 = arith.constant 17 : i32
          %get3A_238 = arith.index_cast %get3A_237 : i32 to index
          %get3A_239 = arith.index_cast %multiple_of3A : i32 to index
          %get3A_240 = tpu.vector_load %arg14[%get3A_238, %get3A_239] {strides = array<i32>} : memref<32x256xf32, #tpu.memory_space<vmem>>, vector<16xf32>,
          %max3A_241 = arith.maximumf %broadcast_in_dim3A_219, %get3A_240 : vector<16xf32>
          %add3A_242 = arith.addf %broadcast_in_dim3A_227, %get3A_240 : vector<16xf32>
          %get3A_243 = arith.constant 18 : i32
          %get3A_244 = arith.index_cast %get3A_243 : i32 to index
          %get3A_245 = arith.index_cast %multiple_of3A : i32 to index
          %get3A_246 = tpu.vector_load %arg14[%get3A_244, %get3A_245] {strides = array<i32>} : memref<32x256xf32, #tpu.memory_space<vmem>>, vector<16xf32>,
          %max3A_247 = arith.maximumf %broadcast_in_dim3A_221, %get3A_246 : vector<16xf32>
          %add3A_248 = arith.addf %broadcast_in_dim3A_229, %get3A_246 : vector<16xf32>
          %get3A_249 = arith.constant 19 : i32
          %get3A_250 = arith.index_cast %get3A_249 : i32 to index
          %get3A_251 = arith.index_cast %multiple_of3A : i32 to index
          %get3A_252 = tpu.vector_load %arg14[%get3A_250, %get3A_251] {strides = array<i32>} : memref<32x256xf32, #tpu.memory_space<vmem>>, vector<16xf32>,
          %max3A_253 = arith.maximumf %broadcast_in_dim3A_223, %get3A_252 : vector<16xf32>
          %add3A_254 = arith.addf %broadcast_in_dim3A_231, %get3A_252 : vector<16xf32>
          %get3A_255 = arith.constant 20 : i32
          %get3A_256 = arith.index_cast %get3A_255 : i32 to index
          %get3A_257 = arith.index_cast %multiple_of3A : i32 to index
          %get3A_258 = tpu.vector_load %arg14[%get3A_256, %get3A_257] {strides = array<i32>} : memref<32x256xf32, #tpu.memory_space<vmem>>, vector<16xf32>,
          %max3A_259 = arith.maximumf %max3A_235, %get3A_258 : vector<16xf32>
          %add3A_260 = arith.addf %add3A_236, %get3A_258 : vector<16xf32>
          %get3A_261 = arith.constant 21 : i32
          %get3A_262 = arith.index_cast %get3A_261 : i32 to index
          %get3A_263 = arith.index_cast %multiple_of3A : i32 to index
          %get3A_264 = tpu.vector_load %arg14[%get3A_262, %get3A_263] {strides = array<i32>} : memref<32x256xf32, #tpu.memory_space<vmem>>, vector<16xf32>,
          %max3A_265 = arith.maximumf %max3A_241, %get3A_264 : vector<16xf32>
          %add3A_266 = arith.addf %add3A_242, %get3A_264 : vector<16xf32>
          %get3A_267 = arith.constant 22 : i32
          %get3A_268 = arith.index_cast %get3A_267 : i32 to index
          %get3A_269 = arith.index_cast %multiple_of3A : i32 to index
          %get3A_270 = tpu.vector_load %arg14[%get3A_268, %get3A_269] {strides = array<i32>} : memref<32x256xf32, #tpu.memory_space<vmem>>, vector<16xf32>,
          %max3A_271 = arith.maximumf %max3A_247, %get3A_270 : vector<16xf32>
          %add3A_272 = arith.addf %add3A_248, %get3A_270 : vector<16xf32>
          %get3A_273 = arith.constant 23 : i32
          %get3A_274 = arith.index_cast %get3A_273 : i32 to index
          %get3A_275 = arith.index_cast %multiple_of3A : i32 to index
          %get3A_276 = tpu.vector_load %arg14[%get3A_274, %get3A_275] {strides = array<i32>} : memref<32x256xf32, #tpu.memory_space<vmem>>, vector<16xf32>,
          %max3A_277 = arith.maximumf %max3A_253, %get3A_276 : vector<16xf32>
          %add3A_278 = arith.addf %add3A_254, %get3A_276 : vector<16xf32>
          %max3A_279 = arith.maximumf %max3A_259, %max3A_265 : vector<16xf32>
          %add3A_280 = arith.addf %add3A_260, %add3A_266 : vector<16xf32>
          %max3A_281 = arith.maximumf %max3A_279, %max3A_271 : vector<16xf32>
          %add3A_282 = arith.addf %add3A_280, %add3A_272 : vector<16xf32>
          %max3A_283 = arith.maximumf %max3A_281, %max3A_277 : vector<16xf32>
          %add3A_284 = arith.addf %add3A_282, %add3A_278 : vector<16xf32>
          %get3A_285 = arith.index_cast %scan3A_39 : i32 to index
          %get3A_286 = arith.index_cast %multiple_of3A : i32 to index
          %get3A_287 = tpu.vector_load %arg15[%get3A_285, %get3A_286] {strides = array<i32>} : memref<16x256xf32, #tpu.memory_space<vmem>>, vector<16xf32>,
          %max3A_288 = arith.maximumf %get3A_287, %max3A_283 : vector<16xf32>
          %swap3A = arith.index_cast %scan3A_39 : i32 to index
          %swap3A_289 = arith.index_cast %multiple_of3A : i32 to index
          %swap3A_290 = tpu.vector_load %arg15[%swap3A, %swap3A_289] {strides = array<i32>} : memref<16x256xf32, #tpu.memory_space<vmem>>, vector<16xf32>,
          tpu.vector_store %arg15[%swap3A, %swap3A_289], %max3A_288 {strides = array<i32>} : memref<16x256xf32, #tpu.memory_space<vmem>>, vector<16xf32>,
          %get3A_291 = arith.index_cast %scan3A_39 : i32 to index
          %get3A_292 = arith.index_cast %multiple_of3A : i32 to index
          %get3A_293 = tpu.vector_load %arg16[%get3A_291, %get3A_292] {strides = array<i32>} : memref<16x256xf32, #tpu.memory_space<vmem>>, vector<16xf32>,
          %add3A_294 = arith.addf %get3A_293, %add3A_284 : vector<16xf32>
          %swap3A_295 = arith.index_cast %scan3A_39 : i32 to index
          %swap3A_296 = arith.index_cast %multiple_of3A : i32 to index
          %swap3A_297 = tpu.vector_load %arg16[%swap3A_295, %swap3A_296] {strides = array<i32>} : memref<16x256xf32, #tpu.memory_space<vmem>>, vector<16xf32>,
          tpu.vector_store %arg16[%swap3A_295, %swap3A_296], %add3A_294 {strides = array<i32>} : memref<16x256xf32, #tpu.memory_space<vmem>>, vector<16xf32>,
          %scan3A_298 = arith.constant 0 : i32
          scf.yield %scan3A_298 : i32
        }
        %scan3A_211 = arith.constant 16 : i32
      } else {
      }
      %lt3A_181 = arith.cmpi slt, %add3A_80, %reduce_sum3A_54 : i32
      %convert_element_type3A_182 = arith.extui %lt3A_181 : i1 to i32
      %cond3A_183 = arith.constant 0 : i32
      %cond3A_184 = arith.cmpi ne, %convert_element_type3A_182, %cond3A_183 : i32
      scf.if %cond3A_184 {
        %dma_wait3A = arith.constant 24 : i32
        %dma_wait3A_194 = arith.constant 0 : i32
        %dma_wait3A_195 = tpu.memref_slice %arg14[%dma_wait3A, %dma_wait3A_194] : memref<32x256xf32, #tpu.memory_space<vmem>> -> memref<8x256xf32, #tpu.memory_space<vmem>>
        %dma_wait3A_196 = arith.constant 0 : i32
        %dma_wait3A_197 = arith.constant 0 : i32
        %dma_wait3A_198 = tpu.memref_slice %arg3[%dma_wait3A_196, %dma_wait3A_197] : memref<50000x256xf32, #tpu.memory_space<hbm>> -> memref<8x256xf32, #tpu.memory_space<hbm>>
        %dma_wait3A_199 = arith.constant 24 : i32
        %dma_wait3A_200 = arith.constant 0 : i32
        %dma_wait3A_201 = tpu.memref_slice %arg14[%dma_wait3A_199, %dma_wait3A_200] : memref<32x256xf32, #tpu.memory_space<vmem>> -> memref<8x256xf32, #tpu.memory_space<vmem>>
        %dma_wait3A_202 = arith.constant 0 : i32
        %dma_wait3A_203 = arith.constant 0 : i32
        %dma_wait3A_204 = tpu.memref_slice %arg3[%dma_wait3A_202, %dma_wait3A_203] : memref<50000x256xf32, #tpu.memory_space<hbm>> -> memref<8x256xf32, #tpu.memory_space<hbm>>
        tpu.wait_dma2 semaphore(%arg24 : memref<!tpu.dma_semaphore, #tpu.memory_space<semaphore_mem>>) src(%dma_wait3A_204 : memref<8x256xf32, #tpu.memory_space<hbm>>) dst(%dma_wait3A_201 : memref<8x256xf32, #tpu.memory_space<vmem>>)
        %scan3A_205 = arith.constant 0 : i32
        %scan3A_206 = arith.constant 0 : i32
        %scan3A_207 = arith.constant 16 : i32
        %scan3A_208 = arith.addi %scan3A_206, %scan3A_207 : i32
        %scan3A_209 = arith.constant 1 : i32
        %scan3A_210 = scf.for %scan3A_212 = %scan3A_206 to %scan3A_208 step %scan3A_209 iter_args(%scan3A_213 = %scan3A_205) -> (i32)  : i32 {
          %mul3A_214 = arith.constant 16 : i32
          %mul3A_215 = arith.muli %scan3A_212, %mul3A_214 : i32
          %multiple_of3A = tpu.assume_multiple %mul3A_215, 16 : i32
          %broadcast_in_dim3A_216 = arith.constant 0xFF800000 : f32
          %broadcast_in_dim3A_217 = vector.broadcast %broadcast_in_dim3A_216 : f32 to vector<16xf32>
          %broadcast_in_dim3A_218 = arith.constant 0xFF800000 : f32
          %broadcast_in_dim3A_219 = vector.broadcast %broadcast_in_dim3A_218 : f32 to vector<16xf32>
          %broadcast_in_dim3A_220 = arith.constant 0xFF800000 : f32
          %broadcast_in_dim3A_221 = vector.broadcast %broadcast_in_dim3A_220 : f32 to vector<16xf32>
          %broadcast_in_dim3A_222 = arith.constant 0xFF800000 : f32
          %broadcast_in_dim3A_223 = vector.broadcast %broadcast_in_dim3A_222 : f32 to vector<16xf32>
          %broadcast_in_dim3A_224 = arith.constant 0.000000e+00 : f32
          %broadcast_in_dim3A_225 = vector.broadcast %broadcast_in_dim3A_224 : f32 to vector<16xf32>
          %broadcast_in_dim3A_226 = arith.constant 0.000000e+00 : f32
          %broadcast_in_dim3A_227 = vector.broadcast %broadcast_in_dim3A_226 : f32 to vector<16xf32>
          %broadcast_in_dim3A_228 = arith.constant 0.000000e+00 : f32
          %broadcast_in_dim3A_229 = vector.broadcast %broadcast_in_dim3A_228 : f32 to vector<16xf32>
          %broadcast_in_dim3A_230 = arith.constant 0.000000e+00 : f32
          %broadcast_in_dim3A_231 = vector.broadcast %broadcast_in_dim3A_230 : f32 to vector<16xf32>
          %get3A = arith.constant 24 : i32
          %get3A_232 = arith.index_cast %get3A : i32 to index
          %get3A_233 = arith.index_cast %multiple_of3A : i32 to index
          %get3A_234 = tpu.vector_load %arg14[%get3A_232, %get3A_233] {strides = array<i32>} : memref<32x256xf32, #tpu.memory_space<vmem>>, vector<16xf32>,
          %add3A_235 = arith.constant 0 : i32
          %add3A_236 = arith.addi %min3A_82, %add3A_235 : i32
          %ge3A = arith.cmpi sge, %add3A_236, %add3A_80 : i32
          %add3A_237 = arith.constant 0 : i32
          %add3A_238 = arith.addi %min3A_82, %add3A_237 : i32
          %lt3A_239 = arith.cmpi slt, %add3A_238, %reduce_sum3A_54 : i32
          %and3A_240 = arith.andi %ge3A, %lt3A_239 : i1
          %jit3A_241 = arith.constant 0xFF800000 : f32
          %broadcast_in_dim3A_242 = vector.broadcast %jit3A_241 : f32 to vector<16xf32>
          %select_n3A_243 = arith.select %and3A_240, %get3A_234, %broadcast_in_dim3A_242 : vector<16xf32>
          %jit3A_244 = arith.constant 0.000000e+00 : f32
          %broadcast_in_dim3A_245 = vector.broadcast %jit3A_244 : f32 to vector<16xf32>
          %select_n3A_246 = arith.select %and3A_240, %get3A_234, %broadcast_in_dim3A_245 : vector<16xf32>
          %max3A_247 = arith.maximumf %broadcast_in_dim3A_217, %select_n3A_243 : vector<16xf32>
          %add3A_248 = arith.addf %broadcast_in_dim3A_225, %select_n3A_246 : vector<16xf32>
          %get3A_249 = arith.constant 25 : i32
          %get3A_250 = arith.index_cast %get3A_249 : i32 to index
          %get3A_251 = arith.index_cast %multiple_of3A : i32 to index
          %get3A_252 = tpu.vector_load %arg14[%get3A_250, %get3A_251] {strides = array<i32>} : memref<32x256xf32, #tpu.memory_space<vmem>>, vector<16xf32>,
          %add3A_253 = arith.constant 1 : i32
          %add3A_254 = arith.addi %min3A_82, %add3A_253 : i32
          %ge3A_255 = arith.cmpi sge, %add3A_254, %add3A_80 : i32
          %add3A_256 = arith.constant 1 : i32
          %add3A_257 = arith.addi %min3A_82, %add3A_256 : i32
          %lt3A_258 = arith.cmpi slt, %add3A_257, %reduce_sum3A_54 : i32
          %and3A_259 = arith.andi %ge3A_255, %lt3A_258 : i1
          %jit3A_260 = arith.constant 0xFF800000 : f32
          %broadcast_in_dim3A_261 = vector.broadcast %jit3A_260 : f32 to vector<16xf32>
          %select_n3A_262 = arith.select %and3A_259, %get3A_252, %broadcast_in_dim3A_261 : vector<16xf32>
          %jit3A_263 = arith.constant 0.000000e+00 : f32
          %broadcast_in_dim3A_264 = vector.broadcast %jit3A_263 : f32 to vector<16xf32>
          %select_n3A_265 = arith.select %and3A_259, %get3A_252, %broadcast_in_dim3A_264 : vector<16xf32>
          %max3A_266 = arith.maximumf %broadcast_in_dim3A_219, %select_n3A_262 : vector<16xf32>
          %add3A_267 = arith.addf %broadcast_in_dim3A_227, %select_n3A_265 : vector<16xf32>
          %get3A_268 = arith.constant 26 : i32
          %get3A_269 = arith.index_cast %get3A_268 : i32 to index
          %get3A_270 = arith.index_cast %multiple_of3A : i32 to index
          %get3A_271 = tpu.vector_load %arg14[%get3A_269, %get3A_270] {strides = array<i32>} : memref<32x256xf32, #tpu.memory_space<vmem>>, vector<16xf32>,
          %add3A_272 = arith.constant 2 : i32
          %add3A_273 = arith.addi %min3A_82, %add3A_272 : i32
          %ge3A_274 = arith.cmpi sge, %add3A_273, %add3A_80 : i32
          %add3A_275 = arith.constant 2 : i32
          %add3A_276 = arith.addi %min3A_82, %add3A_275 : i32
          %lt3A_277 = arith.cmpi slt, %add3A_276, %reduce_sum3A_54 : i32
          %and3A_278 = arith.andi %ge3A_274, %lt3A_277 : i1
          %jit3A_279 = arith.constant 0xFF800000 : f32
          %broadcast_in_dim3A_280 = vector.broadcast %jit3A_279 : f32 to vector<16xf32>
          %select_n3A_281 = arith.select %and3A_278, %get3A_271, %broadcast_in_dim3A_280 : vector<16xf32>
          %jit3A_282 = arith.constant 0.000000e+00 : f32
          %broadcast_in_dim3A_283 = vector.broadcast %jit3A_282 : f32 to vector<16xf32>
          %select_n3A_284 = arith.select %and3A_278, %get3A_271, %broadcast_in_dim3A_283 : vector<16xf32>
          %max3A_285 = arith.maximumf %broadcast_in_dim3A_221, %select_n3A_281 : vector<16xf32>
          %add3A_286 = arith.addf %broadcast_in_dim3A_229, %select_n3A_284 : vector<16xf32>
          %get3A_287 = arith.constant 27 : i32
          %get3A_288 = arith.index_cast %get3A_287 : i32 to index
          %get3A_289 = arith.index_cast %multiple_of3A : i32 to index
          %get3A_290 = tpu.vector_load %arg14[%get3A_288, %get3A_289] {strides = array<i32>} : memref<32x256xf32, #tpu.memory_space<vmem>>, vector<16xf32>,
          %add3A_291 = arith.constant 3 : i32
          %add3A_292 = arith.addi %min3A_82, %add3A_291 : i32
          %ge3A_293 = arith.cmpi sge, %add3A_292, %add3A_80 : i32
          %add3A_294 = arith.constant 3 : i32
          %add3A_295 = arith.addi %min3A_82, %add3A_294 : i32
          %lt3A_296 = arith.cmpi slt, %add3A_295, %reduce_sum3A_54 : i32
          %and3A_297 = arith.andi %ge3A_293, %lt3A_296 : i1
          %jit3A_298 = arith.constant 0xFF800000 : f32
          %broadcast_in_dim3A_299 = vector.broadcast %jit3A_298 : f32 to vector<16xf32>
          %select_n3A_300 = arith.select %and3A_297, %get3A_290, %broadcast_in_dim3A_299 : vector<16xf32>
          %jit3A_301 = arith.constant 0.000000e+00 : f32
          %broadcast_in_dim3A_302 = vector.broadcast %jit3A_301 : f32 to vector<16xf32>
          %select_n3A_303 = arith.select %and3A_297, %get3A_290, %broadcast_in_dim3A_302 : vector<16xf32>
          %max3A_304 = arith.maximumf %broadcast_in_dim3A_223, %select_n3A_300 : vector<16xf32>
          %add3A_305 = arith.addf %broadcast_in_dim3A_231, %select_n3A_303 : vector<16xf32>
          %get3A_306 = arith.constant 28 : i32
          %get3A_307 = arith.index_cast %get3A_306 : i32 to index
          %get3A_308 = arith.index_cast %multiple_of3A : i32 to index
          %get3A_309 = tpu.vector_load %arg14[%get3A_307, %get3A_308] {strides = array<i32>} : memref<32x256xf32, #tpu.memory_space<vmem>>, vector<16xf32>,
          %add3A_310 = arith.constant 4 : i32
          %add3A_311 = arith.addi %min3A_82, %add3A_310 : i32
          %ge3A_312 = arith.cmpi sge, %add3A_311, %add3A_80 : i32
          %add3A_313 = arith.constant 4 : i32
          %add3A_314 = arith.addi %min3A_82, %add3A_313 : i32
          %lt3A_315 = arith.cmpi slt, %add3A_314, %reduce_sum3A_54 : i32
          %and3A_316 = arith.andi %ge3A_312, %lt3A_315 : i1
          %jit3A_317 = arith.constant 0xFF800000 : f32
          %broadcast_in_dim3A_318 = vector.broadcast %jit3A_317 : f32 to vector<16xf32>
          %select_n3A_319 = arith.select %and3A_316, %get3A_309, %broadcast_in_dim3A_318 : vector<16xf32>
          %jit3A_320 = arith.constant 0.000000e+00 : f32
          %broadcast_in_dim3A_321 = vector.broadcast %jit3A_320 : f32 to vector<16xf32>
          %select_n3A_322 = arith.select %and3A_316, %get3A_309, %broadcast_in_dim3A_321 : vector<16xf32>
          %max3A_323 = arith.maximumf %max3A_247, %select_n3A_319 : vector<16xf32>
          %add3A_324 = arith.addf %add3A_248, %select_n3A_322 : vector<16xf32>
          %get3A_325 = arith.constant 29 : i32
          %get3A_326 = arith.index_cast %get3A_325 : i32 to index
          %get3A_327 = arith.index_cast %multiple_of3A : i32 to index
          %get3A_328 = tpu.vector_load %arg14[%get3A_326, %get3A_327] {strides = array<i32>} : memref<32x256xf32, #tpu.memory_space<vmem>>, vector<16xf32>,
          %add3A_329 = arith.constant 5 : i32
          %add3A_330 = arith.addi %min3A_82, %add3A_329 : i32
          %ge3A_331 = arith.cmpi sge, %add3A_330, %add3A_80 : i32
          %add3A_332 = arith.constant 5 : i32
          %add3A_333 = arith.addi %min3A_82, %add3A_332 : i32
          %lt3A_334 = arith.cmpi slt, %add3A_333, %reduce_sum3A_54 : i32
          %and3A_335 = arith.andi %ge3A_331, %lt3A_334 : i1
          %jit3A_336 = arith.constant 0xFF800000 : f32
          %broadcast_in_dim3A_337 = vector.broadcast %jit3A_336 : f32 to vector<16xf32>
          %select_n3A_338 = arith.select %and3A_335, %get3A_328, %broadcast_in_dim3A_337 : vector<16xf32>
          %jit3A_339 = arith.constant 0.000000e+00 : f32
          %broadcast_in_dim3A_340 = vector.broadcast %jit3A_339 : f32 to vector<16xf32>
          %select_n3A_341 = arith.select %and3A_335, %get3A_328, %broadcast_in_dim3A_340 : vector<16xf32>
          %max3A_342 = arith.maximumf %max3A_266, %select_n3A_338 : vector<16xf32>
          %add3A_343 = arith.addf %add3A_267, %select_n3A_341 : vector<16xf32>
          %get3A_344 = arith.constant 30 : i32
          %get3A_345 = arith.index_cast %get3A_344 : i32 to index
          %get3A_346 = arith.index_cast %multiple_of3A : i32 to index
          %get3A_347 = tpu.vector_load %arg14[%get3A_345, %get3A_346] {strides = array<i32>} : memref<32x256xf32, #tpu.memory_space<vmem>>, vector<16xf32>,
          %add3A_348 = arith.constant 6 : i32
          %add3A_349 = arith.addi %min3A_82, %add3A_348 : i32
          %ge3A_350 = arith.cmpi sge, %add3A_349, %add3A_80 : i32
          %add3A_351 = arith.constant 6 : i32
          %add3A_352 = arith.addi %min3A_82, %add3A_351 : i32
          %lt3A_353 = arith.cmpi slt, %add3A_352, %reduce_sum3A_54 : i32
          %and3A_354 = arith.andi %ge3A_350, %lt3A_353 : i1
          %jit3A_355 = arith.constant 0xFF800000 : f32
          %broadcast_in_dim3A_356 = vector.broadcast %jit3A_355 : f32 to vector<16xf32>
          %select_n3A_357 = arith.select %and3A_354, %get3A_347, %broadcast_in_dim3A_356 : vector<16xf32>
          %jit3A_358 = arith.constant 0.000000e+00 : f32
          %broadcast_in_dim3A_359 = vector.broadcast %jit3A_358 : f32 to vector<16xf32>
          %select_n3A_360 = arith.select %and3A_354, %get3A_347, %broadcast_in_dim3A_359 : vector<16xf32>
          %max3A_361 = arith.maximumf %max3A_285, %select_n3A_357 : vector<16xf32>
          %add3A_362 = arith.addf %add3A_286, %select_n3A_360 : vector<16xf32>
          %get3A_363 = arith.constant 31 : i32
          %get3A_364 = arith.index_cast %get3A_363 : i32 to index
          %get3A_365 = arith.index_cast %multiple_of3A : i32 to index
          %get3A_366 = tpu.vector_load %arg14[%get3A_364, %get3A_365] {strides = array<i32>} : memref<32x256xf32, #tpu.memory_space<vmem>>, vector<16xf32>,
          %add3A_367 = arith.constant 7 : i32
          %add3A_368 = arith.addi %min3A_82, %add3A_367 : i32
          %ge3A_369 = arith.cmpi sge, %add3A_368, %add3A_80 : i32
          %add3A_370 = arith.constant 7 : i32
          %add3A_371 = arith.addi %min3A_82, %add3A_370 : i32
          %lt3A_372 = arith.cmpi slt, %add3A_371, %reduce_sum3A_54 : i32
          %and3A_373 = arith.andi %ge3A_369, %lt3A_372 : i1
          %jit3A_374 = arith.constant 0xFF800000 : f32
          %broadcast_in_dim3A_375 = vector.broadcast %jit3A_374 : f32 to vector<16xf32>
          %select_n3A_376 = arith.select %and3A_373, %get3A_366, %broadcast_in_dim3A_375 : vector<16xf32>
          %jit3A_377 = arith.constant 0.000000e+00 : f32
          %broadcast_in_dim3A_378 = vector.broadcast %jit3A_377 : f32 to vector<16xf32>
          %select_n3A_379 = arith.select %and3A_373, %get3A_366, %broadcast_in_dim3A_378 : vector<16xf32>
          %max3A_380 = arith.maximumf %max3A_304, %select_n3A_376 : vector<16xf32>
          %add3A_381 = arith.addf %add3A_305, %select_n3A_379 : vector<16xf32>
          %max3A_382 = arith.maximumf %max3A_323, %max3A_342 : vector<16xf32>
          %add3A_383 = arith.addf %add3A_324, %add3A_343 : vector<16xf32>
          %max3A_384 = arith.maximumf %max3A_382, %max3A_361 : vector<16xf32>
          %add3A_385 = arith.addf %add3A_383, %add3A_362 : vector<16xf32>
          %max3A_386 = arith.maximumf %max3A_384, %max3A_380 : vector<16xf32>
          %add3A_387 = arith.addf %add3A_385, %add3A_381 : vector<16xf32>
          %get3A_388 = arith.index_cast %scan3A_39 : i32 to index
          %get3A_389 = arith.index_cast %multiple_of3A : i32 to index
          %get3A_390 = tpu.vector_load %arg15[%get3A_388, %get3A_389] {strides = array<i32>} : memref<16x256xf32, #tpu.memory_space<vmem>>, vector<16xf32>,
          %max3A_391 = arith.maximumf %get3A_390, %max3A_386 : vector<16xf32>
          %swap3A = arith.index_cast %scan3A_39 : i32 to index
          %swap3A_392 = arith.index_cast %multiple_of3A : i32 to index
          %swap3A_393 = tpu.vector_load %arg15[%swap3A, %swap3A_392] {strides = array<i32>} : memref<16x256xf32, #tpu.memory_space<vmem>>, vector<16xf32>,
          tpu.vector_store %arg15[%swap3A, %swap3A_392], %max3A_391 {strides = array<i32>} : memref<16x256xf32, #tpu.memory_space<vmem>>, vector<16xf32>,
          %get3A_394 = arith.index_cast %scan3A_39 : i32 to index
          %get3A_395 = arith.index_cast %multiple_of3A : i32 to index
          %get3A_396 = tpu.vector_load %arg16[%get3A_394, %get3A_395] {strides = array<i32>} : memref<16x256xf32, #tpu.memory_space<vmem>>, vector<16xf32>,
          %add3A_397 = arith.addf %get3A_396, %add3A_387 : vector<16xf32>
          %swap3A_398 = arith.index_cast %scan3A_39 : i32 to index
          %swap3A_399 = arith.index_cast %multiple_of3A : i32 to index
          %swap3A_400 = tpu.vector_load %arg16[%swap3A_398, %swap3A_399] {strides = array<i32>} : memref<16x256xf32, #tpu.memory_space<vmem>>, vector<16xf32>,
          tpu.vector_store %arg16[%swap3A_398, %swap3A_399], %add3A_397 {strides = array<i32>} : memref<16x256xf32, #tpu.memory_space<vmem>>, vector<16xf32>,
          %scan3A_401 = arith.constant 0 : i32
          scf.yield %scan3A_401 : i32
        }
        %scan3A_211 = arith.constant 16 : i32
      } else {
      }
      %scan3A_185 = arith.constant 0 : i32
      %scan3A_186 = arith.constant 0 : i32
      %scan3A_187 = arith.constant 16 : i32
      %scan3A_188 = arith.addi %scan3A_186, %scan3A_187 : i32
      %scan3A_189 = arith.constant 1 : i32
      %scan3A_190 = scf.for %scan3A_194 = %scan3A_186 to %scan3A_188 step %scan3A_189 iter_args(%scan3A_195 = %scan3A_185) -> (i32)  : i32 {
        %mul3A_196 = arith.constant 16 : i32
        %mul3A_197 = arith.muli %scan3A_194, %mul3A_196 : i32
        %multiple_of3A = tpu.assume_multiple %mul3A_197, 16 : i32
        %get3A = arith.index_cast %scan3A_39 : i32 to index
        %get3A_198 = arith.index_cast %multiple_of3A : i32 to index
        %get3A_199 = tpu.vector_load %arg15[%get3A, %get3A_198] {strides = array<i32>} : memref<16x256xf32, #tpu.memory_space<vmem>>, vector<16xf32>,
        %eq3A_200 = arith.constant 0xFF800000 : f32
        %eq3A_201 = vector.broadcast %eq3A_200 : f32 to vector<16xf32>
        %eq3A_202 = arith.cmpf oeq, %get3A_199, %eq3A_201 : vector<16xf32>
        %jit3A_203 = arith.constant 0.000000e+00 : f32
        %broadcast_in_dim3A_204 = vector.broadcast %jit3A_203 : f32 to vector<16xf32>
        %select_n3A_205 = arith.select %eq3A_202, %broadcast_in_dim3A_204, %get3A_199 : vector<16xi1>, vector<16xf32>
        %swap3A = arith.index_cast %scan3A_39 : i32 to index
        %swap3A_206 = arith.index_cast %multiple_of3A : i32 to index
        %swap3A_207 = tpu.vector_load %arg15[%swap3A, %swap3A_206] {strides = array<i32>} : memref<16x256xf32, #tpu.memory_space<vmem>>, vector<16xf32>,
        tpu.vector_store %arg15[%swap3A, %swap3A_206], %select_n3A_205 {strides = array<i32>} : memref<16x256xf32, #tpu.memory_space<vmem>>, vector<16xf32>,
        %scan3A_208 = arith.constant 0 : i32
        scf.yield %scan3A_208 : i32
      }
      %scan3A_191 = arith.constant 16 : i32
      %lt3A_192 = arith.cmpi slt, %add3A_80, %reduce_sum3A_54 : i32
      %select_n3A_193 = arith.select %lt3A_192, %min3A_82, %scan3A_40 : i32
      scf.yield %select_n3A_193 : i32
    }
    %scan3A_38 = arith.constant 16 : i32
    "tpu.region"() ({
      %run_scoped3A = tpu.sem_alloc : memref<!tpu.dma_semaphore, #tpu.memory_space<semaphore_mem>>
      %dma_start3A = arith.constant 0 : i32
      %dma_start3A_39 = tpu.memref_slice %arg4[%mul3A_2, %dma_start3A] : memref<512x256xf32, #tpu.memory_space<hbm>> -> memref<16x256xf32, #tpu.memory_space<hbm>>
      %dma_start3A_40 = arith.constant 0 : i32
      %dma_start3A_41 = tpu.memref_slice %arg4[%mul3A_2, %dma_start3A_40] : memref<512x256xf32, #tpu.memory_space<hbm>> -> memref<16x256xf32, #tpu.memory_space<hbm>>
      tpu.enqueue_dma source(%arg15 : memref<16x256xf32, #tpu.memory_space<vmem>>) target(%dma_start3A_41 : memref<16x256xf32, #tpu.memory_space<hbm>>) target_semaphore(%run_scoped3A : memref<!tpu.dma_semaphore, #tpu.memory_space<semaphore_mem>>)
      %dma_wait3A = arith.constant 0 : i32
      %dma_wait3A_42 = tpu.memref_slice %arg4[%mul3A_2, %dma_wait3A] : memref<512x256xf32, #tpu.memory_space<hbm>> -> memref<16x256xf32, #tpu.memory_space<hbm>>
      %dma_wait3A_43 = arith.constant 0 : i32
      %dma_wait3A_44 = tpu.memref_slice %arg4[%mul3A_2, %dma_wait3A_43] : memref<512x256xf32, #tpu.memory_space<hbm>> -> memref<16x256xf32, #tpu.memory_space<hbm>>
      tpu.wait_dma2 semaphore(%run_scoped3A : memref<!tpu.dma_semaphore, #tpu.memory_space<semaphore_mem>>) src(%arg15 : memref<16x256xf32, #tpu.memory_space<vmem>>) dst(%dma_wait3A_44 : memref<16x256xf32, #tpu.memory_space<hbm>>)
      tpu.yield
    }) : () -> ()
    "tpu.region"() ({
      %run_scoped3A = tpu.sem_alloc : memref<!tpu.dma_semaphore, #tpu.memory_space<semaphore_mem>>
      %dma_start3A = arith.constant 0 : i32
      %dma_start3A_39 = tpu.memref_slice %arg5[%mul3A_2, %dma_start3A] : memref<512x256xf32, #tpu.memory_space<hbm>> -> memref<16x256xf32, #tpu.memory_space<hbm>>
      %dma_start3A_40 = arith.constant 0 : i32
      %dma_start3A_41 = tpu.memref_slice %arg5[%mul3A_2, %dma_start3A_40] : memref<512x256xf32, #tpu.memory_space<hbm>> -> memref<16x256xf32, #tpu.memory_space<hbm>>
      tpu.enqueue_dma source(%arg16 : memref<16x256xf32, #tpu.memory_space<vmem>>) target(%dma_start3A_41 : memref<16x256xf32, #tpu.memory_space<hbm>>) target_semaphore(%run_scoped3A : memref<!tpu.dma_semaphore, #tpu.memory_space<semaphore_mem>>)
      %dma_wait3A = arith.constant 0 : i32
      %dma_wait3A_42 = tpu.memref_slice %arg5[%mul3A_2, %dma_wait3A] : memref<512x256xf32, #tpu.memory_space<hbm>> -> memref<16x256xf32, #tpu.memory_space<hbm>>
      %dma_wait3A_43 = arith.constant 0 : i32
      %dma_wait3A_44 = tpu.memref_slice %arg5[%mul3A_2, %dma_wait3A_43] : memref<512x256xf32, #tpu.memory_space<hbm>> -> memref<16x256xf32, #tpu.memory_space<hbm>>
      tpu.wait_dma2 semaphore(%run_scoped3A : memref<!tpu.dma_semaphore, #tpu.memory_space<semaphore_mem>>) src(%arg16 : memref<16x256xf32, #tpu.memory_space<vmem>>) dst(%dma_wait3A_44 : memref<16x256xf32, #tpu.memory_space<hbm>>)
      tpu.yield
    }) : () -> ()
    return
  }
}

module attributes {stable_mosaic.version = 14 : i64} {
  func.func @_merge_body(%arg0: memref<512x256xf32, #tpu.memory_space<vmem>>, %arg1: memref<512x256xf32, #tpu.memory_space<vmem>>, %arg2: memref<256x256xf32, #tpu.memory_space<vmem>>, %arg3: memref<256x256xf32, #tpu.memory_space<vmem>>, %arg4: memref<1x256xf32, #tpu.memory_space<vmem>>, %arg5: memref<512x256xf32, #tpu.memory_space<vmem>>) attributes {dimension_semantics = [], scalar_prefetch = 0 : i64, scratch_operands = 0 : i64, tpu.core_type = #tpu.core_type<tc>} {
    %get3A = arith.constant 0 : index
    %get3A_0 = arith.constant 0 : index
    %get3A_1 = vector.load %arg0[%get3A, %get3A_0] : memref<512x256xf32, #tpu.memory_space<vmem>>, vector<512x256xf32>
    %get3A_2 = arith.constant 0 : index
    %get3A_3 = arith.constant 0 : index
    %get3A_4 = vector.load %arg2[%get3A_2, %get3A_3] : memref<256x256xf32, #tpu.memory_space<vmem>>, vector<256x256xf32>
    %dot_general3A = arith.constant dense<0.000000e+00> : vector<512x256xf32>
    %dot_general3A_5 = tpu.matmul %get3A_1, %get3A_4, %dot_general3A {dimension_numbers = #tpu.dot_dimension_numbers<[1], [1], [0], [0], [0, 0, 1, 0], [], []>, transpose_lhs_hint = false} : vector<512x256xf32>, vector<256x256xf32>, vector<512x256xf32> -> vector<512x256xf32>
    %get3A_6 = arith.constant 0 : index
    %get3A_7 = arith.constant 0 : index
    %get3A_8 = vector.load %arg1[%get3A_6, %get3A_7] : memref<512x256xf32, #tpu.memory_space<vmem>>, vector<512x256xf32>
    %get3A_9 = arith.constant 0 : index
    %get3A_10 = arith.constant 0 : index
    %get3A_11 = vector.load %arg3[%get3A_9, %get3A_10] : memref<256x256xf32, #tpu.memory_space<vmem>>, vector<256x256xf32>
    %dot_general3A_12 = arith.constant dense<0.000000e+00> : vector<512x256xf32>
    %dot_general3A_13 = tpu.matmul %get3A_8, %get3A_11, %dot_general3A_12 {dimension_numbers = #tpu.dot_dimension_numbers<[1], [1], [0], [0], [0, 0, 1, 0], [], []>, transpose_lhs_hint = false} : vector<512x256xf32>, vector<256x256xf32>, vector<512x256xf32> -> vector<512x256xf32>
    %add3A = arith.addf %dot_general3A_5, %dot_general3A_13 : vector<512x256xf32>
    %get3A_14 = arith.constant 0 : index
    %get3A_15 = arith.constant 0 : index
    %get3A_16 = vector.load %arg4[%get3A_14, %get3A_15] : memref<1x256xf32, #tpu.memory_space<vmem>>, vector<1x256xf32>
    %add3A_17 = vector.broadcast %get3A_16 : vector<1x256xf32> to vector<512x256xf32>
    %add3A_18 = arith.addf %add3A, %add3A_17 : vector<512x256xf32>
    %swap3A = arith.constant 0 : index
    %swap3A_19 = arith.constant 0 : index
    %swap3A_20 = vector.load %arg5[%swap3A, %swap3A_19] : memref<512x256xf32, #tpu.memory_space<vmem>>, vector<512x256xf32>
    tpu.vector_store %arg5[%swap3A, %swap3A_19], %add3A_18 {strides = array<i32>} : memref<512x256xf32, #tpu.memory_space<vmem>>, vector<512x256xf32>,
    return
  }
}

</mosaic_0001>

<sc_bundles>
// kernel: kernel.4.cloned.1.call-start
scs
__scs_entry_jumppad:
0x0: {  	(pc) =	sbr.rel $0x88, $3  }
0x1: {  	(tag) =	ssettag $0x0;
	lr =	simm.s32 $0x1  }
0x2: {  	[smem:$0x3F9D] =	sst lr;
	_ =	strace $0xD0000000  }
0x3: {  	_ = 	snop  }
0x4: {  	_ = 	snop  }
0x5: {  	_ = 	snop  }
0x6: {  	_ = 	snop  }
0x7: {  	_ = 	snop  }
__scs_overlays_trampoline_lowered:
0x8: {  	[smem:$0x3FAC] =	sst s0  }
0x9: {  	[smem:$0x3FAD] =	sst s1  }
0xa: {  	[smem:$0x3FAE] =	sst s2  }
0xb: {  	[smem:$0x3FAF] =	sst s3  }
0xc: {  	[smem:$0x3FB0] =	sst s4  }
0xd: {  	[smem:$0x3FB1] =	sst s5  }
0xe: {  	[smem:$0x3FB2] =	sst s6  }
0xf: {  	[smem:$0x3FB3] =	sst s7  }
0x10: {  	[smem:$0x3FB4] =	sst s8  }
0x11: {  	[smem:$0x3FB5] =	sst s9;
	s0 =	simm.s32 @!p0 $0x0  }
0x12: {  	s1 =	sld [smem:$0x3F9B];
	s0 =	simm.s32 @p0 $0x1  }
0x13: {  	[smem:$0x3FB6] =	sst s0;
	s0 =	simm.s32 @!p1 $0x0  }
0x14: {  	s2 =	sld [smem:$0x3F9A];
	s0 =	simm.s32 @p1 $0x1  }
0x15: {  	[smem:$0x3FB7] =	sst s0;
	s0 =	simm.s32 @!p2 $0x0  }
0x16: {  	s3 =	sld [smem:$0x3FDB];
	s0 =	simm.s32 @p2 $0x1  }
0x17: {  	s4 =	simm.s32 $0x1BF5;
	[smem:$0x3FB9] =	sst s0  }
0x18: {  	s0 =	sld [smem:$0x3F9C];
	_ =	swait.ge [sflag:s4], $0x0  }
0x19: {  	s7 =	sld [smem:$0x3F9D]  }
0x1a: {  	s8 =	sadd.s32 $0xFFFFE003, lr  }
0x1b: {  	s9 =	sadd.s32 $0xFFFFFEF7, lr;
	s5 =	simm.s32 $0xFFFFFFFF;
	p2 =	slt.u32 s8, $0xFFFFF086  }
0x1c: {  	p1 =	slt.u32 s9, $0xF7A;
	s5 =	simm.s32 @!p2 $0x0  }
0x1d: {  	s5 =	simm.s32 @p1 $0x1;
	p0 =	seq.s32 s7, s2  }
0x1e: {  	s7 =	smul.u32 @!p0 $0xF7A, s2;
	p2 =	seq.s32 @!p0 s5, $0x0  }
0x1f: {  	s9 =	smul.u32 $0xF7A, s1;
	s8 =	simm.s32 @!p0 $0x1BF5;
	p2 =	por !p2, p0  }
0x20: {  	[sflag:s8] =	ssyncset.s32 @!p0 $0xFFFFF086;
	s6 =	sadd.s32 @!p0 s3, s7;
	s7 =	simm.s32 @!p0 $0x108  }
0x21: {  	s3 =	sadd.s32 s3, s9;
	s6 =	sadd.s32 @!p0 $0x88, s6;
	s7 =	simm.s32 @p2 $0x1082  }
0x22: {  	[simem:s7], [sflag:s8] =	dma.local @!p0 [hbm:s6], $0xF7A  }
0x23: {  	s9 =	sor.u32 $0xD0000000, s2;
	s6 =	simm.s32 $0x108;
	_ =	swait.ge @!p0 [sflag:s8], $0x0  }
0x24: {  	s3 =	sadd.s32 $0x88, s3;
	s6 =	simm.s32 @!p1 $0x1082;
	[sflag:s4] =	ssyncset.s32 $0xFFFFF086  }
0x25: {  	[simem:s6], [sflag:s4] =	dma.local [hbm:s3], $0xF7A  }
0x26: {  	[smem:$0x3F9D] =	sst s1;
	(tag) =	ssettag s2;
	_ =	strace s9  }
0x27: {  	s1 =	sld [smem:$0x3FAD]  }
0x28: {  	s2 =	sld [smem:$0x3FAE]  }
0x29: {  	s4 =	sld [smem:$0x3FB0]  }
0x2a: {  	p0 =	seq.s32 s5, $0x0;
	s5 =	sld [smem:$0x3FB1]  }
0x2b: {  	s6 =	sld [smem:$0x3FB2]  }
0x2c: {  	s7 =	sld [smem:$0x3FB3]  }
0x2d: {  	s3 =	simm.s32 $0x108;
	s8 =	sld [smem:$0x3FB4]  }
0x2e: {  	s3 =	simm.s32 @!p0 $0x1082;
	s9 =	sld [smem:$0x3FB5]  }
0x2f: {  	lr =	sadd.s32 s0, s3;
	s0 =	sld [smem:$0x3FAC]  }
0x30: {  	s3 =	sld [smem:$0x3FAF]  }
0x31: {  	[smem:$0x3FB8] =	sst s10  }
0x32: {  	s10 =	sld [smem:$0x3FB6];
	_ =	sdelay $0x3  }
0x33: {  	p0 =	seq.s32 s10, $0x1;
	s10 =	sld [smem:$0x3FB8];
	_ =	sdelay $0x3  }
0x34: {  	[smem:$0x3FB8] =	sst s10  }
0x35: {  	s10 =	sld [smem:$0x3FB7];
	_ =	sdelay $0x3  }
0x36: {  	p1 =	seq.s32 s10, $0x1;
	s10 =	sld [smem:$0x3FB8];
	_ =	sdelay $0x3  }
0x37: {  	[smem:$0x3FB8] =	sst s10  }
0x38: {  	s10 =	sld [smem:$0x3FB9]  }
0x39: {  	_ = 	snop;
	(pc) =	sbr.ind lr, $3  }
0x3a: {  	_ = 	snop  }
0x3b: {  	_ = 	snop  }
0x3c: {  	p2 =	seq.s32 s10, $0x1;
	s10 =	sld [smem:$0x3FB8]  }
0x3d: {  	_ =	shalt  }
0x3e: {  	_ =	shalt  }
0x3f: {  	_ =	shalt  }
0x40: {  	_ =	shalt  }
0x41: {  	_ =	shalt  }
0x42: {  	_ =	shalt  }
0x43: {  	_ =	shalt  }
0x44: {  	_ =	shalt  }
0x45: {  	_ =	shalt  }
0x46: {  	_ =	shalt  }
0x47: {  	_ =	shalt  }
0x48: {  	_ =	shalt  }
0x49: {  	_ =	shalt  }
0x4a: {  	_ =	shalt  }
0x4b: {  	_ =	shalt  }
0x4c: {  	_ =	shalt  }
0x4d: {  	_ =	shalt  }
0x4e: {  	_ =	shalt  }
0x4f: {  	_ =	shalt  }
0x50: {  	_ =	shalt  }
0x51: {  	_ =	shalt  }
0x52: {  	_ =	shalt  }
0x53: {  	_ =	shalt  }
0x54: {  	_ =	shalt  }
0x55: {  	_ =	shalt  }
0x56: {  	_ =	shalt  }
0x57: {  	_ =	shalt  }
0x58: {  	_ =	shalt  }
0x59: {  	_ =	shalt  }
0x5a: {  	_ =	shalt  }
0x5b: {  	_ =	shalt  }
0x5c: {  	_ =	shalt  }
0x5d: {  	_ =	shalt  }
0x5e: {  	_ =	shalt  }
0x5f: {  	_ =	shalt  }
0x60: {  	_ =	shalt  }
0x61: {  	_ =	shalt  }
0x62: {  	_ =	shalt  }
0x63: {  	_ =	shalt  }
0x64: {  	_ =	shalt  }
0x65: {  	_ =	shalt  }
0x66: {  	_ =	shalt  }
0x67: {  	_ =	shalt  }
0x68: {  	_ =	shalt  }
0x69: {  	_ =	shalt  }
0x6a: {  	_ =	shalt  }
0x6b: {  	_ =	shalt  }
0x6c: {  	_ =	shalt  }
0x6d: {  	_ =	shalt  }
0x6e: {  	_ =	shalt  }
0x6f: {  	_ =	shalt  }
0x70: {  	_ =	shalt  }
0x71: {  	_ =	shalt  }
0x72: {  	_ =	shalt  }
0x73: {  	_ =	shalt  }
0x74: {  	_ =	shalt  }
0x75: {  	_ =	shalt  }
0x76: {  	_ =	shalt  }
0x77: {  	_ =	shalt  }
0x78: {  	_ =	shalt  }
0x79: {  	_ =	shalt  }
0x7a: {  	_ =	shalt  }
0x7b: {  	_ =	shalt  }
0x7c: {  	_ =	shalt  }
0x7d: {  	_ =	shalt  }
0x7e: {  	_ =	shalt  }
0x7f: {  	_ =	shalt  }
0x80: {  	_ =	shalt  }
0x81: {  	_ =	shalt  }
0x82: {  	_ =	shalt  }
0x83: {  	_ =	shalt  }
0x84: {  	_ =	shalt  }
0x85: {  	_ =	shalt  }
0x86: {  	_ =	shalt  }
0x87: {  	_ =	shalt  }
.Lfunc_end0:
.L_simem_size_0:
called_computation_lowered:
.L_overlay_start_0:
0x88: {  	s2 =	sld [smem:$0x3FD9]  }
0x89: {  	s3 =	sld [smem:$0x3FFE];
	_ =	sdelay $0x1  }
0x8a: {  	s1 =	srdreg.scid  }
0x8b: {  	s0 =	sand.u32 $0x1, s1  }
0x8c: {  	s17 =	sshll.u32 s0, $0xA;
	s2 =	sadd.s32 s3, s2  }
0x8d: {  	s2 =	sadd.s32 s2, s17  }
0x8e: {  	[smem:$0x3FC4] =	sst s2  }
0x8f: {  	_ = 	snop  }
0x90: {  	s2 =	sld [smem:$0x3FC9]  }
0x91: {  	s18 =	sld [smem:$0x3FC8]  }
0x92: {  	s4 =	sld [smem:$0x3FD0];
	(tm) =	ssettm $0x1  }
0x93: {  	s5 =	sld [smem:$0x3FFB];
	_ =	sdelay $0x3  }
0x94: {  	_ =	strace s5  }
0x95: {  	s5 =	sld [smem:$0x3FFC];
	_ =	sdelay $0x3  }
0x96: {  	_ =	strace s5  }
0x97: {  	s5 =	sld [smem:$0x3FFD];
	_ =	sdelay $0x3  }
0x98: {  	_ =	strace s5  }
0x99: {  	_ =	strace $0x8FFFFFFF  }
0x9a: {  	s19 =	sld [smem:$0x3FDB];
	_ =	sdelay $0x1  }
0x9b: {  	s6 =	simm.s32 $_scs_section_size  }
0x9c: {  	s7 =	simm.s32 $_size__tile_overlayer_lowered;
	s8 =	simm.s32 $_tile_overlayer_lowered  }
0x9d: {  	s22 =	simm.s32 $0x1BFF;
	s21 =	sshll.u32 s8, $0x1;
	s5 =	sadd.s32 s6, s19  }
0x9e: {  	s9 =	simm.s32 $0x0;
	s20 =	sshll.u32 s7, $0x1;
	s7 =	sadd.s32 s21, s5  }
0x9f: {  	[timem:s9], [sflag:s22] =	dma.local [hbm:s7], s20  }
0xa0: {  	_ =	swait.ge [sflag:s22], s20  }
0xa1: {  	s6 =	ssub.s32 $0x0, s20;
	[sflag:s22] =	ssyncset.done $0x0  }
0xa2: {  	[sflag:s22] =	ssyncadd.s32 s6;
	_ =	sdelay $0x1  }
0xa3: {  	s23 =	simm.s32 $0x1B8B  }
0xa4: {  	_ =	swait.ge [sflag:s23], $0x1  }
0xa5: {  	[sflag:s23] =	ssyncset.done $0x0  }
0xa6: {  	s25 =	simm.s32 $0x1B8E;
	s24 =	sld [smem:$0x3FFE];
	[sflag:s23] =	ssyncadd.s32 $0xFFFFFFFF  }
0xa7: {  	s26 =	simm.s32 $execute0_lowered;
	[smem:$0x3FD2] =	sst s25  }
0xa8: {  	s7 =	sshll.u32 s26, $0x1;
	_ =	strace $0x80000046;
	[dreg:$0x1] =	wrdreg $0xFFFFFFFF  }
0xa9: {  	s28 =	simm.s32 $_size_execute0_lowered;
	s5 =	sadd.s32 s5, s7;
	[dreg:$0x0] =	wrdreg $0x0  }
0xaa: {  	s7 =	sshll.u32 s28, $0x1;
	[dreg:$0x2] =	wrdreg s5  }
0xab: {  	[dreg:$0x3] =	wrdreg s7  }
0xac: {  	[dreg:$0x4] =	wrdreg $0xC0  }
0xad: {  	_ =	task [dreg:s9], $0x5FFFF  }
0xae: {  	[dreg:$0x1] =	wrdreg $0xFFFFFFFF  }
0xaf: {  	[dreg:$0x0] =	wrdreg $0x60  }
0xb0: {  	[dreg:$0x2] =	wrdreg s18  }
0xb1: {  	[dreg:$0x3] =	wrdreg s2  }
0xb2: {  	[dreg:$0x4] =	wrdreg s4  }
0xb3: {  	[dreg:$0x5] =	wrdreg s24  }
0xb4: {  	[dreg:$0x6] =	wrdreg $0x9  }
0xb5: {  	_ =	task.clear_ibuf [dreg:s9], $0x7FFFF;
	_ =	strace $0x90000046  }
0xb6: {  	s29 =	simm.s32 $0x9;
	_ =	strace $0x80000048  }
0xb7: {  	_ =	swait.ge [sflag:s29], $0x1  }
0xb8: {  	[sflag:s29] =	ssyncadd.s32 $0xFFFFFFFF  }
0xb9: {  	_ =	strace $0x90000048  }
0xba: {  	_ =	sfence  }
0xbb: {  	s30 =	sld [smem:$0x0];
	_ =	sdelay $0x2  }
0xbc: {  	s31 =	sshll.u32 s1, $0xD;
	s1 =	sshrl.u32 s1, $0x2  }
0xbd: {  	s3 =	sand.u32 $0x4000, s31;
	s1 =	sadd.s32 s1, s30  }
0xbe: {  	s0 =	sor.u32 s3, s0;
	s1 =	sshll.u32 s1, $0x11  }
0xbf: {  	s0 =	sor.u32 s1, s0  }
0xc0: {  	s0 =	sadd.s32 $0x8F2B, s0  }
0xc1: {  	[sflag:s0] =	ssyncadd.remote.s32 $0x1  }
0xc2: {  	_ =	sfence.sel $0xFFFF  }
0xc3: {  	[dreg:$0x0] =	wrdreg $0xFFFFFFFF;
	(pc) =	sbr.abs _section_cstart, $3  }
0xc4: {  	[dreg:$0x1] =	wrdreg $0xFFFFFFFF  }
0xc5: {  	_ =	task.clear_ibuf [dreg:s9], $0x2FFFF;
	_ =	strace $0x9FFFFFFF  }
0xc6: {  	(tm) =	ssettm $0x7FFFFFFF  }
0xc7: {  	_ =	shalt  }
tec
execute0_lowered:
.L_overlay_start_1:
0x0: {  	(tag) =	ssettag $0x1  }
0x1: {  	s2 =	rddreg [dreg:$0x1]  }
0x2: {  	s0 =	rddreg [dreg:$0x2]  }
0x3: {  	s1 =	rddreg [dreg:$0x3]  }
0x4: {  	s3 =	srdreg.scid;
	s6 =	stileid.u32  }
0x5: {  	s4 =	simm.s32 $0x0;
	s11 =	simm.s32 $0x8;
	s14 =	simm.s32 $0x2  }
0x6: {  	s15 =	simm.s32 $0x3;
	s16 =	simm.s32 $0x4;
	s3 =	sand.u32 $0x1, s3  }
0x7: {  	s17 =	simm.s32 $0x5;
	s6 =	sshll.u32 s6, $0x4;
	s5 =	sshll.u32 s3, $0x8  }
0x8: {  	s18 =	simm.s32 $0x6;
	s3 =	ssub.s32 $0x2, s3;
	s5 =	sor.u32 s6, s5  }
0x9: {  	[smem:$0x7FF] =	sst s4;
	s7 =	sshrl.u32 s3, $0x1;
	s6 =	sshll.u32 s5, $0x5  }
0xa: {  	_ =	strace $0x80000047;
	s3 =	ssub.s32 s3, s7;
	s0 =	sadd.s32 s0, s6  }
0xb: {  	v0 =	vlaneseq.u32;
	s1 =	sadd.s32 s6, s1;
	s31 =	smax.u32 s3, $0x1;
	[dreg:$0x5] =	wrdreg s0  }
0xc: {  	v3 =	vimm.f32 $-Inf;
	s19 =	simm.s32 $0x7;
	v2 =	vadd.s32 $0x1, v0;
	s30 =	sadd.s32 $0x1200, s1;
	[dreg:$0x7] =	wrdreg s31  }
0xd: {  	v4 =	vimm.f32 $0.0e+00;
	v1 =	vor.u32 s5, v0;
	v2 =	vadd.s32 s5, v2;
	s3 =	simm.s32 $0x0;
	s1 =	simm.s32 $0x9;
	[dreg:$0x6] =	wrdreg s30  }
.LBB2_1:
0xe: {  	s0 =	rddreg [dreg:$0x0]  }
0xf: {  	[tilespmem:s4], [sflag:$0x9] =	stream.linear.gather [hbm4b:s0+s4], $0xC380, $0x38;
	[tilespmem:$0x1CB80] =	vst v63  }
0x10: {  	_ =	swait.ge [sflag:s1], $0xC380  }
0x11: {  	v5 =	vimm.s32 $0x0;
	v6 =	vimm.s32 $0xC350;
	[sflag:s1] =	ssyncset.done $0x0  }
0x12: {  	v7 =	vimm.s32 $0x0;
	v8 =	vimm.s32 $0xC350;
	v9 =	vadd.s32 v5, v6;
	s0 =	simm.s32 $0x10;
	[sflag:s1] =	ssyncadd.s32 $0xFFFF3C80  }
.LBB2_2:
0x13: {  	p0 =	sne.s32 s0, $0x1;
	v10 =	vshrl.u32 v9, $0x1F  }
0x14: {  	v9 =	vadd.s32 v10, v9  }
0x15: {  	v9 =	vshra.s32 v9, $0x1  }
0x16: {  	vm0 =	vlt.s32 v9, $0xC34F  }
0x17: {  	v10 =	vnsel vm0, $0xC34F, v9;
	_ =	sdelay $0x4  }
0x18: {  	v10 =	vld.idx.msk [tilespmem:v10+s4+$0x0], $0xffff;
	_ =	sdelay $0x3  }
.Ltmp0:
0x19: {  	(pc) =	sbr.rel @p0 .LBB2_2-.Ltmp0, $4  }
0x1a: {  	_ = 	snop  }
0x1b: {  	vm0 =	vlt.s32 v10, v1;
	v10 =	vadd.s32 $0x1, v9  }
0x1c: {  	v7 =	vsel vm0, v10, v7;
	v8 =	vsel vm0, v8, v9  }
0x1d: {  	s0 =	sadd.s32 $0xFFFFFFFF, s0;
	v9 =	vadd.s32 v7, v8  }
0x1e: {  	v8 =	vshrl.u32 v9, $0x1F  }
0x1f: {  	v8 =	vadd.s32 v8, v9  }
0x20: {  	v8 =	vshra.s32 v8, $0x1  }
0x21: {  	vm0 =	vlt.s32 v8, $0xC34F  }
0x22: {  	v9 =	vnsel vm0, $0xC34F, v8;
	_ =	sdelay $0x4  }
0x23: {  	v9 =	vld.idx.msk [tilespmem:v9+s4+$0x0], $0xffff;
	_ =	sdelay $0x4  }
0x24: {  	v8 =	vadd.s32 $0x1, v8;
	vm15 =	vlt.s32 v9, v1  }
0x25: {  	s0 =	simm.s32 $0x10;
	v7 =	vsel vm15, v8, v7;
	v8 =	vadd.s32 v5, v6  }
.LBB2_4:
0x26: {  	p0 =	sne.s32 s0, $0x1;
	v9 =	vshrl.u32 v8, $0x1F  }
0x27: {  	v8 =	vadd.s32 v9, v8  }
0x28: {  	v8 =	vshra.s32 v8, $0x1  }
0x29: {  	vm0 =	vlt.s32 v8, $0xC34F  }
0x2a: {  	v9 =	vnsel vm0, $0xC34F, v8;
	_ =	sdelay $0x4  }
0x2b: {  	v9 =	vld.idx.msk [tilespmem:v9+s4+$0x0], $0xffff;
	_ =	sdelay $0x3  }
.Ltmp1:
0x2c: {  	(pc) =	sbr.rel @p0 .LBB2_4-.Ltmp1, $4  }
0x2d: {  	_ = 	snop  }
0x2e: {  	vm0 =	vlt.s32 v9, v2;
	v9 =	vadd.s32 $0x1, v8  }
0x2f: {  	v5 =	vsel vm0, v9, v5;
	v6 =	vsel vm0, v6, v8  }
0x30: {  	s0 =	sadd.s32 $0xFFFFFFFF, s0;
	v8 =	vadd.s32 v5, v6  }
0x31: {  	v6 =	vshrl.u32 v8, $0x1F  }
0x32: {  	v6 =	vadd.s32 v6, v8  }
0x33: {  	v6 =	vshra.s32 v6, $0x1  }
0x34: {  	vm0 =	vlt.s32 v6, $0xC34F  }
0x35: {  	v8 =	vnsel vm0, $0xC34F, v6;
	_ =	sdelay $0x4  }
0x36: {  	v8 =	vld.idx.msk [tilespmem:v8+s4+$0x0], $0xffff;
	_ =	sdelay $0x4  }
0x37: {  	v6 =	vadd.s32 $0x1, v6;
	vm14 =	vlt.s32 v8, v2  }
0x38: {  	v6 =	vsel vm14, v6, v5  }
0x39: {  	vm15 =	vlt.s32 v7, $0xC350;
	vm1 =	vlt.s32 v6, $0xC350  }
0x3a: {  	[dreg:$0x8] =	wrdreg s3;
	s21 =	simm.s32 $0x0;
	s22 =	simm.s32 $0xFFFFFFFF;
	v5 =	vnsel vm15, $0xC350, v7;
	v6 =	vnsel vm1, $0xC350, v6  }
.LBB2_6:
0x3b: {  	v7 =	vmov s21  }
0x3c: {  	vm0 =	veq.s32 v7, v0  }
0x3d: {  	v7 =	vnsel vm0, $0x0, v5  }
0x3e: {  	(xrf0) =	vadd.scan.msk.s32 $0xffff, v7;
	_ =	sdelay $0x2  }
0x3f: {  	v7 =	vnsel vm0, $0x0, v6;
	_ =	sdelay $0x1  }
0x40: {  	(xrf0) =	vadd.scan.msk.s32 $0xffff, v7  }
0x41: {  	v7, _, _ =	vpop (xrf0)  }
0x42: {  	(v2sf) =	vpush v7, $0xF;
	_ =	sdelay $0x3  }
0x43: {  	v7, _, _ =	vpop (xrf0)  }
0x44: {  	(v2sf) =	vpush v7, $0xF;
	_ =	sdelay $0x9  }
0x45: {  	s3 =	spop (v2sf)  }
0x46: {  	s0 =	sadd.s32 $0x7, s3  }
0x47: {  	s1 =	sshra.s32 s0, $0x1F  }
0x48: {  	s1 =	sshrl.u32 s1, $0x1D  }
0x49: {  	s6 =	sadd.s32 s1, s0  }
0x4a: {  	s23 =	spop (v2sf);
	s0 =	sand.u32 $0xFFFFFFF8, s6  }
0x4b: {  	s5 =	ssub.s32 s23, s0  }
0x4c: {  	p0 =	sgt.s32 s5, $0x0;
	s1 =	smov.u32 s5  }
0x4d: {  	s1 =	simm.s32 @!p0 $0x0  }
0x4e: {  	p0 =	slt.s32 s5, $0x40;
	s30 =	sshrl.u32 s1, $0x5  }
.Ltmp2:
0x4f: {  	s6 =	sshra.s32 s6, $0x3;
	p6 =	seq.s32 s30, $0x0;
	(pc) =	sbr.rel @p0 .LBB2_8-.Ltmp2, $4  }
0x50: {  	s7 =	sshll.u32 @!p6 s6, $0x8  }
0x51: {  	s31 =	sshll.u32 s6, $0xB;
	s7 =	sand.u32 @!p6 $0x1FFFFF00, s7  }
0x52: {  	s8 =	simm.s32 @!p6 $0x0;
	s12 =	simm.s32 @!p6 $0xCB80;
	s7 =	sadd.s32 @!p6 s2, s7  }
0x53: {  	[tilespmem:s12], [sflag:$0x2] =	stream.linear.gather @!p6 [hbm4b:s7+s8], $0x2000, $0x38;
	[tilespmem:$0x1CB80] =	vst v63  }
0x54: {  	s6 =	sadd.s32 $0x2000, s31  }
0x55: {  	s6 =	sshrl.u32 s6, $0x3  }
0x56: {  	s7 =	simm.s32 $0xEB80;
	p0 =	slt.u32 s5, $0x60;
	s6 =	sadd.s32 s2, s6  }
0x57: {  	[tilespmem:s7], [sflag:$0x3] =	stream.linear.gather [hbm4b:s6+s4], $0x2000, $0x38;
	[tilespmem:$0x1CB80] =	vst v63  }
0x58: {  	p1 =	slt.u32 @!p0 s5, $0x80;
	s6 =	sadd.s32 @!p0 $0x4000, s31  }
0x59: {  	s8 =	simm.s32 @!p0 $0x10B80;
	p2 =	por p1, p0;
	s6 =	sshrl.u32 @!p0 s6, $0x3  }
0x5a: {  	s7 =	simm.s32 @!p0 $0x0;
	p3 =	slt.u32 @!p2 s5, $0xA0;
	s6 =	sadd.s32 @!p0 s2, s6  }
0x5b: {  	[tilespmem:s8], [sflag:$0x4] =	stream.linear.gather @!p0 [hbm4b:s6+s7], $0x2000, $0x38;
	[tilespmem:$0x1CB80] =	vst v63  }
0x5c: {  	p4 =	por @!p0 p3, p1;
	s6 =	sadd.s32 @!p2 $0x6000, s31  }
0x5d: {  	p4 =	por p4, p0;
	s6 =	sshrl.u32 @!p2 s6, $0x3  }
0x5e: {  	s7 =	simm.s32 @!p2 $0x0;
	s8 =	simm.s32 @!p2 $0x12B80;
	s6 =	sadd.s32 @!p2 s2, s6  }
0x5f: {  	[tilespmem:s8], [sflag:$0x5] =	stream.linear.gather @!p2 [hbm4b:s6+s7], $0x2000, $0x38;
	[tilespmem:$0x1CB80] =	vst v63  }
0x60: {  	s6 =	sadd.s32 @!p4 $0x8000, s31  }
0x61: {  	s6 =	sshrl.u32 @!p4 s6, $0x3  }
0x62: {  	s7 =	simm.s32 @!p4 $0x0;
	s8 =	simm.s32 @!p4 $0x14B80;
	s6 =	sadd.s32 @!p4 s2, s6  }
0x63: {  	[tilespmem:s8], [sflag:$0x6] =	stream.linear.gather @!p4 [hbm4b:s6+s7], $0x2000, $0x38;
	[tilespmem:$0x1CB80] =	vst v63  }
0x64: {  	p4 =	slt.u32 @!p4 s5, $0xC0  }
0x65: {  	p2 =	por @!p2 p4, p3  }
0x66: {  	p1 =	por @!p0 p2, p1  }
0x67: {  	p0 =	por p1, p0  }
0x68: {  	s5 =	sadd.s32 @!p0 $0xA000, s31  }
0x69: {  	s5 =	sshrl.u32 @!p0 s5, $0x3  }
0x6a: {  	s6 =	simm.s32 @!p0 $0x0;
	s7 =	simm.s32 @!p0 $0x16B80;
	s5 =	sadd.s32 @!p0 s2, s5  }
0x6b: {  	[tilespmem:s7], [sflag:$0x7] =	stream.linear.gather @!p0 [hbm4b:s5+s6], $0x2000, $0x38;
	[tilespmem:$0x1CB80] =	vst v63  }
.LBB2_8:
0x6c: {  	s5 =	sadd.s32 $0xFFFFFFF8, s0  }
0x6d: {  	p0 =	sgt.s32 s5, $0x0  }
0x6e: {  	p1 =	sgt.s32 s23, s0;
	s12 =	smov.u32 s23;
	s5 =	simm.s32 @!p0 $0x0  }
0x6f: {  	s12 =	smov.u32 @p1 s0;
	s5 =	smin.u32 s5, $0xC348  }
0x70: {  	s1 =	sand.u32 $0x7FFFFFE0, s1;
	p1 =	slt.s32 s3, s12;
	p4 =	sne.s32 s22, s5  }
0x71: {  	s10 =	sshll.u32 s21, $0x8;
	s20 =	sshll.u32 s21, $0x7;
	p0 =	por !p1, !p4  }
0x72: {  	s1 =	sadd.s32 s0, s1;
	s26 =	sand.u32 $0x800, s10;
	p0 =	por !p0, !p0  }
0x73: {  	s28 =	sand.u32 $0x380, s20;
	s0 =	ssub.s32 s23, s1;
	s6 =	sshll.u32 @p0 s5, $0x5  }
0x74: {  	s7 =	simm.s32 @p0 $0x0;
	s8 =	simm.s32 @p0 $0xC380;
	s6 =	sadd.s32 @p0 s2, s6  }
0x75: {  	[tilespmem:s8], [sflag:$0x1] =	stream.linear.gather @p0 [hbm4b:s6+s7], $0x800, $0x38;
	[tilespmem:$0x1CB80] =	vst v63  }
0x76: {  	p2 =	sgt.s32 s0, $0x0;
	s13 =	smov.u32 s0;
	s6 =	simm.s32 $0x0  }
0x77: {  	s13 =	simm.s32 @!p2 $0x0;
	s24 =	sand.u32 $0x70, s6;
	s25 =	sand.u32 $0x400, s6  }
0x78: {  	s29 =	sor.u32 s26, s28;
	s13 =	sand.u32 $0x7FFFFFF8, s13;
	s7 =	sor.u32 s24, s25  }
0x79: {  	p5 =	seq.s32 s22, s5;
	s24 =	sadd.s32 s1, s13;
	s8 =	sor.u32 s29, s7  }
0x7a: {  	p1 =	por !p1, !p5;
	p2 =	slt.s32 s24, $0xC348;
	s25 =	smov.u32 s24;
	[tilespmem:s8+$0x1BB80] =	vst v4  }
0x7b: {  	s7 =	simm.s32 $0x10;
	s25 =	simm.s32 @!p2 $0xC348;
	p2 =	por !p1, !p1;
	[tilespmem:s8+$0x1AB80] =	vst v3  }
.LBB2_9:
0x7c: {  	s8 =	sand.u32 $0x70, s7;
	s6 =	sadd.s32 $0x80, s6;
	p1 =	sne.s32 s7, $0xF0  }
.Ltmp3:
0x7d: {  	s7 =	sadd.s32 $0x10, s7;
	s13 =	sand.u32 $0x400, s6;
	(pc) =	sbr.rel @p1 .LBB2_9-.Ltmp3, $4  }
0x7e: {  	s8 =	sor.u32 s8, s13  }
0x7f: {  	s8 =	sor.u32 s29, s8  }
0x80: {  	[tilespmem:s8+$0x1BB80] =	vst v4  }
0x81: {  	[tilespmem:s8+$0x1AB80] =	vst v3  }
.Ltmp4:
0x82: {  	(pc) =	sbr.rel @!p0 .LBB2_14-.Ltmp4, $4  }
0x83: {  	_ = 	snop  }
0x84: {  	s6 =	simm.s32 @!p6 $0x0  }
0x85: {  	s6 =	simm.s32 @p6 $0x1  }
0x86: {  	[smem:$0x7FD] =	sst s6  }
0x87: {  	s6 =	simm.s32 @!p2 $0x0;
	s8 =	simm.s32 $0x1;
	p0 =	sge.s32 s5, s3  }
0x88: {  	s7 =	sor.u32 $0x1, s5;
	p1 =	slt.s32 s5, s12;
	s9 =	sor.u32 $0x2, s5  }
0x89: {  	s10 =	sor.u32 $0x3, s5;
	s11 =	sor.u32 $0x4, s5;
	s13 =	sor.u32 $0x5, s5  }
0x8a: {  	s20 =	sor.u32 $0x6, s5;
	s6 =	simm.s32 @p2 $0x1;
	p3 =	sge.s32 s7, s3  }
0x8b: {  	p4 =	slt.s32 s7, s12;
	p0 =	por !p0, !p1;
	p5 =	sge.s32 s9, s3  }
0x8c: {  	p6 =	slt.s32 s9, s12;
	p1 =	slt.s32 s10, s12;
	[smem:$0x7F1] =	sst s6  }
0x8d: {  	s6 =	simm.s32 @!p0 $0x0;
	p4 =	por !p3, !p4;
	p3 =	slt.s32 s11, s12  }
0x8e: {  	_ =	swait.ge [sflag:s8], $0x800;
	s6 =	simm.s32 @p0 $0x1;
	p0 =	por !p5, !p6  }
0x8f: {  	p6 =	sge.s32 s10, s3;
	p5 =	sge.s32 s11, s3;
	[smem:$0x7F2] =	sst s6  }
0x90: {  	s7 =	simm.s32 @!p0 $0x0;
	p1 =	por !p6, !p1;
	p6 =	slt.s32 s13, s12  }
0x91: {  	[sflag:s8] =	ssyncset.done $0x0;
	s7 =	simm.s32 @p0 $0x1;
	s6 =	simm.s32 @!p1 $0x0  }
0x92: {  	p0 =	por !p5, !p3;
	p5 =	sge.s32 s13, s3;
	s9 =	sld [smem:$0x7F2]  }
0x93: {  	p3 =	sge.s32 s20, s3;
	[sflag:s8] =	ssyncadd.s32 $0xFFFFF800;
	[smem:$0x7F5] =	sst s7  }
0x94: {  	s6 =	simm.s32 @p1 $0x1;
	p6 =	por !p5, !p6;
	s7 =	sor.u32 $0x7, s5  }
0x95: {  	p1 =	slt.s32 s20, s12;
	[smem:$0x7F7] =	sst s6;
	s6 =	simm.s32 @!p0 $0x0  }
0x96: {  	p5 =	slt.s32 s7, s12;
	p2 =	por !p3, !p1;
	s13 =	sld [smem:$0x7F5]  }
0x97: {  	s6 =	simm.s32 @p0 $0x1;
	p0 =	sge.s32 s7, s3;
	p3 =	seq.s32 s9, $0x1  }
0x98: {  	s20 =	sld [smem:$0x7F7];
	p5 =	por !p0, !p5;
	p0 =	por !p3, !p3  }
0x99: {  	s7 =	simm.s32 $0x80;
	[smem:$0x7F9] =	sst s6;
	s5 =	simm.s32 @!p0 $0x0  }
0x9a: {  	p1 =	seq.s32 s13, $0x1;
	s5 =	simm.s32 @p0 $0x1;
	p0 =	por !p4, !p4  }
0x9b: {  	s9 =	sld [smem:$0x7F9];
	p3 =	seq.s32 s20, $0x1;
	s6 =	simm.s32 @!p0 $0x0  }
0x9c: {  	s20 =	simm.s32 $0x20;
	s6 =	simm.s32 @p0 $0x1;
	p0 =	por !p1, !p1  }
0x9d: {  	[smem:$0x7F3] =	sst s5;
	s5 =	simm.s32 $0x0;
	s8 =	simm.s32 @!p0 $0x0  }
0x9e: {  	s10 =	sand.u32 $0x70, s5;
	s8 =	simm.s32 @p0 $0x1;
	p0 =	por !p3, !p3  }
0x9f: {  	s11 =	sand.u32 $0x400, s5;
	[smem:$0x7F6] =	sst s8;
	s8 =	simm.s32 @!p0 $0x0  }
0xa0: {  	p4 =	seq.s32 s9, $0x1;
	s8 =	simm.s32 @p0 $0x1;
	p0 =	por !p6, !p6  }
0xa1: {  	s9 =	sand.u32 $0x400, s7;
	[smem:$0x7F4] =	sst s6;
	s6 =	simm.s32 @!p0 $0x0  }
0xa2: {  	s13 =	sor.u32 s10, s11;
	s6 =	simm.s32 @p0 $0x1;
	p0 =	por !p2, !p2  }
0xa3: {  	p1 =	por !p4, !p4;
	[smem:$0x7FA] =	sst s6;
	s6 =	simm.s32 @!p0 $0x0  }
0xa4: {  	s10 =	simm.s32 $0x10;
	v7 =	vld [tilespmem:s13+$0xC400];
	s6 =	simm.s32 @p0 $0x1;
	p0 =	por !p5, !p5  }
0xa5: {  	v8 =	vld [tilespmem:s13+$0xC580];
	s11 =	sand.u32 $0x70, s10;
	[smem:$0x7FB] =	sst s6;
	s6 =	simm.s32 @!p0 $0x0  }
0xa6: {  	v10 =	vld [tilespmem:s13+$0xC380];
	[smem:$0x7F8] =	sst s8;
	s8 =	sor.u32 s5, s5;
	s6 =	simm.s32 @p0 $0x1  }
0xa7: {  	v9 =	vld [tilespmem:s13+$0xC600];
	s5 =	sor.u32 s11, s9;
	[smem:$0x7FC] =	sst s6;
	s6 =	sor.u32 s7, s10  }
.LBB2_12:
0xa8: {  	s7 =	sadd.s32 $0x80, s7;
	s9 =	smov.u32 s20  }
0xa9: {  	s10 =	sor.u32 s7, s9;
	s9 =	sand.u32 $0x70, s9;
	s11 =	sand.u32 $0x400, s7  }
0xaa: {  	s9 =	sor.u32 s9, s11;
	s11 =	sld [smem:$0x7FA];
	_ =	sdelay $0x2  }
0xab: {  	p0 =	seq.s32 s11, $0x1;
	s11 =	sld [smem:$0x7F3];
	_ =	sdelay $0x2  }
0xac: {  	p5 =	seq.s32 s11, $0x1;
	s11 =	sld [smem:$0x7F4];
	_ =	sdelay $0x2  }
0xad: {  	v18 =	vpsel !p0, $0xFF800000, v9;
	v9 =	vpsel !p0, $0x0, v9;
	p0 =	seq.s32 s11, $0x1;
	s11 =	sld [smem:$0x7FB];
	_ =	sdelay $0x1  }
0xae: {  	v11 =	vld [tilespmem:s13+$0xC480]  }
0xaf: {  	v14 =	vld [tilespmem:s13+$0xC500];
	p3 =	seq.s32 s11, $0x1;
	s11 =	sld [smem:$0x7F6];
	_ =	sdelay $0x2  }
0xb0: {  	v13 =	vld [tilespmem:s13+$0xC680];
	v12 =	vadd.f32 $0.0e+00, v7;
	p4 =	seq.s32 s11, $0x1;
	s11 =	sld [smem:$0x7FC]  }
0xb1: {  	s8 =	sor.u32 $0x380, s8;
	v15 =	vpsel !p1, $0xFF800000, v8;
	v16 =	vadd.f32 $0.0e+00, v10;
	v8 =	vpsel !p1, $0x0, v8  }
0xb2: {  	v17 =	vld [tilespmem:s8+$0xC380];
	v10 =	vmax.f32 v10, v15;
	v19 =	vadd.f32 $0.0e+00, v11;
	v60 =	vadd.f32 $0.0e+00, v14  }
0xb3: {  	v7 =	vmax.f32 v7, v18;
	v16 =	vpsel !p5, $0x0, v16;
	v12 =	vpsel !p0, $0x0, v12;
	p6 =	seq.s32 s11, $0x1;
	s11 =	sld [smem:$0x7F8]  }
0xb4: {  	v10 =	vpsel p5, v10, v15;
	v8 =	vadd.f32 v8, v16;
	v9 =	vadd.f32 v9, v12  }
0xb5: {  	s8 =	smov.u32 s6;
	s6 =	smov.u32 s10;
	s10 =	sor.u32 s29, s13;
	v58 =	vpsel !p3, $0xFF800000, v13;
	v13 =	vpsel !p3, $0x0, v13;
	v59 =	vpsel !p4, $0x0, v19  }
0xb6: {  	v62 =	vld [tilespmem:s10+$0x1BB80];
	v7 =	vpsel p0, v7, v18;
	v8 =	vadd.f32 v9, v8;
	v13 =	vadd.f32 v13, v59;
	p3 =	seq.s32 s11, $0x1  }
0xb7: {  	v63 =	vld [tilespmem:s10+$0x1AB80];
	v61 =	vpsel !p6, $0xFF800000, v17;
	v17 =	vpsel !p6, $0x0, v17;
	v9 =	vpsel !p3, $0x0, v60  }
0xb8: {  	v11 =	vmax.f32 v11, v58;
	v8 =	vadd.f32 v13, v8;
	v9 =	vadd.f32 v17, v9  }
0xb9: {  	v7 =	vmax.f32 v10, v7;
	v11 =	vpsel p4, v11, v58;
	v14 =	vmax.f32 v14, v61  }
0xba: {  	v7 =	vmax.f32 v7, v11;
	v8 =	vadd.f32 v9, v8;
	v9 =	vpsel p3, v14, v61  }
0xbb: {  	v7 =	vmax.f32 v7, v9  }
0xbc: {  	v8 =	vadd.f32 v8, v62;
	v7 =	vmax.f32 v63, v7  }
0xbd: {  	p2 =	sne.s32 s20, $0xF0;
	[tilespmem:s10+$0x1AB80] =	vst v7  }
.Ltmp5:
0xbe: {  	s13 =	smov.u32 s5;
	[tilespmem:s10+$0x1BB80] =	vst v8;
	(pc) =	sbr.rel @p2 .LBB2_12-.Ltmp5, $4  }
0xbf: {  	v7 =	vld [tilespmem:s13+$0xC400]  }
0xc0: {  	v8 =	vld [tilespmem:s13+$0xC580]  }
0xc1: {  	v10 =	vld [tilespmem:s13+$0xC380]  }
0xc2: {  	s20 =	sadd.s32 $0x10, s20;
	s5 =	smov.u32 s9;
	v9 =	vld [tilespmem:s13+$0xC600]  }
0xc3: {  	v11 =	vld [tilespmem:s13+$0xC480];
	s10 =	sld [smem:$0x7FA]  }
0xc4: {  	v13 =	vld [tilespmem:s13+$0xC500];
	s20 =	sld [smem:$0x7F4]  }
0xc5: {  	v12 =	vld [tilespmem:s13+$0xC680];
	s11 =	sld [smem:$0x7F3]  }
0xc6: {  	s9 =	sld [smem:$0x7FB];
	v14 =	vadd.f32 $0.0e+00, v7;
	v15 =	vpsel !p1, $0xFF800000, v8;
	v8 =	vpsel !p1, $0x0, v8;
	p5 =	seq.s32 s10, $0x1  }
0xc7: {  	s7 =	sor.u32 $0x380, s8;
	s8 =	sld [smem:$0x7F6];
	v16 =	vadd.f32 $0.0e+00, v10;
	v33 =	vmax.f32 v10, v15;
	p3 =	seq.s32 s20, $0x1;
	v18 =	vpsel !p5, $0x0, v9  }
0xc8: {  	v17 =	vld [tilespmem:s7+$0xC380];
	p0 =	seq.s32 s11, $0x1;
	s11 =	sld [smem:$0x7F8];
	v14 =	vpsel !p3, $0x0, v14;
	v34 =	vpsel !p5, $0xFF800000, v9;
	v19 =	vadd.f32 $0.0e+00, v11  }
0xc9: {  	p6 =	seq.s32 s9, $0x1;
	s10 =	sor.u32 s29, s13;
	s13 =	sld [smem:$0x7FC];
	v16 =	vpsel !p0, $0x0, v16;
	v14 =	vadd.f32 v18, v14;
	v36 =	vadd.f32 $0.0e+00, v13  }
0xca: {  	p4 =	seq.s32 s8, $0x1;
	s20 =	sld [smem:$0x7F3];
	v37 =	vpsel !p6, $0x0, v12;
	v7 =	vmax.f32 v7, v34;
	v8 =	vadd.f32 v8, v16  }
0xcb: {  	v12 =	vpsel !p6, $0xFF800000, v12;
	v7 =	vpsel p3, v7, v34;
	v35 =	vpsel !p4, $0x0, v19  }
0xcc: {  	v40 =	vld [tilespmem:s10+$0x1BB80];
	p0 =	seq.s32 s11, $0x1;
	p2 =	seq.s32 s13, $0x1;
	v11 =	vmax.f32 v11, v12;
	v16 =	vadd.f32 v37, v35;
	v8 =	vadd.f32 v14, v8  }
0xcd: {  	v42 =	vld [tilespmem:s10+$0x1AB80];
	p3 =	seq.s32 s20, $0x1;
	v38 =	vpsel !p0, $0x0, v36;
	v39 =	vpsel !p2, $0x0, v17;
	v17 =	vpsel !p2, $0xFF800000, v17  }
0xce: {  	v10 =	vpsel p3, v33, v15;
	v41 =	vadd.f32 v39, v38;
	v8 =	vadd.f32 v16, v8  }
0xcf: {  	v11 =	vpsel p4, v11, v12;
	v13 =	vmax.f32 v13, v17;
	v7 =	vmax.f32 v10, v7  }
0xd0: {  	v43 =	vpsel p0, v13, v17;
	v7 =	vmax.f32 v7, v11;
	v8 =	vadd.f32 v41, v8  }
0xd1: {  	v7 =	vmax.f32 v7, v43  }
0xd2: {  	v7 =	vmax.f32 v42, v7;
	v8 =	vadd.f32 v8, v40  }
0xd3: {  	[tilespmem:s10+$0x1AB80] =	vst v7  }
0xd4: {  	[tilespmem:s10+$0x1BB80] =	vst v8  }
0xd5: {  	v7 =	vld [tilespmem:s5+$0xC400]  }
0xd6: {  	v8 =	vld [tilespmem:s5+$0xC580]  }
0xd7: {  	v44 =	vld [tilespmem:s5+$0xC380]  }
0xd8: {  	v45 =	vld [tilespmem:s5+$0xC600]  }
0xd9: {  	v46 =	vld [tilespmem:s5+$0xC480]  }
0xda: {  	s6 =	sor.u32 $0x380, s6;
	v47 =	vld [tilespmem:s5+$0xC680]  }
0xdb: {  	s8 =	sld [smem:$0x7F3];
	v48 =	vld [tilespmem:s6+$0xC380]  }
0xdc: {  	s9 =	sld [smem:$0x7F4]  }
0xdd: {  	v50 =	vld [tilespmem:s5+$0xC500];
	v49 =	vpsel !p1, $0xFF800000, v8;
	v8 =	vpsel !p1, $0x0, v8;
	v51 =	vadd.f32 $0.0e+00, v44  }
0xde: {  	s10 =	sld [smem:$0x7F6];
	v52 =	vpsel !p5, $0xFF800000, v45;
	v10 =	vpsel !p5, $0x0, v45;
	v53 =	vadd.f32 $0.0e+00, v7  }
0xdf: {  	p1 =	seq.s32 s8, $0x1;
	v54 =	vadd.f32 $0.0e+00, v46;
	v20 =	vpsel !p6, $0xFF800000, v47;
	v12 =	vpsel !p6, $0x0, v47;
	p5 =	seq.s32 s9, $0x1  }
0xe0: {  	v57 =	vpsel !p2, $0xFF800000, v48;
	v16 =	vpsel !p1, $0x0, v51;
	v55 =	vpsel !p5, $0x0, v53  }
0xe1: {  	p6 =	seq.s32 s10, $0x1;
	v13 =	vpsel !p2, $0x0, v48;
	v8 =	vadd.f32 v8, v16;
	v10 =	vadd.f32 v10, v55  }
0xe2: {  	s11 =	sor.u32 s29, s5;
	v58 =	vadd.f32 $0.0e+00, v50;
	v9 =	vmax.f32 v44, v49;
	v56 =	vpsel !p6, $0x0, v54  }
0xe3: {  	v59 =	vld [tilespmem:s11+$0x1BB80];
	v7 =	vmax.f32 v7, v52;
	v12 =	vadd.f32 v12, v56;
	v8 =	vadd.f32 v10, v8  }
0xe4: {  	v61 =	vld [tilespmem:s11+$0x1AB80];
	v11 =	vmax.f32 v46, v20;
	v7 =	vpsel p5, v7, v52;
	v60 =	vpsel !p0, $0x0, v58  }
0xe5: {  	v9 =	vpsel p1, v9, v49;
	v13 =	vadd.f32 v13, v60;
	v8 =	vadd.f32 v12, v8  }
0xe6: {  	v62 =	vmax.f32 v50, v57;
	v11 =	vpsel p6, v11, v20;
	v7 =	vmax.f32 v9, v7  }
0xe7: {  	s13 =	sld [smem:$0x7FD];
	v63 =	vpsel p0, v62, v57;
	v7 =	vmax.f32 v7, v11;
	v8 =	vadd.f32 v13, v8  }
0xe8: {  	s20 =	sld [smem:$0x7F1];
	v7 =	vmax.f32 v7, v63  }
0xe9: {  	v7 =	vmax.f32 v61, v7;
	v8 =	vadd.f32 v8, v59  }
0xea: {  	[tilespmem:s11+$0x1AB80] =	vst v7  }
0xeb: {  	p2 =	seq.s32 s20, $0x1;
	p6 =	seq.s32 s13, $0x1;
	[tilespmem:s11+$0x1BB80] =	vst v8;
	s11 =	simm.s32 $0x8  }
.LBB2_14:
.Ltmp6:
0xec: {  	(pc) =	sbr.rel @!p2 .LBB2_18-.Ltmp6, $1  }
0xed: {  	_ =	sdelay $0x3  }
0xee: {  	p0 =	sge.s32 s22, s3;
	s5 =	simm.s32 $0x0  }
0xef: {  	p1 =	slt.s32 s22, s12;
	s8 =	sor.u32 $0x1, s22;
	s10 =	sor.u32 $0x2, s22  }
0xf0: {  	s13 =	sor.u32 $0x4, s22;
	s20 =	sor.u32 $0x5, s22;
	s6 =	sand.u32 $0x70, s5  }
0xf1: {  	s7 =	sand.u32 $0x400, s5;
	p0 =	por !p0, !p1;
	p4 =	sge.s32 s8, s3  }
0xf2: {  	p5 =	slt.s32 s8, s12;
	p2 =	sge.s32 s10, s3;
	p3 =	slt.s32 s10, s12  }
0xf3: {  	s6 =	sor.u32 s6, s7;
	p6 =	por !p0, !p0;
	p0 =	por !p4, !p5  }
0xf4: {  	p5 =	sge.s32 s20, s3;
	p4 =	slt.s32 s20, s12;
	s7 =	simm.s32 @!p0 $0x0  }
0xf5: {  	s8 =	sor.u32 $0x6, s22;
	p5 =	por !p5, !p4;
	s7 =	simm.s32 @p0 $0x1  }
0xf6: {  	p0 =	por !p2, !p3;
	p2 =	sge.s32 s13, s3;
	p3 =	slt.s32 s13, s12  }
0xf7: {  	v7 =	vld [tilespmem:s6+$0x1A480];
	p4 =	sge.s32 s8, s3;
	[smem:$0x7EB] =	sst s7;
	p1 =	por !p2, !p3  }
0xf8: {  	v11 =	vld [tilespmem:s6+$0x1A600];
	p2 =	por !p5, !p5;
	p5 =	slt.s32 s8, s12;
	s9 =	sld [smem:$0x7EB]  }
0xf9: {  	s10 =	sor.u32 $0x3, s22;
	v8 =	vld [tilespmem:s6+$0x1A380];
	s13 =	sor.u32 $0x7, s22;
	p4 =	por !p4, !p5  }
0xfa: {  	v12 =	vld [tilespmem:s6+$0x1A400];
	p0 =	por !p0, !p0;
	p5 =	sge.s32 s10, s3;
	s8 =	simm.s32 @!p4 $0x0  }
0xfb: {  	v14 =	vld [tilespmem:s6+$0x1A580];
	s8 =	simm.s32 @p4 $0x1;
	p4 =	por !p1, !p1;
	p3 =	seq.s32 s9, $0x1  }
0xfc: {  	v9 =	vld [tilespmem:s6+$0x1A500];
	v13 =	vadd.f32 $0.0e+00, v7;
	[smem:$0x7EF] =	sst s8;
	s8 =	simm.s32 @!p0 $0x0;
	s9 =	simm.s32 @!p2 $0x0  }
0xfd: {  	p3 =	por !p3, !p3;
	s8 =	simm.s32 @p0 $0x1;
	s20 =	sld [smem:$0x7EF]  }
0xfe: {  	v10 =	vld [tilespmem:s6+$0x1A680];
	v15 =	vadd.f32 $0.0e+00, v8;
	v16 =	vpsel !p0, $0x0, v13;
	s9 =	simm.s32 @p2 $0x1;
	p0 =	sge.s32 s13, s3;
	[smem:$0x7EC] =	sst s8  }
0xff: {  	v17 =	vpsel !p2, $0xFF800000, v11;
	v11 =	vpsel !p2, $0x0, v11;
	v13 =	vld [tilespmem:s6+$0x1A700];
	p2 =	slt.s32 s13, s12;
	[smem:$0x7ED] =	sst s9;
	s9 =	simm.s32 @!p6 $0x0  }
0x100: {  	v18 =	vadd.f32 $0.0e+00, v12;
	v15 =	vpsel !p6, $0x0, v15;
	p0 =	por !p0, !p2;
	s9 =	simm.s32 @p6 $0x1;
	p6 =	slt.s32 s10, s12  }
0x101: {  	v20 =	vadd.f32 $0.0e+00, v9;
	v12 =	vmax.f32 v12, v17;
	v19 =	vpsel !p4, $0x0, v14;
	s3 =	simm.s32 @!p3 $0x0;
	p1 =	por !p5, !p6;
	p6 =	seq.s32 s20, $0x1  }
0x102: {  	v12 =	vpsel p3, v12, v17;
	v18 =	vpsel !p3, $0x0, v18;
	v17 =	vadd.f32 v19, v15;
	s3 =	simm.s32 @p3 $0x1;
	p0 =	por !p0, !p0;
	p6 =	por !p6, !p6  }
0x103: {  	v15 =	vpsel !p4, $0xFF800000, v14;
	v19 =	vadd.f32 v11, v18;
	[smem:$0x7F0] =	sst s3;
	s3 =	sor.u32 s29, s6;
	p5 =	por !p1, !p1;
	v14 =	vpsel !p6, $0x0, v10  }
0x104: {  	[smem:$0x7EE] =	sst s9;
	s6 =	simm.s32 $0x10;
	v11 =	vld [tilespmem:s3+$0x1BB80];
	v18 =	vpsel !p5, $0x0, v20;
	v16 =	vadd.f32 v14, v16;
	v14 =	vpsel !p0, $0xFF800000, v13  }
.LBB2_16:
0x105: {  	s9 =	sld [smem:$0x7EE]  }
0x106: {  	s12 =	sld [smem:$0x7EC]  }
0x107: {  	v13 =	vpsel !p0, $0x0, v13;
	v17 =	vadd.f32 v19, v17  }
0x108: {  	v8 =	vmax.f32 v8, v15;
	v10 =	vpsel !p6, $0xFF800000, v10;
	v13 =	vadd.f32 v13, v18;
	v18 =	vld [tilespmem:s3+$0x1AB80];
	p2 =	seq.s32 s9, $0x1  }
0x109: {  	v7 =	vmax.f32 v7, v10;
	p3 =	seq.s32 s12, $0x1;
	v8 =	vpsel p2, v8, v15;
	v15 =	vadd.f32 v16, v17  }
0x10a: {  	v9 =	vmax.f32 v9, v14;
	v7 =	vpsel p3, v7, v10;
	v8 =	vmax.f32 v8, v12  }
0x10b: {  	v9 =	vpsel p5, v9, v14;
	v7 =	vmax.f32 v8, v7;
	v8 =	vadd.f32 v13, v15  }
0x10c: {  	v7 =	vmax.f32 v7, v9  }
0x10d: {  	s5 =	sadd.s32 $0x80, s5;
	s7 =	smov.u32 s6;
	v7 =	vmax.f32 v18, v7;
	v8 =	vadd.f32 v8, v11  }
0x10e: {  	s7 =	sand.u32 $0x70, s7;
	s8 =	sand.u32 $0x400, s5;
	[tilespmem:s3+$0x1AB80] =	vst v7  }
0x10f: {  	s7 =	sor.u32 s7, s8;
	[tilespmem:s3+$0x1BB80] =	vst v8  }
0x110: {  	v7 =	vld [tilespmem:s7+$0x1A480]  }
0x111: {  	v11 =	vld [tilespmem:s7+$0x1A600]  }
0x112: {  	v8 =	vld [tilespmem:s7+$0x1A380]  }
0x113: {  	v12 =	vld [tilespmem:s7+$0x1A400]  }
0x114: {  	v14 =	vld [tilespmem:s7+$0x1A580]  }
0x115: {  	v9 =	vld [tilespmem:s7+$0x1A500]  }
0x116: {  	s13 =	sld [smem:$0x7ED]  }
0x117: {  	v13 =	vadd.f32 $0.0e+00, v7  }
0x118: {  	s20 =	sld [smem:$0x7F0];
	v10 =	vld [tilespmem:s7+$0x1A680]  }
0x119: {  	p1 =	sne.s32 s6, $0xF0;
	v15 =	vadd.f32 $0.0e+00, v8;
	v18 =	vadd.f32 $0.0e+00, v12;
	v16 =	vpsel !p3, $0x0, v13;
	p3 =	seq.s32 s13, $0x1;
	v13 =	vld [tilespmem:s7+$0x1A700]  }
.Ltmp7:
0x11a: {  	v20 =	vpsel !p4, $0x0, v14;
	v21 =	vadd.f32 $0.0e+00, v9;
	v17 =	vpsel !p3, $0xFF800000, v11;
	(pc) =	sbr.rel @p1 .LBB2_16-.Ltmp7, $4  }
0x11b: {  	v15 =	vpsel !p2, $0x0, v15;
	v19 =	vpsel !p3, $0x0, v11;
	p3 =	seq.s32 s20, $0x1;
	v12 =	vmax.f32 v12, v17  }
0x11c: {  	v18 =	vpsel !p3, $0x0, v18;
	v12 =	vpsel p3, v12, v17;
	v17 =	vadd.f32 v20, v15  }
0x11d: {  	s3 =	sor.u32 s29, s7;
	v15 =	vpsel !p4, $0xFF800000, v14;
	v19 =	vadd.f32 v19, v18;
	v14 =	vpsel !p6, $0x0, v10  }
0x11e: {  	s6 =	sadd.s32 $0x10, s6;
	v11 =	vld [tilespmem:s3+$0x1BB80];
	v18 =	vpsel !p5, $0x0, v21;
	v16 =	vadd.f32 v14, v16;
	v14 =	vpsel !p0, $0xFF800000, v13  }
0x11f: {  	s5 =	sld [smem:$0x7EE]  }
0x120: {  	s13 =	sld [smem:$0x7EC]  }
0x121: {  	v13 =	vpsel !p0, $0x0, v13;
	v17 =	vadd.f32 v19, v17  }
0x122: {  	v8 =	vmax.f32 v8, v15;
	v10 =	vpsel !p6, $0xFF800000, v10;
	v62 =	vld [tilespmem:s3+$0x1AB80];
	v13 =	vadd.f32 v13, v18;
	p4 =	seq.s32 s5, $0x1  }
0x123: {  	v7 =	vmax.f32 v7, v10;
	v63 =	vadd.f32 v16, v17;
	p6 =	seq.s32 s13, $0x1;
	v8 =	vpsel p4, v8, v15  }
0x124: {  	v9 =	vmax.f32 v9, v14;
	v7 =	vpsel p6, v7, v10;
	v8 =	vmax.f32 v8, v12  }
0x125: {  	v9 =	vpsel p5, v9, v14;
	v7 =	vmax.f32 v8, v7;
	v8 =	vadd.f32 v13, v63  }
0x126: {  	s20 =	sld [smem:$0x7FD];
	v7 =	vmax.f32 v7, v9  }
0x127: {  	v7 =	vmax.f32 v62, v7;
	v8 =	vadd.f32 v8, v11  }
0x128: {  	[tilespmem:s3+$0x1AB80] =	vst v7  }
0x129: {  	p6 =	seq.s32 s20, $0x1;
	[tilespmem:s3+$0x1BB80] =	vst v8  }
.LBB2_18:
0x12a: {  	p1 =	slt.s32 s0, $0x8  }
0x12b: {  	s3 =	sshll.u32 @!p1 s1, $0x5;
	s5 =	simm.s32 @!p1 $0x0;
	p3 =	slt.u32 @!p1 s0, $0x10  }
0x12c: {  	s6 =	simm.s32 @!p1 $0x18B80;
	s3 =	sadd.s32 @!p1 s2, s3;
	p2 =	por p3, p1  }
0x12d: {  	[tilespmem:s6], [sflag:$0x8] =	stream.linear.gather @!p1 [hbm4b:s3+s5], $0x800, $0x38;
	[tilespmem:$0x1CB80] =	vst v63  }
0x12e: {  	s1 =	sshll.u32 @!p2 s1, $0x8;
	p5 =	slt.u32 @!p2 s0, $0x18  }
0x12f: {  	s5 =	simm.s32 @!p2 $0x0;
	s3 =	sadd.s32 @!p2 $0x800, s1;
	p0 =	por @!p1 p5, p3  }
0x130: {  	s6 =	simm.s32 @!p2 $0x19380;
	s3 =	sshrl.u32 @!p2 s3, $0x3;
	p4 =	por p0, p1  }
0x131: {  	p0 =	sge.s32 s24, s23;
	s3 =	sadd.s32 @!p2 s2, s3;
	s0 =	sadd.s32 @!p4 $0x1000, s1  }
0x132: {  	[tilespmem:s6], [sflag:$0x8] =	stream.linear.gather @!p2 [hbm4b:s3+s5], $0x800, $0x38;
	[tilespmem:$0x1CB80] =	vst v63  }
0x133: {  	s1 =	simm.s32 @!p4 $0x0;
	s0 =	sshrl.u32 @!p4 s0, $0x3;
	s3 =	simm.s32 @!p4 $0x19B80  }
.Ltmp8:
0x134: {  	s5 =	simm.s32 @!p0 $0x0;
	s0 =	sadd.s32 @!p4 s2, s0;
	(pc) =	sbr.rel @p6 .LBB2_45-.Ltmp8, $4  }
0x135: {  	[tilespmem:s3], [sflag:$0x8] =	stream.linear.gather @!p4 [hbm4b:s0+s1], $0x800, $0x38;
	[tilespmem:$0x1CB80] =	vst v63  }
0x136: {  	s5 =	simm.s32 @p0 $0x1;
	s0 =	sshll.u32 @!p0 s25, $0x5;
	s1 =	simm.s32 @!p0 $0x0  }
0x137: {  	s3 =	simm.s32 @!p0 $0x1A380;
	[smem:$0x7EA] =	sst s5;
	s0 =	sadd.s32 @!p0 s2, s0  }
0x138: {  	[tilespmem:s3], [sflag:$0x8] =	stream.linear.gather @!p0 [hbm4b:s0+s1], $0x800, $0x38;
	[tilespmem:$0x1CB80] =	vst v63  }
.Ltmp9:
0x139: {  	(pc) =	sbr.rel .LBB2_20-.Ltmp9, $3  }
0x13a: {  	_ =	sdelay $0x1  }
0x13b: {  	s1 =	sadd.s32 $0x5, s30  }
0x13c: {  	s0 =	sadd.s32 $0xFFFFFFFF, s30;
	s3 =	smulhi.u32 $0x2AAAAAAB, s1;
	s1 =	simm.s32 $0x0  }
.LBB2_43:
0x13d: {  	v13 =	vadd.f32 v13, v26;
	v52 =	vld [tilespmem:s5+$0x18600]  }
0x13e: {  	v27 =	vadd.f32 v11, v27;
	v24 =	vadd.f32 v20, v24  }
0x13f: {  	v53 =	vld [tilespmem:s5+$0x18680];
	v13 =	vadd.f32 v15, v13  }
0x140: {  	v27 =	vadd.f32 v19, v27;
	v24 =	vadd.f32 v17, v24  }
0x141: {  	v10 =	vmax.f32 v25, v10;
	v8 =	vmax.f32 v21, v8;
	v54 =	vld [tilespmem:s5+$0x18700];
	v13 =	vadd.f32 v22, v13  }
0x142: {  	v56 =	vmax.f32 v23, v11;
	v55 =	vadd.f32 v14, v27;
	v24 =	vadd.f32 v52, v24  }
0x143: {  	s20 =	sor.u32 s29, s5;
	v16 =	vmax.f32 v16, v22;
	v9 =	vmax.f32 v10, v9;
	v8 =	vmax.f32 v8, v20  }
0x144: {  	v57 =	vmax.f32 v56, v19;
	v59 =	vld [tilespmem:s20+$0x1AB80];
	v58 =	vadd.f32 v53, v13;
	v10 =	vadd.f32 v24, v55  }
0x145: {  	v60 =	vld [tilespmem:s20+$0x1BB80];
	v7 =	vmax.f32 v9, v7;
	v8 =	vmax.f32 v8, v17;
	v9 =	vmax.f32 v57, v14  }
0x146: {  	v8 =	vmax.f32 v8, v52;
	v61 =	vadd.f32 v54, v18;
	v10 =	vadd.f32 v58, v10  }
0x147: {  	s6 =	sadd.s32 $0xB, s12;
	v7 =	vmax.f32 v7, v12;
	v62 =	vmax.f32 v16, v53;
	v8 =	vmax.f32 v9, v8  }
0x148: {  	p0 =	sge.u32 s6, s30;
	v7 =	vmax.f32 v7, v54;
	v8 =	vmax.f32 v8, v62;
	v63 =	vadd.f32 v61, v10  }
0x149: {  	s6 =	sshll.u32 @!p0 s6, $0xD;
	v7 =	vmax.f32 v8, v7  }
0x14a: {  	s6 =	sadd.s32 @!p0 s31, s6;
	v7 =	vmax.f32 v59, v7;
	v8 =	vadd.f32 v60, v63  }
0x14b: {  	s6 =	sshrl.u32 @!p0 s6, $0x3;
	[tilespmem:s20+$0x1AB80] =	vst v7  }
0x14c: {  	s7 =	simm.s32 @!p0 $0x16B80;
	s5 =	sadd.s32 @!p0 s2, s6;
	s6 =	simm.s32 @!p0 $0x0;
	[tilespmem:s20+$0x1BB80] =	vst v8  }
0x14d: {  	[tilespmem:s7], [sflag:$0x7] =	stream.linear.gather @!p0 [hbm4b:s5+s6], $0x2000, $0x38;
	[tilespmem:$0x1CB80] =	vst v63  }
.LBB2_44:
0x14e: {  	s1 =	sadd.s32 $0x1, s1  }
0x14f: {  	p0 =	sne.s32 s1, s3  }
.Ltmp10:
0x150: {  	_ = 	snop;
	(pc) =	sbr.rel @!p0 .LBB2_45-.Ltmp10, $1  }
0x151: {  	_ =	sdelay $0x3  }
.LBB2_20:
0x152: {  	s12 =	smul.u32 $0x6, s1;
	_ =	sdelay $0x1  }
0x153: {  	p0 =	sge.u32 s12, s30  }
.Ltmp11:
0x154: {  	_ = 	snop;
	(pc) =	sbr.rel @p0 .LBB2_24-.Ltmp11, $1  }
0x155: {  	_ =	sdelay $0x3  }
0x156: {  	_ =	swait.ge [sflag:s14], $0x2000;
	s13 =	simm.s32 $0x0  }
0x157: {  	[sflag:s14] =	ssyncset.done $0x0;
	s5 =	sand.u32 $0x70, s13;
	s6 =	sand.u32 $0x400, s13  }
0x158: {  	[sflag:s14] =	ssyncadd.s32 $0xFFFFE000;
	s5 =	sor.u32 s5, s6  }
0x159: {  	v12 =	vld [tilespmem:s5+$0xCB80]  }
0x15a: {  	s20 =	sor.u32 s13, s13;
	v7 =	vld [tilespmem:s5+$0xDF00]  }
0x15b: {  	s6 =	sor.u32 $0x380, s20;
	v14 =	vld [tilespmem:s5+$0xD400]  }
0x15c: {  	v9 =	vld [tilespmem:s6+$0xCB80]  }
0x15d: {  	v18 =	vld [tilespmem:s5+$0xD680]  }
0x15e: {  	v19 =	vld [tilespmem:s5+$0xD500]  }
0x15f: {  	v11 =	vld [tilespmem:s5+$0xCD00]  }
0x160: {  	v16 =	vld [tilespmem:s5+$0xD600]  }
0x161: {  	v17 =	vld [tilespmem:s5+$0xD380]  }
0x162: {  	v20 =	vld [tilespmem:s5+$0xD480]  }
0x163: {  	v21 =	vld [tilespmem:s5+$0xCD80]  }
0x164: {  	v15 =	vld [tilespmem:s5+$0xCE80]  }
0x165: {  	v23 =	vld [tilespmem:s5+$0xCC80]  }
0x166: {  	v24 =	vld [tilespmem:s5+$0xCC00]  }
0x167: {  	v22 =	vld [tilespmem:s5+$0xCE00]  }
0x168: {  	v8 =	vld [tilespmem:s5+$0xDC00]  }
0x169: {  	v10 =	vld [tilespmem:s5+$0xD700];
	v13 =	vadd.f32 $0.0e+00, v11  }
0x16a: {  	v31 =	vld [tilespmem:s5+$0xD580];
	v26 =	vmax.f32 v11, v9;
	v27 =	vadd.f32 $0.0e+00, v23;
	v11 =	vmax.f32 v23, v15  }
0x16b: {  	v23 =	vadd.f32 $0.0e+00, v24;
	v28 =	vmax.f32 v11, v20;
	v11 =	vld [tilespmem:s5+$0xDD80];
	v25 =	vadd.f32 v9, v13  }
0x16c: {  	v29 =	vadd.f32 $0.0e+00, v12;
	v9 =	vld [tilespmem:s5+$0xDD00]  }
0x16d: {  	v12 =	vmax.f32 v12, v21;
	v13 =	vld [tilespmem:s5+$0xDC80];
	v23 =	vadd.f32 v22, v23;
	v25 =	vadd.f32 v19, v25  }
0x16e: {  	v27 =	vadd.f32 v15, v27;
	v15 =	vld [tilespmem:s5+$0xDE80];
	v21 =	vadd.f32 v21, v29;
	v22 =	vmax.f32 v24, v22  }
0x16f: {  	v24 =	vmax.f32 v28, v18;
	v28 =	vld [tilespmem:s5+$0xDB80];
	v23 =	vadd.f32 v14, v23;
	v25 =	vadd.f32 v10, v25  }
0x170: {  	v30 =	vmax.f32 v12, v17;
	v12 =	vld [tilespmem:s5+$0xE500];
	v22 =	vmax.f32 v22, v14;
	v17 =	vadd.f32 v17, v21  }
0x171: {  	v21 =	vmax.f32 v22, v16;
	v14 =	vld [tilespmem:s5+$0xE580];
	v23 =	vadd.f32 v16, v23;
	v25 =	vadd.f32 v9, v25  }
0x172: {  	v22 =	vmax.f32 v24, v13;
	v24 =	vadd.f32 v20, v27;
	v20 =	vld [tilespmem:s5+$0xDE00];
	v27 =	vadd.f32 v31, v17  }
0x173: {  	v17 =	vld [tilespmem:s5+$0xE400];
	v16 =	vmax.f32 v22, v15;
	v22 =	vmax.f32 v30, v31;
	v29 =	vadd.f32 v7, v25  }
0x174: {  	v27 =	vadd.f32 v28, v27;
	v25 =	vmax.f32 v26, v19;
	v26 =	vadd.f32 v18, v24;
	v19 =	vld [tilespmem:s5+$0xE380]  }
0x175: {  	s6 =	simm.s32 $0x10;
	v24 =	vadd.f32 v8, v23;
	v23 =	vmax.f32 v22, v28;
	v22 =	vld [tilespmem:s5+$0xE480];
	v18 =	vadd.f32 v12, v29  }
.LBB2_22:
0x176: {  	p6 =	sne.s32 s6, $0xF0  }
0x177: {  	v10 =	vmax.f32 v25, v10;
	v8 =	vmax.f32 v21, v8;
	v13 =	vadd.f32 v13, v26;
	v21 =	vld [tilespmem:s5+$0xE600];
	s13 =	sadd.s32 $0x80, s13;
	s7 =	smov.u32 s6;
	s6 =	sadd.s32 $0x10, s6  }
0x178: {  	v25 =	vadd.f32 v11, v27;
	v8 =	vmax.f32 v8, v20;
	v20 =	vadd.f32 v20, v24;
	v24 =	vld [tilespmem:s5+$0xE700]  }
0x179: {  	v9 =	vmax.f32 v10, v9;
	v10 =	vmax.f32 v23, v11;
	v11 =	vadd.f32 v15, v13;
	v13 =	vld [tilespmem:s5+$0xE680]  }
0x17a: {  	v7 =	vmax.f32 v9, v7;
	v9 =	vadd.f32 v19, v25;
	v15 =	vadd.f32 v17, v20  }
0x17b: {  	v7 =	vmax.f32 v7, v12;
	v16 =	vmax.f32 v16, v22;
	v11 =	vadd.f32 v22, v11  }
0x17c: {  	v8 =	vmax.f32 v8, v17;
	v9 =	vadd.f32 v14, v9;
	v12 =	vadd.f32 v21, v15  }
0x17d: {  	s8 =	sor.u32 s29, s5;
	v7 =	vmax.f32 v7, v24  }
0x17e: {  	v10 =	vmax.f32 v10, v19;
	v11 =	vadd.f32 v13, v11;
	v9 =	vadd.f32 v12, v9;
	v12 =	vld [tilespmem:s8+$0x1AB80]  }
0x17f: {  	v10 =	vmax.f32 v10, v14;
	v8 =	vmax.f32 v8, v21;
	v14 =	vadd.f32 v24, v18;
	v15 =	vld [tilespmem:s8+$0x1BB80]  }
0x180: {  	v8 =	vmax.f32 v10, v8;
	v13 =	vmax.f32 v16, v13;
	v9 =	vadd.f32 v11, v9  }
0x181: {  	v8 =	vmax.f32 v8, v13  }
0x182: {  	v7 =	vmax.f32 v8, v7;
	v8 =	vadd.f32 v14, v9  }
0x183: {  	v7 =	vmax.f32 v12, v7  }
0x184: {  	s5 =	sor.u32 s13, s7;
	[tilespmem:s8+$0x1AB80] =	vst v7;
	v7 =	vadd.f32 v15, v8  }
0x185: {  	s9 =	sand.u32 $0x400, s13;
	s7 =	sand.u32 $0x70, s7;
	s10 =	sor.u32 $0x380, s5  }
0x186: {  	s5 =	sor.u32 s7, s9;
	[tilespmem:s8+$0x1BB80] =	vst v7  }
0x187: {  	v12 =	vld [tilespmem:s5+$0xCB80]  }
0x188: {  	v7 =	vld [tilespmem:s5+$0xDF00]  }
0x189: {  	v14 =	vld [tilespmem:s5+$0xD400]  }
0x18a: {  	v9 =	vld [tilespmem:s10+$0xCB80]  }
0x18b: {  	v18 =	vld [tilespmem:s5+$0xD680]  }
0x18c: {  	v19 =	vld [tilespmem:s5+$0xD500]  }
0x18d: {  	v8 =	vld [tilespmem:s5+$0xCD00]  }
0x18e: {  	v16 =	vld [tilespmem:s5+$0xD600]  }
0x18f: {  	v17 =	vld [tilespmem:s5+$0xD380]  }
0x190: {  	v20 =	vld [tilespmem:s5+$0xD480]  }
0x191: {  	v21 =	vld [tilespmem:s5+$0xCD80]  }
0x192: {  	v22 =	vld [tilespmem:s5+$0xCE00]  }
0x193: {  	v15 =	vld [tilespmem:s5+$0xCE80]  }
0x194: {  	v11 =	vld [tilespmem:s5+$0xCC80]  }
0x195: {  	v23 =	vld [tilespmem:s5+$0xCC00]  }
0x196: {  	v13 =	vadd.f32 $0.0e+00, v8;
	v24 =	vmax.f32 v8, v9;
	v8 =	vld [tilespmem:s5+$0xDC00]  }
0x197: {  	v10 =	vld [tilespmem:s5+$0xD700]  }
0x198: {  	v25 =	vadd.f32 v9, v13;
	v13 =	vld [tilespmem:s5+$0xDC80]  }
0x199: {  	v26 =	vadd.f32 $0.0e+00, v11;
	v11 =	vmax.f32 v11, v15;
	v9 =	vld [tilespmem:s5+$0xDD00]  }
0x19a: {  	v25 =	vadd.f32 v19, v25;
	v27 =	vadd.f32 $0.0e+00, v23;
	v28 =	vmax.f32 v11, v20;
	v11 =	vld [tilespmem:s5+$0xDD80]  }
0x19b: {  	v29 =	vadd.f32 $0.0e+00, v12;
	v12 =	vmax.f32 v12, v21;
	v26 =	vadd.f32 v15, v26;
	v15 =	vld [tilespmem:s5+$0xDE80]  }
0x19c: {  	v30 =	vmax.f32 v12, v17;
	v27 =	vadd.f32 v22, v27;
	v31 =	vld [tilespmem:s5+$0xD580];
	v25 =	vadd.f32 v10, v25  }
0x19d: {  	v21 =	vadd.f32 v21, v29;
	v22 =	vmax.f32 v23, v22;
	v23 =	vmax.f32 v28, v18;
	v12 =	vld [tilespmem:s5+$0xE500]  }
0x19e: {  	v22 =	vmax.f32 v22, v14;
	v27 =	vadd.f32 v14, v27;
	v28 =	vld [tilespmem:s5+$0xDB80];
	v25 =	vadd.f32 v9, v25  }
.Ltmp12:
0x19f: {  	v17 =	vadd.f32 v17, v21;
	v21 =	vmax.f32 v22, v16;
	v22 =	vmax.f32 v23, v13;
	v14 =	vld [tilespmem:s5+$0xE580];
	(pc) =	sbr.rel @p6 .LBB2_22-.Ltmp12, $4  }
0x1a0: {  	v23 =	vadd.f32 v20, v26;
	v27 =	vadd.f32 v16, v27;
	v20 =	vld [tilespmem:s5+$0xDE00];
	v16 =	vmax.f32 v22, v15  }
0x1a1: {  	v22 =	vmax.f32 v30, v31;
	v29 =	vadd.f32 v31, v17;
	v30 =	vadd.f32 v7, v25;
	v17 =	vld [tilespmem:s5+$0xE400]  }
0x1a2: {  	v26 =	vadd.f32 v18, v23;
	v25 =	vmax.f32 v24, v19;
	v24 =	vadd.f32 v8, v27;
	v19 =	vld [tilespmem:s5+$0xE380]  }
0x1a3: {  	v23 =	vmax.f32 v22, v28;
	v27 =	vadd.f32 v28, v29;
	v22 =	vld [tilespmem:s5+$0xE480];
	v18 =	vadd.f32 v12, v30  }
0x1a4: {  	v13 =	vadd.f32 v13, v26;
	v52 =	vld [tilespmem:s5+$0xE600]  }
0x1a5: {  	v27 =	vadd.f32 v11, v27;
	v24 =	vadd.f32 v20, v24  }
0x1a6: {  	v53 =	vld [tilespmem:s5+$0xE680];
	v13 =	vadd.f32 v15, v13  }
0x1a7: {  	v27 =	vadd.f32 v19, v27;
	v24 =	vadd.f32 v17, v24  }
0x1a8: {  	v10 =	vmax.f32 v25, v10;
	v8 =	vmax.f32 v21, v8;
	v54 =	vld [tilespmem:s5+$0xE700];
	v13 =	vadd.f32 v22, v13  }
0x1a9: {  	v9 =	vmax.f32 v10, v9;
	v55 =	vadd.f32 v14, v27;
	v24 =	vadd.f32 v52, v24  }
0x1aa: {  	v56 =	vmax.f32 v23, v11;
	s20 =	sor.u32 s29, s5;
	v8 =	vmax.f32 v8, v20;
	v7 =	vmax.f32 v9, v7  }
0x1ab: {  	v59 =	vld [tilespmem:s20+$0x1AB80];
	v57 =	vmax.f32 v56, v19;
	v58 =	vadd.f32 v53, v13;
	v10 =	vadd.f32 v24, v55  }
0x1ac: {  	v60 =	vld [tilespmem:s20+$0x1BB80];
	v8 =	vmax.f32 v8, v17;
	v16 =	vmax.f32 v16, v22;
	v9 =	vmax.f32 v57, v14  }
0x1ad: {  	v8 =	vmax.f32 v8, v52;
	v61 =	vadd.f32 v54, v18;
	v10 =	vadd.f32 v58, v10  }
0x1ae: {  	s6 =	sadd.s32 $0x6, s12;
	v7 =	vmax.f32 v7, v12;
	v62 =	vmax.f32 v16, v53;
	v8 =	vmax.f32 v9, v8  }
0x1af: {  	p0 =	sge.u32 s6, s30;
	v7 =	vmax.f32 v7, v54;
	v8 =	vmax.f32 v8, v62;
	v63 =	vadd.f32 v61, v10  }
0x1b0: {  	s6 =	sshll.u32 @!p0 s6, $0xD;
	v7 =	vmax.f32 v8, v7  }
0x1b1: {  	s6 =	sadd.s32 @!p0 s31, s6;
	v7 =	vmax.f32 v59, v7;
	v8 =	vadd.f32 v60, v63  }
0x1b2: {  	s6 =	sshrl.u32 @!p0 s6, $0x3;
	[tilespmem:s20+$0x1AB80] =	vst v7  }
0x1b3: {  	s7 =	simm.s32 @!p0 $0xCB80;
	s5 =	sadd.s32 @!p0 s2, s6;
	s6 =	simm.s32 @!p0 $0x0;
	[tilespmem:s20+$0x1BB80] =	vst v8  }
0x1b4: {  	[tilespmem:s7], [sflag:$0x2] =	stream.linear.gather @!p0 [hbm4b:s5+s6], $0x2000, $0x38;
	[tilespmem:$0x1CB80] =	vst v63  }
.LBB2_24:
0x1b5: {  	p0 =	sge.s32 s12, s0  }
.Ltmp13:
0x1b6: {  	_ = 	snop;
	(pc) =	sbr.rel @p0 .LBB2_28-.Ltmp13, $1  }
0x1b7: {  	_ =	sdelay $0x3  }
0x1b8: {  	_ =	swait.ge [sflag:s15], $0x2000;
	s13 =	simm.s32 $0x0  }
0x1b9: {  	[sflag:s15] =	ssyncset.done $0x0;
	s5 =	sand.u32 $0x70, s13;
	s6 =	sand.u32 $0x400, s13  }
0x1ba: {  	[sflag:s15] =	ssyncadd.s32 $0xFFFFE000;
	s5 =	sor.u32 s5, s6  }
0x1bb: {  	v12 =	vld [tilespmem:s5+$0xEB80]  }
0x1bc: {  	s20 =	sor.u32 s13, s13;
	v7 =	vld [tilespmem:s5+$0xFF00]  }
0x1bd: {  	s6 =	sor.u32 $0x380, s20;
	v14 =	vld [tilespmem:s5+$0xF400]  }
0x1be: {  	v9 =	vld [tilespmem:s6+$0xEB80]  }
0x1bf: {  	v18 =	vld [tilespmem:s5+$0xF680]  }
0x1c0: {  	v19 =	vld [tilespmem:s5+$0xF500]  }
0x1c1: {  	v11 =	vld [tilespmem:s5+$0xED00]  }
0x1c2: {  	v16 =	vld [tilespmem:s5+$0xF600]  }
0x1c3: {  	v17 =	vld [tilespmem:s5+$0xF380]  }
0x1c4: {  	v20 =	vld [tilespmem:s5+$0xF480]  }
0x1c5: {  	v21 =	vld [tilespmem:s5+$0xED80]  }
0x1c6: {  	v15 =	vld [tilespmem:s5+$0xEE80]  }
0x1c7: {  	v23 =	vld [tilespmem:s5+$0xEC80]  }
0x1c8: {  	v24 =	vld [tilespmem:s5+$0xEC00]  }
0x1c9: {  	v22 =	vld [tilespmem:s5+$0xEE00]  }
0x1ca: {  	v8 =	vld [tilespmem:s5+$0xFC00]  }
0x1cb: {  	v10 =	vld [tilespmem:s5+$0xF700];
	v13 =	vadd.f32 $0.0e+00, v11  }
0x1cc: {  	v31 =	vld [tilespmem:s5+$0xF580];
	v26 =	vmax.f32 v11, v9;
	v27 =	vadd.f32 $0.0e+00, v23;
	v11 =	vmax.f32 v23, v15  }
0x1cd: {  	v23 =	vadd.f32 $0.0e+00, v24;
	v28 =	vmax.f32 v11, v20;
	v11 =	vld [tilespmem:s5+$0xFD80];
	v25 =	vadd.f32 v9, v13  }
0x1ce: {  	v29 =	vadd.f32 $0.0e+00, v12;
	v9 =	vld [tilespmem:s5+$0xFD00]  }
0x1cf: {  	v12 =	vmax.f32 v12, v21;
	v13 =	vld [tilespmem:s5+$0xFC80];
	v23 =	vadd.f32 v22, v23;
	v25 =	vadd.f32 v19, v25  }
0x1d0: {  	v27 =	vadd.f32 v15, v27;
	v15 =	vld [tilespmem:s5+$0xFE80];
	v21 =	vadd.f32 v21, v29;
	v22 =	vmax.f32 v24, v22  }
0x1d1: {  	v24 =	vmax.f32 v28, v18;
	v28 =	vld [tilespmem:s5+$0xFB80];
	v23 =	vadd.f32 v14, v23;
	v25 =	vadd.f32 v10, v25  }
0x1d2: {  	v30 =	vmax.f32 v12, v17;
	v12 =	vld [tilespmem:s5+$0x10500];
	v22 =	vmax.f32 v22, v14;
	v17 =	vadd.f32 v17, v21  }
0x1d3: {  	v21 =	vmax.f32 v22, v16;
	v14 =	vld [tilespmem:s5+$0x10580];
	v23 =	vadd.f32 v16, v23;
	v25 =	vadd.f32 v9, v25  }
0x1d4: {  	v22 =	vmax.f32 v24, v13;
	v24 =	vadd.f32 v20, v27;
	v20 =	vld [tilespmem:s5+$0xFE00];
	v27 =	vadd.f32 v31, v17  }
0x1d5: {  	v17 =	vld [tilespmem:s5+$0x10400];
	v16 =	vmax.f32 v22, v15;
	v22 =	vmax.f32 v30, v31;
	v29 =	vadd.f32 v7, v25  }
0x1d6: {  	v27 =	vadd.f32 v28, v27;
	v25 =	vmax.f32 v26, v19;
	v26 =	vadd.f32 v18, v24;
	v19 =	vld [tilespmem:s5+$0x10380]  }
0x1d7: {  	s6 =	simm.s32 $0x10;
	v24 =	vadd.f32 v8, v23;
	v23 =	vmax.f32 v22, v28;
	v22 =	vld [tilespmem:s5+$0x10480];
	v18 =	vadd.f32 v12, v29  }
.LBB2_26:
0x1d8: {  	p6 =	sne.s32 s6, $0xF0  }
0x1d9: {  	v10 =	vmax.f32 v25, v10;
	v8 =	vmax.f32 v21, v8;
	v13 =	vadd.f32 v13, v26;
	v21 =	vld [tilespmem:s5+$0x10600];
	s13 =	sadd.s32 $0x80, s13;
	s7 =	smov.u32 s6;
	s6 =	sadd.s32 $0x10, s6  }
0x1da: {  	v25 =	vadd.f32 v11, v27;
	v8 =	vmax.f32 v8, v20;
	v20 =	vadd.f32 v20, v24;
	v24 =	vld [tilespmem:s5+$0x10700]  }
0x1db: {  	v9 =	vmax.f32 v10, v9;
	v10 =	vmax.f32 v23, v11;
	v11 =	vadd.f32 v15, v13;
	v13 =	vld [tilespmem:s5+$0x10680]  }
0x1dc: {  	v7 =	vmax.f32 v9, v7;
	v9 =	vadd.f32 v19, v25;
	v15 =	vadd.f32 v17, v20  }
0x1dd: {  	v7 =	vmax.f32 v7, v12;
	v16 =	vmax.f32 v16, v22;
	v11 =	vadd.f32 v22, v11  }
0x1de: {  	v8 =	vmax.f32 v8, v17;
	v9 =	vadd.f32 v14, v9;
	v12 =	vadd.f32 v21, v15  }
0x1df: {  	s8 =	sor.u32 s29, s5;
	v7 =	vmax.f32 v7, v24  }
0x1e0: {  	v10 =	vmax.f32 v10, v19;
	v11 =	vadd.f32 v13, v11;
	v9 =	vadd.f32 v12, v9;
	v12 =	vld [tilespmem:s8+$0x1AB80]  }
0x1e1: {  	v10 =	vmax.f32 v10, v14;
	v8 =	vmax.f32 v8, v21;
	v14 =	vadd.f32 v24, v18;
	v15 =	vld [tilespmem:s8+$0x1BB80]  }
0x1e2: {  	v8 =	vmax.f32 v10, v8;
	v13 =	vmax.f32 v16, v13;
	v9 =	vadd.f32 v11, v9  }
0x1e3: {  	v8 =	vmax.f32 v8, v13  }
0x1e4: {  	v7 =	vmax.f32 v8, v7;
	v8 =	vadd.f32 v14, v9  }
0x1e5: {  	v7 =	vmax.f32 v12, v7  }
0x1e6: {  	s5 =	sor.u32 s13, s7;
	[tilespmem:s8+$0x1AB80] =	vst v7;
	v7 =	vadd.f32 v15, v8  }
0x1e7: {  	s9 =	sand.u32 $0x400, s13;
	s7 =	sand.u32 $0x70, s7;
	s10 =	sor.u32 $0x380, s5  }
0x1e8: {  	s5 =	sor.u32 s7, s9;
	[tilespmem:s8+$0x1BB80] =	vst v7  }
0x1e9: {  	v12 =	vld [tilespmem:s5+$0xEB80]  }
0x1ea: {  	v7 =	vld [tilespmem:s5+$0xFF00]  }
0x1eb: {  	v14 =	vld [tilespmem:s5+$0xF400]  }
0x1ec: {  	v9 =	vld [tilespmem:s10+$0xEB80]  }
0x1ed: {  	v18 =	vld [tilespmem:s5+$0xF680]  }
0x1ee: {  	v19 =	vld [tilespmem:s5+$0xF500]  }
0x1ef: {  	v8 =	vld [tilespmem:s5+$0xED00]  }
0x1f0: {  	v16 =	vld [tilespmem:s5+$0xF600]  }
0x1f1: {  	v17 =	vld [tilespmem:s5+$0xF380]  }
0x1f2: {  	v20 =	vld [tilespmem:s5+$0xF480]  }
0x1f3: {  	v21 =	vld [tilespmem:s5+$0xED80]  }
0x1f4: {  	v22 =	vld [tilespmem:s5+$0xEE00]  }
0x1f5: {  	v15 =	vld [tilespmem:s5+$0xEE80]  }
0x1f6: {  	v11 =	vld [tilespmem:s5+$0xEC80]  }
0x1f7: {  	v23 =	vld [tilespmem:s5+$0xEC00]  }
0x1f8: {  	v13 =	vadd.f32 $0.0e+00, v8;
	v24 =	vmax.f32 v8, v9;
	v8 =	vld [tilespmem:s5+$0xFC00]  }
0x1f9: {  	v10 =	vld [tilespmem:s5+$0xF700]  }
0x1fa: {  	v25 =	vadd.f32 v9, v13;
	v13 =	vld [tilespmem:s5+$0xFC80]  }
0x1fb: {  	v26 =	vadd.f32 $0.0e+00, v11;
	v11 =	vmax.f32 v11, v15;
	v9 =	vld [tilespmem:s5+$0xFD00]  }
0x1fc: {  	v25 =	vadd.f32 v19, v25;
	v27 =	vadd.f32 $0.0e+00, v23;
	v28 =	vmax.f32 v11, v20;
	v11 =	vld [tilespmem:s5+$0xFD80]  }
0x1fd: {  	v29 =	vadd.f32 $0.0e+00, v12;
	v12 =	vmax.f32 v12, v21;
	v26 =	vadd.f32 v15, v26;
	v15 =	vld [tilespmem:s5+$0xFE80]  }
0x1fe: {  	v30 =	vmax.f32 v12, v17;
	v27 =	vadd.f32 v22, v27;
	v31 =	vld [tilespmem:s5+$0xF580];
	v25 =	vadd.f32 v10, v25  }
0x1ff: {  	v21 =	vadd.f32 v21, v29;
	v22 =	vmax.f32 v23, v22;
	v23 =	vmax.f32 v28, v18;
	v12 =	vld [tilespmem:s5+$0x10500]  }
0x200: {  	v22 =	vmax.f32 v22, v14;
	v27 =	vadd.f32 v14, v27;
	v28 =	vld [tilespmem:s5+$0xFB80];
	v25 =	vadd.f32 v9, v25  }
.Ltmp14:
0x201: {  	v17 =	vadd.f32 v17, v21;
	v21 =	vmax.f32 v22, v16;
	v22 =	vmax.f32 v23, v13;
	v14 =	vld [tilespmem:s5+$0x10580];
	(pc) =	sbr.rel @p6 .LBB2_26-.Ltmp14, $4  }
0x202: {  	v23 =	vadd.f32 v20, v26;
	v27 =	vadd.f32 v16, v27;
	v20 =	vld [tilespmem:s5+$0xFE00];
	v16 =	vmax.f32 v22, v15  }
0x203: {  	v22 =	vmax.f32 v30, v31;
	v29 =	vadd.f32 v31, v17;
	v30 =	vadd.f32 v7, v25;
	v17 =	vld [tilespmem:s5+$0x10400]  }
0x204: {  	v26 =	vadd.f32 v18, v23;
	v25 =	vmax.f32 v24, v19;
	v24 =	vadd.f32 v8, v27;
	v19 =	vld [tilespmem:s5+$0x10380]  }
0x205: {  	v23 =	vmax.f32 v22, v28;
	v27 =	vadd.f32 v28, v29;
	v22 =	vld [tilespmem:s5+$0x10480];
	v18 =	vadd.f32 v12, v30  }
0x206: {  	v13 =	vadd.f32 v13, v26;
	v52 =	vld [tilespmem:s5+$0x10600]  }
0x207: {  	v27 =	vadd.f32 v11, v27;
	v24 =	vadd.f32 v20, v24  }
0x208: {  	v53 =	vld [tilespmem:s5+$0x10680];
	v13 =	vadd.f32 v15, v13  }
0x209: {  	v27 =	vadd.f32 v19, v27;
	v24 =	vadd.f32 v17, v24  }
0x20a: {  	v10 =	vmax.f32 v25, v10;
	v8 =	vmax.f32 v21, v8;
	v54 =	vld [tilespmem:s5+$0x10700];
	v13 =	vadd.f32 v22, v13  }
0x20b: {  	v9 =	vmax.f32 v10, v9;
	v55 =	vadd.f32 v14, v27;
	v24 =	vadd.f32 v52, v24  }
0x20c: {  	v56 =	vmax.f32 v23, v11;
	s20 =	sor.u32 s29, s5;
	v8 =	vmax.f32 v8, v20;
	v7 =	vmax.f32 v9, v7  }
0x20d: {  	v59 =	vld [tilespmem:s20+$0x1AB80];
	v57 =	vmax.f32 v56, v19;
	v58 =	vadd.f32 v53, v13;
	v10 =	vadd.f32 v24, v55  }
0x20e: {  	v60 =	vld [tilespmem:s20+$0x1BB80];
	v8 =	vmax.f32 v8, v17;
	v16 =	vmax.f32 v16, v22;
	v9 =	vmax.f32 v57, v14  }
0x20f: {  	v8 =	vmax.f32 v8, v52;
	v61 =	vadd.f32 v54, v18;
	v10 =	vadd.f32 v58, v10  }
0x210: {  	s6 =	sadd.s32 $0x7, s12;
	v7 =	vmax.f32 v7, v12;
	v62 =	vmax.f32 v16, v53;
	v8 =	vmax.f32 v9, v8  }
0x211: {  	p0 =	sge.u32 s6, s30;
	v7 =	vmax.f32 v7, v54;
	v8 =	vmax.f32 v8, v62;
	v63 =	vadd.f32 v61, v10  }
0x212: {  	s6 =	sshll.u32 @!p0 s6, $0xD;
	v7 =	vmax.f32 v8, v7  }
0x213: {  	s6 =	sadd.s32 @!p0 s31, s6;
	v7 =	vmax.f32 v59, v7;
	v8 =	vadd.f32 v60, v63  }
0x214: {  	s6 =	sshrl.u32 @!p0 s6, $0x3;
	[tilespmem:s20+$0x1AB80] =	vst v7  }
0x215: {  	s7 =	simm.s32 @!p0 $0xEB80;
	s5 =	sadd.s32 @!p0 s2, s6;
	s6 =	simm.s32 @!p0 $0x0;
	[tilespmem:s20+$0x1BB80] =	vst v8  }
0x216: {  	[tilespmem:s7], [sflag:$0x3] =	stream.linear.gather @!p0 [hbm4b:s5+s6], $0x2000, $0x38;
	[tilespmem:$0x1CB80] =	vst v63  }
.LBB2_28:
0x217: {  	s5 =	sadd.s32 $0x2, s12  }
0x218: {  	p0 =	sge.u32 s5, s30  }
.Ltmp15:
0x219: {  	_ = 	snop;
	(pc) =	sbr.rel @p0 .LBB2_32-.Ltmp15, $1  }
0x21a: {  	_ =	sdelay $0x3  }
0x21b: {  	_ =	swait.ge [sflag:s16], $0x2000;
	s13 =	simm.s32 $0x0  }
0x21c: {  	[sflag:s16] =	ssyncset.done $0x0;
	s5 =	sand.u32 $0x70, s13;
	s6 =	sand.u32 $0x400, s13  }
0x21d: {  	[sflag:s16] =	ssyncadd.s32 $0xFFFFE000;
	s5 =	sor.u32 s5, s6  }
0x21e: {  	v12 =	vld [tilespmem:s5+$0x10B80]  }
0x21f: {  	s20 =	sor.u32 s13, s13;
	v7 =	vld [tilespmem:s5+$0x11F00]  }
0x220: {  	s6 =	sor.u32 $0x380, s20;
	v14 =	vld [tilespmem:s5+$0x11400]  }
0x221: {  	v9 =	vld [tilespmem:s6+$0x10B80]  }
0x222: {  	v18 =	vld [tilespmem:s5+$0x11680]  }
0x223: {  	v19 =	vld [tilespmem:s5+$0x11500]  }
0x224: {  	v11 =	vld [tilespmem:s5+$0x10D00]  }
0x225: {  	v16 =	vld [tilespmem:s5+$0x11600]  }
0x226: {  	v17 =	vld [tilespmem:s5+$0x11380]  }
0x227: {  	v20 =	vld [tilespmem:s5+$0x11480]  }
0x228: {  	v21 =	vld [tilespmem:s5+$0x10D80]  }
0x229: {  	v15 =	vld [tilespmem:s5+$0x10E80]  }
0x22a: {  	v23 =	vld [tilespmem:s5+$0x10C80]  }
0x22b: {  	v24 =	vld [tilespmem:s5+$0x10C00]  }
0x22c: {  	v22 =	vld [tilespmem:s5+$0x10E00]  }
0x22d: {  	v8 =	vld [tilespmem:s5+$0x11C00]  }
0x22e: {  	v10 =	vld [tilespmem:s5+$0x11700];
	v13 =	vadd.f32 $0.0e+00, v11  }
0x22f: {  	v31 =	vld [tilespmem:s5+$0x11580];
	v26 =	vmax.f32 v11, v9;
	v27 =	vadd.f32 $0.0e+00, v23;
	v11 =	vmax.f32 v23, v15  }
0x230: {  	v23 =	vadd.f32 $0.0e+00, v24;
	v28 =	vmax.f32 v11, v20;
	v11 =	vld [tilespmem:s5+$0x11D80];
	v25 =	vadd.f32 v9, v13  }
0x231: {  	v29 =	vadd.f32 $0.0e+00, v12;
	v9 =	vld [tilespmem:s5+$0x11D00]  }
0x232: {  	v12 =	vmax.f32 v12, v21;
	v13 =	vld [tilespmem:s5+$0x11C80];
	v23 =	vadd.f32 v22, v23;
	v25 =	vadd.f32 v19, v25  }
0x233: {  	v27 =	vadd.f32 v15, v27;
	v15 =	vld [tilespmem:s5+$0x11E80];
	v21 =	vadd.f32 v21, v29;
	v22 =	vmax.f32 v24, v22  }
0x234: {  	v24 =	vmax.f32 v28, v18;
	v28 =	vld [tilespmem:s5+$0x11B80];
	v23 =	vadd.f32 v14, v23;
	v25 =	vadd.f32 v10, v25  }
0x235: {  	v30 =	vmax.f32 v12, v17;
	v12 =	vld [tilespmem:s5+$0x12500];
	v22 =	vmax.f32 v22, v14;
	v17 =	vadd.f32 v17, v21  }
0x236: {  	v21 =	vmax.f32 v22, v16;
	v14 =	vld [tilespmem:s5+$0x12580];
	v23 =	vadd.f32 v16, v23;
	v25 =	vadd.f32 v9, v25  }
0x237: {  	v22 =	vmax.f32 v24, v13;
	v24 =	vadd.f32 v20, v27;
	v20 =	vld [tilespmem:s5+$0x11E00];
	v27 =	vadd.f32 v31, v17  }
0x238: {  	v17 =	vld [tilespmem:s5+$0x12400];
	v16 =	vmax.f32 v22, v15;
	v22 =	vmax.f32 v30, v31;
	v29 =	vadd.f32 v7, v25  }
0x239: {  	v27 =	vadd.f32 v28, v27;
	v25 =	vmax.f32 v26, v19;
	v26 =	vadd.f32 v18, v24;
	v19 =	vld [tilespmem:s5+$0x12380]  }
0x23a: {  	s6 =	simm.s32 $0x10;
	v24 =	vadd.f32 v8, v23;
	v23 =	vmax.f32 v22, v28;
	v22 =	vld [tilespmem:s5+$0x12480];
	v18 =	vadd.f32 v12, v29  }
.LBB2_30:
0x23b: {  	p6 =	sne.s32 s6, $0xF0  }
0x23c: {  	v10 =	vmax.f32 v25, v10;
	v8 =	vmax.f32 v21, v8;
	v13 =	vadd.f32 v13, v26;
	v21 =	vld [tilespmem:s5+$0x12600];
	s13 =	sadd.s32 $0x80, s13;
	s7 =	smov.u32 s6;
	s6 =	sadd.s32 $0x10, s6  }
0x23d: {  	v25 =	vadd.f32 v11, v27;
	v8 =	vmax.f32 v8, v20;
	v20 =	vadd.f32 v20, v24;
	v24 =	vld [tilespmem:s5+$0x12700]  }
0x23e: {  	v9 =	vmax.f32 v10, v9;
	v10 =	vmax.f32 v23, v11;
	v11 =	vadd.f32 v15, v13;
	v13 =	vld [tilespmem:s5+$0x12680]  }
0x23f: {  	v7 =	vmax.f32 v9, v7;
	v9 =	vadd.f32 v19, v25;
	v15 =	vadd.f32 v17, v20  }
0x240: {  	v7 =	vmax.f32 v7, v12;
	v16 =	vmax.f32 v16, v22;
	v11 =	vadd.f32 v22, v11  }
0x241: {  	v8 =	vmax.f32 v8, v17;
	v9 =	vadd.f32 v14, v9;
	v12 =	vadd.f32 v21, v15  }
0x242: {  	s8 =	sor.u32 s29, s5;
	v7 =	vmax.f32 v7, v24  }
0x243: {  	v10 =	vmax.f32 v10, v19;
	v11 =	vadd.f32 v13, v11;
	v9 =	vadd.f32 v12, v9;
	v12 =	vld [tilespmem:s8+$0x1AB80]  }
0x244: {  	v10 =	vmax.f32 v10, v14;
	v8 =	vmax.f32 v8, v21;
	v14 =	vadd.f32 v24, v18;
	v15 =	vld [tilespmem:s8+$0x1BB80]  }
0x245: {  	v8 =	vmax.f32 v10, v8;
	v13 =	vmax.f32 v16, v13;
	v9 =	vadd.f32 v11, v9  }
0x246: {  	v8 =	vmax.f32 v8, v13  }
0x247: {  	v7 =	vmax.f32 v8, v7;
	v8 =	vadd.f32 v14, v9  }
0x248: {  	v7 =	vmax.f32 v12, v7  }
0x249: {  	s5 =	sor.u32 s13, s7;
	[tilespmem:s8+$0x1AB80] =	vst v7;
	v7 =	vadd.f32 v15, v8  }
0x24a: {  	s9 =	sand.u32 $0x400, s13;
	s7 =	sand.u32 $0x70, s7;
	s10 =	sor.u32 $0x380, s5  }
0x24b: {  	s5 =	sor.u32 s7, s9;
	[tilespmem:s8+$0x1BB80] =	vst v7  }
0x24c: {  	v12 =	vld [tilespmem:s5+$0x10B80]  }
0x24d: {  	v7 =	vld [tilespmem:s5+$0x11F00]  }
0x24e: {  	v14 =	vld [tilespmem:s5+$0x11400]  }
0x24f: {  	v9 =	vld [tilespmem:s10+$0x10B80]  }
0x250: {  	v18 =	vld [tilespmem:s5+$0x11680]  }
0x251: {  	v19 =	vld [tilespmem:s5+$0x11500]  }
0x252: {  	v8 =	vld [tilespmem:s5+$0x10D00]  }
0x253: {  	v16 =	vld [tilespmem:s5+$0x11600]  }
0x254: {  	v17 =	vld [tilespmem:s5+$0x11380]  }
0x255: {  	v20 =	vld [tilespmem:s5+$0x11480]  }
0x256: {  	v21 =	vld [tilespmem:s5+$0x10D80]  }
0x257: {  	v22 =	vld [tilespmem:s5+$0x10E00]  }
0x258: {  	v15 =	vld [tilespmem:s5+$0x10E80]  }
0x259: {  	v11 =	vld [tilespmem:s5+$0x10C80]  }
0x25a: {  	v23 =	vld [tilespmem:s5+$0x10C00]  }
0x25b: {  	v13 =	vadd.f32 $0.0e+00, v8;
	v24 =	vmax.f32 v8, v9;
	v8 =	vld [tilespmem:s5+$0x11C00]  }
0x25c: {  	v10 =	vld [tilespmem:s5+$0x11700]  }
0x25d: {  	v25 =	vadd.f32 v9, v13;
	v13 =	vld [tilespmem:s5+$0x11C80]  }
0x25e: {  	v26 =	vadd.f32 $0.0e+00, v11;
	v11 =	vmax.f32 v11, v15;
	v9 =	vld [tilespmem:s5+$0x11D00]  }
0x25f: {  	v25 =	vadd.f32 v19, v25;
	v27 =	vadd.f32 $0.0e+00, v23;
	v28 =	vmax.f32 v11, v20;
	v11 =	vld [tilespmem:s5+$0x11D80]  }
0x260: {  	v29 =	vadd.f32 $0.0e+00, v12;
	v12 =	vmax.f32 v12, v21;
	v26 =	vadd.f32 v15, v26;
	v15 =	vld [tilespmem:s5+$0x11E80]  }
0x261: {  	v30 =	vmax.f32 v12, v17;
	v27 =	vadd.f32 v22, v27;
	v31 =	vld [tilespmem:s5+$0x11580];
	v25 =	vadd.f32 v10, v25  }
0x262: {  	v21 =	vadd.f32 v21, v29;
	v22 =	vmax.f32 v23, v22;
	v23 =	vmax.f32 v28, v18;
	v12 =	vld [tilespmem:s5+$0x12500]  }
0x263: {  	v22 =	vmax.f32 v22, v14;
	v27 =	vadd.f32 v14, v27;
	v28 =	vld [tilespmem:s5+$0x11B80];
	v25 =	vadd.f32 v9, v25  }
.Ltmp16:
0x264: {  	v17 =	vadd.f32 v17, v21;
	v21 =	vmax.f32 v22, v16;
	v22 =	vmax.f32 v23, v13;
	v14 =	vld [tilespmem:s5+$0x12580];
	(pc) =	sbr.rel @p6 .LBB2_30-.Ltmp16, $4  }
0x265: {  	v23 =	vadd.f32 v20, v26;
	v27 =	vadd.f32 v16, v27;
	v20 =	vld [tilespmem:s5+$0x11E00];
	v16 =	vmax.f32 v22, v15  }
0x266: {  	v22 =	vmax.f32 v30, v31;
	v29 =	vadd.f32 v31, v17;
	v30 =	vadd.f32 v7, v25;
	v17 =	vld [tilespmem:s5+$0x12400]  }
0x267: {  	v26 =	vadd.f32 v18, v23;
	v25 =	vmax.f32 v24, v19;
	v24 =	vadd.f32 v8, v27;
	v19 =	vld [tilespmem:s5+$0x12380]  }
0x268: {  	v23 =	vmax.f32 v22, v28;
	v27 =	vadd.f32 v28, v29;
	v22 =	vld [tilespmem:s5+$0x12480];
	v18 =	vadd.f32 v12, v30  }
0x269: {  	v13 =	vadd.f32 v13, v26;
	v52 =	vld [tilespmem:s5+$0x12600]  }
0x26a: {  	v27 =	vadd.f32 v11, v27;
	v24 =	vadd.f32 v20, v24  }
0x26b: {  	v53 =	vld [tilespmem:s5+$0x12680];
	v13 =	vadd.f32 v15, v13  }
0x26c: {  	v27 =	vadd.f32 v19, v27;
	v24 =	vadd.f32 v17, v24  }
0x26d: {  	v10 =	vmax.f32 v25, v10;
	v8 =	vmax.f32 v21, v8;
	v54 =	vld [tilespmem:s5+$0x12700];
	v13 =	vadd.f32 v22, v13  }
0x26e: {  	v9 =	vmax.f32 v10, v9;
	v55 =	vadd.f32 v14, v27;
	v24 =	vadd.f32 v52, v24  }
0x26f: {  	v56 =	vmax.f32 v23, v11;
	s20 =	sor.u32 s29, s5;
	v8 =	vmax.f32 v8, v20;
	v7 =	vmax.f32 v9, v7  }
0x270: {  	v59 =	vld [tilespmem:s20+$0x1AB80];
	v57 =	vmax.f32 v56, v19;
	v58 =	vadd.f32 v53, v13;
	v10 =	vadd.f32 v24, v55  }
0x271: {  	v60 =	vld [tilespmem:s20+$0x1BB80];
	v8 =	vmax.f32 v8, v17;
	v16 =	vmax.f32 v16, v22;
	v9 =	vmax.f32 v57, v14  }
0x272: {  	v8 =	vmax.f32 v8, v52;
	v61 =	vadd.f32 v54, v18;
	v10 =	vadd.f32 v58, v10  }
0x273: {  	s6 =	sadd.s32 $0x8, s12;
	v7 =	vmax.f32 v7, v12;
	v62 =	vmax.f32 v16, v53;
	v8 =	vmax.f32 v9, v8  }
0x274: {  	p0 =	sge.u32 s6, s30;
	v7 =	vmax.f32 v7, v54;
	v8 =	vmax.f32 v8, v62;
	v63 =	vadd.f32 v61, v10  }
0x275: {  	s6 =	sshll.u32 @!p0 s6, $0xD;
	v7 =	vmax.f32 v8, v7  }
0x276: {  	s6 =	sadd.s32 @!p0 s31, s6;
	v7 =	vmax.f32 v59, v7;
	v8 =	vadd.f32 v60, v63  }
0x277: {  	s6 =	sshrl.u32 @!p0 s6, $0x3;
	[tilespmem:s20+$0x1AB80] =	vst v7  }
0x278: {  	s7 =	simm.s32 @!p0 $0x10B80;
	s5 =	sadd.s32 @!p0 s2, s6;
	s6 =	simm.s32 @!p0 $0x0;
	[tilespmem:s20+$0x1BB80] =	vst v8  }
0x279: {  	[tilespmem:s7], [sflag:$0x4] =	stream.linear.gather @!p0 [hbm4b:s5+s6], $0x2000, $0x38;
	[tilespmem:$0x1CB80] =	vst v63  }
.LBB2_32:
0x27a: {  	s5 =	sadd.s32 $0x3, s12  }
0x27b: {  	p0 =	sge.u32 s5, s30  }
.Ltmp17:
0x27c: {  	_ = 	snop;
	(pc) =	sbr.rel @p0 .LBB2_36-.Ltmp17, $1  }
0x27d: {  	_ =	sdelay $0x3  }
0x27e: {  	_ =	swait.ge [sflag:s17], $0x2000;
	s13 =	simm.s32 $0x0  }
0x27f: {  	[sflag:s17] =	ssyncset.done $0x0;
	s5 =	sand.u32 $0x70, s13;
	s6 =	sand.u32 $0x400, s13  }
0x280: {  	[sflag:s17] =	ssyncadd.s32 $0xFFFFE000;
	s5 =	sor.u32 s5, s6  }
0x281: {  	v12 =	vld [tilespmem:s5+$0x12B80]  }
0x282: {  	s20 =	sor.u32 s13, s13;
	v7 =	vld [tilespmem:s5+$0x13F00]  }
0x283: {  	s6 =	sor.u32 $0x380, s20;
	v14 =	vld [tilespmem:s5+$0x13400]  }
0x284: {  	v9 =	vld [tilespmem:s6+$0x12B80]  }
0x285: {  	v18 =	vld [tilespmem:s5+$0x13680]  }
0x286: {  	v19 =	vld [tilespmem:s5+$0x13500]  }
0x287: {  	v11 =	vld [tilespmem:s5+$0x12D00]  }
0x288: {  	v16 =	vld [tilespmem:s5+$0x13600]  }
0x289: {  	v17 =	vld [tilespmem:s5+$0x13380]  }
0x28a: {  	v20 =	vld [tilespmem:s5+$0x13480]  }
0x28b: {  	v21 =	vld [tilespmem:s5+$0x12D80]  }
0x28c: {  	v15 =	vld [tilespmem:s5+$0x12E80]  }
0x28d: {  	v23 =	vld [tilespmem:s5+$0x12C80]  }
0x28e: {  	v24 =	vld [tilespmem:s5+$0x12C00]  }
0x28f: {  	v22 =	vld [tilespmem:s5+$0x12E00]  }
0x290: {  	v8 =	vld [tilespmem:s5+$0x13C00]  }
0x291: {  	v10 =	vld [tilespmem:s5+$0x13700];
	v13 =	vadd.f32 $0.0e+00, v11  }
0x292: {  	v31 =	vld [tilespmem:s5+$0x13580];
	v26 =	vmax.f32 v11, v9;
	v27 =	vadd.f32 $0.0e+00, v23;
	v11 =	vmax.f32 v23, v15  }
0x293: {  	v23 =	vadd.f32 $0.0e+00, v24;
	v28 =	vmax.f32 v11, v20;
	v11 =	vld [tilespmem:s5+$0x13D80];
	v25 =	vadd.f32 v9, v13  }
0x294: {  	v29 =	vadd.f32 $0.0e+00, v12;
	v9 =	vld [tilespmem:s5+$0x13D00]  }
0x295: {  	v12 =	vmax.f32 v12, v21;
	v13 =	vld [tilespmem:s5+$0x13C80];
	v23 =	vadd.f32 v22, v23;
	v25 =	vadd.f32 v19, v25  }
0x296: {  	v27 =	vadd.f32 v15, v27;
	v15 =	vld [tilespmem:s5+$0x13E80];
	v21 =	vadd.f32 v21, v29;
	v22 =	vmax.f32 v24, v22  }
0x297: {  	v24 =	vmax.f32 v28, v18;
	v28 =	vld [tilespmem:s5+$0x13B80];
	v23 =	vadd.f32 v14, v23;
	v25 =	vadd.f32 v10, v25  }
0x298: {  	v30 =	vmax.f32 v12, v17;
	v12 =	vld [tilespmem:s5+$0x14500];
	v22 =	vmax.f32 v22, v14;
	v17 =	vadd.f32 v17, v21  }
0x299: {  	v21 =	vmax.f32 v22, v16;
	v14 =	vld [tilespmem:s5+$0x14580];
	v23 =	vadd.f32 v16, v23;
	v25 =	vadd.f32 v9, v25  }
0x29a: {  	v22 =	vmax.f32 v24, v13;
	v24 =	vadd.f32 v20, v27;
	v20 =	vld [tilespmem:s5+$0x13E00];
	v27 =	vadd.f32 v31, v17  }
0x29b: {  	v17 =	vld [tilespmem:s5+$0x14400];
	v16 =	vmax.f32 v22, v15;
	v22 =	vmax.f32 v30, v31;
	v29 =	vadd.f32 v7, v25  }
0x29c: {  	v27 =	vadd.f32 v28, v27;
	v25 =	vmax.f32 v26, v19;
	v26 =	vadd.f32 v18, v24;
	v19 =	vld [tilespmem:s5+$0x14380]  }
0x29d: {  	s6 =	simm.s32 $0x10;
	v24 =	vadd.f32 v8, v23;
	v23 =	vmax.f32 v22, v28;
	v22 =	vld [tilespmem:s5+$0x14480];
	v18 =	vadd.f32 v12, v29  }
.LBB2_34:
0x29e: {  	p6 =	sne.s32 s6, $0xF0  }
0x29f: {  	v10 =	vmax.f32 v25, v10;
	v8 =	vmax.f32 v21, v8;
	v13 =	vadd.f32 v13, v26;
	v21 =	vld [tilespmem:s5+$0x14600];
	s13 =	sadd.s32 $0x80, s13;
	s7 =	smov.u32 s6;
	s6 =	sadd.s32 $0x10, s6  }
0x2a0: {  	v25 =	vadd.f32 v11, v27;
	v8 =	vmax.f32 v8, v20;
	v20 =	vadd.f32 v20, v24;
	v24 =	vld [tilespmem:s5+$0x14700]  }
0x2a1: {  	v9 =	vmax.f32 v10, v9;
	v10 =	vmax.f32 v23, v11;
	v11 =	vadd.f32 v15, v13;
	v13 =	vld [tilespmem:s5+$0x14680]  }
0x2a2: {  	v7 =	vmax.f32 v9, v7;
	v9 =	vadd.f32 v19, v25;
	v15 =	vadd.f32 v17, v20  }
0x2a3: {  	v7 =	vmax.f32 v7, v12;
	v16 =	vmax.f32 v16, v22;
	v11 =	vadd.f32 v22, v11  }
0x2a4: {  	v8 =	vmax.f32 v8, v17;
	v9 =	vadd.f32 v14, v9;
	v12 =	vadd.f32 v21, v15  }
0x2a5: {  	s8 =	sor.u32 s29, s5;
	v7 =	vmax.f32 v7, v24  }
0x2a6: {  	v10 =	vmax.f32 v10, v19;
	v11 =	vadd.f32 v13, v11;
	v9 =	vadd.f32 v12, v9;
	v12 =	vld [tilespmem:s8+$0x1AB80]  }
0x2a7: {  	v10 =	vmax.f32 v10, v14;
	v8 =	vmax.f32 v8, v21;
	v14 =	vadd.f32 v24, v18;
	v15 =	vld [tilespmem:s8+$0x1BB80]  }
0x2a8: {  	v8 =	vmax.f32 v10, v8;
	v13 =	vmax.f32 v16, v13;
	v9 =	vadd.f32 v11, v9  }
0x2a9: {  	v8 =	vmax.f32 v8, v13  }
0x2aa: {  	v7 =	vmax.f32 v8, v7;
	v8 =	vadd.f32 v14, v9  }
0x2ab: {  	v7 =	vmax.f32 v12, v7  }
0x2ac: {  	s5 =	sor.u32 s13, s7;
	[tilespmem:s8+$0x1AB80] =	vst v7;
	v7 =	vadd.f32 v15, v8  }
0x2ad: {  	s9 =	sand.u32 $0x400, s13;
	s7 =	sand.u32 $0x70, s7;
	s10 =	sor.u32 $0x380, s5  }
0x2ae: {  	s5 =	sor.u32 s7, s9;
	[tilespmem:s8+$0x1BB80] =	vst v7  }
0x2af: {  	v12 =	vld [tilespmem:s5+$0x12B80]  }
0x2b0: {  	v7 =	vld [tilespmem:s5+$0x13F00]  }
0x2b1: {  	v14 =	vld [tilespmem:s5+$0x13400]  }
0x2b2: {  	v9 =	vld [tilespmem:s10+$0x12B80]  }
0x2b3: {  	v18 =	vld [tilespmem:s5+$0x13680]  }
0x2b4: {  	v19 =	vld [tilespmem:s5+$0x13500]  }
0x2b5: {  	v8 =	vld [tilespmem:s5+$0x12D00]  }
0x2b6: {  	v16 =	vld [tilespmem:s5+$0x13600]  }
0x2b7: {  	v17 =	vld [tilespmem:s5+$0x13380]  }
0x2b8: {  	v20 =	vld [tilespmem:s5+$0x13480]  }
0x2b9: {  	v21 =	vld [tilespmem:s5+$0x12D80]  }
0x2ba: {  	v22 =	vld [tilespmem:s5+$0x12E00]  }
0x2bb: {  	v15 =	vld [tilespmem:s5+$0x12E80]  }
0x2bc: {  	v11 =	vld [tilespmem:s5+$0x12C80]  }
0x2bd: {  	v23 =	vld [tilespmem:s5+$0x12C00]  }
0x2be: {  	v13 =	vadd.f32 $0.0e+00, v8;
	v24 =	vmax.f32 v8, v9;
	v8 =	vld [tilespmem:s5+$0x13C00]  }
0x2bf: {  	v10 =	vld [tilespmem:s5+$0x13700]  }
0x2c0: {  	v25 =	vadd.f32 v9, v13;
	v13 =	vld [tilespmem:s5+$0x13C80]  }
0x2c1: {  	v26 =	vadd.f32 $0.0e+00, v11;
	v11 =	vmax.f32 v11, v15;
	v9 =	vld [tilespmem:s5+$0x13D00]  }
0x2c2: {  	v25 =	vadd.f32 v19, v25;
	v27 =	vadd.f32 $0.0e+00, v23;
	v28 =	vmax.f32 v11, v20;
	v11 =	vld [tilespmem:s5+$0x13D80]  }
0x2c3: {  	v29 =	vadd.f32 $0.0e+00, v12;
	v12 =	vmax.f32 v12, v21;
	v26 =	vadd.f32 v15, v26;
	v15 =	vld [tilespmem:s5+$0x13E80]  }
0x2c4: {  	v30 =	vmax.f32 v12, v17;
	v27 =	vadd.f32 v22, v27;
	v31 =	vld [tilespmem:s5+$0x13580];
	v25 =	vadd.f32 v10, v25  }
0x2c5: {  	v21 =	vadd.f32 v21, v29;
	v22 =	vmax.f32 v23, v22;
	v23 =	vmax.f32 v28, v18;
	v12 =	vld [tilespmem:s5+$0x14500]  }
0x2c6: {  	v22 =	vmax.f32 v22, v14;
	v27 =	vadd.f32 v14, v27;
	v28 =	vld [tilespmem:s5+$0x13B80];
	v25 =	vadd.f32 v9, v25  }
.Ltmp18:
0x2c7: {  	v17 =	vadd.f32 v17, v21;
	v21 =	vmax.f32 v22, v16;
	v22 =	vmax.f32 v23, v13;
	v14 =	vld [tilespmem:s5+$0x14580];
	(pc) =	sbr.rel @p6 .LBB2_34-.Ltmp18, $4  }
0x2c8: {  	v23 =	vadd.f32 v20, v26;
	v27 =	vadd.f32 v16, v27;
	v20 =	vld [tilespmem:s5+$0x13E00];
	v16 =	vmax.f32 v22, v15  }
0x2c9: {  	v22 =	vmax.f32 v30, v31;
	v29 =	vadd.f32 v31, v17;
	v30 =	vadd.f32 v7, v25;
	v17 =	vld [tilespmem:s5+$0x14400]  }
0x2ca: {  	v26 =	vadd.f32 v18, v23;
	v25 =	vmax.f32 v24, v19;
	v24 =	vadd.f32 v8, v27;
	v19 =	vld [tilespmem:s5+$0x14380]  }
0x2cb: {  	v23 =	vmax.f32 v22, v28;
	v27 =	vadd.f32 v28, v29;
	v22 =	vld [tilespmem:s5+$0x14480];
	v18 =	vadd.f32 v12, v30  }
0x2cc: {  	v13 =	vadd.f32 v13, v26;
	v52 =	vld [tilespmem:s5+$0x14600]  }
0x2cd: {  	v27 =	vadd.f32 v11, v27;
	v24 =	vadd.f32 v20, v24  }
0x2ce: {  	v53 =	vld [tilespmem:s5+$0x14680];
	v13 =	vadd.f32 v15, v13  }
0x2cf: {  	v27 =	vadd.f32 v19, v27;
	v24 =	vadd.f32 v17, v24  }
0x2d0: {  	v10 =	vmax.f32 v25, v10;
	v8 =	vmax.f32 v21, v8;
	v54 =	vld [tilespmem:s5+$0x14700];
	v13 =	vadd.f32 v22, v13  }
0x2d1: {  	v9 =	vmax.f32 v10, v9;
	v55 =	vadd.f32 v14, v27;
	v24 =	vadd.f32 v52, v24  }
0x2d2: {  	v56 =	vmax.f32 v23, v11;
	s20 =	sor.u32 s29, s5;
	v8 =	vmax.f32 v8, v20;
	v7 =	vmax.f32 v9, v7  }
0x2d3: {  	v59 =	vld [tilespmem:s20+$0x1AB80];
	v57 =	vmax.f32 v56, v19;
	v58 =	vadd.f32 v53, v13;
	v10 =	vadd.f32 v24, v55  }
0x2d4: {  	v60 =	vld [tilespmem:s20+$0x1BB80];
	v8 =	vmax.f32 v8, v17;
	v16 =	vmax.f32 v16, v22;
	v9 =	vmax.f32 v57, v14  }
0x2d5: {  	v8 =	vmax.f32 v8, v52;
	v61 =	vadd.f32 v54, v18;
	v10 =	vadd.f32 v58, v10  }
0x2d6: {  	s6 =	sadd.s32 $0x9, s12;
	v7 =	vmax.f32 v7, v12;
	v62 =	vmax.f32 v16, v53;
	v8 =	vmax.f32 v9, v8  }
0x2d7: {  	p0 =	sge.u32 s6, s30;
	v7 =	vmax.f32 v7, v54;
	v8 =	vmax.f32 v8, v62;
	v63 =	vadd.f32 v61, v10  }
0x2d8: {  	s6 =	sshll.u32 @!p0 s6, $0xD;
	v7 =	vmax.f32 v8, v7  }
0x2d9: {  	s6 =	sadd.s32 @!p0 s31, s6;
	v7 =	vmax.f32 v59, v7;
	v8 =	vadd.f32 v60, v63  }
0x2da: {  	s6 =	sshrl.u32 @!p0 s6, $0x3;
	[tilespmem:s20+$0x1AB80] =	vst v7  }
0x2db: {  	s7 =	simm.s32 @!p0 $0x12B80;
	s5 =	sadd.s32 @!p0 s2, s6;
	s6 =	simm.s32 @!p0 $0x0;
	[tilespmem:s20+$0x1BB80] =	vst v8  }
0x2dc: {  	[tilespmem:s7], [sflag:$0x5] =	stream.linear.gather @!p0 [hbm4b:s5+s6], $0x2000, $0x38;
	[tilespmem:$0x1CB80] =	vst v63  }
.LBB2_36:
0x2dd: {  	s5 =	sadd.s32 $0x4, s12  }
0x2de: {  	p0 =	sge.u32 s5, s30  }
.Ltmp19:
0x2df: {  	_ = 	snop;
	(pc) =	sbr.rel @p0 .LBB2_40-.Ltmp19, $1  }
0x2e0: {  	_ =	sdelay $0x3  }
0x2e1: {  	_ =	swait.ge [sflag:s18], $0x2000;
	s13 =	simm.s32 $0x0  }
0x2e2: {  	[sflag:s18] =	ssyncset.done $0x0;
	s5 =	sand.u32 $0x70, s13;
	s6 =	sand.u32 $0x400, s13  }
0x2e3: {  	[sflag:s18] =	ssyncadd.s32 $0xFFFFE000;
	s5 =	sor.u32 s5, s6  }
0x2e4: {  	v12 =	vld [tilespmem:s5+$0x14B80]  }
0x2e5: {  	s20 =	sor.u32 s13, s13;
	v7 =	vld [tilespmem:s5+$0x15F00]  }
0x2e6: {  	s6 =	sor.u32 $0x380, s20;
	v14 =	vld [tilespmem:s5+$0x15400]  }
0x2e7: {  	v9 =	vld [tilespmem:s6+$0x14B80]  }
0x2e8: {  	v18 =	vld [tilespmem:s5+$0x15680]  }
0x2e9: {  	v19 =	vld [tilespmem:s5+$0x15500]  }
0x2ea: {  	v11 =	vld [tilespmem:s5+$0x14D00]  }
0x2eb: {  	v16 =	vld [tilespmem:s5+$0x15600]  }
0x2ec: {  	v17 =	vld [tilespmem:s5+$0x15380]  }
0x2ed: {  	v20 =	vld [tilespmem:s5+$0x15480]  }
0x2ee: {  	v21 =	vld [tilespmem:s5+$0x14D80]  }
0x2ef: {  	v15 =	vld [tilespmem:s5+$0x14E80]  }
0x2f0: {  	v23 =	vld [tilespmem:s5+$0x14C80]  }
0x2f1: {  	v24 =	vld [tilespmem:s5+$0x14C00]  }
0x2f2: {  	v22 =	vld [tilespmem:s5+$0x14E00]  }
0x2f3: {  	v8 =	vld [tilespmem:s5+$0x15C00]  }
0x2f4: {  	v10 =	vld [tilespmem:s5+$0x15700];
	v13 =	vadd.f32 $0.0e+00, v11  }
0x2f5: {  	v31 =	vld [tilespmem:s5+$0x15580];
	v26 =	vmax.f32 v11, v9;
	v27 =	vadd.f32 $0.0e+00, v23;
	v11 =	vmax.f32 v23, v15  }
0x2f6: {  	v23 =	vadd.f32 $0.0e+00, v24;
	v28 =	vmax.f32 v11, v20;
	v11 =	vld [tilespmem:s5+$0x15D80];
	v25 =	vadd.f32 v9, v13  }
0x2f7: {  	v29 =	vadd.f32 $0.0e+00, v12;
	v9 =	vld [tilespmem:s5+$0x15D00]  }
0x2f8: {  	v12 =	vmax.f32 v12, v21;
	v13 =	vld [tilespmem:s5+$0x15C80];
	v23 =	vadd.f32 v22, v23;
	v25 =	vadd.f32 v19, v25  }
0x2f9: {  	v27 =	vadd.f32 v15, v27;
	v15 =	vld [tilespmem:s5+$0x15E80];
	v21 =	vadd.f32 v21, v29;
	v22 =	vmax.f32 v24, v22  }
0x2fa: {  	v24 =	vmax.f32 v28, v18;
	v28 =	vld [tilespmem:s5+$0x15B80];
	v23 =	vadd.f32 v14, v23;
	v25 =	vadd.f32 v10, v25  }
0x2fb: {  	v30 =	vmax.f32 v12, v17;
	v12 =	vld [tilespmem:s5+$0x16500];
	v22 =	vmax.f32 v22, v14;
	v17 =	vadd.f32 v17, v21  }
0x2fc: {  	v21 =	vmax.f32 v22, v16;
	v14 =	vld [tilespmem:s5+$0x16580];
	v23 =	vadd.f32 v16, v23;
	v25 =	vadd.f32 v9, v25  }
0x2fd: {  	v22 =	vmax.f32 v24, v13;
	v24 =	vadd.f32 v20, v27;
	v20 =	vld [tilespmem:s5+$0x15E00];
	v27 =	vadd.f32 v31, v17  }
0x2fe: {  	v17 =	vld [tilespmem:s5+$0x16400];
	v16 =	vmax.f32 v22, v15;
	v22 =	vmax.f32 v30, v31;
	v29 =	vadd.f32 v7, v25  }
0x2ff: {  	v27 =	vadd.f32 v28, v27;
	v25 =	vmax.f32 v26, v19;
	v26 =	vadd.f32 v18, v24;
	v19 =	vld [tilespmem:s5+$0x16380]  }
0x300: {  	s6 =	simm.s32 $0x10;
	v24 =	vadd.f32 v8, v23;
	v23 =	vmax.f32 v22, v28;
	v22 =	vld [tilespmem:s5+$0x16480];
	v18 =	vadd.f32 v12, v29  }
.LBB2_38:
0x301: {  	p6 =	sne.s32 s6, $0xF0  }
0x302: {  	v10 =	vmax.f32 v25, v10;
	v8 =	vmax.f32 v21, v8;
	v13 =	vadd.f32 v13, v26;
	v21 =	vld [tilespmem:s5+$0x16600];
	s13 =	sadd.s32 $0x80, s13;
	s7 =	smov.u32 s6;
	s6 =	sadd.s32 $0x10, s6  }
0x303: {  	v25 =	vadd.f32 v11, v27;
	v8 =	vmax.f32 v8, v20;
	v20 =	vadd.f32 v20, v24;
	v24 =	vld [tilespmem:s5+$0x16700]  }
0x304: {  	v9 =	vmax.f32 v10, v9;
	v10 =	vmax.f32 v23, v11;
	v11 =	vadd.f32 v15, v13;
	v13 =	vld [tilespmem:s5+$0x16680]  }
0x305: {  	v7 =	vmax.f32 v9, v7;
	v9 =	vadd.f32 v19, v25;
	v15 =	vadd.f32 v17, v20  }
0x306: {  	v7 =	vmax.f32 v7, v12;
	v16 =	vmax.f32 v16, v22;
	v11 =	vadd.f32 v22, v11  }
0x307: {  	v8 =	vmax.f32 v8, v17;
	v9 =	vadd.f32 v14, v9;
	v12 =	vadd.f32 v21, v15  }
0x308: {  	s8 =	sor.u32 s29, s5;
	v7 =	vmax.f32 v7, v24  }
0x309: {  	v10 =	vmax.f32 v10, v19;
	v11 =	vadd.f32 v13, v11;
	v9 =	vadd.f32 v12, v9;
	v12 =	vld [tilespmem:s8+$0x1AB80]  }
0x30a: {  	v10 =	vmax.f32 v10, v14;
	v8 =	vmax.f32 v8, v21;
	v14 =	vadd.f32 v24, v18;
	v15 =	vld [tilespmem:s8+$0x1BB80]  }
0x30b: {  	v8 =	vmax.f32 v10, v8;
	v13 =	vmax.f32 v16, v13;
	v9 =	vadd.f32 v11, v9  }
0x30c: {  	v8 =	vmax.f32 v8, v13  }
0x30d: {  	v7 =	vmax.f32 v8, v7;
	v8 =	vadd.f32 v14, v9  }
0x30e: {  	v7 =	vmax.f32 v12, v7  }
0x30f: {  	s5 =	sor.u32 s13, s7;
	[tilespmem:s8+$0x1AB80] =	vst v7;
	v7 =	vadd.f32 v15, v8  }
0x310: {  	s9 =	sand.u32 $0x400, s13;
	s7 =	sand.u32 $0x70, s7;
	s10 =	sor.u32 $0x380, s5  }
0x311: {  	s5 =	sor.u32 s7, s9;
	[tilespmem:s8+$0x1BB80] =	vst v7  }
0x312: {  	v12 =	vld [tilespmem:s5+$0x14B80]  }
0x313: {  	v7 =	vld [tilespmem:s5+$0x15F00]  }
0x314: {  	v14 =	vld [tilespmem:s5+$0x15400]  }
0x315: {  	v9 =	vld [tilespmem:s10+$0x14B80]  }
0x316: {  	v18 =	vld [tilespmem:s5+$0x15680]  }
0x317: {  	v19 =	vld [tilespmem:s5+$0x15500]  }
0x318: {  	v8 =	vld [tilespmem:s5+$0x14D00]  }
0x319: {  	v16 =	vld [tilespmem:s5+$0x15600]  }
0x31a: {  	v17 =	vld [tilespmem:s5+$0x15380]  }
0x31b: {  	v20 =	vld [tilespmem:s5+$0x15480]  }
0x31c: {  	v21 =	vld [tilespmem:s5+$0x14D80]  }
0x31d: {  	v22 =	vld [tilespmem:s5+$0x14E00]  }
0x31e: {  	v15 =	vld [tilespmem:s5+$0x14E80]  }
0x31f: {  	v11 =	vld [tilespmem:s5+$0x14C80]  }
0x320: {  	v23 =	vld [tilespmem:s5+$0x14C00]  }
0x321: {  	v13 =	vadd.f32 $0.0e+00, v8;
	v24 =	vmax.f32 v8, v9;
	v8 =	vld [tilespmem:s5+$0x15C00]  }
0x322: {  	v10 =	vld [tilespmem:s5+$0x15700]  }
0x323: {  	v25 =	vadd.f32 v9, v13;
	v13 =	vld [tilespmem:s5+$0x15C80]  }
0x324: {  	v26 =	vadd.f32 $0.0e+00, v11;
	v11 =	vmax.f32 v11, v15;
	v9 =	vld [tilespmem:s5+$0x15D00]  }
0x325: {  	v25 =	vadd.f32 v19, v25;
	v27 =	vadd.f32 $0.0e+00, v23;
	v28 =	vmax.f32 v11, v20;
	v11 =	vld [tilespmem:s5+$0x15D80]  }
0x326: {  	v29 =	vadd.f32 $0.0e+00, v12;
	v12 =	vmax.f32 v12, v21;
	v26 =	vadd.f32 v15, v26;
	v15 =	vld [tilespmem:s5+$0x15E80]  }
0x327: {  	v30 =	vmax.f32 v12, v17;
	v27 =	vadd.f32 v22, v27;
	v31 =	vld [tilespmem:s5+$0x15580];
	v25 =	vadd.f32 v10, v25  }
0x328: {  	v21 =	vadd.f32 v21, v29;
	v22 =	vmax.f32 v23, v22;
	v23 =	vmax.f32 v28, v18;
	v12 =	vld [tilespmem:s5+$0x16500]  }
0x329: {  	v22 =	vmax.f32 v22, v14;
	v27 =	vadd.f32 v14, v27;
	v28 =	vld [tilespmem:s5+$0x15B80];
	v25 =	vadd.f32 v9, v25  }
.Ltmp20:
0x32a: {  	v17 =	vadd.f32 v17, v21;
	v21 =	vmax.f32 v22, v16;
	v22 =	vmax.f32 v23, v13;
	v14 =	vld [tilespmem:s5+$0x16580];
	(pc) =	sbr.rel @p6 .LBB2_38-.Ltmp20, $4  }
0x32b: {  	v23 =	vadd.f32 v20, v26;
	v27 =	vadd.f32 v16, v27;
	v20 =	vld [tilespmem:s5+$0x15E00];
	v16 =	vmax.f32 v22, v15  }
0x32c: {  	v22 =	vmax.f32 v30, v31;
	v29 =	vadd.f32 v31, v17;
	v30 =	vadd.f32 v7, v25;
	v17 =	vld [tilespmem:s5+$0x16400]  }
0x32d: {  	v26 =	vadd.f32 v18, v23;
	v25 =	vmax.f32 v24, v19;
	v24 =	vadd.f32 v8, v27;
	v19 =	vld [tilespmem:s5+$0x16380]  }
0x32e: {  	v23 =	vmax.f32 v22, v28;
	v27 =	vadd.f32 v28, v29;
	v22 =	vld [tilespmem:s5+$0x16480];
	v18 =	vadd.f32 v12, v30  }
0x32f: {  	v13 =	vadd.f32 v13, v26;
	v52 =	vld [tilespmem:s5+$0x16600]  }
0x330: {  	v27 =	vadd.f32 v11, v27;
	v24 =	vadd.f32 v20, v24  }
0x331: {  	v53 =	vld [tilespmem:s5+$0x16680];
	v13 =	vadd.f32 v15, v13  }
0x332: {  	v27 =	vadd.f32 v19, v27;
	v24 =	vadd.f32 v17, v24  }
0x333: {  	v10 =	vmax.f32 v25, v10;
	v8 =	vmax.f32 v21, v8;
	v54 =	vld [tilespmem:s5+$0x16700];
	v13 =	vadd.f32 v22, v13  }
0x334: {  	v9 =	vmax.f32 v10, v9;
	v55 =	vadd.f32 v14, v27;
	v24 =	vadd.f32 v52, v24  }
0x335: {  	v56 =	vmax.f32 v23, v11;
	s20 =	sor.u32 s29, s5;
	v8 =	vmax.f32 v8, v20;
	v7 =	vmax.f32 v9, v7  }
0x336: {  	v59 =	vld [tilespmem:s20+$0x1AB80];
	v57 =	vmax.f32 v56, v19;
	v58 =	vadd.f32 v53, v13;
	v10 =	vadd.f32 v24, v55  }
0x337: {  	v60 =	vld [tilespmem:s20+$0x1BB80];
	v8 =	vmax.f32 v8, v17;
	v16 =	vmax.f32 v16, v22;
	v9 =	vmax.f32 v57, v14  }
0x338: {  	v8 =	vmax.f32 v8, v52;
	v61 =	vadd.f32 v54, v18;
	v10 =	vadd.f32 v58, v10  }
0x339: {  	s6 =	sadd.s32 $0xA, s12;
	v7 =	vmax.f32 v7, v12;
	v62 =	vmax.f32 v16, v53;
	v8 =	vmax.f32 v9, v8  }
0x33a: {  	p0 =	sge.u32 s6, s30;
	v7 =	vmax.f32 v7, v54;
	v8 =	vmax.f32 v8, v62;
	v63 =	vadd.f32 v61, v10  }
0x33b: {  	s6 =	sshll.u32 @!p0 s6, $0xD;
	v7 =	vmax.f32 v8, v7  }
0x33c: {  	s6 =	sadd.s32 @!p0 s31, s6;
	v7 =	vmax.f32 v59, v7;
	v8 =	vadd.f32 v60, v63  }
0x33d: {  	s6 =	sshrl.u32 @!p0 s6, $0x3;
	[tilespmem:s20+$0x1AB80] =	vst v7  }
0x33e: {  	s7 =	simm.s32 @!p0 $0x14B80;
	s5 =	sadd.s32 @!p0 s2, s6;
	s6 =	simm.s32 @!p0 $0x0;
	[tilespmem:s20+$0x1BB80] =	vst v8  }
0x33f: {  	[tilespmem:s7], [sflag:$0x6] =	stream.linear.gather @!p0 [hbm4b:s5+s6], $0x2000, $0x38;
	[tilespmem:$0x1CB80] =	vst v63  }
.LBB2_40:
0x340: {  	s5 =	sadd.s32 $0x5, s12  }
0x341: {  	p0 =	sge.u32 s5, s30  }
.Ltmp21:
0x342: {  	_ = 	snop;
	(pc) =	sbr.rel @p0 .LBB2_44-.Ltmp21, $1  }
0x343: {  	_ =	sdelay $0x3  }
0x344: {  	_ =	swait.ge [sflag:s19], $0x2000;
	s13 =	simm.s32 $0x0  }
0x345: {  	[sflag:s19] =	ssyncset.done $0x0;
	s5 =	sand.u32 $0x70, s13;
	s6 =	sand.u32 $0x400, s13  }
0x346: {  	[sflag:s19] =	ssyncadd.s32 $0xFFFFE000;
	s5 =	sor.u32 s5, s6  }
0x347: {  	v12 =	vld [tilespmem:s5+$0x16B80]  }
0x348: {  	s20 =	sor.u32 s13, s13;
	v7 =	vld [tilespmem:s5+$0x17F00]  }
0x349: {  	s6 =	sor.u32 $0x380, s20;
	v14 =	vld [tilespmem:s5+$0x17400]  }
0x34a: {  	v9 =	vld [tilespmem:s6+$0x16B80]  }
0x34b: {  	v18 =	vld [tilespmem:s5+$0x17680]  }
0x34c: {  	v19 =	vld [tilespmem:s5+$0x17500]  }
0x34d: {  	v11 =	vld [tilespmem:s5+$0x16D00]  }
0x34e: {  	v16 =	vld [tilespmem:s5+$0x17600]  }
0x34f: {  	v17 =	vld [tilespmem:s5+$0x17380]  }
0x350: {  	v20 =	vld [tilespmem:s5+$0x17480]  }
0x351: {  	v21 =	vld [tilespmem:s5+$0x16D80]  }
0x352: {  	v15 =	vld [tilespmem:s5+$0x16E80]  }
0x353: {  	v23 =	vld [tilespmem:s5+$0x16C80]  }
0x354: {  	v24 =	vld [tilespmem:s5+$0x16C00]  }
0x355: {  	v22 =	vld [tilespmem:s5+$0x16E00]  }
0x356: {  	v8 =	vld [tilespmem:s5+$0x17C00]  }
0x357: {  	v10 =	vld [tilespmem:s5+$0x17700];
	v13 =	vadd.f32 $0.0e+00, v11  }
0x358: {  	v31 =	vld [tilespmem:s5+$0x17580];
	v26 =	vmax.f32 v11, v9;
	v27 =	vadd.f32 $0.0e+00, v23;
	v11 =	vmax.f32 v23, v15  }
0x359: {  	v23 =	vadd.f32 $0.0e+00, v24;
	v28 =	vmax.f32 v11, v20;
	v11 =	vld [tilespmem:s5+$0x17D80];
	v25 =	vadd.f32 v9, v13  }
0x35a: {  	v29 =	vadd.f32 $0.0e+00, v12;
	v9 =	vld [tilespmem:s5+$0x17D00]  }
0x35b: {  	v12 =	vmax.f32 v12, v21;
	v13 =	vld [tilespmem:s5+$0x17C80];
	v23 =	vadd.f32 v22, v23;
	v25 =	vadd.f32 v19, v25  }
0x35c: {  	v27 =	vadd.f32 v15, v27;
	v15 =	vld [tilespmem:s5+$0x17E80];
	v21 =	vadd.f32 v21, v29;
	v22 =	vmax.f32 v24, v22  }
0x35d: {  	v24 =	vmax.f32 v28, v18;
	v28 =	vld [tilespmem:s5+$0x17B80];
	v23 =	vadd.f32 v14, v23;
	v25 =	vadd.f32 v10, v25  }
0x35e: {  	v30 =	vmax.f32 v12, v17;
	v12 =	vld [tilespmem:s5+$0x18500];
	v22 =	vmax.f32 v22, v14;
	v17 =	vadd.f32 v17, v21  }
0x35f: {  	v21 =	vmax.f32 v22, v16;
	v14 =	vld [tilespmem:s5+$0x18580];
	v23 =	vadd.f32 v16, v23;
	v25 =	vadd.f32 v9, v25  }
0x360: {  	v22 =	vmax.f32 v24, v13;
	v24 =	vadd.f32 v20, v27;
	v20 =	vld [tilespmem:s5+$0x17E00];
	v27 =	vadd.f32 v31, v17  }
0x361: {  	v17 =	vld [tilespmem:s5+$0x18400];
	v16 =	vmax.f32 v22, v15;
	v22 =	vmax.f32 v30, v31;
	v29 =	vadd.f32 v7, v25  }
0x362: {  	v27 =	vadd.f32 v28, v27;
	v25 =	vmax.f32 v26, v19;
	v26 =	vadd.f32 v18, v24;
	v19 =	vld [tilespmem:s5+$0x18380]  }
0x363: {  	s6 =	simm.s32 $0x10;
	v24 =	vadd.f32 v8, v23;
	v23 =	vmax.f32 v22, v28;
	v22 =	vld [tilespmem:s5+$0x18480];
	v18 =	vadd.f32 v12, v29  }
.LBB2_42:
0x364: {  	p6 =	sne.s32 s6, $0xF0  }
0x365: {  	v10 =	vmax.f32 v25, v10;
	v8 =	vmax.f32 v21, v8;
	v13 =	vadd.f32 v13, v26;
	v21 =	vld [tilespmem:s5+$0x18600];
	s13 =	sadd.s32 $0x80, s13;
	s7 =	smov.u32 s6;
	s6 =	sadd.s32 $0x10, s6  }
0x366: {  	v25 =	vadd.f32 v11, v27;
	v8 =	vmax.f32 v8, v20;
	v20 =	vadd.f32 v20, v24;
	v24 =	vld [tilespmem:s5+$0x18700]  }
0x367: {  	v9 =	vmax.f32 v10, v9;
	v10 =	vmax.f32 v23, v11;
	v11 =	vadd.f32 v15, v13;
	v13 =	vld [tilespmem:s5+$0x18680]  }
0x368: {  	v7 =	vmax.f32 v9, v7;
	v9 =	vadd.f32 v19, v25;
	v15 =	vadd.f32 v17, v20  }
0x369: {  	v16 =	vmax.f32 v16, v22;
	v7 =	vmax.f32 v7, v12;
	v11 =	vadd.f32 v22, v11  }
0x36a: {  	v8 =	vmax.f32 v8, v17;
	v9 =	vadd.f32 v14, v9;
	v12 =	vadd.f32 v21, v15  }
0x36b: {  	s8 =	sor.u32 s29, s5;
	v7 =	vmax.f32 v7, v24  }
0x36c: {  	v10 =	vmax.f32 v10, v19;
	v11 =	vadd.f32 v13, v11;
	v9 =	vadd.f32 v12, v9;
	v12 =	vld [tilespmem:s8+$0x1AB80]  }
0x36d: {  	v10 =	vmax.f32 v10, v14;
	v8 =	vmax.f32 v8, v21;
	v14 =	vadd.f32 v24, v18;
	v15 =	vld [tilespmem:s8+$0x1BB80]  }
0x36e: {  	v8 =	vmax.f32 v10, v8;
	v13 =	vmax.f32 v16, v13;
	v9 =	vadd.f32 v11, v9  }
0x36f: {  	v8 =	vmax.f32 v8, v13  }
0x370: {  	v7 =	vmax.f32 v8, v7;
	v8 =	vadd.f32 v14, v9  }
0x371: {  	v7 =	vmax.f32 v12, v7  }
0x372: {  	s5 =	sor.u32 s13, s7;
	[tilespmem:s8+$0x1AB80] =	vst v7;
	v7 =	vadd.f32 v15, v8  }
0x373: {  	s9 =	sand.u32 $0x400, s13;
	s7 =	sand.u32 $0x70, s7;
	s10 =	sor.u32 $0x380, s5  }
0x374: {  	s5 =	sor.u32 s7, s9;
	[tilespmem:s8+$0x1BB80] =	vst v7  }
0x375: {  	v12 =	vld [tilespmem:s5+$0x16B80]  }
0x376: {  	v7 =	vld [tilespmem:s5+$0x17F00]  }
0x377: {  	v14 =	vld [tilespmem:s5+$0x17400]  }
0x378: {  	v9 =	vld [tilespmem:s10+$0x16B80]  }
0x379: {  	v18 =	vld [tilespmem:s5+$0x17680]  }
0x37a: {  	v19 =	vld [tilespmem:s5+$0x17500]  }
0x37b: {  	v8 =	vld [tilespmem:s5+$0x16D00]  }
0x37c: {  	v16 =	vld [tilespmem:s5+$0x17600]  }
0x37d: {  	v17 =	vld [tilespmem:s5+$0x17380]  }
0x37e: {  	v20 =	vld [tilespmem:s5+$0x17480]  }
0x37f: {  	v21 =	vld [tilespmem:s5+$0x16D80]  }
0x380: {  	v22 =	vld [tilespmem:s5+$0x16E00]  }
0x381: {  	v15 =	vld [tilespmem:s5+$0x16E80]  }
0x382: {  	v11 =	vld [tilespmem:s5+$0x16C80]  }
0x383: {  	v23 =	vld [tilespmem:s5+$0x16C00]  }
0x384: {  	v13 =	vadd.f32 $0.0e+00, v8;
	v24 =	vmax.f32 v8, v9;
	v8 =	vld [tilespmem:s5+$0x17C00]  }
0x385: {  	v10 =	vld [tilespmem:s5+$0x17700]  }
0x386: {  	v25 =	vadd.f32 v9, v13;
	v13 =	vld [tilespmem:s5+$0x17C80]  }
0x387: {  	v26 =	vadd.f32 $0.0e+00, v11;
	v11 =	vmax.f32 v11, v15;
	v9 =	vld [tilespmem:s5+$0x17D00]  }
0x388: {  	v25 =	vadd.f32 v19, v25;
	v27 =	vadd.f32 $0.0e+00, v23;
	v28 =	vmax.f32 v11, v20;
	v11 =	vld [tilespmem:s5+$0x17D80]  }
0x389: {  	v29 =	vadd.f32 $0.0e+00, v12;
	v12 =	vmax.f32 v12, v21;
	v26 =	vadd.f32 v15, v26;
	v15 =	vld [tilespmem:s5+$0x17E80]  }
0x38a: {  	v30 =	vmax.f32 v12, v17;
	v27 =	vadd.f32 v22, v27;
	v31 =	vld [tilespmem:s5+$0x17580];
	v25 =	vadd.f32 v10, v25  }
0x38b: {  	v21 =	vadd.f32 v21, v29;
	v22 =	vmax.f32 v23, v22;
	v23 =	vmax.f32 v28, v18;
	v12 =	vld [tilespmem:s5+$0x18500]  }
0x38c: {  	v22 =	vmax.f32 v22, v14;
	v27 =	vadd.f32 v14, v27;
	v28 =	vld [tilespmem:s5+$0x17B80];
	v25 =	vadd.f32 v9, v25  }
.Ltmp22:
0x38d: {  	v17 =	vadd.f32 v17, v21;
	v21 =	vmax.f32 v22, v16;
	v22 =	vmax.f32 v23, v13;
	v14 =	vld [tilespmem:s5+$0x18580];
	(pc) =	sbr.rel @p6 .LBB2_42-.Ltmp22, $4  }
0x38e: {  	v23 =	vadd.f32 v20, v26;
	v27 =	vadd.f32 v16, v27;
	v20 =	vld [tilespmem:s5+$0x17E00];
	v16 =	vmax.f32 v22, v15  }
0x38f: {  	v22 =	vmax.f32 v30, v31;
	v29 =	vadd.f32 v31, v17;
	v30 =	vadd.f32 v7, v25;
	v17 =	vld [tilespmem:s5+$0x18400]  }
0x390: {  	v26 =	vadd.f32 v18, v23;
	v25 =	vmax.f32 v24, v19;
	v24 =	vadd.f32 v8, v27;
	v19 =	vld [tilespmem:s5+$0x18380]  }
0x391: {  	v23 =	vmax.f32 v22, v28;
	v27 =	vadd.f32 v28, v29;
	v22 =	vld [tilespmem:s5+$0x18480];
	v18 =	vadd.f32 v12, v30  }
.Ltmp23:
0x392: {  	_ = 	snop;
	(pc) =	sbr.rel .LBB2_43-.Ltmp23, $1  }
0x393: {  	_ =	sdelay $0x3  }
.LBB2_45:
.Ltmp24:
0x394: {  	(pc) =	sbr.rel @p1 .LBB2_49-.Ltmp24, $1  }
0x395: {  	_ =	sdelay $0x3  }
0x396: {  	_ =	swait.ge [sflag:s11], $0x800;
	s0 =	simm.s32 $0x0  }
0x397: {  	[sflag:s11] =	ssyncset.done $0x0;
	s1 =	sand.u32 $0x70, s0;
	s3 =	sand.u32 $0x400, s0  }
0x398: {  	[sflag:s11] =	ssyncadd.s32 $0xFFFFF800;
	s1 =	sor.u32 s1, s3  }
0x399: {  	v7 =	vld [tilespmem:s1+$0x18C80]  }
0x39a: {  	v8 =	vld [tilespmem:s1+$0x18E00]  }
0x39b: {  	v9 =	vld [tilespmem:s1+$0x18C00]  }
0x39c: {  	v10 =	vld [tilespmem:s1+$0x18B80]  }
0x39d: {  	v12 =	vld [tilespmem:s1+$0x18D80]  }
0x39e: {  	s31 =	sor.u32 s0, s0;
	v13 =	vld [tilespmem:s1+$0x18E80]  }
0x39f: {  	s3 =	sor.u32 $0x380, s31;
	v11 =	vld [tilespmem:s1+$0x18D00]  }
0x3a0: {  	v14 =	vld [tilespmem:s3+$0x18B80]  }
0x3a1: {  	s3 =	sor.u32 s29, s1;
	v15 =	vadd.f32 $0.0e+00, v9  }
0x3a2: {  	v18 =	vld [tilespmem:s3+$0x1AB80];
	v16 =	vadd.f32 $0.0e+00, v7;
	v17 =	vadd.f32 $0.0e+00, v10  }
0x3a3: {  	v9 =	vmax.f32 v9, v8;
	v10 =	vmax.f32 v10, v12;
	v7 =	vmax.f32 v7, v13  }
0x3a4: {  	v9 =	vmax.f32 v10, v9;
	v8 =	vadd.f32 v8, v15;
	v12 =	vadd.f32 v12, v17  }
0x3a5: {  	v10 =	vadd.f32 $0.0e+00, v11;
	v11 =	vmax.f32 v11, v14;
	v7 =	vmax.f32 v9, v7  }
0x3a6: {  	v9 =	vadd.f32 v13, v16;
	v12 =	vadd.f32 v8, v12;
	v8 =	vmax.f32 v7, v11  }
0x3a7: {  	v7 =	vld [tilespmem:s3+$0x1BB80];
	v11 =	vmax.f32 v18, v8  }
0x3a8: {  	s1 =	simm.s32 $0x10;
	v8 =	vadd.f32 v14, v10;
	v9 =	vadd.f32 v9, v12;
	[tilespmem:s3+$0x1AB80] =	vst v11  }
.LBB2_47:
0x3a9: {  	p6 =	sne.s32 s1, $0xF0  }
0x3aa: {  	v8 =	vadd.f32 v8, v9;
	s0 =	sadd.s32 $0x80, s0;
	s5 =	smov.u32 s1;
	s1 =	sadd.s32 $0x10, s1  }
0x3ab: {  	_ = 	snop  }
0x3ac: {  	s6 =	sand.u32 $0x70, s5;
	s7 =	sand.u32 $0x400, s0;
	v7 =	vadd.f32 v7, v8  }
0x3ad: {  	s6 =	sor.u32 s6, s7  }
0x3ae: {  	[tilespmem:s3+$0x1BB80] =	vst v7  }
0x3af: {  	v7 =	vld [tilespmem:s6+$0x18C80]  }
0x3b0: {  	v8 =	vld [tilespmem:s6+$0x18E00]  }
0x3b1: {  	v9 =	vld [tilespmem:s6+$0x18C00]  }
0x3b2: {  	v10 =	vld [tilespmem:s6+$0x18B80]  }
0x3b3: {  	v11 =	vld [tilespmem:s6+$0x18D00]  }
0x3b4: {  	s3 =	sor.u32 s0, s5;
	v12 =	vadd.f32 $0.0e+00, v7;
	v13 =	vld [tilespmem:s6+$0x18D80]  }
0x3b5: {  	s3 =	sor.u32 $0x380, s3;
	v14 =	vld [tilespmem:s6+$0x18E80]  }
0x3b6: {  	v15 =	vadd.f32 $0.0e+00, v9;
	v9 =	vmax.f32 v9, v8;
	v16 =	vld [tilespmem:s3+$0x18B80]  }
0x3b7: {  	s3 =	sor.u32 s29, s6;
	v17 =	vadd.f32 $0.0e+00, v10  }
0x3b8: {  	v18 =	vadd.f32 $0.0e+00, v11;
	v8 =	vadd.f32 v8, v15;
	v15 =	vld [tilespmem:s3+$0x1AB80]  }
0x3b9: {  	v10 =	vmax.f32 v10, v13;
	v13 =	vadd.f32 v13, v17  }
.Ltmp25:
0x3ba: {  	v7 =	vmax.f32 v7, v14;
	v12 =	vadd.f32 v14, v12;
	v9 =	vmax.f32 v10, v9;
	(pc) =	sbr.rel @p6 .LBB2_47-.Ltmp25, $4  }
0x3bb: {  	v10 =	vmax.f32 v11, v16;
	v11 =	vadd.f32 v8, v13;
	v9 =	vmax.f32 v9, v7;
	v7 =	vld [tilespmem:s3+$0x1BB80]  }
0x3bc: {  	v8 =	vadd.f32 v16, v18;
	v10 =	vmax.f32 v9, v10  }
0x3bd: {  	v9 =	vadd.f32 v12, v11;
	v10 =	vmax.f32 v15, v10  }
0x3be: {  	[tilespmem:s3+$0x1AB80] =	vst v10  }
0x3bf: {  	v8 =	vadd.f32 v8, v9;
	_ =	sdelay $0x1  }
0x3c0: {  	v7 =	vadd.f32 v7, v8;
	_ =	sdelay $0x1  }
0x3c1: {  	[tilespmem:s3+$0x1BB80] =	vst v7  }
.LBB2_49:
0x3c2: {  	p0 =	por @!p1 !p5, p3  }
0x3c3: {  	p5 =	por p1, p1;
	s0 =	simm.s32 @!p2 $0x0;
	p4 =	por @!p4 $0x1, $0x1  }
0x3c4: {  	s0 =	simm.s32 @p2 $0x1;
	p2 =	por @!p2 $0x1, $0x1;
	p6 =	por !p0, p1  }
0x3c5: {  	p1 =	por @!p1 $0x0, $0x0;
	p3 =	por !p3, p5;
	p0 =	por @!p5 $0x0, $0x0  }
0x3c6: {  	[smem:$0x7E8] =	sst s0;
	p2 =	por @!p6 p4, p4;
	s0 =	simm.s32 @!p0 $0x0  }
0x3c7: {  	s0 =	simm.s32 @p0 $0x1;
	p2 =	por @!p3 p1, p1;
	p0 =	por $0x0, $0x0  }
0x3c8: {  	p0 =	por @!p5 p2, p2  }
.Ltmp26:
0x3c9: {  	_ = 	snop;
	(pc) =	sbr.rel @!p0 .LBB2_53-.Ltmp26, $2  }
0x3ca: {  	_ =	sdelay $0x2  }
0x3cb: {  	p1 =	por p5, p5;
	[smem:$0x7E9] =	sst s0  }
0x3cc: {  	_ =	swait.ge [sflag:s11], $0x800;
	s0 =	simm.s32 $0x0  }
0x3cd: {  	[sflag:s11] =	ssyncset.done $0x0;
	s1 =	sand.u32 $0x70, s0;
	s3 =	sand.u32 $0x400, s0  }
0x3ce: {  	[sflag:s11] =	ssyncadd.s32 $0xFFFFF800;
	s1 =	sor.u32 s1, s3  }
0x3cf: {  	v7 =	vld [tilespmem:s1+$0x19480]  }
0x3d0: {  	v8 =	vld [tilespmem:s1+$0x19600]  }
0x3d1: {  	v9 =	vld [tilespmem:s1+$0x19400]  }
0x3d2: {  	v10 =	vld [tilespmem:s1+$0x19380]  }
0x3d3: {  	v12 =	vld [tilespmem:s1+$0x19580]  }
0x3d4: {  	v13 =	vld [tilespmem:s1+$0x19680]  }
0x3d5: {  	v11 =	vld [tilespmem:s1+$0x19500]  }
0x3d6: {  	v14 =	vld [tilespmem:s1+$0x19700]  }
0x3d7: {  	s3 =	sor.u32 s29, s1;
	v15 =	vadd.f32 $0.0e+00, v9  }
0x3d8: {  	v18 =	vld [tilespmem:s3+$0x1AB80];
	v16 =	vadd.f32 $0.0e+00, v7;
	v17 =	vadd.f32 $0.0e+00, v10  }
0x3d9: {  	v9 =	vmax.f32 v9, v8;
	v10 =	vmax.f32 v10, v12;
	v7 =	vmax.f32 v7, v13  }
0x3da: {  	v9 =	vmax.f32 v10, v9;
	v8 =	vadd.f32 v8, v15;
	v12 =	vadd.f32 v12, v17  }
0x3db: {  	v10 =	vadd.f32 $0.0e+00, v11;
	v11 =	vmax.f32 v11, v14;
	v7 =	vmax.f32 v9, v7  }
0x3dc: {  	v9 =	vadd.f32 v13, v16;
	v12 =	vadd.f32 v8, v12;
	v8 =	vmax.f32 v7, v11  }
0x3dd: {  	v7 =	vld [tilespmem:s3+$0x1BB80];
	v11 =	vmax.f32 v18, v8  }
0x3de: {  	s1 =	simm.s32 $0x10;
	v8 =	vadd.f32 v14, v10;
	v9 =	vadd.f32 v9, v12;
	[tilespmem:s3+$0x1AB80] =	vst v11  }
.LBB2_51:
0x3df: {  	p0 =	sne.s32 s1, $0xF0  }
0x3e0: {  	v8 =	vadd.f32 v8, v9;
	s0 =	sadd.s32 $0x80, s0;
	s5 =	smov.u32 s1;
	s1 =	sadd.s32 $0x10, s1  }
0x3e1: {  	_ = 	snop  }
0x3e2: {  	s5 =	sand.u32 $0x70, s5;
	s6 =	sand.u32 $0x400, s0;
	v7 =	vadd.f32 v7, v8  }
0x3e3: {  	s5 =	sor.u32 s5, s6  }
0x3e4: {  	[tilespmem:s3+$0x1BB80] =	vst v7  }
0x3e5: {  	v7 =	vld [tilespmem:s5+$0x19480]  }
0x3e6: {  	v8 =	vld [tilespmem:s5+$0x19600]  }
0x3e7: {  	v9 =	vld [tilespmem:s5+$0x19400]  }
0x3e8: {  	v10 =	vld [tilespmem:s5+$0x19380]  }
0x3e9: {  	v11 =	vld [tilespmem:s5+$0x19500]  }
0x3ea: {  	v12 =	vadd.f32 $0.0e+00, v7;
	v13 =	vld [tilespmem:s5+$0x19580]  }
0x3eb: {  	v14 =	vld [tilespmem:s5+$0x19680]  }
0x3ec: {  	v15 =	vadd.f32 $0.0e+00, v9;
	v9 =	vmax.f32 v9, v8;
	v16 =	vld [tilespmem:s5+$0x19700]  }
0x3ed: {  	s3 =	sor.u32 s29, s5;
	v17 =	vadd.f32 $0.0e+00, v10  }
0x3ee: {  	v18 =	vadd.f32 $0.0e+00, v11;
	v8 =	vadd.f32 v8, v15;
	v15 =	vld [tilespmem:s3+$0x1AB80]  }
0x3ef: {  	v10 =	vmax.f32 v10, v13;
	v13 =	vadd.f32 v13, v17  }
.Ltmp27:
0x3f0: {  	v7 =	vmax.f32 v7, v14;
	v12 =	vadd.f32 v14, v12;
	v9 =	vmax.f32 v10, v9;
	(pc) =	sbr.rel @p0 .LBB2_51-.Ltmp27, $4  }
0x3f1: {  	v10 =	vmax.f32 v11, v16;
	v11 =	vadd.f32 v8, v13;
	v9 =	vmax.f32 v9, v7;
	v7 =	vld [tilespmem:s3+$0x1BB80]  }
0x3f2: {  	v8 =	vadd.f32 v16, v18;
	v10 =	vmax.f32 v9, v10  }
0x3f3: {  	v9 =	vadd.f32 v12, v11;
	v10 =	vmax.f32 v15, v10  }
0x3f4: {  	[tilespmem:s3+$0x1AB80] =	vst v10  }
0x3f5: {  	v8 =	vadd.f32 v8, v9;
	_ =	sdelay $0x1  }
0x3f6: {  	v7 =	vadd.f32 v7, v8;
	_ =	sdelay $0x1  }
0x3f7: {  	[tilespmem:s3+$0x1BB80] =	vst v7  }
.LBB2_53:
0x3f8: {  	s0 =	sld [smem:$0x7E8];
	_ =	sdelay $0x1  }
0x3f9: {  	s31 =	sld [smem:$0x7E9]  }
0x3fa: {  	p0 =	seq.s32 s0, $0x1  }
0x3fb: {  	p0 =	por @!p0 $0x0, $0x0  }
0x3fc: {  	p2 =	seq.s32 s31, $0x1;
	p0 =	por @!p6 p4, p4  }
0x3fd: {  	p0 =	por @!p3 p2, p2;
	p2 =	por $0x0, $0x0  }
0x3fe: {  	p2 =	por @!p1 p0, p0  }
.Ltmp28:
0x3ff: {  	_ = 	snop;
	(pc) =	sbr.rel @!p2 .LBB2_57-.Ltmp28, $1  }
0x400: {  	_ =	sdelay $0x3  }
0x401: {  	_ =	swait.ge [sflag:s11], $0x800;
	s0 =	simm.s32 $0x0  }
0x402: {  	[sflag:s11] =	ssyncset.done $0x0;
	s1 =	sand.u32 $0x70, s0;
	s3 =	sand.u32 $0x400, s0  }
0x403: {  	[sflag:s11] =	ssyncadd.s32 $0xFFFFF800;
	s1 =	sor.u32 s1, s3  }
0x404: {  	v7 =	vld [tilespmem:s1+$0x19C80]  }
0x405: {  	v8 =	vld [tilespmem:s1+$0x19E00]  }
0x406: {  	v9 =	vld [tilespmem:s1+$0x19C00]  }
0x407: {  	v10 =	vld [tilespmem:s1+$0x19B80]  }
0x408: {  	v12 =	vld [tilespmem:s1+$0x19D80]  }
0x409: {  	v13 =	vld [tilespmem:s1+$0x19E80]  }
0x40a: {  	v11 =	vld [tilespmem:s1+$0x19D00]  }
0x40b: {  	v14 =	vld [tilespmem:s1+$0x19F00]  }
0x40c: {  	s3 =	sor.u32 s29, s1;
	v15 =	vadd.f32 $0.0e+00, v9  }
0x40d: {  	v18 =	vld [tilespmem:s3+$0x1AB80];
	v16 =	vadd.f32 $0.0e+00, v7;
	v17 =	vadd.f32 $0.0e+00, v10  }
0x40e: {  	v9 =	vmax.f32 v9, v8;
	v10 =	vmax.f32 v10, v12;
	v7 =	vmax.f32 v7, v13  }
0x40f: {  	v9 =	vmax.f32 v10, v9;
	v8 =	vadd.f32 v8, v15;
	v12 =	vadd.f32 v12, v17  }
0x410: {  	v10 =	vadd.f32 $0.0e+00, v11;
	v11 =	vmax.f32 v11, v14;
	v7 =	vmax.f32 v9, v7  }
0x411: {  	v9 =	vadd.f32 v13, v16;
	v12 =	vadd.f32 v8, v12;
	v8 =	vmax.f32 v7, v11  }
0x412: {  	v7 =	vld [tilespmem:s3+$0x1BB80];
	v11 =	vmax.f32 v18, v8  }
0x413: {  	s1 =	simm.s32 $0x10;
	v8 =	vadd.f32 v14, v10;
	v9 =	vadd.f32 v9, v12;
	[tilespmem:s3+$0x1AB80] =	vst v11  }
.LBB2_55:
0x414: {  	p0 =	sne.s32 s1, $0xF0  }
0x415: {  	v8 =	vadd.f32 v8, v9;
	s0 =	sadd.s32 $0x80, s0;
	s5 =	smov.u32 s1;
	s1 =	sadd.s32 $0x10, s1  }
0x416: {  	_ = 	snop  }
0x417: {  	s5 =	sand.u32 $0x70, s5;
	s6 =	sand.u32 $0x400, s0;
	v7 =	vadd.f32 v7, v8  }
0x418: {  	s5 =	sor.u32 s5, s6  }
0x419: {  	[tilespmem:s3+$0x1BB80] =	vst v7  }
0x41a: {  	v7 =	vld [tilespmem:s5+$0x19C80]  }
0x41b: {  	v8 =	vld [tilespmem:s5+$0x19E00]  }
0x41c: {  	v9 =	vld [tilespmem:s5+$0x19C00]  }
0x41d: {  	v10 =	vld [tilespmem:s5+$0x19B80]  }
0x41e: {  	v11 =	vld [tilespmem:s5+$0x19D00]  }
0x41f: {  	v12 =	vadd.f32 $0.0e+00, v7;
	v13 =	vld [tilespmem:s5+$0x19D80]  }
0x420: {  	v14 =	vld [tilespmem:s5+$0x19E80]  }
0x421: {  	v15 =	vadd.f32 $0.0e+00, v9;
	v9 =	vmax.f32 v9, v8;
	v16 =	vld [tilespmem:s5+$0x19F00]  }
0x422: {  	s3 =	sor.u32 s29, s5;
	v17 =	vadd.f32 $0.0e+00, v10  }
0x423: {  	v18 =	vadd.f32 $0.0e+00, v11;
	v8 =	vadd.f32 v8, v15;
	v15 =	vld [tilespmem:s3+$0x1AB80]  }
0x424: {  	v10 =	vmax.f32 v10, v13;
	v13 =	vadd.f32 v13, v17  }
.Ltmp29:
0x425: {  	v7 =	vmax.f32 v7, v14;
	v12 =	vadd.f32 v14, v12;
	v9 =	vmax.f32 v10, v9;
	(pc) =	sbr.rel @p0 .LBB2_55-.Ltmp29, $4  }
0x426: {  	v10 =	vmax.f32 v11, v16;
	v11 =	vadd.f32 v8, v13;
	v9 =	vmax.f32 v9, v7;
	v7 =	vld [tilespmem:s3+$0x1BB80]  }
0x427: {  	v8 =	vadd.f32 v16, v18;
	v10 =	vmax.f32 v9, v10  }
0x428: {  	v9 =	vadd.f32 v12, v11;
	v10 =	vmax.f32 v15, v10  }
0x429: {  	[tilespmem:s3+$0x1AB80] =	vst v10  }
0x42a: {  	v8 =	vadd.f32 v8, v9;
	_ =	sdelay $0x1  }
0x42b: {  	v7 =	vadd.f32 v7, v8;
	_ =	sdelay $0x1  }
0x42c: {  	[tilespmem:s3+$0x1BB80] =	vst v7  }
.LBB2_57:
0x42d: {  	s0 =	sld [smem:$0x7EA];
	_ =	sdelay $0x2  }
0x42e: {  	p0 =	seq.s32 s0, $0x1  }
.Ltmp30:
0x42f: {  	_ = 	snop;
	(pc) =	sbr.rel @p0 .LBB2_61-.Ltmp30, $1  }
0x430: {  	_ =	sdelay $0x3  }
0x431: {  	_ =	swait.ge [sflag:s11], $0x800;
	s0 =	simm.s32 $0x0  }
0x432: {  	s5 =	sor.u32 $0x1, s25;
	s10 =	sor.u32 $0x2, s25;
	s12 =	sor.u32 $0x5, s25  }
0x433: {  	s13 =	sor.u32 $0x3, s25;
	s20 =	sor.u32 $0x4, s25;
	s30 =	sor.u32 $0x6, s25  }
0x434: {  	[sflag:s11] =	ssyncset.done $0x0;
	s1 =	sand.u32 $0x70, s0;
	s3 =	sand.u32 $0x400, s0  }
0x435: {  	p0 =	sge.s32 s5, s24;
	p1 =	slt.s32 s5, s23;
	p3 =	sge.s32 s10, s24  }
0x436: {  	p2 =	slt.s32 s10, s23;
	[sflag:s11] =	ssyncadd.s32 $0xFFFFF800;
	s1 =	sor.u32 s1, s3  }
0x437: {  	s31 =	sor.u32 $0x7, s25;
	p0 =	por !p0, !p1;
	p1 =	por !p3, !p2;
	v8 =	vld [tilespmem:s1+$0x1A400]  }
0x438: {  	p4 =	sge.s32 s12, s24;
	p3 =	slt.s32 s12, s23;
	v10 =	vld [tilespmem:s1+$0x1A600];
	p6 =	por !p1, !p1  }
0x439: {  	v15 =	vld [tilespmem:s1+$0x1A380];
	p4 =	por !p4, !p3;
	p1 =	sge.s32 s20, s24;
	p3 =	slt.s32 s20, s23  }
0x43a: {  	v12 =	vld [tilespmem:s1+$0x1A480];
	p5 =	por !p0, !p0;
	p2 =	por !p4, !p4;
	p0 =	por !p1, !p3  }
0x43b: {  	p1 =	sge.s32 s30, s24;
	p4 =	slt.s32 s30, s23;
	s5 =	simm.s32 @!p5 $0x0  }
0x43c: {  	v14 =	vld [tilespmem:s1+$0x1A580];
	p3 =	por !p0, !p0;
	p4 =	por !p1, !p4;
	p1 =	slt.s32 s24, $0xC349  }
0x43d: {  	v13 =	vld [tilespmem:s1+$0x1A680];
	s5 =	simm.s32 @p5 $0x1;
	p4 =	por !p4, !p4;
	s6 =	simm.s32 @!p1 $0x0  }
0x43e: {  	v7 =	vld [tilespmem:s1+$0x1A500];
	[smem:$0x7E2] =	sst s5;
	s6 =	simm.s32 @p1 $0x1;
	s3 =	simm.s32 @!p4 $0x0;
	v9 =	vadd.f32 $0.0e+00, v8  }
0x43f: {  	v11 =	vpsel !p2, $0xFF800000, v10;
	v16 =	vadd.f32 $0.0e+00, v15;
	v18 =	vadd.f32 $0.0e+00, v12;
	[smem:$0x7E3] =	sst s6;
	s6 =	simm.s32 @!p2 $0x0;
	s3 =	simm.s32 @p4 $0x1  }
0x440: {  	p0 =	sge.s32 s31, s24;
	v10 =	vpsel !p2, $0x0, v10;
	v8 =	vmax.f32 v8, v11;
	s6 =	simm.s32 @p2 $0x1;
	[smem:$0x7E6] =	sst s3;
	v17 =	vpsel !p5, $0x0, v9;
	v9 =	vld [tilespmem:s1+$0x1A700]  }
0x441: {  	p2 =	slt.s32 s31, s23;
	v8 =	vpsel p5, v8, v11;
	v11 =	vpsel !p1, $0x0, v16;
	v16 =	vpsel !p3, $0x0, v14;
	[smem:$0x7E4] =	sst s6;
	s6 =	simm.s32 @!p6 $0x0  }
0x442: {  	p5 =	sge.s32 s13, s24;
	v18 =	vpsel !p6, $0x0, v18;
	s6 =	simm.s32 @p6 $0x1;
	v16 =	vadd.f32 v16, v11;
	v10 =	vadd.f32 v10, v17;
	p6 =	slt.s32 s13, s23  }
0x443: {  	v19 =	vpsel !p4, $0x0, v13;
	s3 =	sor.u32 s29, s1;
	p0 =	por !p0, !p2;
	v14 =	vpsel !p3, $0xFF800000, v14;
	v17 =	vadd.f32 $0.0e+00, v7;
	p1 =	por !p5, !p6  }
0x444: {  	s1 =	simm.s32 @!p3 $0x0;
	v11 =	vpsel !p4, $0xFF800000, v13;
	p0 =	por !p0, !p0;
	v18 =	vadd.f32 v19, v18;
	p6 =	por !p1, !p1;
	v19 =	vadd.f32 v10, v16  }
0x445: {  	s1 =	simm.s32 @p3 $0x1;
	[smem:$0x7E5] =	sst s6;
	v13 =	vmax.f32 v12, v11;
	v12 =	vld [tilespmem:s3+$0x1BB80];
	v17 =	vpsel !p6, $0x0, v17;
	v20 =	vpsel !p0, $0x0, v9  }
0x446: {  	[smem:$0x7E7] =	sst s1;
	s1 =	simm.s32 $0x10;
	v10 =	vld [tilespmem:s3+$0x1AB80];
	v16 =	vmax.f32 v15, v14;
	v15 =	vadd.f32 v20, v17;
	v17 =	vadd.f32 v18, v19  }
.LBB2_59:
0x447: {  	s5 =	sld [smem:$0x7E5]  }
0x448: {  	s6 =	sld [smem:$0x7E3];
	_ =	sdelay $0x2  }
0x449: {  	v9 =	vpsel !p0, $0xFF800000, v9;
	p2 =	seq.s32 s5, $0x1;
	p5 =	seq.s32 s6, $0x1  }
0x44a: {  	v11 =	vpsel p2, v13, v11;
	v13 =	vpsel p5, v16, v14;
	v14 =	vadd.f32 v15, v17  }
0x44b: {  	v7 =	vmax.f32 v7, v9;
	v8 =	vmax.f32 v13, v8  }
0x44c: {  	v7 =	vpsel p6, v7, v9;
	v8 =	vmax.f32 v8, v11;
	v9 =	vadd.f32 v14, v12  }
0x44d: {  	s0 =	sadd.s32 $0x80, s0;
	s10 =	smov.u32 s1;
	v7 =	vmax.f32 v8, v7  }
0x44e: {  	s12 =	sand.u32 $0x400, s0;
	s5 =	sand.u32 $0x70, s10;
	v7 =	vmax.f32 v10, v7;
	[tilespmem:s3+$0x1BB80] =	vst v9  }
0x44f: {  	s5 =	sor.u32 s5, s12;
	[tilespmem:s3+$0x1AB80] =	vst v7  }
0x450: {  	v8 =	vld [tilespmem:s5+$0x1A400]  }
0x451: {  	v11 =	vld [tilespmem:s5+$0x1A600]  }
0x452: {  	s13 =	sld [smem:$0x7E4];
	v15 =	vld [tilespmem:s5+$0x1A380]  }
0x453: {  	v12 =	vld [tilespmem:s5+$0x1A480]  }
0x454: {  	s20 =	sld [smem:$0x7E2];
	v14 =	vld [tilespmem:s5+$0x1A580]  }
0x455: {  	s30 =	sld [smem:$0x7E7];
	p4 =	seq.s32 s13, $0x1;
	v13 =	vld [tilespmem:s5+$0x1A680]  }
0x456: {  	v7 =	vld [tilespmem:s5+$0x1A500];
	v9 =	vadd.f32 $0.0e+00, v8;
	v10 =	vpsel !p4, $0xFF800000, v11  }
0x457: {  	s31 =	sld [smem:$0x7E6];
	p3 =	seq.s32 s20, $0x1;
	v16 =	vadd.f32 $0.0e+00, v15;
	v8 =	vmax.f32 v8, v10  }
0x458: {  	v18 =	vadd.f32 $0.0e+00, v12;
	v17 =	vpsel !p3, $0x0, v9;
	v9 =	vld [tilespmem:s5+$0x1A700];
	v8 =	vpsel p3, v8, v10;
	p3 =	seq.s32 s30, $0x1  }
0x459: {  	p1 =	sne.s32 s1, $0xF0;
	v11 =	vpsel !p4, $0x0, v11;
	v16 =	vpsel !p5, $0x0, v16;
	v19 =	vpsel !p3, $0x0, v14  }
.Ltmp31:
0x45a: {  	v18 =	vpsel !p2, $0x0, v18;
	p5 =	seq.s32 s31, $0x1;
	v17 =	vadd.f32 v11, v17;
	v16 =	vadd.f32 v19, v16;
	(pc) =	sbr.rel @p1 .LBB2_59-.Ltmp31, $4  }
0x45b: {  	v11 =	vpsel !p5, $0xFF800000, v13;
	v20 =	vpsel !p5, $0x0, v13;
	v19 =	vadd.f32 $0.0e+00, v7  }
0x45c: {  	s3 =	sor.u32 s29, s5;
	v14 =	vpsel !p3, $0xFF800000, v14;
	v18 =	vadd.f32 v20, v18;
	v17 =	vadd.f32 v17, v16  }
0x45d: {  	v10 =	vld [tilespmem:s3+$0x1AB80];
	v13 =	vmax.f32 v12, v11;
	v19 =	vpsel !p6, $0x0, v19;
	v63 =	vpsel !p0, $0x0, v9  }
0x45e: {  	s1 =	sadd.s32 $0x10, s1;
	v12 =	vld [tilespmem:s3+$0x1BB80];
	v16 =	vmax.f32 v15, v14;
	v15 =	vadd.f32 v63, v19;
	v17 =	vadd.f32 v18, v17  }
0x45f: {  	s0 =	sld [smem:$0x7E3]  }
0x460: {  	s31 =	sld [smem:$0x7E5];
	_ =	sdelay $0x1  }
0x461: {  	p1 =	seq.s32 s0, $0x1  }
0x462: {  	v9 =	vpsel !p0, $0xFF800000, v9;
	v15 =	vadd.f32 v15, v17;
	p5 =	seq.s32 s31, $0x1;
	v14 =	vpsel p1, v16, v14  }
0x463: {  	v7 =	vmax.f32 v7, v9;
	v11 =	vpsel p5, v13, v11;
	v8 =	vmax.f32 v14, v8  }
0x464: {  	v7 =	vpsel p6, v7, v9;
	v63 =	vadd.f32 v15, v12;
	v8 =	vmax.f32 v8, v11  }
0x465: {  	v7 =	vmax.f32 v8, v7  }
0x466: {  	[tilespmem:s3+$0x1BB80] =	vst v63;
	v7 =	vmax.f32 v10, v7  }
0x467: {  	[tilespmem:s3+$0x1AB80] =	vst v7  }
.LBB2_61:
0x468: {  	s0 =	sadd.s32 s28, s26;
	s1 =	simm.s32 $0x0  }
0x469: {  	s0 =	sadd.s32 $0x1AB80, s0;
	s3 =	sand.u32 $0x400, s1  }
0x46a: {  	s1 =	sand.u32 $0x70, s1;
	s3 =	sadd.s32 s3, s0  }
0x46b: {  	s1 =	sadd.s32 s1, s3  }
0x46c: {  	v7 =	vld [tilespmem:s1+$0x0];
	_ =	sdelay $0x3  }
0x46d: {  	s3 =	simm.s32 $0x80  }
0x46e: {  	s6 =	simm.s32 $0x10;
	s5 =	simm.s32 $0x20;
	s7 =	sand.u32 $0x400, s3;
	vm0 =	veq.f32 v7, $-Inf  }
.LBB2_62:
0x46f: {  	p0 =	sne.s32 s5, $0xF0;
	s6 =	sand.u32 $0x70, s6;
	s7 =	sadd.s32 s7, s0;
	v7 =	vsel vm0, $0x0, v7  }
0x470: {  	[tilespmem:s1+$0x0] =	vst v7;
	s1 =	sadd.s32 s6, s7;
	s6 =	smov.u32 s5  }
0x471: {  	v7 =	vld [tilespmem:s1+$0x0]  }
.Ltmp32:
0x472: {  	(pc) =	sbr.rel @p0 .LBB2_62-.Ltmp32, $3  }
0x473: {  	_ =	sdelay $0x1  }
0x474: {  	s3 =	sadd.s32 $0x80, s3  }
0x475: {  	s7 =	sand.u32 $0x400, s3;
	s5 =	sadd.s32 $0x10, s5;
	vm0 =	veq.f32 v7, $-Inf  }
0x476: {  	s3 =	sand.u32 $0x70, s6;
	s0 =	sadd.s32 s7, s0;
	v7 =	vsel vm0, $0x0, v7  }
0x477: {  	s0 =	sadd.s32 s3, s0;
	[tilespmem:s1+$0x0] =	vst v7  }
0x478: {  	v7 =	vld [tilespmem:s0+$0x0]  }
0x479: {  	s21 =	sadd.s32 $0x1, s21  }
0x47a: {  	p1 =	sne.s32 s21, $0x10  }
.Ltmp33:
0x47b: {  	_ = 	snop;
	(pc) =	sbr.rel @p1 .LBB2_6-.Ltmp33, $4  }
0x47c: {  	_ = 	snop  }
0x47d: {  	vm15 =	veq.f32 v7, $-Inf  }
0x47e: {  	p0 =	slt.s32 s24, s23;
	v7 =	vsel vm15, $0x0, v7  }
0x47f: {  	s22 =	smov.u32 @p0 s25;
	[tilespmem:s0+$0x0] =	vst v7  }
0x480: {  	s0 =	rddreg [dreg:$0x5];
	s1 =	simm.s32 $0x1AB80  }
0x481: {  	[hbm4b:s0+s4] =	stream.linear.scatter [tilespmem:s1], [sflag:$0x9], $0x1000, $0x38;
	[tilespmem:$0x1CB80] =	vst v63  }
0x482: {  	s1 =	simm.s32 $0x9  }
0x483: {  	_ =	swait.ge [sflag:s1], $0x1000  }
0x484: {  	[sflag:s1] =	ssyncset.done $0x0  }
0x485: {  	s3 =	simm.s32 $0x1BB80;
	s29 =	rddreg [dreg:$0x6];
	[sflag:s1] =	ssyncadd.s32 $0xFFFFF000  }
0x486: {  	[hbm4b:s29+s4] =	stream.linear.scatter [tilespmem:s3], [sflag:$0x9], $0x1000, $0x38;
	[tilespmem:$0x1CB80] =	vst v63  }
0x487: {  	_ =	swait.ge [sflag:s1], $0x1000  }
0x488: {  	s30 =	rddreg [dreg:$0x8]  }
0x489: {  	s31 =	rddreg [dreg:$0x7];
	s3 =	sadd.s32 $0x1, s30  }
0x48a: {  	p0 =	sne.s32 s3, s31  }
.Ltmp34:
0x48b: {  	_ = 	snop;
	(pc) =	sbr.rel @p0 .LBB2_1-.Ltmp34, $3  }
0x48c: {  	_ =	sdelay $0x1  }
0x48d: {  	[sflag:s1] =	ssyncset.done $0x0  }
0x48e: {  	[sflag:s1] =	ssyncadd.s32 $0xFFFFF000  }
0x48f: {  	_ =	sfence.sel $0x180000  }
0x490: {  	[bflag:$0x0] =	sbarrier.arrive $0xFFFF  }
0x491: {  	_ =	strace $0x90000047  }
0x492: {  	s0 =	stileid.u32;
	[bflag:$0x2] =	sbarrier.arrive $0xFFFF  }
0x493: {  	p0 =	sne.s32 s0, $0x0;
	s0 =	rddreg [dreg:$0x4]  }
0x494: {  	s0 =	sadd.s32 @!p0 $0x100000, s0  }
0x495: {  	[sflag:s0] =	ssyncadd.tile.s32 @!p0 $0x1;
	_ =	shalt  }
.Lfunc_end2:
_tile_overlayer_lowered:
.L_overlay_start_2:
0x496: {  	(tag) =	ssettag $0x2  }
0x497: {  	s0 =	rddreg [dreg:$0x0];
	s2 =	stileid.u32  }
0x498: {  	s1 =	rddreg [dreg:$0x1];
	p0 =	sne.s32 s2, $0x0  }
0x499: {  	s3 =	rddreg [dreg:$0x2];
	[bflag:$0x3] =	sbarrier.arrive $0xFFFF;
	s2 =	simm.s32 @!p0 $0x1C09  }
0x49a: {  	[timem:s3], [sflag:s2] =	dma.local @!p0 [hbm:s0], s1  }
0x49b: {  	s0 =	simm.s32 @!p0 $0x9  }
0x49c: {  	_ =	swait.ge @!p0 [sflag:s0], s1  }
0x49d: {  	s1 =	ssub.s32 @!p0 $0x0, s1;
	[sflag:s0] =	ssyncset.done @!p0 $0x0  }
0x49e: {  	[sflag:s0] =	ssyncadd.s32 @!p0 s1  }
0x49f: {  	[bflag:$0x3] =	sbarrier.arrive $0xFFFF  }
0x4a0: {  	_ =	shalt  }

</sc_bundles>
